<compile_context>
chip_gen: v7x
topology: tpu7x:2x2x1
jax: 0.10.2.dev20260603
libtpu: 0.0.44.dev20260713+nightly
codegen_flags: <defaults>
</compile_context>

<pallas_src>
import functools

import jax
import jax.numpy as jnp
from jax import lax
from jax.experimental import pallas as pl
from jax.experimental.pallas import tpu as pltpu
from jax.experimental.pallas import tpu_sc as plsc

NC, NS, L = 2, 16, 16
NW = NC * NS
B, C, H, W = 8, 256, 128, 128
HW = H * W
CO = 21
CHUNKS_PER_B = NW // B

P = 64
PG = P // L
NBUF = 2
PIX_PER_W = HW // CHUNKS_PER_B
NCHUNK = PIX_PER_W // P
CUNROLL = 2
SFLAT = C * CO
NREP = 8


def _sc_partials(f, fo, oo, lab, noc_vec):
    mesh = plsc.VectorSubcoreMesh(core_axis_name="c", subcore_axis_name="s")

    @functools.partial(
        pl.kernel,
        out_type=(
            jax.ShapeDtypeStruct((NW, SFLAT), jnp.float32),
            jax.ShapeDtypeStruct((NW, 32), jnp.float32),
            jax.ShapeDtypeStruct((NW, 32), jnp.float32),
        ),
        mesh=mesh,
        compiler_params=pltpu.CompilerParams(
            needs_layout_passes=False, use_tc_tiling_on_sc=False),
        scratch_types=[
            pltpu.VMEM((NBUF, C, P), jnp.float32),
            pltpu.VMEM((NBUF, C, P), jnp.float32),
            pltpu.VMEM((NBUF, CO, P), jnp.float32),
            pltpu.VMEM((NBUF, P), jnp.int32),
            pltpu.VMEM((L,), jnp.int32),
            pltpu.VMEM((NREP * SFLAT,), jnp.float32),
            pltpu.VMEM((NREP * 32,), jnp.float32),
            pltpu.VMEM((NREP * 32,), jnp.float32),
            pltpu.VMEM((SFLAT,), jnp.float32),
            pltpu.VMEM((32,), jnp.float32),
            pltpu.VMEM((32,), jnp.float32),
            pltpu.SemaphoreType.DMA((NBUF,)),
        ],
    )
    def body(f_hbm, fo_hbm, oo_hbm, lab_hbm, noc_hbm,
             s_out, q_out, n_out,
             f_buf, fo_buf, o_buf, lab_buf, noc_buf, s_acc, q_acc, n_acc,
             s_red, q_red, n_red, sems):
        cid = lax.axis_index("c")
        sid = lax.axis_index("s")
        wid = sid * NC + cid
        bidx = wid // CHUNKS_PER_B
        hw0 = (wid % CHUNKS_PER_B) * PIX_PER_W

        zero = jnp.zeros((L,), jnp.float32)

        @plsc.parallel_loop(0, NREP * SFLAT // L, step=1, unroll=8)
        def _(i):
            s_acc[pl.ds(i * L, L)] = zero

        @plsc.parallel_loop(0, NREP * 32 // L, step=1, unroll=2)
        def _(i):
            q_acc[pl.ds(i * L, L)] = zero
            n_acc[pl.ds(i * L, L)] = zero

        pltpu.sync_copy(noc_hbm, noc_buf)
        noc = noc_buf[...]
        ones = jnp.full((L,), 1.0, jnp.float32)
        lane_rep = lax.iota(jnp.int32, L) % NREP

        def start_copies(slot, ci):
            off = hw0 + ci * P
            pltpu.async_copy(f_hbm.at[bidx, :, pl.ds(off, P)], f_buf.at[slot], sems.at[slot])
            pltpu.async_copy(fo_hbm.at[bidx, :, pl.ds(off, P)], fo_buf.at[slot], sems.at[slot])
            pltpu.async_copy(oo_hbm.at[bidx, :, pl.ds(off, P)], o_buf.at[slot], sems.at[slot])
            pltpu.async_copy(lab_hbm.at[bidx, pl.ds(off, P)], lab_buf.at[slot], sems.at[slot])

        def wait_copies(slot, ci):
            off = hw0 + ci * P
            pltpu.make_async_copy(f_hbm.at[bidx, :, pl.ds(off, P)], f_buf.at[slot], sems.at[slot]).wait()
            pltpu.make_async_copy(fo_hbm.at[bidx, :, pl.ds(off, P)], fo_buf.at[slot], sems.at[slot]).wait()
            pltpu.make_async_copy(oo_hbm.at[bidx, :, pl.ds(off, P)], o_buf.at[slot], sems.at[slot]).wait()
            pltpu.make_async_copy(lab_hbm.at[bidx, pl.ds(off, P)], lab_buf.at[slot], sems.at[slot]).wait()

        for s in range(NBUF):
            start_copies(s, s)

        def compute(slot, ci):
            fb, fob, ob, lb = f_buf.at[slot], fo_buf.at[slot], o_buf.at[slot], lab_buf.at[slot]
            sls = [pl.ds(pg * L, L) for pg in range(PG)]
            ms = [ob[0, sls[pg]] for pg in range(PG)]
            ks = [jnp.zeros((L,), jnp.int32) for _ in range(PG)]
            for ch in range(1, CO):
                chv = jnp.full((L,), ch, jnp.int32)
                for pg in range(PG):
                    v = ob[ch, sls[pg]]
                    upd = v > ms[pg]
                    ms[pg] = jnp.where(upd, v, ms[pg])
                    ks[pg] = jnp.where(upd, chv, ks[pg])
            for pg in range(PG):
                ks[pg] = jnp.where(lb[sls[pg]] < noc, ks[pg], 0)
                plsc.addupdate_scatter(n_acc, [ks[pg] * NREP + lane_rep], ones)
                ks[pg] = ks[pg] * NREP + lane_rep

            q0 = tuple(jnp.zeros((L,), jnp.float32) for _ in range(PG))

            @plsc.parallel_loop(0, C, step=CUNROLL, unroll=4, carry=q0)
            def qs(cc, qcarry):
                out = list(qcarry)
                for u in range(CUNROLL):
                    c = cc + u
                    base = c * (CO * NREP)
                    for pg in range(PG):
                        sl = pl.ds(pg * L, L)
                        d = fb[c, sl] - fob[c, sl]
                        plsc.addupdate_scatter(s_acc, [ks[pg] + base], d)
                        out[pg] = out[pg] + d * d
                return tuple(out)
            for pg in range(PG):
                plsc.addupdate_scatter(q_acc, [ks[pg]], qs[pg])

        def outer(g, carry):
            base = g * NBUF
            for s in range(NBUF):
                ci = base + s
                wait_copies(s, ci)
                compute(s, ci)

                @pl.when(ci + NBUF < NCHUNK)
                def _():
                    start_copies(s, ci + NBUF)
            return carry
        lax.fori_loop(0, NCHUNK // NBUF, outer, 0)

        base16 = lax.iota(jnp.int32, L) * NREP

        @plsc.parallel_loop(0, SFLAT // L, step=1, unroll=2)
        def _(i):
            idx0 = i * (L * NREP) + base16
            acc = plsc.load_gather(s_acc, [idx0])
            for r in range(1, NREP):
                acc = acc + plsc.load_gather(s_acc, [idx0 + r])
            s_red[pl.ds(i * L, L)] = acc

        def redqn(i, carry):
            idx0 = i * (L * NREP) + base16
            qa = plsc.load_gather(q_acc, [idx0])
            na = plsc.load_gather(n_acc, [idx0])
            for r in range(1, NREP):
                qa = qa + plsc.load_gather(q_acc, [idx0 + r])
                na = na + plsc.load_gather(n_acc, [idx0 + r])
            q_red[pl.ds(i * L, L)] = qa
            n_red[pl.ds(i * L, L)] = na
            return carry
        lax.fori_loop(0, 32 // L, redqn, 0)

        pltpu.sync_copy(s_red, s_out.at[wid])
        pltpu.sync_copy(q_red, q_out.at[wid])
        pltpu.sync_copy(n_red, n_out.at[wid])

    return body(f, fo, oo, lab, noc_vec)


def _combine_body(s_sc, q_sc, n_sc, o_ref):
    st = jnp.sum(s_sc[...], axis=0)
    q = jnp.sum(q_sc[...], axis=0, keepdims=True)[:, :CO]
    n = jnp.sum(n_sc[...], axis=0, keepdims=True)[:, :CO]
    ss = jnp.sum(st * st, axis=0, keepdims=True)
    cls = lax.broadcasted_iota(jnp.int32, (1, CO), 1)
    denom = jnp.maximum(n, 1.0)
    loss_cl = q / denom - ss / (denom * denom)
    valid = (cls >= 1) & (n > 0.0)
    total = jnp.sum(jnp.where(valid, loss_cl, 0.0))
    present = jnp.sum(jnp.where(valid, 1.0, 0.0))
    loss = jnp.where(present > 0.0, total / jnp.maximum(present, 1.0), 0.0)
    o_ref[...] = jnp.reshape(loss, (1, 1))


def kernel(features, features_old, outputs_old, labels, prototypes, num_old_class):
    del prototypes
    f = features.reshape(B, C, HW)
    fo = features_old.reshape(B, C, HW)
    oo = outputs_old.reshape(B, CO, HW)
    lab = labels.reshape(B, HW)

    noc_vec = jnp.full((L,), num_old_class, jnp.int32)
    s_sc, q_sc, n_sc = _sc_partials(f, fo, oo, lab, noc_vec)

    out = pl.pallas_call(
        _combine_body,
        out_shape=jax.ShapeDtypeStruct((1, 1), jnp.float32),
    )(s_sc.reshape(NW, C, CO), q_sc, n_sc)
    return out[0, 0]

# --- scband reference (transcript-rebuilt; emitter-appended) ---
"""Pipeline reference for scband-intra-class-loss-53137335386662 (READ-ONLY COPY).

The authoritative reference and input builder live on the scoring server;
editing this copy changes nothing except your own understanding.
"""

import jax, jax.numpy as jnp
import numpy as np

FACTOR = 1.0

def setup_inputs(seed: int = 0) -> dict:
    key = jax.random.key(seed)
    k1, k2, k3, k4, k5 = jax.random.split(key, 5)
    B, C, H, W = 8, 256, 128, 128
    CO = 21
    return {
        "features": jax.random.normal(k1, (B, C, H, W), dtype=jnp.float32),
        "features_old": jax.random.normal(k2, (B, C, H, W), dtype=jnp.float32),
        "outputs_old": jax.random.normal(k3, (B, CO, H, W), dtype=jnp.float32),
        "labels": jax.random.randint(k4, (B, H, W), 0, 21, dtype=jnp.int32),
        "prototypes": jax.random.normal(k5, (CO, C), dtype=jnp.float32),
        "num_old_class": 16,
    }

def reference(features, features_old, outputs_old, labels, prototypes, num_old_class):
    b, c, h, w = features.shape
    # labels are already at (h, w); NEAREST resize to (h, w) is identity. unsqueeze(1):
    labels_r = labels[:, None, :, :]
    mask = (labels_r < num_old_class).astype(jnp.int32)
    pseudo = jnp.argmax(outputs_old, axis=1)[:, None, :, :]  # B,1,H,W (resize identity)
    pseudo = pseudo * mask
    feats = jnp.transpose(features, (0, 2, 3, 1)).reshape(-1, c)
    feats_old = jnp.transpose(features_old, (0, 2, 3, 1)).reshape(-1, c)
    pseudo_flat = jnp.transpose(pseudo, (0, 2, 3, 1)).reshape(-1)
    num_classes = outputs_old.shape[1]
    loss = jnp.asarray(0.0, dtype=jnp.float32)
    present = jnp.asarray(0.0, dtype=jnp.float32)
    for cl in range(1, num_classes):
        sel = (pseudo_flat == cl)
        n = jnp.sum(sel)
        m = sel.astype(feats.dtype)[:, None]
        denom = jnp.maximum(n, 1).astype(feats.dtype)
        proto = jax.lax.stop_gradient(jnp.sum(feats * m, axis=0) / denom)
        proto_old = jax.lax.stop_gradient(jnp.sum(feats_old * m, axis=0) / denom)
        diff = (feats - proto) - (feats_old - proto_old)
        loss_cl = jnp.sum(diff * diff * m) / denom
        has = n > 0
        loss = loss + jnp.where(has, loss_cl, jnp.asarray(0.0, dtype=jnp.float32))
        present = present + has.astype(jnp.float32)
    loss = FACTOR * (loss / jnp.maximum(present, 1.0))
    return jnp.where(present > 0, loss, jnp.asarray(0.0, dtype=jnp.float32))

if __name__ == "__main__":
    import jax
    _d = setup_inputs()
    print(jax.jit(kernel)(*tuple(_d.values())))

</pallas_src>

<mosaic_0001>
#map = affine_map<(d0, d1) -> (0, 0, 0)>
#map1 = affine_map<(d0, d1) -> (0, 0)>
#map2 = affine_map<(d0, d1) -> (0)>
module attributes {stable_mosaic.version = 14 : i64} {
  func.func @body(%arg0: i32, %arg1: i32, %arg2: memref<8x256x16384xf32, #tpu.memory_space<hbm>>, %arg3: memref<8x256x16384xf32, #tpu.memory_space<hbm>>, %arg4: memref<8x21x16384xf32, #tpu.memory_space<hbm>>, %arg5: memref<8x16384xi32, #tpu.memory_space<hbm>>, %arg6: memref<16xi32, #tpu.memory_space<hbm>>, %arg7: memref<32x5376xf32, #tpu.memory_space<hbm>>, %arg8: memref<32x32xf32, #tpu.memory_space<hbm>>, %arg9: memref<32x32xf32, #tpu.memory_space<hbm>>, %arg10: memref<2x256x64xf32, #tpu.memory_space<vmem>>, %arg11: memref<2x256x64xf32, #tpu.memory_space<vmem>>, %arg12: memref<2x21x64xf32, #tpu.memory_space<vmem>>, %arg13: memref<2x64xi32, #tpu.memory_space<vmem>>, %arg14: memref<16xi32, #tpu.memory_space<vmem>>, %arg15: memref<43008xf32, #tpu.memory_space<vmem>>, %arg16: memref<256xf32, #tpu.memory_space<vmem>>, %arg17: memref<256xf32, #tpu.memory_space<vmem>>, %arg18: memref<5376xf32, #tpu.memory_space<vmem>>, %arg19: memref<32xf32, #tpu.memory_space<vmem>>, %arg20: memref<32xf32, #tpu.memory_space<vmem>>, %arg21: memref<2x!tpu.dma_semaphore, #tpu.memory_space<semaphore_mem>>) attributes {dimension_semantics = [#tpu.dimension_semantics<core_parallel>, #tpu.dimension_semantics<subcore_parallel>], iteration_bounds = array<i64: 2, 16>, scalar_prefetch = 0 : i64, scratch_operands = 12 : i64, tpu.core_type = #tpu.core_type<sc_vector_subcore>, window_params = [{transform_indices = #map}, {transform_indices = #map}, {transform_indices = #map}, {transform_indices = #map1}, {transform_indices = #map2}, {transform_indices = #map1}, {transform_indices = #map1}, {transform_indices = #map1}]} {
    %mul3A = arith.constant 2 : i32
    %mul3A_0 = arith.muli %arg1, %mul3A : i32
    %add3A = arith.addi %mul3A_0, %arg0 : i32
    %jit3A = arith.constant 4 : i32
    %div3A = arith.divsi %add3A, %jit3A : i32
    %sign3A = arith.constant 0 : i32
    %sign3A_1 = arith.cmpi sgt, %add3A, %sign3A : i32
    %sign3A_2 = arith.extui %sign3A_1 : i1 to i32
    %sign3A_3 = arith.constant 0 : i32
    %sign3A_4 = arith.cmpi slt, %add3A, %sign3A_3 : i32
    %sign3A_5 = arith.extui %sign3A_4 : i1 to i32
    %sign3A_6 = arith.subi %sign3A_2, %sign3A_5 : i32
    %sign3A_7 = arith.constant 0 : i32
    %sign3A_8 = arith.cmpi sgt, %jit3A, %sign3A_7 : i32
    %sign3A_9 = arith.extui %sign3A_8 : i1 to i32
    %sign3A_10 = arith.constant 0 : i32
    %sign3A_11 = arith.cmpi slt, %jit3A, %sign3A_10 : i32
    %sign3A_12 = arith.extui %sign3A_11 : i1 to i32
    %sign3A_13 = arith.subi %sign3A_9, %sign3A_12 : i32
    %ne3A = arith.cmpi ne, %sign3A_6, %sign3A_13 : i32
    %rem3A = arith.remsi %add3A, %jit3A : i32
    %ne3A_14 = arith.constant 0 : i32
    %ne3A_15 = arith.cmpi ne, %rem3A, %ne3A_14 : i32
    %and3A = arith.andi %ne3A, %ne3A_15 : i1
    %sub3A = arith.constant 1 : i32
    %sub3A_16 = arith.subi %div3A, %sub3A : i32
    %select_n3A = arith.select %and3A, %sub3A_16, %div3A : i32
    %jit3A_17 = arith.constant 4 : i32
    %eq3A = arith.constant 0 : i32
    %eq3A_18 = arith.cmpi eq, %jit3A_17, %eq3A : i32
    %jit3A_19 = arith.constant 1 : i32
    %select_n3A_20 = arith.select %eq3A_18, %jit3A_19, %jit3A_17 : i32
    %rem3A_21 = arith.remsi %add3A, %select_n3A_20 : i32
    %ne3A_22 = arith.constant 0 : i32
    %ne3A_23 = arith.cmpi ne, %rem3A_21, %ne3A_22 : i32
    %lt3A = arith.constant 0 : i32
    %lt3A_24 = arith.cmpi slt, %rem3A_21, %lt3A : i32
    %lt3A_25 = arith.constant 0 : i32
    %lt3A_26 = arith.cmpi slt, %select_n3A_20, %lt3A_25 : i32
    %ne3A_27 = arith.xori %lt3A_24, %lt3A_26 : i1
    %and3A_28 = arith.andi %ne3A_27, %ne3A_23 : i1
    %add3A_29 = arith.addi %rem3A_21, %select_n3A_20 : i32
    %select_n3A_30 = arith.select %and3A_28, %add3A_29, %rem3A_21 : i32
    %mul3A_31 = arith.constant 4096 : i32
    %mul3A_32 = arith.muli %select_n3A_30, %mul3A_31 : i32
    %broadcast_in_dim3A = arith.constant 0.000000e+00 : f32
    %broadcast_in_dim3A_33 = vector.broadcast %broadcast_in_dim3A : f32 to vector<16xf32>
    %parallel_loop3A = arith.constant 0 : i32
    %parallel_loop3A_34 = arith.constant 2688 : i32
    %parallel_loop3A_35 = arith.constant 1 : i32
    scf.for %parallel_loop3A_221 = %parallel_loop3A to %parallel_loop3A_34 step %parallel_loop3A_35  : i32 {
      %parallel_loop3A_222 = arith.constant 16 : i32
      %parallel_loop3A_223 = arith.muli %parallel_loop3A_221, %parallel_loop3A_222 : i32
      %parallel_loop3A_224 = arith.index_cast %parallel_loop3A_223 : i32 to index
      %parallel_loop3A_225 = tpu.vector_load %arg15[%parallel_loop3A_224] {strides = array<i32>} : memref<43008xf32, #tpu.memory_space<vmem>>, vector<16xf32>,
      tpu.vector_store %arg15[%parallel_loop3A_224], %broadcast_in_dim3A_33 {strides = array<i32>} : memref<43008xf32, #tpu.memory_space<vmem>>, vector<16xf32>,
    } {sc.loop_unroll_factor = 8 : i64, sc.parallel_access}
    %parallel_loop3A_36 = arith.constant 0 : i32
    %parallel_loop3A_37 = arith.constant 16 : i32
    %parallel_loop3A_38 = arith.constant 1 : i32
    scf.for %parallel_loop3A_221 = %parallel_loop3A_36 to %parallel_loop3A_37 step %parallel_loop3A_38  : i32 {
      %parallel_loop3A_222 = arith.constant 16 : i32
      %parallel_loop3A_223 = arith.muli %parallel_loop3A_221, %parallel_loop3A_222 : i32
      %parallel_loop3A_224 = arith.index_cast %parallel_loop3A_223 : i32 to index
      %parallel_loop3A_225 = tpu.vector_load %arg16[%parallel_loop3A_224] {strides = array<i32>} : memref<256xf32, #tpu.memory_space<vmem>>, vector<16xf32>,
      tpu.vector_store %arg16[%parallel_loop3A_224], %broadcast_in_dim3A_33 {strides = array<i32>} : memref<256xf32, #tpu.memory_space<vmem>>, vector<16xf32>,
      %parallel_loop3A_226 = arith.constant 16 : i32
      %parallel_loop3A_227 = arith.muli %parallel_loop3A_221, %parallel_loop3A_226 : i32
      %parallel_loop3A_228 = arith.index_cast %parallel_loop3A_227 : i32 to index
      %parallel_loop3A_229 = tpu.vector_load %arg17[%parallel_loop3A_228] {strides = array<i32>} : memref<256xf32, #tpu.memory_space<vmem>>, vector<16xf32>,
      tpu.vector_store %arg17[%parallel_loop3A_228], %broadcast_in_dim3A_33 {strides = array<i32>} : memref<256xf32, #tpu.memory_space<vmem>>, vector<16xf32>,
    } {sc.loop_unroll_factor = 2 : i64, sc.parallel_access}
    "tpu.region"() ({
      %run_scoped3A = tpu.sem_alloc : memref<!tpu.dma_semaphore, #tpu.memory_space<semaphore_mem>>
      tpu.enqueue_dma source(%arg6 : memref<16xi32, #tpu.memory_space<hbm>>) target(%arg14 : memref<16xi32, #tpu.memory_space<vmem>>) target_semaphore(%run_scoped3A : memref<!tpu.dma_semaphore, #tpu.memory_space<semaphore_mem>>)
      tpu.wait_dma2 semaphore(%run_scoped3A : memref<!tpu.dma_semaphore, #tpu.memory_space<semaphore_mem>>) src(%arg6 : memref<16xi32, #tpu.memory_space<hbm>>) dst(%arg14 : memref<16xi32, #tpu.memory_space<vmem>>)
      tpu.yield
    }) : () -> ()
    %get3A = arith.constant 0 : index
    %get3A_39 = tpu.vector_load %arg14[%get3A] {strides = array<i32>} : memref<16xi32, #tpu.memory_space<vmem>>, vector<16xi32>,
    %broadcast_in_dim3A_40 = arith.constant 1.000000e+00 : f32
    %broadcast_in_dim3A_41 = vector.broadcast %broadcast_in_dim3A_40 : f32 to vector<16xf32>
    %iota3A = tpu.iota {dimensions = array<i32: 0>} : vector<16xi32>
    %jit3A_42 = arith.constant 8 : i32
    %eq3A_43 = arith.constant 0 : i32
    %eq3A_44 = arith.cmpi eq, %jit3A_42, %eq3A_43 : i32
    %jit3A_45 = arith.constant 1 : i32
    %select_n3A_46 = arith.select %eq3A_44, %jit3A_45, %jit3A_42 : i32
    %rem3A_47 = vector.broadcast %select_n3A_46 : i32 to vector<16xi32>
    %rem3A_48 = arith.remsi %iota3A, %rem3A_47 : vector<16xi32>
    %ne3A_49 = arith.constant 0 : i32
    %ne3A_50 = vector.broadcast %ne3A_49 : i32 to vector<16xi32>
    %ne3A_51 = arith.cmpi ne, %rem3A_48, %ne3A_50 : vector<16xi32>
    %lt3A_52 = arith.constant 0 : i32
    %lt3A_53 = vector.broadcast %lt3A_52 : i32 to vector<16xi32>
    %lt3A_54 = arith.cmpi slt, %rem3A_48, %lt3A_53 : vector<16xi32>
    %lt3A_55 = arith.constant 0 : i32
    %lt3A_56 = arith.cmpi slt, %select_n3A_46, %lt3A_55 : i32
    %ne3A_57 = vector.broadcast %lt3A_56 : i1 to vector<16xi1>
    %ne3A_58 = vector.broadcast %ne3A_57 : vector<16xi1> to vector<16xi1>
    %ne3A_59 = arith.xori %lt3A_54, %ne3A_58 : vector<16xi1>
    %and3A_60 = arith.andi %ne3A_59, %ne3A_51 : vector<16xi1>
    %add3A_61 = vector.broadcast %select_n3A_46 : i32 to vector<16xi32>
    %add3A_62 = arith.addi %rem3A_48, %add3A_61 : vector<16xi32>
    %select_n3A_63 = arith.select %and3A_60, %add3A_62, %rem3A_48 : vector<16xi1>, vector<16xi32>
    %add3A_64 = arith.constant 0 : i32
    %add3A_65 = arith.addi %mul3A_32, %add3A_64 : i32
    %dma_start3A = arith.constant 0 : i32
    %dma_start3A_66 = arith.constant 0 : i32
    %dma_start3A_67 = arith.constant 0 : i32
    %dma_start3A_68 = arith.constant 0 : i32
    %dma_start3A_69 = tpu.memref_slice %arg10[%dma_start3A, %dma_start3A_67, %dma_start3A_68] : memref<2x256x64xf32, #tpu.memory_space<vmem>> -> memref<1x256x64xf32, #tpu.memory_space<vmem>>
    %dma_start3A_70 = tpu.memref_squeeze %dma_start3A_69 : memref<1x256x64xf32, #tpu.memory_space<vmem>> -> memref<256x64xf32, #tpu.memory_space<vmem>>
    %dma_start3A_71 = arith.constant 0 : i32
    %dma_start3A_72 = tpu.memref_slice %arg2[%select_n3A, %dma_start3A_71, %add3A_65] : memref<8x256x16384xf32, #tpu.memory_space<hbm>> -> memref<1x256x64xf32, #tpu.memory_space<hbm>>
    %dma_start3A_73 = tpu.memref_squeeze %dma_start3A_72 : memref<1x256x64xf32, #tpu.memory_space<hbm>> -> memref<256x64xf32, #tpu.memory_space<hbm>>
    %dma_start3A_74 = tpu.memref_slice %arg21[%dma_start3A_66] : memref<2x!tpu.dma_semaphore, #tpu.memory_space<semaphore_mem>> -> memref<1x!tpu.dma_semaphore, #tpu.memory_space<semaphore_mem>>
    %dma_start3A_75 = tpu.memref_squeeze %dma_start3A_74 : memref<1x!tpu.dma_semaphore, #tpu.memory_space<semaphore_mem>> -> memref<!tpu.dma_semaphore, #tpu.memory_space<semaphore_mem>>
    %dma_start3A_76 = arith.constant 0 : i32
    %dma_start3A_77 = arith.constant 0 : i32
    %dma_start3A_78 = tpu.memref_slice %arg10[%dma_start3A, %dma_start3A_76, %dma_start3A_77] : memref<2x256x64xf32, #tpu.memory_space<vmem>> -> memref<1x256x64xf32, #tpu.memory_space<vmem>>
    %dma_start3A_79 = tpu.memref_squeeze %dma_start3A_78 : memref<1x256x64xf32, #tpu.memory_space<vmem>> -> memref<256x64xf32, #tpu.memory_space<vmem>>
    %dma_start3A_80 = arith.constant 0 : i32
    %dma_start3A_81 = tpu.memref_slice %arg2[%select_n3A, %dma_start3A_80, %add3A_65] : memref<8x256x16384xf32, #tpu.memory_space<hbm>> -> memref<1x256x64xf32, #tpu.memory_space<hbm>>
    %dma_start3A_82 = tpu.memref_squeeze %dma_start3A_81 : memref<1x256x64xf32, #tpu.memory_space<hbm>> -> memref<256x64xf32, #tpu.memory_space<hbm>>
    tpu.enqueue_dma source(%dma_start3A_82 : memref<256x64xf32, #tpu.memory_space<hbm>>) target(%dma_start3A_79 : memref<256x64xf32, #tpu.memory_space<vmem>>) target_semaphore(%dma_start3A_75 : memref<!tpu.dma_semaphore, #tpu.memory_space<semaphore_mem>>)
    %dma_start3A_83 = arith.constant 0 : i32
    %dma_start3A_84 = arith.constant 0 : i32
    %dma_start3A_85 = arith.constant 0 : i32
    %dma_start3A_86 = arith.constant 0 : i32
    %dma_start3A_87 = tpu.memref_slice %arg11[%dma_start3A_83, %dma_start3A_85, %dma_start3A_86] : memref<2x256x64xf32, #tpu.memory_space<vmem>> -> memref<1x256x64xf32, #tpu.memory_space<vmem>>
    %dma_start3A_88 = tpu.memref_squeeze %dma_start3A_87 : memref<1x256x64xf32, #tpu.memory_space<vmem>> -> memref<256x64xf32, #tpu.memory_space<vmem>>
    %dma_start3A_89 = arith.constant 0 : i32
    %dma_start3A_90 = tpu.memref_slice %arg3[%select_n3A, %dma_start3A_89, %add3A_65] : memref<8x256x16384xf32, #tpu.memory_space<hbm>> -> memref<1x256x64xf32, #tpu.memory_space<hbm>>
    %dma_start3A_91 = tpu.memref_squeeze %dma_start3A_90 : memref<1x256x64xf32, #tpu.memory_space<hbm>> -> memref<256x64xf32, #tpu.memory_space<hbm>>
    %dma_start3A_92 = tpu.memref_slice %arg21[%dma_start3A_84] : memref<2x!tpu.dma_semaphore, #tpu.memory_space<semaphore_mem>> -> memref<1x!tpu.dma_semaphore, #tpu.memory_space<semaphore_mem>>
    %dma_start3A_93 = tpu.memref_squeeze %dma_start3A_92 : memref<1x!tpu.dma_semaphore, #tpu.memory_space<semaphore_mem>> -> memref<!tpu.dma_semaphore, #tpu.memory_space<semaphore_mem>>
    %dma_start3A_94 = arith.constant 0 : i32
    %dma_start3A_95 = arith.constant 0 : i32
    %dma_start3A_96 = tpu.memref_slice %arg11[%dma_start3A_83, %dma_start3A_94, %dma_start3A_95] : memref<2x256x64xf32, #tpu.memory_space<vmem>> -> memref<1x256x64xf32, #tpu.memory_space<vmem>>
    %dma_start3A_97 = tpu.memref_squeeze %dma_start3A_96 : memref<1x256x64xf32, #tpu.memory_space<vmem>> -> memref<256x64xf32, #tpu.memory_space<vmem>>
    %dma_start3A_98 = arith.constant 0 : i32
    %dma_start3A_99 = tpu.memref_slice %arg3[%select_n3A, %dma_start3A_98, %add3A_65] : memref<8x256x16384xf32, #tpu.memory_space<hbm>> -> memref<1x256x64xf32, #tpu.memory_space<hbm>>
    %dma_start3A_100 = tpu.memref_squeeze %dma_start3A_99 : memref<1x256x64xf32, #tpu.memory_space<hbm>> -> memref<256x64xf32, #tpu.memory_space<hbm>>
    tpu.enqueue_dma source(%dma_start3A_100 : memref<256x64xf32, #tpu.memory_space<hbm>>) target(%dma_start3A_97 : memref<256x64xf32, #tpu.memory_space<vmem>>) target_semaphore(%dma_start3A_93 : memref<!tpu.dma_semaphore, #tpu.memory_space<semaphore_mem>>)
    %dma_start3A_101 = arith.constant 0 : i32
    %dma_start3A_102 = arith.constant 0 : i32
    %dma_start3A_103 = arith.constant 0 : i32
    %dma_start3A_104 = arith.constant 0 : i32
    %dma_start3A_105 = tpu.memref_slice %arg12[%dma_start3A_101, %dma_start3A_103, %dma_start3A_104] : memref<2x21x64xf32, #tpu.memory_space<vmem>> -> memref<1x21x64xf32, #tpu.memory_space<vmem>>
    %dma_start3A_106 = tpu.memref_squeeze %dma_start3A_105 : memref<1x21x64xf32, #tpu.memory_space<vmem>> -> memref<21x64xf32, #tpu.memory_space<vmem>>
    %dma_start3A_107 = arith.constant 0 : i32
    %dma_start3A_108 = tpu.memref_slice %arg4[%select_n3A, %dma_start3A_107, %add3A_65] : memref<8x21x16384xf32, #tpu.memory_space<hbm>> -> memref<1x21x64xf32, #tpu.memory_space<hbm>>
    %dma_start3A_109 = tpu.memref_squeeze %dma_start3A_108 : memref<1x21x64xf32, #tpu.memory_space<hbm>> -> memref<21x64xf32, #tpu.memory_space<hbm>>
    %dma_start3A_110 = tpu.memref_slice %arg21[%dma_start3A_102] : memref<2x!tpu.dma_semaphore, #tpu.memory_space<semaphore_mem>> -> memref<1x!tpu.dma_semaphore, #tpu.memory_space<semaphore_mem>>
    %dma_start3A_111 = tpu.memref_squeeze %dma_start3A_110 : memref<1x!tpu.dma_semaphore, #tpu.memory_space<semaphore_mem>> -> memref<!tpu.dma_semaphore, #tpu.memory_space<semaphore_mem>>
    %dma_start3A_112 = arith.constant 0 : i32
    %dma_start3A_113 = arith.constant 0 : i32
    %dma_start3A_114 = tpu.memref_slice %arg12[%dma_start3A_101, %dma_start3A_112, %dma_start3A_113] : memref<2x21x64xf32, #tpu.memory_space<vmem>> -> memref<1x21x64xf32, #tpu.memory_space<vmem>>
    %dma_start3A_115 = tpu.memref_squeeze %dma_start3A_114 : memref<1x21x64xf32, #tpu.memory_space<vmem>> -> memref<21x64xf32, #tpu.memory_space<vmem>>
    %dma_start3A_116 = arith.constant 0 : i32
    %dma_start3A_117 = tpu.memref_slice %arg4[%select_n3A, %dma_start3A_116, %add3A_65] : memref<8x21x16384xf32, #tpu.memory_space<hbm>> -> memref<1x21x64xf32, #tpu.memory_space<hbm>>
    %dma_start3A_118 = tpu.memref_squeeze %dma_start3A_117 : memref<1x21x64xf32, #tpu.memory_space<hbm>> -> memref<21x64xf32, #tpu.memory_space<hbm>>
    tpu.enqueue_dma source(%dma_start3A_118 : memref<21x64xf32, #tpu.memory_space<hbm>>) target(%dma_start3A_115 : memref<21x64xf32, #tpu.memory_space<vmem>>) target_semaphore(%dma_start3A_111 : memref<!tpu.dma_semaphore, #tpu.memory_space<semaphore_mem>>)
    %dma_start3A_119 = arith.constant 0 : i32
    %dma_start3A_120 = arith.constant 0 : i32
    %dma_start3A_121 = arith.constant 0 : i32
    %dma_start3A_122 = tpu.memref_slice %arg13[%dma_start3A_119, %dma_start3A_121] : memref<2x64xi32, #tpu.memory_space<vmem>> -> memref<1x64xi32, #tpu.memory_space<vmem>>
    %dma_start3A_123 = tpu.memref_squeeze %dma_start3A_122 : memref<1x64xi32, #tpu.memory_space<vmem>> -> memref<64xi32, #tpu.memory_space<vmem>>
    %dma_start3A_124 = tpu.memref_slice %arg5[%select_n3A, %add3A_65] : memref<8x16384xi32, #tpu.memory_space<hbm>> -> memref<1x64xi32, #tpu.memory_space<hbm>>
    %dma_start3A_125 = tpu.memref_squeeze %dma_start3A_124 : memref<1x64xi32, #tpu.memory_space<hbm>> -> memref<64xi32, #tpu.memory_space<hbm>>
    %dma_start3A_126 = tpu.memref_slice %arg21[%dma_start3A_120] : memref<2x!tpu.dma_semaphore, #tpu.memory_space<semaphore_mem>> -> memref<1x!tpu.dma_semaphore, #tpu.memory_space<semaphore_mem>>
    %dma_start3A_127 = tpu.memref_squeeze %dma_start3A_126 : memref<1x!tpu.dma_semaphore, #tpu.memory_space<semaphore_mem>> -> memref<!tpu.dma_semaphore, #tpu.memory_space<semaphore_mem>>
    %dma_start3A_128 = arith.constant 0 : i32
    %dma_start3A_129 = tpu.memref_slice %arg13[%dma_start3A_119, %dma_start3A_128] : memref<2x64xi32, #tpu.memory_space<vmem>> -> memref<1x64xi32, #tpu.memory_space<vmem>>
    %dma_start3A_130 = tpu.memref_squeeze %dma_start3A_129 : memref<1x64xi32, #tpu.memory_space<vmem>> -> memref<64xi32, #tpu.memory_space<vmem>>
    %dma_start3A_131 = tpu.memref_slice %arg5[%select_n3A, %add3A_65] : memref<8x16384xi32, #tpu.memory_space<hbm>> -> memref<1x64xi32, #tpu.memory_space<hbm>>
    %dma_start3A_132 = tpu.memref_squeeze %dma_start3A_131 : memref<1x64xi32, #tpu.memory_space<hbm>> -> memref<64xi32, #tpu.memory_space<hbm>>
    tpu.enqueue_dma source(%dma_start3A_132 : memref<64xi32, #tpu.memory_space<hbm>>) target(%dma_start3A_130 : memref<64xi32, #tpu.memory_space<vmem>>) target_semaphore(%dma_start3A_127 : memref<!tpu.dma_semaphore, #tpu.memory_space<semaphore_mem>>)
    %add3A_133 = arith.constant 64 : i32
    %add3A_134 = arith.addi %mul3A_32, %add3A_133 : i32
    %dma_start3A_135 = arith.constant 1 : i32
    %dma_start3A_136 = arith.constant 1 : i32
    %dma_start3A_137 = arith.constant 0 : i32
    %dma_start3A_138 = arith.constant 0 : i32
    %dma_start3A_139 = tpu.memref_slice %arg10[%dma_start3A_135, %dma_start3A_137, %dma_start3A_138] : memref<2x256x64xf32, #tpu.memory_space<vmem>> -> memref<1x256x64xf32, #tpu.memory_space<vmem>>
    %dma_start3A_140 = tpu.memref_squeeze %dma_start3A_139 : memref<1x256x64xf32, #tpu.memory_space<vmem>> -> memref<256x64xf32, #tpu.memory_space<vmem>>
    %dma_start3A_141 = arith.constant 0 : i32
    %dma_start3A_142 = tpu.memref_slice %arg2[%select_n3A, %dma_start3A_141, %add3A_134] : memref<8x256x16384xf32, #tpu.memory_space<hbm>> -> memref<1x256x64xf32, #tpu.memory_space<hbm>>
    %dma_start3A_143 = tpu.memref_squeeze %dma_start3A_142 : memref<1x256x64xf32, #tpu.memory_space<hbm>> -> memref<256x64xf32, #tpu.memory_space<hbm>>
    %dma_start3A_144 = tpu.memref_slice %arg21[%dma_start3A_136] : memref<2x!tpu.dma_semaphore, #tpu.memory_space<semaphore_mem>> -> memref<1x!tpu.dma_semaphore, #tpu.memory_space<semaphore_mem>>
    %dma_start3A_145 = tpu.memref_squeeze %dma_start3A_144 : memref<1x!tpu.dma_semaphore, #tpu.memory_space<semaphore_mem>> -> memref<!tpu.dma_semaphore, #tpu.memory_space<semaphore_mem>>
    %dma_start3A_146 = arith.constant 0 : i32
    %dma_start3A_147 = arith.constant 0 : i32
    %dma_start3A_148 = tpu.memref_slice %arg10[%dma_start3A_135, %dma_start3A_146, %dma_start3A_147] : memref<2x256x64xf32, #tpu.memory_space<vmem>> -> memref<1x256x64xf32, #tpu.memory_space<vmem>>
    %dma_start3A_149 = tpu.memref_squeeze %dma_start3A_148 : memref<1x256x64xf32, #tpu.memory_space<vmem>> -> memref<256x64xf32, #tpu.memory_space<vmem>>
    %dma_start3A_150 = arith.constant 0 : i32
    %dma_start3A_151 = tpu.memref_slice %arg2[%select_n3A, %dma_start3A_150, %add3A_134] : memref<8x256x16384xf32, #tpu.memory_space<hbm>> -> memref<1x256x64xf32, #tpu.memory_space<hbm>>
    %dma_start3A_152 = tpu.memref_squeeze %dma_start3A_151 : memref<1x256x64xf32, #tpu.memory_space<hbm>> -> memref<256x64xf32, #tpu.memory_space<hbm>>
    tpu.enqueue_dma source(%dma_start3A_152 : memref<256x64xf32, #tpu.memory_space<hbm>>) target(%dma_start3A_149 : memref<256x64xf32, #tpu.memory_space<vmem>>) target_semaphore(%dma_start3A_145 : memref<!tpu.dma_semaphore, #tpu.memory_space<semaphore_mem>>)
    %dma_start3A_153 = arith.constant 1 : i32
    %dma_start3A_154 = arith.constant 1 : i32
    %dma_start3A_155 = arith.constant 0 : i32
    %dma_start3A_156 = arith.constant 0 : i32
    %dma_start3A_157 = tpu.memref_slice %arg11[%dma_start3A_153, %dma_start3A_155, %dma_start3A_156] : memref<2x256x64xf32, #tpu.memory_space<vmem>> -> memref<1x256x64xf32, #tpu.memory_space<vmem>>
    %dma_start3A_158 = tpu.memref_squeeze %dma_start3A_157 : memref<1x256x64xf32, #tpu.memory_space<vmem>> -> memref<256x64xf32, #tpu.memory_space<vmem>>
    %dma_start3A_159 = arith.constant 0 : i32
    %dma_start3A_160 = tpu.memref_slice %arg3[%select_n3A, %dma_start3A_159, %add3A_134] : memref<8x256x16384xf32, #tpu.memory_space<hbm>> -> memref<1x256x64xf32, #tpu.memory_space<hbm>>
    %dma_start3A_161 = tpu.memref_squeeze %dma_start3A_160 : memref<1x256x64xf32, #tpu.memory_space<hbm>> -> memref<256x64xf32, #tpu.memory_space<hbm>>
    %dma_start3A_162 = tpu.memref_slice %arg21[%dma_start3A_154] : memref<2x!tpu.dma_semaphore, #tpu.memory_space<semaphore_mem>> -> memref<1x!tpu.dma_semaphore, #tpu.memory_space<semaphore_mem>>
    %dma_start3A_163 = tpu.memref_squeeze %dma_start3A_162 : memref<1x!tpu.dma_semaphore, #tpu.memory_space<semaphore_mem>> -> memref<!tpu.dma_semaphore, #tpu.memory_space<semaphore_mem>>
    %dma_start3A_164 = arith.constant 0 : i32
    %dma_start3A_165 = arith.constant 0 : i32
    %dma_start3A_166 = tpu.memref_slice %arg11[%dma_start3A_153, %dma_start3A_164, %dma_start3A_165] : memref<2x256x64xf32, #tpu.memory_space<vmem>> -> memref<1x256x64xf32, #tpu.memory_space<vmem>>
    %dma_start3A_167 = tpu.memref_squeeze %dma_start3A_166 : memref<1x256x64xf32, #tpu.memory_space<vmem>> -> memref<256x64xf32, #tpu.memory_space<vmem>>
    %dma_start3A_168 = arith.constant 0 : i32
    %dma_start3A_169 = tpu.memref_slice %arg3[%select_n3A, %dma_start3A_168, %add3A_134] : memref<8x256x16384xf32, #tpu.memory_space<hbm>> -> memref<1x256x64xf32, #tpu.memory_space<hbm>>
    %dma_start3A_170 = tpu.memref_squeeze %dma_start3A_169 : memref<1x256x64xf32, #tpu.memory_space<hbm>> -> memref<256x64xf32, #tpu.memory_space<hbm>>
    tpu.enqueue_dma source(%dma_start3A_170 : memref<256x64xf32, #tpu.memory_space<hbm>>) target(%dma_start3A_167 : memref<256x64xf32, #tpu.memory_space<vmem>>) target_semaphore(%dma_start3A_163 : memref<!tpu.dma_semaphore, #tpu.memory_space<semaphore_mem>>)
    %dma_start3A_171 = arith.constant 1 : i32
    %dma_start3A_172 = arith.constant 1 : i32
    %dma_start3A_173 = arith.constant 0 : i32
    %dma_start3A_174 = arith.constant 0 : i32
    %dma_start3A_175 = tpu.memref_slice %arg12[%dma_start3A_171, %dma_start3A_173, %dma_start3A_174] : memref<2x21x64xf32, #tpu.memory_space<vmem>> -> memref<1x21x64xf32, #tpu.memory_space<vmem>>
    %dma_start3A_176 = tpu.memref_squeeze %dma_start3A_175 : memref<1x21x64xf32, #tpu.memory_space<vmem>> -> memref<21x64xf32, #tpu.memory_space<vmem>>
    %dma_start3A_177 = arith.constant 0 : i32
    %dma_start3A_178 = tpu.memref_slice %arg4[%select_n3A, %dma_start3A_177, %add3A_134] : memref<8x21x16384xf32, #tpu.memory_space<hbm>> -> memref<1x21x64xf32, #tpu.memory_space<hbm>>
    %dma_start3A_179 = tpu.memref_squeeze %dma_start3A_178 : memref<1x21x64xf32, #tpu.memory_space<hbm>> -> memref<21x64xf32, #tpu.memory_space<hbm>>
    %dma_start3A_180 = tpu.memref_slice %arg21[%dma_start3A_172] : memref<2x!tpu.dma_semaphore, #tpu.memory_space<semaphore_mem>> -> memref<1x!tpu.dma_semaphore, #tpu.memory_space<semaphore_mem>>
    %dma_start3A_181 = tpu.memref_squeeze %dma_start3A_180 : memref<1x!tpu.dma_semaphore, #tpu.memory_space<semaphore_mem>> -> memref<!tpu.dma_semaphore, #tpu.memory_space<semaphore_mem>>
    %dma_start3A_182 = arith.constant 0 : i32
    %dma_start3A_183 = arith.constant 0 : i32
    %dma_start3A_184 = tpu.memref_slice %arg12[%dma_start3A_171, %dma_start3A_182, %dma_start3A_183] : memref<2x21x64xf32, #tpu.memory_space<vmem>> -> memref<1x21x64xf32, #tpu.memory_space<vmem>>
    %dma_start3A_185 = tpu.memref_squeeze %dma_start3A_184 : memref<1x21x64xf32, #tpu.memory_space<vmem>> -> memref<21x64xf32, #tpu.memory_space<vmem>>
    %dma_start3A_186 = arith.constant 0 : i32
    %dma_start3A_187 = tpu.memref_slice %arg4[%select_n3A, %dma_start3A_186, %add3A_134] : memref<8x21x16384xf32, #tpu.memory_space<hbm>> -> memref<1x21x64xf32, #tpu.memory_space<hbm>>
    %dma_start3A_188 = tpu.memref_squeeze %dma_start3A_187 : memref<1x21x64xf32, #tpu.memory_space<hbm>> -> memref<21x64xf32, #tpu.memory_space<hbm>>
    tpu.enqueue_dma source(%dma_start3A_188 : memref<21x64xf32, #tpu.memory_space<hbm>>) target(%dma_start3A_185 : memref<21x64xf32, #tpu.memory_space<vmem>>) target_semaphore(%dma_start3A_181 : memref<!tpu.dma_semaphore, #tpu.memory_space<semaphore_mem>>)
    %dma_start3A_189 = arith.constant 1 : i32
    %dma_start3A_190 = arith.constant 1 : i32
    %dma_start3A_191 = arith.constant 0 : i32
    %dma_start3A_192 = tpu.memref_slice %arg13[%dma_start3A_189, %dma_start3A_191] : memref<2x64xi32, #tpu.memory_space<vmem>> -> memref<1x64xi32, #tpu.memory_space<vmem>>
    %dma_start3A_193 = tpu.memref_squeeze %dma_start3A_192 : memref<1x64xi32, #tpu.memory_space<vmem>> -> memref<64xi32, #tpu.memory_space<vmem>>
    %dma_start3A_194 = tpu.memref_slice %arg5[%select_n3A, %add3A_134] : memref<8x16384xi32, #tpu.memory_space<hbm>> -> memref<1x64xi32, #tpu.memory_space<hbm>>
    %dma_start3A_195 = tpu.memref_squeeze %dma_start3A_194 : memref<1x64xi32, #tpu.memory_space<hbm>> -> memref<64xi32, #tpu.memory_space<hbm>>
    %dma_start3A_196 = tpu.memref_slice %arg21[%dma_start3A_190] : memref<2x!tpu.dma_semaphore, #tpu.memory_space<semaphore_mem>> -> memref<1x!tpu.dma_semaphore, #tpu.memory_space<semaphore_mem>>
    %dma_start3A_197 = tpu.memref_squeeze %dma_start3A_196 : memref<1x!tpu.dma_semaphore, #tpu.memory_space<semaphore_mem>> -> memref<!tpu.dma_semaphore, #tpu.memory_space<semaphore_mem>>
    %dma_start3A_198 = arith.constant 0 : i32
    %dma_start3A_199 = tpu.memref_slice %arg13[%dma_start3A_189, %dma_start3A_198] : memref<2x64xi32, #tpu.memory_space<vmem>> -> memref<1x64xi32, #tpu.memory_space<vmem>>
    %dma_start3A_200 = tpu.memref_squeeze %dma_start3A_199 : memref<1x64xi32, #tpu.memory_space<vmem>> -> memref<64xi32, #tpu.memory_space<vmem>>
    %dma_start3A_201 = tpu.memref_slice %arg5[%select_n3A, %add3A_134] : memref<8x16384xi32, #tpu.memory_space<hbm>> -> memref<1x64xi32, #tpu.memory_space<hbm>>
    %dma_start3A_202 = tpu.memref_squeeze %dma_start3A_201 : memref<1x64xi32, #tpu.memory_space<hbm>> -> memref<64xi32, #tpu.memory_space<hbm>>
    tpu.enqueue_dma source(%dma_start3A_202 : memref<64xi32, #tpu.memory_space<hbm>>) target(%dma_start3A_200 : memref<64xi32, #tpu.memory_space<vmem>>) target_semaphore(%dma_start3A_197 : memref<!tpu.dma_semaphore, #tpu.memory_space<semaphore_mem>>)
    %scan3A = arith.constant 0 : i32
    %scan3A_203 = arith.constant 0 : i32
    %scan3A_204 = arith.constant 32 : i32
    %scan3A_205 = arith.addi %scan3A_203, %scan3A_204 : i32
    %scan3A_206 = arith.constant 1 : i32
    scf.for %scan3A_221 = %scan3A_203 to %scan3A_205 step %scan3A_206  : i32 {
      %mul3A_222 = arith.constant 2 : i32
      %mul3A_223 = arith.muli %scan3A_221, %mul3A_222 : i32
      %add3A_224 = arith.constant 0 : i32
      %add3A_225 = arith.addi %mul3A_223, %add3A_224 : i32
      %mul3A_226 = arith.constant 64 : i32
      %mul3A_227 = arith.muli %add3A_225, %mul3A_226 : i32
      %add3A_228 = arith.addi %mul3A_32, %mul3A_227 : i32
      %dma_wait3A = arith.constant 0 : i32
      %dma_wait3A_229 = arith.constant 0 : i32
      %dma_wait3A_230 = arith.constant 0 : i32
      %dma_wait3A_231 = arith.constant 0 : i32
      %dma_wait3A_232 = tpu.memref_slice %arg10[%dma_wait3A, %dma_wait3A_230, %dma_wait3A_231] : memref<2x256x64xf32, #tpu.memory_space<vmem>> -> memref<1x256x64xf32, #tpu.memory_space<vmem>>
      %dma_wait3A_233 = tpu.memref_squeeze %dma_wait3A_232 : memref<1x256x64xf32, #tpu.memory_space<vmem>> -> memref<256x64xf32, #tpu.memory_space<vmem>>
      %dma_wait3A_234 = arith.constant 0 : i32
      %dma_wait3A_235 = tpu.memref_slice %arg2[%select_n3A, %dma_wait3A_234, %add3A_228] : memref<8x256x16384xf32, #tpu.memory_space<hbm>> -> memref<1x256x64xf32, #tpu.memory_space<hbm>>
      %dma_wait3A_236 = tpu.memref_squeeze %dma_wait3A_235 : memref<1x256x64xf32, #tpu.memory_space<hbm>> -> memref<256x64xf32, #tpu.memory_space<hbm>>
      %dma_wait3A_237 = tpu.memref_slice %arg21[%dma_wait3A_229] : memref<2x!tpu.dma_semaphore, #tpu.memory_space<semaphore_mem>> -> memref<1x!tpu.dma_semaphore, #tpu.memory_space<semaphore_mem>>
      %dma_wait3A_238 = tpu.memref_squeeze %dma_wait3A_237 : memref<1x!tpu.dma_semaphore, #tpu.memory_space<semaphore_mem>> -> memref<!tpu.dma_semaphore, #tpu.memory_space<semaphore_mem>>
      %dma_wait3A_239 = arith.constant 0 : i32
      %dma_wait3A_240 = arith.constant 0 : i32
      %dma_wait3A_241 = tpu.memref_slice %arg10[%dma_wait3A, %dma_wait3A_239, %dma_wait3A_240] : memref<2x256x64xf32, #tpu.memory_space<vmem>> -> memref<1x256x64xf32, #tpu.memory_space<vmem>>
      %dma_wait3A_242 = tpu.memref_squeeze %dma_wait3A_241 : memref<1x256x64xf32, #tpu.memory_space<vmem>> -> memref<256x64xf32, #tpu.memory_space<vmem>>
      %dma_wait3A_243 = arith.constant 0 : i32
      %dma_wait3A_244 = tpu.memref_slice %arg2[%select_n3A, %dma_wait3A_243, %add3A_228] : memref<8x256x16384xf32, #tpu.memory_space<hbm>> -> memref<1x256x64xf32, #tpu.memory_space<hbm>>
      %dma_wait3A_245 = tpu.memref_squeeze %dma_wait3A_244 : memref<1x256x64xf32, #tpu.memory_space<hbm>> -> memref<256x64xf32, #tpu.memory_space<hbm>>
      tpu.wait_dma2 semaphore(%dma_wait3A_238 : memref<!tpu.dma_semaphore, #tpu.memory_space<semaphore_mem>>) src(%dma_wait3A_245 : memref<256x64xf32, #tpu.memory_space<hbm>>) dst(%dma_wait3A_242 : memref<256x64xf32, #tpu.memory_space<vmem>>)
      %dma_wait3A_246 = arith.constant 0 : i32
      %dma_wait3A_247 = arith.constant 0 : i32
      %dma_wait3A_248 = arith.constant 0 : i32
      %dma_wait3A_249 = arith.constant 0 : i32
      %dma_wait3A_250 = tpu.memref_slice %arg11[%dma_wait3A_246, %dma_wait3A_248, %dma_wait3A_249] : memref<2x256x64xf32, #tpu.memory_space<vmem>> -> memref<1x256x64xf32, #tpu.memory_space<vmem>>
      %dma_wait3A_251 = tpu.memref_squeeze %dma_wait3A_250 : memref<1x256x64xf32, #tpu.memory_space<vmem>> -> memref<256x64xf32, #tpu.memory_space<vmem>>
      %dma_wait3A_252 = arith.constant 0 : i32
      %dma_wait3A_253 = tpu.memref_slice %arg3[%select_n3A, %dma_wait3A_252, %add3A_228] : memref<8x256x16384xf32, #tpu.memory_space<hbm>> -> memref<1x256x64xf32, #tpu.memory_space<hbm>>
      %dma_wait3A_254 = tpu.memref_squeeze %dma_wait3A_253 : memref<1x256x64xf32, #tpu.memory_space<hbm>> -> memref<256x64xf32, #tpu.memory_space<hbm>>
      %dma_wait3A_255 = tpu.memref_slice %arg21[%dma_wait3A_247] : memref<2x!tpu.dma_semaphore, #tpu.memory_space<semaphore_mem>> -> memref<1x!tpu.dma_semaphore, #tpu.memory_space<semaphore_mem>>
      %dma_wait3A_256 = tpu.memref_squeeze %dma_wait3A_255 : memref<1x!tpu.dma_semaphore, #tpu.memory_space<semaphore_mem>> -> memref<!tpu.dma_semaphore, #tpu.memory_space<semaphore_mem>>
      %dma_wait3A_257 = arith.constant 0 : i32
      %dma_wait3A_258 = arith.constant 0 : i32
      %dma_wait3A_259 = tpu.memref_slice %arg11[%dma_wait3A_246, %dma_wait3A_257, %dma_wait3A_258] : memref<2x256x64xf32, #tpu.memory_space<vmem>> -> memref<1x256x64xf32, #tpu.memory_space<vmem>>
      %dma_wait3A_260 = tpu.memref_squeeze %dma_wait3A_259 : memref<1x256x64xf32, #tpu.memory_space<vmem>> -> memref<256x64xf32, #tpu.memory_space<vmem>>
      %dma_wait3A_261 = arith.constant 0 : i32
      %dma_wait3A_262 = tpu.memref_slice %arg3[%select_n3A, %dma_wait3A_261, %add3A_228] : memref<8x256x16384xf32, #tpu.memory_space<hbm>> -> memref<1x256x64xf32, #tpu.memory_space<hbm>>
      %dma_wait3A_263 = tpu.memref_squeeze %dma_wait3A_262 : memref<1x256x64xf32, #tpu.memory_space<hbm>> -> memref<256x64xf32, #tpu.memory_space<hbm>>
      tpu.wait_dma2 semaphore(%dma_wait3A_256 : memref<!tpu.dma_semaphore, #tpu.memory_space<semaphore_mem>>) src(%dma_wait3A_263 : memref<256x64xf32, #tpu.memory_space<hbm>>) dst(%dma_wait3A_260 : memref<256x64xf32, #tpu.memory_space<vmem>>)
      %dma_wait3A_264 = arith.constant 0 : i32
      %dma_wait3A_265 = arith.constant 0 : i32
      %dma_wait3A_266 = arith.constant 0 : i32
      %dma_wait3A_267 = arith.constant 0 : i32
      %dma_wait3A_268 = tpu.memref_slice %arg12[%dma_wait3A_264, %dma_wait3A_266, %dma_wait3A_267] : memref<2x21x64xf32, #tpu.memory_space<vmem>> -> memref<1x21x64xf32, #tpu.memory_space<vmem>>
      %dma_wait3A_269 = tpu.memref_squeeze %dma_wait3A_268 : memref<1x21x64xf32, #tpu.memory_space<vmem>> -> memref<21x64xf32, #tpu.memory_space<vmem>>
      %dma_wait3A_270 = arith.constant 0 : i32
      %dma_wait3A_271 = tpu.memref_slice %arg4[%select_n3A, %dma_wait3A_270, %add3A_228] : memref<8x21x16384xf32, #tpu.memory_space<hbm>> -> memref<1x21x64xf32, #tpu.memory_space<hbm>>
      %dma_wait3A_272 = tpu.memref_squeeze %dma_wait3A_271 : memref<1x21x64xf32, #tpu.memory_space<hbm>> -> memref<21x64xf32, #tpu.memory_space<hbm>>
      %dma_wait3A_273 = tpu.memref_slice %arg21[%dma_wait3A_265] : memref<2x!tpu.dma_semaphore, #tpu.memory_space<semaphore_mem>> -> memref<1x!tpu.dma_semaphore, #tpu.memory_space<semaphore_mem>>
      %dma_wait3A_274 = tpu.memref_squeeze %dma_wait3A_273 : memref<1x!tpu.dma_semaphore, #tpu.memory_space<semaphore_mem>> -> memref<!tpu.dma_semaphore, #tpu.memory_space<semaphore_mem>>
      %dma_wait3A_275 = arith.constant 0 : i32
      %dma_wait3A_276 = arith.constant 0 : i32
      %dma_wait3A_277 = tpu.memref_slice %arg12[%dma_wait3A_264, %dma_wait3A_275, %dma_wait3A_276] : memref<2x21x64xf32, #tpu.memory_space<vmem>> -> memref<1x21x64xf32, #tpu.memory_space<vmem>>
      %dma_wait3A_278 = tpu.memref_squeeze %dma_wait3A_277 : memref<1x21x64xf32, #tpu.memory_space<vmem>> -> memref<21x64xf32, #tpu.memory_space<vmem>>
      %dma_wait3A_279 = arith.constant 0 : i32
      %dma_wait3A_280 = tpu.memref_slice %arg4[%select_n3A, %dma_wait3A_279, %add3A_228] : memref<8x21x16384xf32, #tpu.memory_space<hbm>> -> memref<1x21x64xf32, #tpu.memory_space<hbm>>
      %dma_wait3A_281 = tpu.memref_squeeze %dma_wait3A_280 : memref<1x21x64xf32, #tpu.memory_space<hbm>> -> memref<21x64xf32, #tpu.memory_space<hbm>>
      tpu.wait_dma2 semaphore(%dma_wait3A_274 : memref<!tpu.dma_semaphore, #tpu.memory_space<semaphore_mem>>) src(%dma_wait3A_281 : memref<21x64xf32, #tpu.memory_space<hbm>>) dst(%dma_wait3A_278 : memref<21x64xf32, #tpu.memory_space<vmem>>)
      %dma_wait3A_282 = arith.constant 0 : i32
      %dma_wait3A_283 = arith.constant 0 : i32
      %dma_wait3A_284 = arith.constant 0 : i32
      %dma_wait3A_285 = tpu.memref_slice %arg13[%dma_wait3A_282, %dma_wait3A_284] : memref<2x64xi32, #tpu.memory_space<vmem>> -> memref<1x64xi32, #tpu.memory_space<vmem>>
      %dma_wait3A_286 = tpu.memref_squeeze %dma_wait3A_285 : memref<1x64xi32, #tpu.memory_space<vmem>> -> memref<64xi32, #tpu.memory_space<vmem>>
      %dma_wait3A_287 = tpu.memref_slice %arg5[%select_n3A, %add3A_228] : memref<8x16384xi32, #tpu.memory_space<hbm>> -> memref<1x64xi32, #tpu.memory_space<hbm>>
      %dma_wait3A_288 = tpu.memref_squeeze %dma_wait3A_287 : memref<1x64xi32, #tpu.memory_space<hbm>> -> memref<64xi32, #tpu.memory_space<hbm>>
      %dma_wait3A_289 = tpu.memref_slice %arg21[%dma_wait3A_283] : memref<2x!tpu.dma_semaphore, #tpu.memory_space<semaphore_mem>> -> memref<1x!tpu.dma_semaphore, #tpu.memory_space<semaphore_mem>>
      %dma_wait3A_290 = tpu.memref_squeeze %dma_wait3A_289 : memref<1x!tpu.dma_semaphore, #tpu.memory_space<semaphore_mem>> -> memref<!tpu.dma_semaphore, #tpu.memory_space<semaphore_mem>>
      %dma_wait3A_291 = arith.constant 0 : i32
      %dma_wait3A_292 = tpu.memref_slice %arg13[%dma_wait3A_282, %dma_wait3A_291] : memref<2x64xi32, #tpu.memory_space<vmem>> -> memref<1x64xi32, #tpu.memory_space<vmem>>
      %dma_wait3A_293 = tpu.memref_squeeze %dma_wait3A_292 : memref<1x64xi32, #tpu.memory_space<vmem>> -> memref<64xi32, #tpu.memory_space<vmem>>
      %dma_wait3A_294 = tpu.memref_slice %arg5[%select_n3A, %add3A_228] : memref<8x16384xi32, #tpu.memory_space<hbm>> -> memref<1x64xi32, #tpu.memory_space<hbm>>
      %dma_wait3A_295 = tpu.memref_squeeze %dma_wait3A_294 : memref<1x64xi32, #tpu.memory_space<hbm>> -> memref<64xi32, #tpu.memory_space<hbm>>
      tpu.wait_dma2 semaphore(%dma_wait3A_290 : memref<!tpu.dma_semaphore, #tpu.memory_space<semaphore_mem>>) src(%dma_wait3A_295 : memref<64xi32, #tpu.memory_space<hbm>>) dst(%dma_wait3A_293 : memref<64xi32, #tpu.memory_space<vmem>>)
      %get3A_296 = arith.constant 0 : i32
      %get3A_297 = arith.constant 0 : i32
      %get3A_298 = arith.constant 0 : i32
      %get3A_299 = arith.constant 0 : i32
      %get3A_300 = tpu.memref_slice %arg12[%get3A_296, %get3A_298, %get3A_299] : memref<2x21x64xf32, #tpu.memory_space<vmem>> -> memref<1x21x64xf32, #tpu.memory_space<vmem>>
      %get3A_301 = tpu.memref_squeeze %get3A_300 : memref<1x21x64xf32, #tpu.memory_space<vmem>> -> memref<21x64xf32, #tpu.memory_space<vmem>>
      %get3A_302 = arith.index_cast %get3A_297 : i32 to index
      %get3A_303 = arith.constant 0 : index
      %get3A_304 = tpu.vector_load %get3A_301[%get3A_302, %get3A_303] {strides = array<i32>} : memref<21x64xf32, #tpu.memory_space<vmem>>, vector<16xf32>,
      %get3A_305 = arith.constant 0 : i32
      %get3A_306 = arith.constant 0 : i32
      %get3A_307 = arith.constant 0 : i32
      %get3A_308 = arith.constant 0 : i32
      %get3A_309 = tpu.memref_slice %arg12[%get3A_305, %get3A_307, %get3A_308] : memref<2x21x64xf32, #tpu.memory_space<vmem>> -> memref<1x21x64xf32, #tpu.memory_space<vmem>>
      %get3A_310 = tpu.memref_squeeze %get3A_309 : memref<1x21x64xf32, #tpu.memory_space<vmem>> -> memref<21x64xf32, #tpu.memory_space<vmem>>
      %get3A_311 = arith.index_cast %get3A_306 : i32 to index
      %get3A_312 = arith.constant 16 : index
      %get3A_313 = tpu.vector_load %get3A_310[%get3A_311, %get3A_312] {strides = array<i32>} : memref<21x64xf32, #tpu.memory_space<vmem>>, vector<16xf32>,
      %get3A_314 = arith.constant 0 : i32
      %get3A_315 = arith.constant 0 : i32
      %get3A_316 = arith.constant 0 : i32
      %get3A_317 = arith.constant 0 : i32
      %get3A_318 = tpu.memref_slice %arg12[%get3A_314, %get3A_316, %get3A_317] : memref<2x21x64xf32, #tpu.memory_space<vmem>> -> memref<1x21x64xf32, #tpu.memory_space<vmem>>
      %get3A_319 = tpu.memref_squeeze %get3A_318 : memref<1x21x64xf32, #tpu.memory_space<vmem>> -> memref<21x64xf32, #tpu.memory_space<vmem>>
      %get3A_320 = arith.index_cast %get3A_315 : i32 to index
      %get3A_321 = arith.constant 32 : index
      %get3A_322 = tpu.vector_load %get3A_319[%get3A_320, %get3A_321] {strides = array<i32>} : memref<21x64xf32, #tpu.memory_space<vmem>>, vector<16xf32>,
      %get3A_323 = arith.constant 0 : i32
      %get3A_324 = arith.constant 0 : i32
      %get3A_325 = arith.constant 0 : i32
      %get3A_326 = arith.constant 0 : i32
      %get3A_327 = tpu.memref_slice %arg12[%get3A_323, %get3A_325, %get3A_326] : memref<2x21x64xf32, #tpu.memory_space<vmem>> -> memref<1x21x64xf32, #tpu.memory_space<vmem>>
      %get3A_328 = tpu.memref_squeeze %get3A_327 : memref<1x21x64xf32, #tpu.memory_space<vmem>> -> memref<21x64xf32, #tpu.memory_space<vmem>>
      %get3A_329 = arith.index_cast %get3A_324 : i32 to index
      %get3A_330 = arith.constant 48 : index
      %get3A_331 = tpu.vector_load %get3A_328[%get3A_329, %get3A_330] {strides = array<i32>} : memref<21x64xf32, #tpu.memory_space<vmem>>, vector<16xf32>,
      %broadcast_in_dim3A_332 = arith.constant 0 : i32
      %broadcast_in_dim3A_333 = vector.broadcast %broadcast_in_dim3A_332 : i32 to vector<16xi32>
      %broadcast_in_dim3A_334 = arith.constant 0 : i32
      %broadcast_in_dim3A_335 = vector.broadcast %broadcast_in_dim3A_334 : i32 to vector<16xi32>
      %broadcast_in_dim3A_336 = arith.constant 0 : i32
      %broadcast_in_dim3A_337 = vector.broadcast %broadcast_in_dim3A_336 : i32 to vector<16xi32>
      %broadcast_in_dim3A_338 = arith.constant 0 : i32
      %broadcast_in_dim3A_339 = vector.broadcast %broadcast_in_dim3A_338 : i32 to vector<16xi32>
      %broadcast_in_dim3A_340 = arith.constant 1 : i32
      %broadcast_in_dim3A_341 = vector.broadcast %broadcast_in_dim3A_340 : i32 to vector<16xi32>
      %get3A_342 = arith.constant 0 : i32
      %get3A_343 = arith.constant 1 : i32
      %get3A_344 = arith.constant 0 : i32
      %get3A_345 = arith.constant 0 : i32
      %get3A_346 = tpu.memref_slice %arg12[%get3A_342, %get3A_344, %get3A_345] : memref<2x21x64xf32, #tpu.memory_space<vmem>> -> memref<1x21x64xf32, #tpu.memory_space<vmem>>
      %get3A_347 = tpu.memref_squeeze %get3A_346 : memref<1x21x64xf32, #tpu.memory_space<vmem>> -> memref<21x64xf32, #tpu.memory_space<vmem>>
      %get3A_348 = arith.index_cast %get3A_343 : i32 to index
      %get3A_349 = arith.constant 0 : index
      %get3A_350 = tpu.vector_load %get3A_347[%get3A_348, %get3A_349] {strides = array<i32>} : memref<21x64xf32, #tpu.memory_space<vmem>>, vector<16xf32>,
      %gt3A = arith.cmpf ogt, %get3A_350, %get3A_304 : vector<16xf32>
      %select_n3A_351 = arith.select %gt3A, %get3A_350, %get3A_304 : vector<16xi1>, vector<16xf32>
      %select_n3A_352 = arith.select %gt3A, %broadcast_in_dim3A_341, %broadcast_in_dim3A_333 : vector<16xi1>, vector<16xi32>
      %get3A_353 = arith.constant 0 : i32
      %get3A_354 = arith.constant 1 : i32
      %get3A_355 = arith.constant 0 : i32
      %get3A_356 = arith.constant 0 : i32
      %get3A_357 = tpu.memref_slice %arg12[%get3A_353, %get3A_355, %get3A_356] : memref<2x21x64xf32, #tpu.memory_space<vmem>> -> memref<1x21x64xf32, #tpu.memory_space<vmem>>
      %get3A_358 = tpu.memref_squeeze %get3A_357 : memref<1x21x64xf32, #tpu.memory_space<vmem>> -> memref<21x64xf32, #tpu.memory_space<vmem>>
      %get3A_359 = arith.index_cast %get3A_354 : i32 to index
      %get3A_360 = arith.constant 16 : index
      %get3A_361 = tpu.vector_load %get3A_358[%get3A_359, %get3A_360] {strides = array<i32>} : memref<21x64xf32, #tpu.memory_space<vmem>>, vector<16xf32>,
      %gt3A_362 = arith.cmpf ogt, %get3A_361, %get3A_313 : vector<16xf32>
      %select_n3A_363 = arith.select %gt3A_362, %get3A_361, %get3A_313 : vector<16xi1>, vector<16xf32>
      %select_n3A_364 = arith.select %gt3A_362, %broadcast_in_dim3A_341, %broadcast_in_dim3A_335 : vector<16xi1>, vector<16xi32>
      %get3A_365 = arith.constant 0 : i32
      %get3A_366 = arith.constant 1 : i32
      %get3A_367 = arith.constant 0 : i32
      %get3A_368 = arith.constant 0 : i32
      %get3A_369 = tpu.memref_slice %arg12[%get3A_365, %get3A_367, %get3A_368] : memref<2x21x64xf32, #tpu.memory_space<vmem>> -> memref<1x21x64xf32, #tpu.memory_space<vmem>>
      %get3A_370 = tpu.memref_squeeze %get3A_369 : memref<1x21x64xf32, #tpu.memory_space<vmem>> -> memref<21x64xf32, #tpu.memory_space<vmem>>
      %get3A_371 = arith.index_cast %get3A_366 : i32 to index
      %get3A_372 = arith.constant 32 : index
      %get3A_373 = tpu.vector_load %get3A_370[%get3A_371, %get3A_372] {strides = array<i32>} : memref<21x64xf32, #tpu.memory_space<vmem>>, vector<16xf32>,
      %gt3A_374 = arith.cmpf ogt, %get3A_373, %get3A_322 : vector<16xf32>
      %select_n3A_375 = arith.select %gt3A_374, %get3A_373, %get3A_322 : vector<16xi1>, vector<16xf32>
      %select_n3A_376 = arith.select %gt3A_374, %broadcast_in_dim3A_341, %broadcast_in_dim3A_337 : vector<16xi1>, vector<16xi32>
      %get3A_377 = arith.constant 0 : i32
      %get3A_378 = arith.constant 1 : i32
      %get3A_379 = arith.constant 0 : i32
      %get3A_380 = arith.constant 0 : i32
      %get3A_381 = tpu.memref_slice %arg12[%get3A_377, %get3A_379, %get3A_380] : memref<2x21x64xf32, #tpu.memory_space<vmem>> -> memref<1x21x64xf32, #tpu.memory_space<vmem>>
      %get3A_382 = tpu.memref_squeeze %get3A_381 : memref<1x21x64xf32, #tpu.memory_space<vmem>> -> memref<21x64xf32, #tpu.memory_space<vmem>>
      %get3A_383 = arith.index_cast %get3A_378 : i32 to index
      %get3A_384 = arith.constant 48 : index
      %get3A_385 = tpu.vector_load %get3A_382[%get3A_383, %get3A_384] {strides = array<i32>} : memref<21x64xf32, #tpu.memory_space<vmem>>, vector<16xf32>,
      %gt3A_386 = arith.cmpf ogt, %get3A_385, %get3A_331 : vector<16xf32>
      %select_n3A_387 = arith.select %gt3A_386, %get3A_385, %get3A_331 : vector<16xi1>, vector<16xf32>
      %select_n3A_388 = arith.select %gt3A_386, %broadcast_in_dim3A_341, %broadcast_in_dim3A_339 : vector<16xi1>, vector<16xi32>
      %broadcast_in_dim3A_389 = arith.constant 2 : i32
      %broadcast_in_dim3A_390 = vector.broadcast %broadcast_in_dim3A_389 : i32 to vector<16xi32>
      %get3A_391 = arith.constant 0 : i32
      %get3A_392 = arith.constant 2 : i32
      %get3A_393 = arith.constant 0 : i32
      %get3A_394 = arith.constant 0 : i32
      %get3A_395 = tpu.memref_slice %arg12[%get3A_391, %get3A_393, %get3A_394] : memref<2x21x64xf32, #tpu.memory_space<vmem>> -> memref<1x21x64xf32, #tpu.memory_space<vmem>>
      %get3A_396 = tpu.memref_squeeze %get3A_395 : memref<1x21x64xf32, #tpu.memory_space<vmem>> -> memref<21x64xf32, #tpu.memory_space<vmem>>
      %get3A_397 = arith.index_cast %get3A_392 : i32 to index
      %get3A_398 = arith.constant 0 : index
      %get3A_399 = tpu.vector_load %get3A_396[%get3A_397, %get3A_398] {strides = array<i32>} : memref<21x64xf32, #tpu.memory_space<vmem>>, vector<16xf32>,
      %gt3A_400 = arith.cmpf ogt, %get3A_399, %select_n3A_351 : vector<16xf32>
      %select_n3A_401 = arith.select %gt3A_400, %get3A_399, %select_n3A_351 : vector<16xi1>, vector<16xf32>
      %select_n3A_402 = arith.select %gt3A_400, %broadcast_in_dim3A_390, %select_n3A_352 : vector<16xi1>, vector<16xi32>
      %get3A_403 = arith.constant 0 : i32
      %get3A_404 = arith.constant 2 : i32
      %get3A_405 = arith.constant 0 : i32
      %get3A_406 = arith.constant 0 : i32
      %get3A_407 = tpu.memref_slice %arg12[%get3A_403, %get3A_405, %get3A_406] : memref<2x21x64xf32, #tpu.memory_space<vmem>> -> memref<1x21x64xf32, #tpu.memory_space<vmem>>
      %get3A_408 = tpu.memref_squeeze %get3A_407 : memref<1x21x64xf32, #tpu.memory_space<vmem>> -> memref<21x64xf32, #tpu.memory_space<vmem>>
      %get3A_409 = arith.index_cast %get3A_404 : i32 to index
      %get3A_410 = arith.constant 16 : index
      %get3A_411 = tpu.vector_load %get3A_408[%get3A_409, %get3A_410] {strides = array<i32>} : memref<21x64xf32, #tpu.memory_space<vmem>>, vector<16xf32>,
      %gt3A_412 = arith.cmpf ogt, %get3A_411, %select_n3A_363 : vector<16xf32>
      %select_n3A_413 = arith.select %gt3A_412, %get3A_411, %select_n3A_363 : vector<16xi1>, vector<16xf32>
      %select_n3A_414 = arith.select %gt3A_412, %broadcast_in_dim3A_390, %select_n3A_364 : vector<16xi1>, vector<16xi32>
      %get3A_415 = arith.constant 0 : i32
      %get3A_416 = arith.constant 2 : i32
      %get3A_417 = arith.constant 0 : i32
      %get3A_418 = arith.constant 0 : i32
      %get3A_419 = tpu.memref_slice %arg12[%get3A_415, %get3A_417, %get3A_418] : memref<2x21x64xf32, #tpu.memory_space<vmem>> -> memref<1x21x64xf32, #tpu.memory_space<vmem>>
      %get3A_420 = tpu.memref_squeeze %get3A_419 : memref<1x21x64xf32, #tpu.memory_space<vmem>> -> memref<21x64xf32, #tpu.memory_space<vmem>>
      %get3A_421 = arith.index_cast %get3A_416 : i32 to index
      %get3A_422 = arith.constant 32 : index
      %get3A_423 = tpu.vector_load %get3A_420[%get3A_421, %get3A_422] {strides = array<i32>} : memref<21x64xf32, #tpu.memory_space<vmem>>, vector<16xf32>,
      %gt3A_424 = arith.cmpf ogt, %get3A_423, %select_n3A_375 : vector<16xf32>
      %select_n3A_425 = arith.select %gt3A_424, %get3A_423, %select_n3A_375 : vector<16xi1>, vector<16xf32>
      %select_n3A_426 = arith.select %gt3A_424, %broadcast_in_dim3A_390, %select_n3A_376 : vector<16xi1>, vector<16xi32>
      %get3A_427 = arith.constant 0 : i32
      %get3A_428 = arith.constant 2 : i32
      %get3A_429 = arith.constant 0 : i32
      %get3A_430 = arith.constant 0 : i32
      %get3A_431 = tpu.memref_slice %arg12[%get3A_427, %get3A_429, %get3A_430] : memref<2x21x64xf32, #tpu.memory_space<vmem>> -> memref<1x21x64xf32, #tpu.memory_space<vmem>>
      %get3A_432 = tpu.memref_squeeze %get3A_431 : memref<1x21x64xf32, #tpu.memory_space<vmem>> -> memref<21x64xf32, #tpu.memory_space<vmem>>
      %get3A_433 = arith.index_cast %get3A_428 : i32 to index
      %get3A_434 = arith.constant 48 : index
      %get3A_435 = tpu.vector_load %get3A_432[%get3A_433, %get3A_434] {strides = array<i32>} : memref<21x64xf32, #tpu.memory_space<vmem>>, vector<16xf32>,
      %gt3A_436 = arith.cmpf ogt, %get3A_435, %select_n3A_387 : vector<16xf32>
      %select_n3A_437 = arith.select %gt3A_436, %get3A_435, %select_n3A_387 : vector<16xi1>, vector<16xf32>
      %select_n3A_438 = arith.select %gt3A_436, %broadcast_in_dim3A_390, %select_n3A_388 : vector<16xi1>, vector<16xi32>
      %broadcast_in_dim3A_439 = arith.constant 3 : i32
      %broadcast_in_dim3A_440 = vector.broadcast %broadcast_in_dim3A_439 : i32 to vector<16xi32>
      %get3A_441 = arith.constant 0 : i32
      %get3A_442 = arith.constant 3 : i32
      %get3A_443 = arith.constant 0 : i32
      %get3A_444 = arith.constant 0 : i32
      %get3A_445 = tpu.memref_slice %arg12[%get3A_441, %get3A_443, %get3A_444] : memref<2x21x64xf32, #tpu.memory_space<vmem>> -> memref<1x21x64xf32, #tpu.memory_space<vmem>>
      %get3A_446 = tpu.memref_squeeze %get3A_445 : memref<1x21x64xf32, #tpu.memory_space<vmem>> -> memref<21x64xf32, #tpu.memory_space<vmem>>
      %get3A_447 = arith.index_cast %get3A_442 : i32 to index
      %get3A_448 = arith.constant 0 : index
      %get3A_449 = tpu.vector_load %get3A_446[%get3A_447, %get3A_448] {strides = array<i32>} : memref<21x64xf32, #tpu.memory_space<vmem>>, vector<16xf32>,
      %gt3A_450 = arith.cmpf ogt, %get3A_449, %select_n3A_401 : vector<16xf32>
      %select_n3A_451 = arith.select %gt3A_450, %get3A_449, %select_n3A_401 : vector<16xi1>, vector<16xf32>
      %select_n3A_452 = arith.select %gt3A_450, %broadcast_in_dim3A_440, %select_n3A_402 : vector<16xi1>, vector<16xi32>
      %get3A_453 = arith.constant 0 : i32
      %get3A_454 = arith.constant 3 : i32
      %get3A_455 = arith.constant 0 : i32
      %get3A_456 = arith.constant 0 : i32
      %get3A_457 = tpu.memref_slice %arg12[%get3A_453, %get3A_455, %get3A_456] : memref<2x21x64xf32, #tpu.memory_space<vmem>> -> memref<1x21x64xf32, #tpu.memory_space<vmem>>
      %get3A_458 = tpu.memref_squeeze %get3A_457 : memref<1x21x64xf32, #tpu.memory_space<vmem>> -> memref<21x64xf32, #tpu.memory_space<vmem>>
      %get3A_459 = arith.index_cast %get3A_454 : i32 to index
      %get3A_460 = arith.constant 16 : index
      %get3A_461 = tpu.vector_load %get3A_458[%get3A_459, %get3A_460] {strides = array<i32>} : memref<21x64xf32, #tpu.memory_space<vmem>>, vector<16xf32>,
      %gt3A_462 = arith.cmpf ogt, %get3A_461, %select_n3A_413 : vector<16xf32>
      %select_n3A_463 = arith.select %gt3A_462, %get3A_461, %select_n3A_413 : vector<16xi1>, vector<16xf32>
      %select_n3A_464 = arith.select %gt3A_462, %broadcast_in_dim3A_440, %select_n3A_414 : vector<16xi1>, vector<16xi32>
      %get3A_465 = arith.constant 0 : i32
      %get3A_466 = arith.constant 3 : i32
      %get3A_467 = arith.constant 0 : i32
      %get3A_468 = arith.constant 0 : i32
      %get3A_469 = tpu.memref_slice %arg12[%get3A_465, %get3A_467, %get3A_468] : memref<2x21x64xf32, #tpu.memory_space<vmem>> -> memref<1x21x64xf32, #tpu.memory_space<vmem>>
      %get3A_470 = tpu.memref_squeeze %get3A_469 : memref<1x21x64xf32, #tpu.memory_space<vmem>> -> memref<21x64xf32, #tpu.memory_space<vmem>>
      %get3A_471 = arith.index_cast %get3A_466 : i32 to index
      %get3A_472 = arith.constant 32 : index
      %get3A_473 = tpu.vector_load %get3A_470[%get3A_471, %get3A_472] {strides = array<i32>} : memref<21x64xf32, #tpu.memory_space<vmem>>, vector<16xf32>,
      %gt3A_474 = arith.cmpf ogt, %get3A_473, %select_n3A_425 : vector<16xf32>
      %select_n3A_475 = arith.select %gt3A_474, %get3A_473, %select_n3A_425 : vector<16xi1>, vector<16xf32>
      %select_n3A_476 = arith.select %gt3A_474, %broadcast_in_dim3A_440, %select_n3A_426 : vector<16xi1>, vector<16xi32>
      %get3A_477 = arith.constant 0 : i32
      %get3A_478 = arith.constant 3 : i32
      %get3A_479 = arith.constant 0 : i32
      %get3A_480 = arith.constant 0 : i32
      %get3A_481 = tpu.memref_slice %arg12[%get3A_477, %get3A_479, %get3A_480] : memref<2x21x64xf32, #tpu.memory_space<vmem>> -> memref<1x21x64xf32, #tpu.memory_space<vmem>>
      %get3A_482 = tpu.memref_squeeze %get3A_481 : memref<1x21x64xf32, #tpu.memory_space<vmem>> -> memref<21x64xf32, #tpu.memory_space<vmem>>
      %get3A_483 = arith.index_cast %get3A_478 : i32 to index
      %get3A_484 = arith.constant 48 : index
      %get3A_485 = tpu.vector_load %get3A_482[%get3A_483, %get3A_484] {strides = array<i32>} : memref<21x64xf32, #tpu.memory_space<vmem>>, vector<16xf32>,
      %gt3A_486 = arith.cmpf ogt, %get3A_485, %select_n3A_437 : vector<16xf32>
      %select_n3A_487 = arith.select %gt3A_486, %get3A_485, %select_n3A_437 : vector<16xi1>, vector<16xf32>
      %select_n3A_488 = arith.select %gt3A_486, %broadcast_in_dim3A_440, %select_n3A_438 : vector<16xi1>, vector<16xi32>
      %broadcast_in_dim3A_489 = arith.constant 4 : i32
      %broadcast_in_dim3A_490 = vector.broadcast %broadcast_in_dim3A_489 : i32 to vector<16xi32>
      %get3A_491 = arith.constant 0 : i32
      %get3A_492 = arith.constant 4 : i32
      %get3A_493 = arith.constant 0 : i32
      %get3A_494 = arith.constant 0 : i32
      %get3A_495 = tpu.memref_slice %arg12[%get3A_491, %get3A_493, %get3A_494] : memref<2x21x64xf32, #tpu.memory_space<vmem>> -> memref<1x21x64xf32, #tpu.memory_space<vmem>>
      %get3A_496 = tpu.memref_squeeze %get3A_495 : memref<1x21x64xf32, #tpu.memory_space<vmem>> -> memref<21x64xf32, #tpu.memory_space<vmem>>
      %get3A_497 = arith.index_cast %get3A_492 : i32 to index
      %get3A_498 = arith.constant 0 : index
      %get3A_499 = tpu.vector_load %get3A_496[%get3A_497, %get3A_498] {strides = array<i32>} : memref<21x64xf32, #tpu.memory_space<vmem>>, vector<16xf32>,
      %gt3A_500 = arith.cmpf ogt, %get3A_499, %select_n3A_451 : vector<16xf32>
      %select_n3A_501 = arith.select %gt3A_500, %get3A_499, %select_n3A_451 : vector<16xi1>, vector<16xf32>
      %select_n3A_502 = arith.select %gt3A_500, %broadcast_in_dim3A_490, %select_n3A_452 : vector<16xi1>, vector<16xi32>
      %get3A_503 = arith.constant 0 : i32
      %get3A_504 = arith.constant 4 : i32
      %get3A_505 = arith.constant 0 : i32
      %get3A_506 = arith.constant 0 : i32
      %get3A_507 = tpu.memref_slice %arg12[%get3A_503, %get3A_505, %get3A_506] : memref<2x21x64xf32, #tpu.memory_space<vmem>> -> memref<1x21x64xf32, #tpu.memory_space<vmem>>
      %get3A_508 = tpu.memref_squeeze %get3A_507 : memref<1x21x64xf32, #tpu.memory_space<vmem>> -> memref<21x64xf32, #tpu.memory_space<vmem>>
      %get3A_509 = arith.index_cast %get3A_504 : i32 to index
      %get3A_510 = arith.constant 16 : index
      %get3A_511 = tpu.vector_load %get3A_508[%get3A_509, %get3A_510] {strides = array<i32>} : memref<21x64xf32, #tpu.memory_space<vmem>>, vector<16xf32>,
      %gt3A_512 = arith.cmpf ogt, %get3A_511, %select_n3A_463 : vector<16xf32>
      %select_n3A_513 = arith.select %gt3A_512, %get3A_511, %select_n3A_463 : vector<16xi1>, vector<16xf32>
      %select_n3A_514 = arith.select %gt3A_512, %broadcast_in_dim3A_490, %select_n3A_464 : vector<16xi1>, vector<16xi32>
      %get3A_515 = arith.constant 0 : i32
      %get3A_516 = arith.constant 4 : i32
      %get3A_517 = arith.constant 0 : i32
      %get3A_518 = arith.constant 0 : i32
      %get3A_519 = tpu.memref_slice %arg12[%get3A_515, %get3A_517, %get3A_518] : memref<2x21x64xf32, #tpu.memory_space<vmem>> -> memref<1x21x64xf32, #tpu.memory_space<vmem>>
      %get3A_520 = tpu.memref_squeeze %get3A_519 : memref<1x21x64xf32, #tpu.memory_space<vmem>> -> memref<21x64xf32, #tpu.memory_space<vmem>>
      %get3A_521 = arith.index_cast %get3A_516 : i32 to index
      %get3A_522 = arith.constant 32 : index
      %get3A_523 = tpu.vector_load %get3A_520[%get3A_521, %get3A_522] {strides = array<i32>} : memref<21x64xf32, #tpu.memory_space<vmem>>, vector<16xf32>,
      %gt3A_524 = arith.cmpf ogt, %get3A_523, %select_n3A_475 : vector<16xf32>
      %select_n3A_525 = arith.select %gt3A_524, %get3A_523, %select_n3A_475 : vector<16xi1>, vector<16xf32>
      %select_n3A_526 = arith.select %gt3A_524, %broadcast_in_dim3A_490, %select_n3A_476 : vector<16xi1>, vector<16xi32>
      %get3A_527 = arith.constant 0 : i32
      %get3A_528 = arith.constant 4 : i32
      %get3A_529 = arith.constant 0 : i32
      %get3A_530 = arith.constant 0 : i32
      %get3A_531 = tpu.memref_slice %arg12[%get3A_527, %get3A_529, %get3A_530] : memref<2x21x64xf32, #tpu.memory_space<vmem>> -> memref<1x21x64xf32, #tpu.memory_space<vmem>>
      %get3A_532 = tpu.memref_squeeze %get3A_531 : memref<1x21x64xf32, #tpu.memory_space<vmem>> -> memref<21x64xf32, #tpu.memory_space<vmem>>
      %get3A_533 = arith.index_cast %get3A_528 : i32 to index
      %get3A_534 = arith.constant 48 : index
      %get3A_535 = tpu.vector_load %get3A_532[%get3A_533, %get3A_534] {strides = array<i32>} : memref<21x64xf32, #tpu.memory_space<vmem>>, vector<16xf32>,
      %gt3A_536 = arith.cmpf ogt, %get3A_535, %select_n3A_487 : vector<16xf32>
      %select_n3A_537 = arith.select %gt3A_536, %get3A_535, %select_n3A_487 : vector<16xi1>, vector<16xf32>
      %select_n3A_538 = arith.select %gt3A_536, %broadcast_in_dim3A_490, %select_n3A_488 : vector<16xi1>, vector<16xi32>
      %broadcast_in_dim3A_539 = arith.constant 5 : i32
      %broadcast_in_dim3A_540 = vector.broadcast %broadcast_in_dim3A_539 : i32 to vector<16xi32>
      %get3A_541 = arith.constant 0 : i32
      %get3A_542 = arith.constant 5 : i32
      %get3A_543 = arith.constant 0 : i32
      %get3A_544 = arith.constant 0 : i32
      %get3A_545 = tpu.memref_slice %arg12[%get3A_541, %get3A_543, %get3A_544] : memref<2x21x64xf32, #tpu.memory_space<vmem>> -> memref<1x21x64xf32, #tpu.memory_space<vmem>>
      %get3A_546 = tpu.memref_squeeze %get3A_545 : memref<1x21x64xf32, #tpu.memory_space<vmem>> -> memref<21x64xf32, #tpu.memory_space<vmem>>
      %get3A_547 = arith.index_cast %get3A_542 : i32 to index
      %get3A_548 = arith.constant 0 : index
      %get3A_549 = tpu.vector_load %get3A_546[%get3A_547, %get3A_548] {strides = array<i32>} : memref<21x64xf32, #tpu.memory_space<vmem>>, vector<16xf32>,
      %gt3A_550 = arith.cmpf ogt, %get3A_549, %select_n3A_501 : vector<16xf32>
      %select_n3A_551 = arith.select %gt3A_550, %get3A_549, %select_n3A_501 : vector<16xi1>, vector<16xf32>
      %select_n3A_552 = arith.select %gt3A_550, %broadcast_in_dim3A_540, %select_n3A_502 : vector<16xi1>, vector<16xi32>
      %get3A_553 = arith.constant 0 : i32
      %get3A_554 = arith.constant 5 : i32
      %get3A_555 = arith.constant 0 : i32
      %get3A_556 = arith.constant 0 : i32
      %get3A_557 = tpu.memref_slice %arg12[%get3A_553, %get3A_555, %get3A_556] : memref<2x21x64xf32, #tpu.memory_space<vmem>> -> memref<1x21x64xf32, #tpu.memory_space<vmem>>
      %get3A_558 = tpu.memref_squeeze %get3A_557 : memref<1x21x64xf32, #tpu.memory_space<vmem>> -> memref<21x64xf32, #tpu.memory_space<vmem>>
      %get3A_559 = arith.index_cast %get3A_554 : i32 to index
      %get3A_560 = arith.constant 16 : index
      %get3A_561 = tpu.vector_load %get3A_558[%get3A_559, %get3A_560] {strides = array<i32>} : memref<21x64xf32, #tpu.memory_space<vmem>>, vector<16xf32>,
      %gt3A_562 = arith.cmpf ogt, %get3A_561, %select_n3A_513 : vector<16xf32>
      %select_n3A_563 = arith.select %gt3A_562, %get3A_561, %select_n3A_513 : vector<16xi1>, vector<16xf32>
      %select_n3A_564 = arith.select %gt3A_562, %broadcast_in_dim3A_540, %select_n3A_514 : vector<16xi1>, vector<16xi32>
      %get3A_565 = arith.constant 0 : i32
      %get3A_566 = arith.constant 5 : i32
      %get3A_567 = arith.constant 0 : i32
      %get3A_568 = arith.constant 0 : i32
      %get3A_569 = tpu.memref_slice %arg12[%get3A_565, %get3A_567, %get3A_568] : memref<2x21x64xf32, #tpu.memory_space<vmem>> -> memref<1x21x64xf32, #tpu.memory_space<vmem>>
      %get3A_570 = tpu.memref_squeeze %get3A_569 : memref<1x21x64xf32, #tpu.memory_space<vmem>> -> memref<21x64xf32, #tpu.memory_space<vmem>>
      %get3A_571 = arith.index_cast %get3A_566 : i32 to index
      %get3A_572 = arith.constant 32 : index
      %get3A_573 = tpu.vector_load %get3A_570[%get3A_571, %get3A_572] {strides = array<i32>} : memref<21x64xf32, #tpu.memory_space<vmem>>, vector<16xf32>,
      %gt3A_574 = arith.cmpf ogt, %get3A_573, %select_n3A_525 : vector<16xf32>
      %select_n3A_575 = arith.select %gt3A_574, %get3A_573, %select_n3A_525 : vector<16xi1>, vector<16xf32>
      %select_n3A_576 = arith.select %gt3A_574, %broadcast_in_dim3A_540, %select_n3A_526 : vector<16xi1>, vector<16xi32>
      %get3A_577 = arith.constant 0 : i32
      %get3A_578 = arith.constant 5 : i32
      %get3A_579 = arith.constant 0 : i32
      %get3A_580 = arith.constant 0 : i32
      %get3A_581 = tpu.memref_slice %arg12[%get3A_577, %get3A_579, %get3A_580] : memref<2x21x64xf32, #tpu.memory_space<vmem>> -> memref<1x21x64xf32, #tpu.memory_space<vmem>>
      %get3A_582 = tpu.memref_squeeze %get3A_581 : memref<1x21x64xf32, #tpu.memory_space<vmem>> -> memref<21x64xf32, #tpu.memory_space<vmem>>
      %get3A_583 = arith.index_cast %get3A_578 : i32 to index
      %get3A_584 = arith.constant 48 : index
      %get3A_585 = tpu.vector_load %get3A_582[%get3A_583, %get3A_584] {strides = array<i32>} : memref<21x64xf32, #tpu.memory_space<vmem>>, vector<16xf32>,
      %gt3A_586 = arith.cmpf ogt, %get3A_585, %select_n3A_537 : vector<16xf32>
      %select_n3A_587 = arith.select %gt3A_586, %get3A_585, %select_n3A_537 : vector<16xi1>, vector<16xf32>
      %select_n3A_588 = arith.select %gt3A_586, %broadcast_in_dim3A_540, %select_n3A_538 : vector<16xi1>, vector<16xi32>
      %broadcast_in_dim3A_589 = arith.constant 6 : i32
      %broadcast_in_dim3A_590 = vector.broadcast %broadcast_in_dim3A_589 : i32 to vector<16xi32>
      %get3A_591 = arith.constant 0 : i32
      %get3A_592 = arith.constant 6 : i32
      %get3A_593 = arith.constant 0 : i32
      %get3A_594 = arith.constant 0 : i32
      %get3A_595 = tpu.memref_slice %arg12[%get3A_591, %get3A_593, %get3A_594] : memref<2x21x64xf32, #tpu.memory_space<vmem>> -> memref<1x21x64xf32, #tpu.memory_space<vmem>>
      %get3A_596 = tpu.memref_squeeze %get3A_595 : memref<1x21x64xf32, #tpu.memory_space<vmem>> -> memref<21x64xf32, #tpu.memory_space<vmem>>
      %get3A_597 = arith.index_cast %get3A_592 : i32 to index
      %get3A_598 = arith.constant 0 : index
      %get3A_599 = tpu.vector_load %get3A_596[%get3A_597, %get3A_598] {strides = array<i32>} : memref<21x64xf32, #tpu.memory_space<vmem>>, vector<16xf32>,
      %gt3A_600 = arith.cmpf ogt, %get3A_599, %select_n3A_551 : vector<16xf32>
      %select_n3A_601 = arith.select %gt3A_600, %get3A_599, %select_n3A_551 : vector<16xi1>, vector<16xf32>
      %select_n3A_602 = arith.select %gt3A_600, %broadcast_in_dim3A_590, %select_n3A_552 : vector<16xi1>, vector<16xi32>
      %get3A_603 = arith.constant 0 : i32
      %get3A_604 = arith.constant 6 : i32
      %get3A_605 = arith.constant 0 : i32
      %get3A_606 = arith.constant 0 : i32
      %get3A_607 = tpu.memref_slice %arg12[%get3A_603, %get3A_605, %get3A_606] : memref<2x21x64xf32, #tpu.memory_space<vmem>> -> memref<1x21x64xf32, #tpu.memory_space<vmem>>
      %get3A_608 = tpu.memref_squeeze %get3A_607 : memref<1x21x64xf32, #tpu.memory_space<vmem>> -> memref<21x64xf32, #tpu.memory_space<vmem>>
      %get3A_609 = arith.index_cast %get3A_604 : i32 to index
      %get3A_610 = arith.constant 16 : index
      %get3A_611 = tpu.vector_load %get3A_608[%get3A_609, %get3A_610] {strides = array<i32>} : memref<21x64xf32, #tpu.memory_space<vmem>>, vector<16xf32>,
      %gt3A_612 = arith.cmpf ogt, %get3A_611, %select_n3A_563 : vector<16xf32>
      %select_n3A_613 = arith.select %gt3A_612, %get3A_611, %select_n3A_563 : vector<16xi1>, vector<16xf32>
      %select_n3A_614 = arith.select %gt3A_612, %broadcast_in_dim3A_590, %select_n3A_564 : vector<16xi1>, vector<16xi32>
      %get3A_615 = arith.constant 0 : i32
      %get3A_616 = arith.constant 6 : i32
      %get3A_617 = arith.constant 0 : i32
      %get3A_618 = arith.constant 0 : i32
      %get3A_619 = tpu.memref_slice %arg12[%get3A_615, %get3A_617, %get3A_618] : memref<2x21x64xf32, #tpu.memory_space<vmem>> -> memref<1x21x64xf32, #tpu.memory_space<vmem>>
      %get3A_620 = tpu.memref_squeeze %get3A_619 : memref<1x21x64xf32, #tpu.memory_space<vmem>> -> memref<21x64xf32, #tpu.memory_space<vmem>>
      %get3A_621 = arith.index_cast %get3A_616 : i32 to index
      %get3A_622 = arith.constant 32 : index
      %get3A_623 = tpu.vector_load %get3A_620[%get3A_621, %get3A_622] {strides = array<i32>} : memref<21x64xf32, #tpu.memory_space<vmem>>, vector<16xf32>,
      %gt3A_624 = arith.cmpf ogt, %get3A_623, %select_n3A_575 : vector<16xf32>
      %select_n3A_625 = arith.select %gt3A_624, %get3A_623, %select_n3A_575 : vector<16xi1>, vector<16xf32>
      %select_n3A_626 = arith.select %gt3A_624, %broadcast_in_dim3A_590, %select_n3A_576 : vector<16xi1>, vector<16xi32>
      %get3A_627 = arith.constant 0 : i32
      %get3A_628 = arith.constant 6 : i32
      %get3A_629 = arith.constant 0 : i32
      %get3A_630 = arith.constant 0 : i32
      %get3A_631 = tpu.memref_slice %arg12[%get3A_627, %get3A_629, %get3A_630] : memref<2x21x64xf32, #tpu.memory_space<vmem>> -> memref<1x21x64xf32, #tpu.memory_space<vmem>>
      %get3A_632 = tpu.memref_squeeze %get3A_631 : memref<1x21x64xf32, #tpu.memory_space<vmem>> -> memref<21x64xf32, #tpu.memory_space<vmem>>
      %get3A_633 = arith.index_cast %get3A_628 : i32 to index
      %get3A_634 = arith.constant 48 : index
      %get3A_635 = tpu.vector_load %get3A_632[%get3A_633, %get3A_634] {strides = array<i32>} : memref<21x64xf32, #tpu.memory_space<vmem>>, vector<16xf32>,
      %gt3A_636 = arith.cmpf ogt, %get3A_635, %select_n3A_587 : vector<16xf32>
      %select_n3A_637 = arith.select %gt3A_636, %get3A_635, %select_n3A_587 : vector<16xi1>, vector<16xf32>
      %select_n3A_638 = arith.select %gt3A_636, %broadcast_in_dim3A_590, %select_n3A_588 : vector<16xi1>, vector<16xi32>
      %broadcast_in_dim3A_639 = arith.constant 7 : i32
      %broadcast_in_dim3A_640 = vector.broadcast %broadcast_in_dim3A_639 : i32 to vector<16xi32>
      %get3A_641 = arith.constant 0 : i32
      %get3A_642 = arith.constant 7 : i32
      %get3A_643 = arith.constant 0 : i32
      %get3A_644 = arith.constant 0 : i32
      %get3A_645 = tpu.memref_slice %arg12[%get3A_641, %get3A_643, %get3A_644] : memref<2x21x64xf32, #tpu.memory_space<vmem>> -> memref<1x21x64xf32, #tpu.memory_space<vmem>>
      %get3A_646 = tpu.memref_squeeze %get3A_645 : memref<1x21x64xf32, #tpu.memory_space<vmem>> -> memref<21x64xf32, #tpu.memory_space<vmem>>
      %get3A_647 = arith.index_cast %get3A_642 : i32 to index
      %get3A_648 = arith.constant 0 : index
      %get3A_649 = tpu.vector_load %get3A_646[%get3A_647, %get3A_648] {strides = array<i32>} : memref<21x64xf32, #tpu.memory_space<vmem>>, vector<16xf32>,
      %gt3A_650 = arith.cmpf ogt, %get3A_649, %select_n3A_601 : vector<16xf32>
      %select_n3A_651 = arith.select %gt3A_650, %get3A_649, %select_n3A_601 : vector<16xi1>, vector<16xf32>
      %select_n3A_652 = arith.select %gt3A_650, %broadcast_in_dim3A_640, %select_n3A_602 : vector<16xi1>, vector<16xi32>
      %get3A_653 = arith.constant 0 : i32
      %get3A_654 = arith.constant 7 : i32
      %get3A_655 = arith.constant 0 : i32
      %get3A_656 = arith.constant 0 : i32
      %get3A_657 = tpu.memref_slice %arg12[%get3A_653, %get3A_655, %get3A_656] : memref<2x21x64xf32, #tpu.memory_space<vmem>> -> memref<1x21x64xf32, #tpu.memory_space<vmem>>
      %get3A_658 = tpu.memref_squeeze %get3A_657 : memref<1x21x64xf32, #tpu.memory_space<vmem>> -> memref<21x64xf32, #tpu.memory_space<vmem>>
      %get3A_659 = arith.index_cast %get3A_654 : i32 to index
      %get3A_660 = arith.constant 16 : index
      %get3A_661 = tpu.vector_load %get3A_658[%get3A_659, %get3A_660] {strides = array<i32>} : memref<21x64xf32, #tpu.memory_space<vmem>>, vector<16xf32>,
      %gt3A_662 = arith.cmpf ogt, %get3A_661, %select_n3A_613 : vector<16xf32>
      %select_n3A_663 = arith.select %gt3A_662, %get3A_661, %select_n3A_613 : vector<16xi1>, vector<16xf32>
      %select_n3A_664 = arith.select %gt3A_662, %broadcast_in_dim3A_640, %select_n3A_614 : vector<16xi1>, vector<16xi32>
      %get3A_665 = arith.constant 0 : i32
      %get3A_666 = arith.constant 7 : i32
      %get3A_667 = arith.constant 0 : i32
      %get3A_668 = arith.constant 0 : i32
      %get3A_669 = tpu.memref_slice %arg12[%get3A_665, %get3A_667, %get3A_668] : memref<2x21x64xf32, #tpu.memory_space<vmem>> -> memref<1x21x64xf32, #tpu.memory_space<vmem>>
      %get3A_670 = tpu.memref_squeeze %get3A_669 : memref<1x21x64xf32, #tpu.memory_space<vmem>> -> memref<21x64xf32, #tpu.memory_space<vmem>>
      %get3A_671 = arith.index_cast %get3A_666 : i32 to index
      %get3A_672 = arith.constant 32 : index
      %get3A_673 = tpu.vector_load %get3A_670[%get3A_671, %get3A_672] {strides = array<i32>} : memref<21x64xf32, #tpu.memory_space<vmem>>, vector<16xf32>,
      %gt3A_674 = arith.cmpf ogt, %get3A_673, %select_n3A_625 : vector<16xf32>
      %select_n3A_675 = arith.select %gt3A_674, %get3A_673, %select_n3A_625 : vector<16xi1>, vector<16xf32>
      %select_n3A_676 = arith.select %gt3A_674, %broadcast_in_dim3A_640, %select_n3A_626 : vector<16xi1>, vector<16xi32>
      %get3A_677 = arith.constant 0 : i32
      %get3A_678 = arith.constant 7 : i32
      %get3A_679 = arith.constant 0 : i32
      %get3A_680 = arith.constant 0 : i32
      %get3A_681 = tpu.memref_slice %arg12[%get3A_677, %get3A_679, %get3A_680] : memref<2x21x64xf32, #tpu.memory_space<vmem>> -> memref<1x21x64xf32, #tpu.memory_space<vmem>>
      %get3A_682 = tpu.memref_squeeze %get3A_681 : memref<1x21x64xf32, #tpu.memory_space<vmem>> -> memref<21x64xf32, #tpu.memory_space<vmem>>
      %get3A_683 = arith.index_cast %get3A_678 : i32 to index
      %get3A_684 = arith.constant 48 : index
      %get3A_685 = tpu.vector_load %get3A_682[%get3A_683, %get3A_684] {strides = array<i32>} : memref<21x64xf32, #tpu.memory_space<vmem>>, vector<16xf32>,
      %gt3A_686 = arith.cmpf ogt, %get3A_685, %select_n3A_637 : vector<16xf32>
      %select_n3A_687 = arith.select %gt3A_686, %get3A_685, %select_n3A_637 : vector<16xi1>, vector<16xf32>
      %select_n3A_688 = arith.select %gt3A_686, %broadcast_in_dim3A_640, %select_n3A_638 : vector<16xi1>, vector<16xi32>
      %broadcast_in_dim3A_689 = arith.constant 8 : i32
      %broadcast_in_dim3A_690 = vector.broadcast %broadcast_in_dim3A_689 : i32 to vector<16xi32>
      %get3A_691 = arith.constant 0 : i32
      %get3A_692 = arith.constant 8 : i32
      %get3A_693 = arith.constant 0 : i32
      %get3A_694 = arith.constant 0 : i32
      %get3A_695 = tpu.memref_slice %arg12[%get3A_691, %get3A_693, %get3A_694] : memref<2x21x64xf32, #tpu.memory_space<vmem>> -> memref<1x21x64xf32, #tpu.memory_space<vmem>>
      %get3A_696 = tpu.memref_squeeze %get3A_695 : memref<1x21x64xf32, #tpu.memory_space<vmem>> -> memref<21x64xf32, #tpu.memory_space<vmem>>
      %get3A_697 = arith.index_cast %get3A_692 : i32 to index
      %get3A_698 = arith.constant 0 : index
      %get3A_699 = tpu.vector_load %get3A_696[%get3A_697, %get3A_698] {strides = array<i32>} : memref<21x64xf32, #tpu.memory_space<vmem>>, vector<16xf32>,
      %gt3A_700 = arith.cmpf ogt, %get3A_699, %select_n3A_651 : vector<16xf32>
      %select_n3A_701 = arith.select %gt3A_700, %get3A_699, %select_n3A_651 : vector<16xi1>, vector<16xf32>
      %select_n3A_702 = arith.select %gt3A_700, %broadcast_in_dim3A_690, %select_n3A_652 : vector<16xi1>, vector<16xi32>
      %get3A_703 = arith.constant 0 : i32
      %get3A_704 = arith.constant 8 : i32
      %get3A_705 = arith.constant 0 : i32
      %get3A_706 = arith.constant 0 : i32
      %get3A_707 = tpu.memref_slice %arg12[%get3A_703, %get3A_705, %get3A_706] : memref<2x21x64xf32, #tpu.memory_space<vmem>> -> memref<1x21x64xf32, #tpu.memory_space<vmem>>
      %get3A_708 = tpu.memref_squeeze %get3A_707 : memref<1x21x64xf32, #tpu.memory_space<vmem>> -> memref<21x64xf32, #tpu.memory_space<vmem>>
      %get3A_709 = arith.index_cast %get3A_704 : i32 to index
      %get3A_710 = arith.constant 16 : index
      %get3A_711 = tpu.vector_load %get3A_708[%get3A_709, %get3A_710] {strides = array<i32>} : memref<21x64xf32, #tpu.memory_space<vmem>>, vector<16xf32>,
      %gt3A_712 = arith.cmpf ogt, %get3A_711, %select_n3A_663 : vector<16xf32>
      %select_n3A_713 = arith.select %gt3A_712, %get3A_711, %select_n3A_663 : vector<16xi1>, vector<16xf32>
      %select_n3A_714 = arith.select %gt3A_712, %broadcast_in_dim3A_690, %select_n3A_664 : vector<16xi1>, vector<16xi32>
      %get3A_715 = arith.constant 0 : i32
      %get3A_716 = arith.constant 8 : i32
      %get3A_717 = arith.constant 0 : i32
      %get3A_718 = arith.constant 0 : i32
      %get3A_719 = tpu.memref_slice %arg12[%get3A_715, %get3A_717, %get3A_718] : memref<2x21x64xf32, #tpu.memory_space<vmem>> -> memref<1x21x64xf32, #tpu.memory_space<vmem>>
      %get3A_720 = tpu.memref_squeeze %get3A_719 : memref<1x21x64xf32, #tpu.memory_space<vmem>> -> memref<21x64xf32, #tpu.memory_space<vmem>>
      %get3A_721 = arith.index_cast %get3A_716 : i32 to index
      %get3A_722 = arith.constant 32 : index
      %get3A_723 = tpu.vector_load %get3A_720[%get3A_721, %get3A_722] {strides = array<i32>} : memref<21x64xf32, #tpu.memory_space<vmem>>, vector<16xf32>,
      %gt3A_724 = arith.cmpf ogt, %get3A_723, %select_n3A_675 : vector<16xf32>
      %select_n3A_725 = arith.select %gt3A_724, %get3A_723, %select_n3A_675 : vector<16xi1>, vector<16xf32>
      %select_n3A_726 = arith.select %gt3A_724, %broadcast_in_dim3A_690, %select_n3A_676 : vector<16xi1>, vector<16xi32>
      %get3A_727 = arith.constant 0 : i32
      %get3A_728 = arith.constant 8 : i32
      %get3A_729 = arith.constant 0 : i32
      %get3A_730 = arith.constant 0 : i32
      %get3A_731 = tpu.memref_slice %arg12[%get3A_727, %get3A_729, %get3A_730] : memref<2x21x64xf32, #tpu.memory_space<vmem>> -> memref<1x21x64xf32, #tpu.memory_space<vmem>>
      %get3A_732 = tpu.memref_squeeze %get3A_731 : memref<1x21x64xf32, #tpu.memory_space<vmem>> -> memref<21x64xf32, #tpu.memory_space<vmem>>
      %get3A_733 = arith.index_cast %get3A_728 : i32 to index
      %get3A_734 = arith.constant 48 : index
      %get3A_735 = tpu.vector_load %get3A_732[%get3A_733, %get3A_734] {strides = array<i32>} : memref<21x64xf32, #tpu.memory_space<vmem>>, vector<16xf32>,
      %gt3A_736 = arith.cmpf ogt, %get3A_735, %select_n3A_687 : vector<16xf32>
      %select_n3A_737 = arith.select %gt3A_736, %get3A_735, %select_n3A_687 : vector<16xi1>, vector<16xf32>
      %select_n3A_738 = arith.select %gt3A_736, %broadcast_in_dim3A_690, %select_n3A_688 : vector<16xi1>, vector<16xi32>
      %broadcast_in_dim3A_739 = arith.constant 9 : i32
      %broadcast_in_dim3A_740 = vector.broadcast %broadcast_in_dim3A_739 : i32 to vector<16xi32>
      %get3A_741 = arith.constant 0 : i32
      %get3A_742 = arith.constant 9 : i32
      %get3A_743 = arith.constant 0 : i32
      %get3A_744 = arith.constant 0 : i32
      %get3A_745 = tpu.memref_slice %arg12[%get3A_741, %get3A_743, %get3A_744] : memref<2x21x64xf32, #tpu.memory_space<vmem>> -> memref<1x21x64xf32, #tpu.memory_space<vmem>>
      %get3A_746 = tpu.memref_squeeze %get3A_745 : memref<1x21x64xf32, #tpu.memory_space<vmem>> -> memref<21x64xf32, #tpu.memory_space<vmem>>
      %get3A_747 = arith.index_cast %get3A_742 : i32 to index
      %get3A_748 = arith.constant 0 : index
      %get3A_749 = tpu.vector_load %get3A_746[%get3A_747, %get3A_748] {strides = array<i32>} : memref<21x64xf32, #tpu.memory_space<vmem>>, vector<16xf32>,
      %gt3A_750 = arith.cmpf ogt, %get3A_749, %select_n3A_701 : vector<16xf32>
      %select_n3A_751 = arith.select %gt3A_750, %get3A_749, %select_n3A_701 : vector<16xi1>, vector<16xf32>
      %select_n3A_752 = arith.select %gt3A_750, %broadcast_in_dim3A_740, %select_n3A_702 : vector<16xi1>, vector<16xi32>
      %get3A_753 = arith.constant 0 : i32
      %get3A_754 = arith.constant 9 : i32
      %get3A_755 = arith.constant 0 : i32
      %get3A_756 = arith.constant 0 : i32
      %get3A_757 = tpu.memref_slice %arg12[%get3A_753, %get3A_755, %get3A_756] : memref<2x21x64xf32, #tpu.memory_space<vmem>> -> memref<1x21x64xf32, #tpu.memory_space<vmem>>
      %get3A_758 = tpu.memref_squeeze %get3A_757 : memref<1x21x64xf32, #tpu.memory_space<vmem>> -> memref<21x64xf32, #tpu.memory_space<vmem>>
      %get3A_759 = arith.index_cast %get3A_754 : i32 to index
      %get3A_760 = arith.constant 16 : index
      %get3A_761 = tpu.vector_load %get3A_758[%get3A_759, %get3A_760] {strides = array<i32>} : memref<21x64xf32, #tpu.memory_space<vmem>>, vector<16xf32>,
      %gt3A_762 = arith.cmpf ogt, %get3A_761, %select_n3A_713 : vector<16xf32>
      %select_n3A_763 = arith.select %gt3A_762, %get3A_761, %select_n3A_713 : vector<16xi1>, vector<16xf32>
      %select_n3A_764 = arith.select %gt3A_762, %broadcast_in_dim3A_740, %select_n3A_714 : vector<16xi1>, vector<16xi32>
      %get3A_765 = arith.constant 0 : i32
      %get3A_766 = arith.constant 9 : i32
      %get3A_767 = arith.constant 0 : i32
      %get3A_768 = arith.constant 0 : i32
      %get3A_769 = tpu.memref_slice %arg12[%get3A_765, %get3A_767, %get3A_768] : memref<2x21x64xf32, #tpu.memory_space<vmem>> -> memref<1x21x64xf32, #tpu.memory_space<vmem>>
      %get3A_770 = tpu.memref_squeeze %get3A_769 : memref<1x21x64xf32, #tpu.memory_space<vmem>> -> memref<21x64xf32, #tpu.memory_space<vmem>>
      %get3A_771 = arith.index_cast %get3A_766 : i32 to index
      %get3A_772 = arith.constant 32 : index
      %get3A_773 = tpu.vector_load %get3A_770[%get3A_771, %get3A_772] {strides = array<i32>} : memref<21x64xf32, #tpu.memory_space<vmem>>, vector<16xf32>,
      %gt3A_774 = arith.cmpf ogt, %get3A_773, %select_n3A_725 : vector<16xf32>
      %select_n3A_775 = arith.select %gt3A_774, %get3A_773, %select_n3A_725 : vector<16xi1>, vector<16xf32>
      %select_n3A_776 = arith.select %gt3A_774, %broadcast_in_dim3A_740, %select_n3A_726 : vector<16xi1>, vector<16xi32>
      %get3A_777 = arith.constant 0 : i32
      %get3A_778 = arith.constant 9 : i32
      %get3A_779 = arith.constant 0 : i32
      %get3A_780 = arith.constant 0 : i32
      %get3A_781 = tpu.memref_slice %arg12[%get3A_777, %get3A_779, %get3A_780] : memref<2x21x64xf32, #tpu.memory_space<vmem>> -> memref<1x21x64xf32, #tpu.memory_space<vmem>>
      %get3A_782 = tpu.memref_squeeze %get3A_781 : memref<1x21x64xf32, #tpu.memory_space<vmem>> -> memref<21x64xf32, #tpu.memory_space<vmem>>
      %get3A_783 = arith.index_cast %get3A_778 : i32 to index
      %get3A_784 = arith.constant 48 : index
      %get3A_785 = tpu.vector_load %get3A_782[%get3A_783, %get3A_784] {strides = array<i32>} : memref<21x64xf32, #tpu.memory_space<vmem>>, vector<16xf32>,
      %gt3A_786 = arith.cmpf ogt, %get3A_785, %select_n3A_737 : vector<16xf32>
      %select_n3A_787 = arith.select %gt3A_786, %get3A_785, %select_n3A_737 : vector<16xi1>, vector<16xf32>
      %select_n3A_788 = arith.select %gt3A_786, %broadcast_in_dim3A_740, %select_n3A_738 : vector<16xi1>, vector<16xi32>
      %broadcast_in_dim3A_789 = arith.constant 10 : i32
      %broadcast_in_dim3A_790 = vector.broadcast %broadcast_in_dim3A_789 : i32 to vector<16xi32>
      %get3A_791 = arith.constant 0 : i32
      %get3A_792 = arith.constant 10 : i32
      %get3A_793 = arith.constant 0 : i32
      %get3A_794 = arith.constant 0 : i32
      %get3A_795 = tpu.memref_slice %arg12[%get3A_791, %get3A_793, %get3A_794] : memref<2x21x64xf32, #tpu.memory_space<vmem>> -> memref<1x21x64xf32, #tpu.memory_space<vmem>>
      %get3A_796 = tpu.memref_squeeze %get3A_795 : memref<1x21x64xf32, #tpu.memory_space<vmem>> -> memref<21x64xf32, #tpu.memory_space<vmem>>
      %get3A_797 = arith.index_cast %get3A_792 : i32 to index
      %get3A_798 = arith.constant 0 : index
      %get3A_799 = tpu.vector_load %get3A_796[%get3A_797, %get3A_798] {strides = array<i32>} : memref<21x64xf32, #tpu.memory_space<vmem>>, vector<16xf32>,
      %gt3A_800 = arith.cmpf ogt, %get3A_799, %select_n3A_751 : vector<16xf32>
      %select_n3A_801 = arith.select %gt3A_800, %get3A_799, %select_n3A_751 : vector<16xi1>, vector<16xf32>
      %select_n3A_802 = arith.select %gt3A_800, %broadcast_in_dim3A_790, %select_n3A_752 : vector<16xi1>, vector<16xi32>
      %get3A_803 = arith.constant 0 : i32
      %get3A_804 = arith.constant 10 : i32
      %get3A_805 = arith.constant 0 : i32
      %get3A_806 = arith.constant 0 : i32
      %get3A_807 = tpu.memref_slice %arg12[%get3A_803, %get3A_805, %get3A_806] : memref<2x21x64xf32, #tpu.memory_space<vmem>> -> memref<1x21x64xf32, #tpu.memory_space<vmem>>
      %get3A_808 = tpu.memref_squeeze %get3A_807 : memref<1x21x64xf32, #tpu.memory_space<vmem>> -> memref<21x64xf32, #tpu.memory_space<vmem>>
      %get3A_809 = arith.index_cast %get3A_804 : i32 to index
      %get3A_810 = arith.constant 16 : index
      %get3A_811 = tpu.vector_load %get3A_808[%get3A_809, %get3A_810] {strides = array<i32>} : memref<21x64xf32, #tpu.memory_space<vmem>>, vector<16xf32>,
      %gt3A_812 = arith.cmpf ogt, %get3A_811, %select_n3A_763 : vector<16xf32>
      %select_n3A_813 = arith.select %gt3A_812, %get3A_811, %select_n3A_763 : vector<16xi1>, vector<16xf32>
      %select_n3A_814 = arith.select %gt3A_812, %broadcast_in_dim3A_790, %select_n3A_764 : vector<16xi1>, vector<16xi32>
      %get3A_815 = arith.constant 0 : i32
      %get3A_816 = arith.constant 10 : i32
      %get3A_817 = arith.constant 0 : i32
      %get3A_818 = arith.constant 0 : i32
      %get3A_819 = tpu.memref_slice %arg12[%get3A_815, %get3A_817, %get3A_818] : memref<2x21x64xf32, #tpu.memory_space<vmem>> -> memref<1x21x64xf32, #tpu.memory_space<vmem>>
      %get3A_820 = tpu.memref_squeeze %get3A_819 : memref<1x21x64xf32, #tpu.memory_space<vmem>> -> memref<21x64xf32, #tpu.memory_space<vmem>>
      %get3A_821 = arith.index_cast %get3A_816 : i32 to index
      %get3A_822 = arith.constant 32 : index
      %get3A_823 = tpu.vector_load %get3A_820[%get3A_821, %get3A_822] {strides = array<i32>} : memref<21x64xf32, #tpu.memory_space<vmem>>, vector<16xf32>,
      %gt3A_824 = arith.cmpf ogt, %get3A_823, %select_n3A_775 : vector<16xf32>
      %select_n3A_825 = arith.select %gt3A_824, %get3A_823, %select_n3A_775 : vector<16xi1>, vector<16xf32>
      %select_n3A_826 = arith.select %gt3A_824, %broadcast_in_dim3A_790, %select_n3A_776 : vector<16xi1>, vector<16xi32>
      %get3A_827 = arith.constant 0 : i32
      %get3A_828 = arith.constant 10 : i32
      %get3A_829 = arith.constant 0 : i32
      %get3A_830 = arith.constant 0 : i32
      %get3A_831 = tpu.memref_slice %arg12[%get3A_827, %get3A_829, %get3A_830] : memref<2x21x64xf32, #tpu.memory_space<vmem>> -> memref<1x21x64xf32, #tpu.memory_space<vmem>>
      %get3A_832 = tpu.memref_squeeze %get3A_831 : memref<1x21x64xf32, #tpu.memory_space<vmem>> -> memref<21x64xf32, #tpu.memory_space<vmem>>
      %get3A_833 = arith.index_cast %get3A_828 : i32 to index
      %get3A_834 = arith.constant 48 : index
      %get3A_835 = tpu.vector_load %get3A_832[%get3A_833, %get3A_834] {strides = array<i32>} : memref<21x64xf32, #tpu.memory_space<vmem>>, vector<16xf32>,
      %gt3A_836 = arith.cmpf ogt, %get3A_835, %select_n3A_787 : vector<16xf32>
      %select_n3A_837 = arith.select %gt3A_836, %get3A_835, %select_n3A_787 : vector<16xi1>, vector<16xf32>
      %select_n3A_838 = arith.select %gt3A_836, %broadcast_in_dim3A_790, %select_n3A_788 : vector<16xi1>, vector<16xi32>
      %broadcast_in_dim3A_839 = arith.constant 11 : i32
      %broadcast_in_dim3A_840 = vector.broadcast %broadcast_in_dim3A_839 : i32 to vector<16xi32>
      %get3A_841 = arith.constant 0 : i32
      %get3A_842 = arith.constant 11 : i32
      %get3A_843 = arith.constant 0 : i32
      %get3A_844 = arith.constant 0 : i32
      %get3A_845 = tpu.memref_slice %arg12[%get3A_841, %get3A_843, %get3A_844] : memref<2x21x64xf32, #tpu.memory_space<vmem>> -> memref<1x21x64xf32, #tpu.memory_space<vmem>>
      %get3A_846 = tpu.memref_squeeze %get3A_845 : memref<1x21x64xf32, #tpu.memory_space<vmem>> -> memref<21x64xf32, #tpu.memory_space<vmem>>
      %get3A_847 = arith.index_cast %get3A_842 : i32 to index
      %get3A_848 = arith.constant 0 : index
      %get3A_849 = tpu.vector_load %get3A_846[%get3A_847, %get3A_848] {strides = array<i32>} : memref<21x64xf32, #tpu.memory_space<vmem>>, vector<16xf32>,
      %gt3A_850 = arith.cmpf ogt, %get3A_849, %select_n3A_801 : vector<16xf32>
      %select_n3A_851 = arith.select %gt3A_850, %get3A_849, %select_n3A_801 : vector<16xi1>, vector<16xf32>
      %select_n3A_852 = arith.select %gt3A_850, %broadcast_in_dim3A_840, %select_n3A_802 : vector<16xi1>, vector<16xi32>
      %get3A_853 = arith.constant 0 : i32
      %get3A_854 = arith.constant 11 : i32
      %get3A_855 = arith.constant 0 : i32
      %get3A_856 = arith.constant 0 : i32
      %get3A_857 = tpu.memref_slice %arg12[%get3A_853, %get3A_855, %get3A_856] : memref<2x21x64xf32, #tpu.memory_space<vmem>> -> memref<1x21x64xf32, #tpu.memory_space<vmem>>
      %get3A_858 = tpu.memref_squeeze %get3A_857 : memref<1x21x64xf32, #tpu.memory_space<vmem>> -> memref<21x64xf32, #tpu.memory_space<vmem>>
      %get3A_859 = arith.index_cast %get3A_854 : i32 to index
      %get3A_860 = arith.constant 16 : index
      %get3A_861 = tpu.vector_load %get3A_858[%get3A_859, %get3A_860] {strides = array<i32>} : memref<21x64xf32, #tpu.memory_space<vmem>>, vector<16xf32>,
      %gt3A_862 = arith.cmpf ogt, %get3A_861, %select_n3A_813 : vector<16xf32>
      %select_n3A_863 = arith.select %gt3A_862, %get3A_861, %select_n3A_813 : vector<16xi1>, vector<16xf32>
      %select_n3A_864 = arith.select %gt3A_862, %broadcast_in_dim3A_840, %select_n3A_814 : vector<16xi1>, vector<16xi32>
      %get3A_865 = arith.constant 0 : i32
      %get3A_866 = arith.constant 11 : i32
      %get3A_867 = arith.constant 0 : i32
      %get3A_868 = arith.constant 0 : i32
      %get3A_869 = tpu.memref_slice %arg12[%get3A_865, %get3A_867, %get3A_868] : memref<2x21x64xf32, #tpu.memory_space<vmem>> -> memref<1x21x64xf32, #tpu.memory_space<vmem>>
      %get3A_870 = tpu.memref_squeeze %get3A_869 : memref<1x21x64xf32, #tpu.memory_space<vmem>> -> memref<21x64xf32, #tpu.memory_space<vmem>>
      %get3A_871 = arith.index_cast %get3A_866 : i32 to index
      %get3A_872 = arith.constant 32 : index
      %get3A_873 = tpu.vector_load %get3A_870[%get3A_871, %get3A_872] {strides = array<i32>} : memref<21x64xf32, #tpu.memory_space<vmem>>, vector<16xf32>,
      %gt3A_874 = arith.cmpf ogt, %get3A_873, %select_n3A_825 : vector<16xf32>
      %select_n3A_875 = arith.select %gt3A_874, %get3A_873, %select_n3A_825 : vector<16xi1>, vector<16xf32>
      %select_n3A_876 = arith.select %gt3A_874, %broadcast_in_dim3A_840, %select_n3A_826 : vector<16xi1>, vector<16xi32>
      %get3A_877 = arith.constant 0 : i32
      %get3A_878 = arith.constant 11 : i32
      %get3A_879 = arith.constant 0 : i32
      %get3A_880 = arith.constant 0 : i32
      %get3A_881 = tpu.memref_slice %arg12[%get3A_877, %get3A_879, %get3A_880] : memref<2x21x64xf32, #tpu.memory_space<vmem>> -> memref<1x21x64xf32, #tpu.memory_space<vmem>>
      %get3A_882 = tpu.memref_squeeze %get3A_881 : memref<1x21x64xf32, #tpu.memory_space<vmem>> -> memref<21x64xf32, #tpu.memory_space<vmem>>
      %get3A_883 = arith.index_cast %get3A_878 : i32 to index
      %get3A_884 = arith.constant 48 : index
      %get3A_885 = tpu.vector_load %get3A_882[%get3A_883, %get3A_884] {strides = array<i32>} : memref<21x64xf32, #tpu.memory_space<vmem>>, vector<16xf32>,
      %gt3A_886 = arith.cmpf ogt, %get3A_885, %select_n3A_837 : vector<16xf32>
      %select_n3A_887 = arith.select %gt3A_886, %get3A_885, %select_n3A_837 : vector<16xi1>, vector<16xf32>
      %select_n3A_888 = arith.select %gt3A_886, %broadcast_in_dim3A_840, %select_n3A_838 : vector<16xi1>, vector<16xi32>
      %broadcast_in_dim3A_889 = arith.constant 12 : i32
      %broadcast_in_dim3A_890 = vector.broadcast %broadcast_in_dim3A_889 : i32 to vector<16xi32>
      %get3A_891 = arith.constant 0 : i32
      %get3A_892 = arith.constant 12 : i32
      %get3A_893 = arith.constant 0 : i32
      %get3A_894 = arith.constant 0 : i32
      %get3A_895 = tpu.memref_slice %arg12[%get3A_891, %get3A_893, %get3A_894] : memref<2x21x64xf32, #tpu.memory_space<vmem>> -> memref<1x21x64xf32, #tpu.memory_space<vmem>>
      %get3A_896 = tpu.memref_squeeze %get3A_895 : memref<1x21x64xf32, #tpu.memory_space<vmem>> -> memref<21x64xf32, #tpu.memory_space<vmem>>
      %get3A_897 = arith.index_cast %get3A_892 : i32 to index
      %get3A_898 = arith.constant 0 : index
      %get3A_899 = tpu.vector_load %get3A_896[%get3A_897, %get3A_898] {strides = array<i32>} : memref<21x64xf32, #tpu.memory_space<vmem>>, vector<16xf32>,
      %gt3A_900 = arith.cmpf ogt, %get3A_899, %select_n3A_851 : vector<16xf32>
      %select_n3A_901 = arith.select %gt3A_900, %get3A_899, %select_n3A_851 : vector<16xi1>, vector<16xf32>
      %select_n3A_902 = arith.select %gt3A_900, %broadcast_in_dim3A_890, %select_n3A_852 : vector<16xi1>, vector<16xi32>
      %get3A_903 = arith.constant 0 : i32
      %get3A_904 = arith.constant 12 : i32
      %get3A_905 = arith.constant 0 : i32
      %get3A_906 = arith.constant 0 : i32
      %get3A_907 = tpu.memref_slice %arg12[%get3A_903, %get3A_905, %get3A_906] : memref<2x21x64xf32, #tpu.memory_space<vmem>> -> memref<1x21x64xf32, #tpu.memory_space<vmem>>
      %get3A_908 = tpu.memref_squeeze %get3A_907 : memref<1x21x64xf32, #tpu.memory_space<vmem>> -> memref<21x64xf32, #tpu.memory_space<vmem>>
      %get3A_909 = arith.index_cast %get3A_904 : i32 to index
      %get3A_910 = arith.constant 16 : index
      %get3A_911 = tpu.vector_load %get3A_908[%get3A_909, %get3A_910] {strides = array<i32>} : memref<21x64xf32, #tpu.memory_space<vmem>>, vector<16xf32>,
      %gt3A_912 = arith.cmpf ogt, %get3A_911, %select_n3A_863 : vector<16xf32>
      %select_n3A_913 = arith.select %gt3A_912, %get3A_911, %select_n3A_863 : vector<16xi1>, vector<16xf32>
      %select_n3A_914 = arith.select %gt3A_912, %broadcast_in_dim3A_890, %select_n3A_864 : vector<16xi1>, vector<16xi32>
      %get3A_915 = arith.constant 0 : i32
      %get3A_916 = arith.constant 12 : i32
      %get3A_917 = arith.constant 0 : i32
      %get3A_918 = arith.constant 0 : i32
      %get3A_919 = tpu.memref_slice %arg12[%get3A_915, %get3A_917, %get3A_918] : memref<2x21x64xf32, #tpu.memory_space<vmem>> -> memref<1x21x64xf32, #tpu.memory_space<vmem>>
      %get3A_920 = tpu.memref_squeeze %get3A_919 : memref<1x21x64xf32, #tpu.memory_space<vmem>> -> memref<21x64xf32, #tpu.memory_space<vmem>>
      %get3A_921 = arith.index_cast %get3A_916 : i32 to index
      %get3A_922 = arith.constant 32 : index
      %get3A_923 = tpu.vector_load %get3A_920[%get3A_921, %get3A_922] {strides = array<i32>} : memref<21x64xf32, #tpu.memory_space<vmem>>, vector<16xf32>,
      %gt3A_924 = arith.cmpf ogt, %get3A_923, %select_n3A_875 : vector<16xf32>
      %select_n3A_925 = arith.select %gt3A_924, %get3A_923, %select_n3A_875 : vector<16xi1>, vector<16xf32>
      %select_n3A_926 = arith.select %gt3A_924, %broadcast_in_dim3A_890, %select_n3A_876 : vector<16xi1>, vector<16xi32>
      %get3A_927 = arith.constant 0 : i32
      %get3A_928 = arith.constant 12 : i32
      %get3A_929 = arith.constant 0 : i32
      %get3A_930 = arith.constant 0 : i32
      %get3A_931 = tpu.memref_slice %arg12[%get3A_927, %get3A_929, %get3A_930] : memref<2x21x64xf32, #tpu.memory_space<vmem>> -> memref<1x21x64xf32, #tpu.memory_space<vmem>>
      %get3A_932 = tpu.memref_squeeze %get3A_931 : memref<1x21x64xf32, #tpu.memory_space<vmem>> -> memref<21x64xf32, #tpu.memory_space<vmem>>
      %get3A_933 = arith.index_cast %get3A_928 : i32 to index
      %get3A_934 = arith.constant 48 : index
      %get3A_935 = tpu.vector_load %get3A_932[%get3A_933, %get3A_934] {strides = array<i32>} : memref<21x64xf32, #tpu.memory_space<vmem>>, vector<16xf32>,
      %gt3A_936 = arith.cmpf ogt, %get3A_935, %select_n3A_887 : vector<16xf32>
      %select_n3A_937 = arith.select %gt3A_936, %get3A_935, %select_n3A_887 : vector<16xi1>, vector<16xf32>
      %select_n3A_938 = arith.select %gt3A_936, %broadcast_in_dim3A_890, %select_n3A_888 : vector<16xi1>, vector<16xi32>
      %broadcast_in_dim3A_939 = arith.constant 13 : i32
      %broadcast_in_dim3A_940 = vector.broadcast %broadcast_in_dim3A_939 : i32 to vector<16xi32>
      %get3A_941 = arith.constant 0 : i32
      %get3A_942 = arith.constant 13 : i32
      %get3A_943 = arith.constant 0 : i32
      %get3A_944 = arith.constant 0 : i32
      %get3A_945 = tpu.memref_slice %arg12[%get3A_941, %get3A_943, %get3A_944] : memref<2x21x64xf32, #tpu.memory_space<vmem>> -> memref<1x21x64xf32, #tpu.memory_space<vmem>>
      %get3A_946 = tpu.memref_squeeze %get3A_945 : memref<1x21x64xf32, #tpu.memory_space<vmem>> -> memref<21x64xf32, #tpu.memory_space<vmem>>
      %get3A_947 = arith.index_cast %get3A_942 : i32 to index
      %get3A_948 = arith.constant 0 : index
      %get3A_949 = tpu.vector_load %get3A_946[%get3A_947, %get3A_948] {strides = array<i32>} : memref<21x64xf32, #tpu.memory_space<vmem>>, vector<16xf32>,
      %gt3A_950 = arith.cmpf ogt, %get3A_949, %select_n3A_901 : vector<16xf32>
      %select_n3A_951 = arith.select %gt3A_950, %get3A_949, %select_n3A_901 : vector<16xi1>, vector<16xf32>
      %select_n3A_952 = arith.select %gt3A_950, %broadcast_in_dim3A_940, %select_n3A_902 : vector<16xi1>, vector<16xi32>
      %get3A_953 = arith.constant 0 : i32
      %get3A_954 = arith.constant 13 : i32
      %get3A_955 = arith.constant 0 : i32
      %get3A_956 = arith.constant 0 : i32
      %get3A_957 = tpu.memref_slice %arg12[%get3A_953, %get3A_955, %get3A_956] : memref<2x21x64xf32, #tpu.memory_space<vmem>> -> memref<1x21x64xf32, #tpu.memory_space<vmem>>
      %get3A_958 = tpu.memref_squeeze %get3A_957 : memref<1x21x64xf32, #tpu.memory_space<vmem>> -> memref<21x64xf32, #tpu.memory_space<vmem>>
      %get3A_959 = arith.index_cast %get3A_954 : i32 to index
      %get3A_960 = arith.constant 16 : index
      %get3A_961 = tpu.vector_load %get3A_958[%get3A_959, %get3A_960] {strides = array<i32>} : memref<21x64xf32, #tpu.memory_space<vmem>>, vector<16xf32>,
      %gt3A_962 = arith.cmpf ogt, %get3A_961, %select_n3A_913 : vector<16xf32>
      %select_n3A_963 = arith.select %gt3A_962, %get3A_961, %select_n3A_913 : vector<16xi1>, vector<16xf32>
      %select_n3A_964 = arith.select %gt3A_962, %broadcast_in_dim3A_940, %select_n3A_914 : vector<16xi1>, vector<16xi32>
      %get3A_965 = arith.constant 0 : i32
      %get3A_966 = arith.constant 13 : i32
      %get3A_967 = arith.constant 0 : i32
      %get3A_968 = arith.constant 0 : i32
      %get3A_969 = tpu.memref_slice %arg12[%get3A_965, %get3A_967, %get3A_968] : memref<2x21x64xf32, #tpu.memory_space<vmem>> -> memref<1x21x64xf32, #tpu.memory_space<vmem>>
      %get3A_970 = tpu.memref_squeeze %get3A_969 : memref<1x21x64xf32, #tpu.memory_space<vmem>> -> memref<21x64xf32, #tpu.memory_space<vmem>>
      %get3A_971 = arith.index_cast %get3A_966 : i32 to index
      %get3A_972 = arith.constant 32 : index
      %get3A_973 = tpu.vector_load %get3A_970[%get3A_971, %get3A_972] {strides = array<i32>} : memref<21x64xf32, #tpu.memory_space<vmem>>, vector<16xf32>,
      %gt3A_974 = arith.cmpf ogt, %get3A_973, %select_n3A_925 : vector<16xf32>
      %select_n3A_975 = arith.select %gt3A_974, %get3A_973, %select_n3A_925 : vector<16xi1>, vector<16xf32>
      %select_n3A_976 = arith.select %gt3A_974, %broadcast_in_dim3A_940, %select_n3A_926 : vector<16xi1>, vector<16xi32>
      %get3A_977 = arith.constant 0 : i32
      %get3A_978 = arith.constant 13 : i32
      %get3A_979 = arith.constant 0 : i32
      %get3A_980 = arith.constant 0 : i32
      %get3A_981 = tpu.memref_slice %arg12[%get3A_977, %get3A_979, %get3A_980] : memref<2x21x64xf32, #tpu.memory_space<vmem>> -> memref<1x21x64xf32, #tpu.memory_space<vmem>>
      %get3A_982 = tpu.memref_squeeze %get3A_981 : memref<1x21x64xf32, #tpu.memory_space<vmem>> -> memref<21x64xf32, #tpu.memory_space<vmem>>
      %get3A_983 = arith.index_cast %get3A_978 : i32 to index
      %get3A_984 = arith.constant 48 : index
      %get3A_985 = tpu.vector_load %get3A_982[%get3A_983, %get3A_984] {strides = array<i32>} : memref<21x64xf32, #tpu.memory_space<vmem>>, vector<16xf32>,
      %gt3A_986 = arith.cmpf ogt, %get3A_985, %select_n3A_937 : vector<16xf32>
      %select_n3A_987 = arith.select %gt3A_986, %get3A_985, %select_n3A_937 : vector<16xi1>, vector<16xf32>
      %select_n3A_988 = arith.select %gt3A_986, %broadcast_in_dim3A_940, %select_n3A_938 : vector<16xi1>, vector<16xi32>
      %broadcast_in_dim3A_989 = arith.constant 14 : i32
      %broadcast_in_dim3A_990 = vector.broadcast %broadcast_in_dim3A_989 : i32 to vector<16xi32>
      %get3A_991 = arith.constant 0 : i32
      %get3A_992 = arith.constant 14 : i32
      %get3A_993 = arith.constant 0 : i32
      %get3A_994 = arith.constant 0 : i32
      %get3A_995 = tpu.memref_slice %arg12[%get3A_991, %get3A_993, %get3A_994] : memref<2x21x64xf32, #tpu.memory_space<vmem>> -> memref<1x21x64xf32, #tpu.memory_space<vmem>>
      %get3A_996 = tpu.memref_squeeze %get3A_995 : memref<1x21x64xf32, #tpu.memory_space<vmem>> -> memref<21x64xf32, #tpu.memory_space<vmem>>
      %get3A_997 = arith.index_cast %get3A_992 : i32 to index
      %get3A_998 = arith.constant 0 : index
      %get3A_999 = tpu.vector_load %get3A_996[%get3A_997, %get3A_998] {strides = array<i32>} : memref<21x64xf32, #tpu.memory_space<vmem>>, vector<16xf32>,
      %gt3A_1000 = arith.cmpf ogt, %get3A_999, %select_n3A_951 : vector<16xf32>
      %select_n3A_1001 = arith.select %gt3A_1000, %get3A_999, %select_n3A_951 : vector<16xi1>, vector<16xf32>
      %select_n3A_1002 = arith.select %gt3A_1000, %broadcast_in_dim3A_990, %select_n3A_952 : vector<16xi1>, vector<16xi32>
      %get3A_1003 = arith.constant 0 : i32
      %get3A_1004 = arith.constant 14 : i32
      %get3A_1005 = arith.constant 0 : i32
      %get3A_1006 = arith.constant 0 : i32
      %get3A_1007 = tpu.memref_slice %arg12[%get3A_1003, %get3A_1005, %get3A_1006] : memref<2x21x64xf32, #tpu.memory_space<vmem>> -> memref<1x21x64xf32, #tpu.memory_space<vmem>>
      %get3A_1008 = tpu.memref_squeeze %get3A_1007 : memref<1x21x64xf32, #tpu.memory_space<vmem>> -> memref<21x64xf32, #tpu.memory_space<vmem>>
      %get3A_1009 = arith.index_cast %get3A_1004 : i32 to index
      %get3A_1010 = arith.constant 16 : index
      %get3A_1011 = tpu.vector_load %get3A_1008[%get3A_1009, %get3A_1010] {strides = array<i32>} : memref<21x64xf32, #tpu.memory_space<vmem>>, vector<16xf32>,
      %gt3A_1012 = arith.cmpf ogt, %get3A_1011, %select_n3A_963 : vector<16xf32>
      %select_n3A_1013 = arith.select %gt3A_1012, %get3A_1011, %select_n3A_963 : vector<16xi1>, vector<16xf32>
      %select_n3A_1014 = arith.select %gt3A_1012, %broadcast_in_dim3A_990, %select_n3A_964 : vector<16xi1>, vector<16xi32>
      %get3A_1015 = arith.constant 0 : i32
      %get3A_1016 = arith.constant 14 : i32
      %get3A_1017 = arith.constant 0 : i32
      %get3A_1018 = arith.constant 0 : i32
      %get3A_1019 = tpu.memref_slice %arg12[%get3A_1015, %get3A_1017, %get3A_1018] : memref<2x21x64xf32, #tpu.memory_space<vmem>> -> memref<1x21x64xf32, #tpu.memory_space<vmem>>
      %get3A_1020 = tpu.memref_squeeze %get3A_1019 : memref<1x21x64xf32, #tpu.memory_space<vmem>> -> memref<21x64xf32, #tpu.memory_space<vmem>>
      %get3A_1021 = arith.index_cast %get3A_1016 : i32 to index
      %get3A_1022 = arith.constant 32 : index
      %get3A_1023 = tpu.vector_load %get3A_1020[%get3A_1021, %get3A_1022] {strides = array<i32>} : memref<21x64xf32, #tpu.memory_space<vmem>>, vector<16xf32>,
      %gt3A_1024 = arith.cmpf ogt, %get3A_1023, %select_n3A_975 : vector<16xf32>
      %select_n3A_1025 = arith.select %gt3A_1024, %get3A_1023, %select_n3A_975 : vector<16xi1>, vector<16xf32>
      %select_n3A_1026 = arith.select %gt3A_1024, %broadcast_in_dim3A_990, %select_n3A_976 : vector<16xi1>, vector<16xi32>
      %get3A_1027 = arith.constant 0 : i32
      %get3A_1028 = arith.constant 14 : i32
      %get3A_1029 = arith.constant 0 : i32
      %get3A_1030 = arith.constant 0 : i32
      %get3A_1031 = tpu.memref_slice %arg12[%get3A_1027, %get3A_1029, %get3A_1030] : memref<2x21x64xf32, #tpu.memory_space<vmem>> -> memref<1x21x64xf32, #tpu.memory_space<vmem>>
      %get3A_1032 = tpu.memref_squeeze %get3A_1031 : memref<1x21x64xf32, #tpu.memory_space<vmem>> -> memref<21x64xf32, #tpu.memory_space<vmem>>
      %get3A_1033 = arith.index_cast %get3A_1028 : i32 to index
      %get3A_1034 = arith.constant 48 : index
      %get3A_1035 = tpu.vector_load %get3A_1032[%get3A_1033, %get3A_1034] {strides = array<i32>} : memref<21x64xf32, #tpu.memory_space<vmem>>, vector<16xf32>,
      %gt3A_1036 = arith.cmpf ogt, %get3A_1035, %select_n3A_987 : vector<16xf32>
      %select_n3A_1037 = arith.select %gt3A_1036, %get3A_1035, %select_n3A_987 : vector<16xi1>, vector<16xf32>
      %select_n3A_1038 = arith.select %gt3A_1036, %broadcast_in_dim3A_990, %select_n3A_988 : vector<16xi1>, vector<16xi32>
      %broadcast_in_dim3A_1039 = arith.constant 15 : i32
      %broadcast_in_dim3A_1040 = vector.broadcast %broadcast_in_dim3A_1039 : i32 to vector<16xi32>
      %get3A_1041 = arith.constant 0 : i32
      %get3A_1042 = arith.constant 15 : i32
      %get3A_1043 = arith.constant 0 : i32
      %get3A_1044 = arith.constant 0 : i32
      %get3A_1045 = tpu.memref_slice %arg12[%get3A_1041, %get3A_1043, %get3A_1044] : memref<2x21x64xf32, #tpu.memory_space<vmem>> -> memref<1x21x64xf32, #tpu.memory_space<vmem>>
      %get3A_1046 = tpu.memref_squeeze %get3A_1045 : memref<1x21x64xf32, #tpu.memory_space<vmem>> -> memref<21x64xf32, #tpu.memory_space<vmem>>
      %get3A_1047 = arith.index_cast %get3A_1042 : i32 to index
      %get3A_1048 = arith.constant 0 : index
      %get3A_1049 = tpu.vector_load %get3A_1046[%get3A_1047, %get3A_1048] {strides = array<i32>} : memref<21x64xf32, #tpu.memory_space<vmem>>, vector<16xf32>,
      %gt3A_1050 = arith.cmpf ogt, %get3A_1049, %select_n3A_1001 : vector<16xf32>
      %select_n3A_1051 = arith.select %gt3A_1050, %get3A_1049, %select_n3A_1001 : vector<16xi1>, vector<16xf32>
      %select_n3A_1052 = arith.select %gt3A_1050, %broadcast_in_dim3A_1040, %select_n3A_1002 : vector<16xi1>, vector<16xi32>
      %get3A_1053 = arith.constant 0 : i32
      %get3A_1054 = arith.constant 15 : i32
      %get3A_1055 = arith.constant 0 : i32
      %get3A_1056 = arith.constant 0 : i32
      %get3A_1057 = tpu.memref_slice %arg12[%get3A_1053, %get3A_1055, %get3A_1056] : memref<2x21x64xf32, #tpu.memory_space<vmem>> -> memref<1x21x64xf32, #tpu.memory_space<vmem>>
      %get3A_1058 = tpu.memref_squeeze %get3A_1057 : memref<1x21x64xf32, #tpu.memory_space<vmem>> -> memref<21x64xf32, #tpu.memory_space<vmem>>
      %get3A_1059 = arith.index_cast %get3A_1054 : i32 to index
      %get3A_1060 = arith.constant 16 : index
      %get3A_1061 = tpu.vector_load %get3A_1058[%get3A_1059, %get3A_1060] {strides = array<i32>} : memref<21x64xf32, #tpu.memory_space<vmem>>, vector<16xf32>,
      %gt3A_1062 = arith.cmpf ogt, %get3A_1061, %select_n3A_1013 : vector<16xf32>
      %select_n3A_1063 = arith.select %gt3A_1062, %get3A_1061, %select_n3A_1013 : vector<16xi1>, vector<16xf32>
      %select_n3A_1064 = arith.select %gt3A_1062, %broadcast_in_dim3A_1040, %select_n3A_1014 : vector<16xi1>, vector<16xi32>
      %get3A_1065 = arith.constant 0 : i32
      %get3A_1066 = arith.constant 15 : i32
      %get3A_1067 = arith.constant 0 : i32
      %get3A_1068 = arith.constant 0 : i32
      %get3A_1069 = tpu.memref_slice %arg12[%get3A_1065, %get3A_1067, %get3A_1068] : memref<2x21x64xf32, #tpu.memory_space<vmem>> -> memref<1x21x64xf32, #tpu.memory_space<vmem>>
      %get3A_1070 = tpu.memref_squeeze %get3A_1069 : memref<1x21x64xf32, #tpu.memory_space<vmem>> -> memref<21x64xf32, #tpu.memory_space<vmem>>
      %get3A_1071 = arith.index_cast %get3A_1066 : i32 to index
      %get3A_1072 = arith.constant 32 : index
      %get3A_1073 = tpu.vector_load %get3A_1070[%get3A_1071, %get3A_1072] {strides = array<i32>} : memref<21x64xf32, #tpu.memory_space<vmem>>, vector<16xf32>,
      %gt3A_1074 = arith.cmpf ogt, %get3A_1073, %select_n3A_1025 : vector<16xf32>
      %select_n3A_1075 = arith.select %gt3A_1074, %get3A_1073, %select_n3A_1025 : vector<16xi1>, vector<16xf32>
      %select_n3A_1076 = arith.select %gt3A_1074, %broadcast_in_dim3A_1040, %select_n3A_1026 : vector<16xi1>, vector<16xi32>
      %get3A_1077 = arith.constant 0 : i32
      %get3A_1078 = arith.constant 15 : i32
      %get3A_1079 = arith.constant 0 : i32
      %get3A_1080 = arith.constant 0 : i32
      %get3A_1081 = tpu.memref_slice %arg12[%get3A_1077, %get3A_1079, %get3A_1080] : memref<2x21x64xf32, #tpu.memory_space<vmem>> -> memref<1x21x64xf32, #tpu.memory_space<vmem>>
      %get3A_1082 = tpu.memref_squeeze %get3A_1081 : memref<1x21x64xf32, #tpu.memory_space<vmem>> -> memref<21x64xf32, #tpu.memory_space<vmem>>
      %get3A_1083 = arith.index_cast %get3A_1078 : i32 to index
      %get3A_1084 = arith.constant 48 : index
      %get3A_1085 = tpu.vector_load %get3A_1082[%get3A_1083, %get3A_1084] {strides = array<i32>} : memref<21x64xf32, #tpu.memory_space<vmem>>, vector<16xf32>,
      %gt3A_1086 = arith.cmpf ogt, %get3A_1085, %select_n3A_1037 : vector<16xf32>
      %select_n3A_1087 = arith.select %gt3A_1086, %get3A_1085, %select_n3A_1037 : vector<16xi1>, vector<16xf32>
      %select_n3A_1088 = arith.select %gt3A_1086, %broadcast_in_dim3A_1040, %select_n3A_1038 : vector<16xi1>, vector<16xi32>
      %broadcast_in_dim3A_1089 = arith.constant 16 : i32
      %broadcast_in_dim3A_1090 = vector.broadcast %broadcast_in_dim3A_1089 : i32 to vector<16xi32>
      %get3A_1091 = arith.constant 0 : i32
      %get3A_1092 = arith.constant 16 : i32
      %get3A_1093 = arith.constant 0 : i32
      %get3A_1094 = arith.constant 0 : i32
      %get3A_1095 = tpu.memref_slice %arg12[%get3A_1091, %get3A_1093, %get3A_1094] : memref<2x21x64xf32, #tpu.memory_space<vmem>> -> memref<1x21x64xf32, #tpu.memory_space<vmem>>
      %get3A_1096 = tpu.memref_squeeze %get3A_1095 : memref<1x21x64xf32, #tpu.memory_space<vmem>> -> memref<21x64xf32, #tpu.memory_space<vmem>>
      %get3A_1097 = arith.index_cast %get3A_1092 : i32 to index
      %get3A_1098 = arith.constant 0 : index
      %get3A_1099 = tpu.vector_load %get3A_1096[%get3A_1097, %get3A_1098] {strides = array<i32>} : memref<21x64xf32, #tpu.memory_space<vmem>>, vector<16xf32>,
      %gt3A_1100 = arith.cmpf ogt, %get3A_1099, %select_n3A_1051 : vector<16xf32>
      %select_n3A_1101 = arith.select %gt3A_1100, %get3A_1099, %select_n3A_1051 : vector<16xi1>, vector<16xf32>
      %select_n3A_1102 = arith.select %gt3A_1100, %broadcast_in_dim3A_1090, %select_n3A_1052 : vector<16xi1>, vector<16xi32>
      %get3A_1103 = arith.constant 0 : i32
      %get3A_1104 = arith.constant 16 : i32
      %get3A_1105 = arith.constant 0 : i32
      %get3A_1106 = arith.constant 0 : i32
      %get3A_1107 = tpu.memref_slice %arg12[%get3A_1103, %get3A_1105, %get3A_1106] : memref<2x21x64xf32, #tpu.memory_space<vmem>> -> memref<1x21x64xf32, #tpu.memory_space<vmem>>
      %get3A_1108 = tpu.memref_squeeze %get3A_1107 : memref<1x21x64xf32, #tpu.memory_space<vmem>> -> memref<21x64xf32, #tpu.memory_space<vmem>>
      %get3A_1109 = arith.index_cast %get3A_1104 : i32 to index
      %get3A_1110 = arith.constant 16 : index
      %get3A_1111 = tpu.vector_load %get3A_1108[%get3A_1109, %get3A_1110] {strides = array<i32>} : memref<21x64xf32, #tpu.memory_space<vmem>>, vector<16xf32>,
      %gt3A_1112 = arith.cmpf ogt, %get3A_1111, %select_n3A_1063 : vector<16xf32>
      %select_n3A_1113 = arith.select %gt3A_1112, %get3A_1111, %select_n3A_1063 : vector<16xi1>, vector<16xf32>
      %select_n3A_1114 = arith.select %gt3A_1112, %broadcast_in_dim3A_1090, %select_n3A_1064 : vector<16xi1>, vector<16xi32>
      %get3A_1115 = arith.constant 0 : i32
      %get3A_1116 = arith.constant 16 : i32
      %get3A_1117 = arith.constant 0 : i32
      %get3A_1118 = arith.constant 0 : i32
      %get3A_1119 = tpu.memref_slice %arg12[%get3A_1115, %get3A_1117, %get3A_1118] : memref<2x21x64xf32, #tpu.memory_space<vmem>> -> memref<1x21x64xf32, #tpu.memory_space<vmem>>
      %get3A_1120 = tpu.memref_squeeze %get3A_1119 : memref<1x21x64xf32, #tpu.memory_space<vmem>> -> memref<21x64xf32, #tpu.memory_space<vmem>>
      %get3A_1121 = arith.index_cast %get3A_1116 : i32 to index
      %get3A_1122 = arith.constant 32 : index
      %get3A_1123 = tpu.vector_load %get3A_1120[%get3A_1121, %get3A_1122] {strides = array<i32>} : memref<21x64xf32, #tpu.memory_space<vmem>>, vector<16xf32>,
      %gt3A_1124 = arith.cmpf ogt, %get3A_1123, %select_n3A_1075 : vector<16xf32>
      %select_n3A_1125 = arith.select %gt3A_1124, %get3A_1123, %select_n3A_1075 : vector<16xi1>, vector<16xf32>
      %select_n3A_1126 = arith.select %gt3A_1124, %broadcast_in_dim3A_1090, %select_n3A_1076 : vector<16xi1>, vector<16xi32>
      %get3A_1127 = arith.constant 0 : i32
      %get3A_1128 = arith.constant 16 : i32
      %get3A_1129 = arith.constant 0 : i32
      %get3A_1130 = arith.constant 0 : i32
      %get3A_1131 = tpu.memref_slice %arg12[%get3A_1127, %get3A_1129, %get3A_1130] : memref<2x21x64xf32, #tpu.memory_space<vmem>> -> memref<1x21x64xf32, #tpu.memory_space<vmem>>
      %get3A_1132 = tpu.memref_squeeze %get3A_1131 : memref<1x21x64xf32, #tpu.memory_space<vmem>> -> memref<21x64xf32, #tpu.memory_space<vmem>>
      %get3A_1133 = arith.index_cast %get3A_1128 : i32 to index
      %get3A_1134 = arith.constant 48 : index
      %get3A_1135 = tpu.vector_load %get3A_1132[%get3A_1133, %get3A_1134] {strides = array<i32>} : memref<21x64xf32, #tpu.memory_space<vmem>>, vector<16xf32>,
      %gt3A_1136 = arith.cmpf ogt, %get3A_1135, %select_n3A_1087 : vector<16xf32>
      %select_n3A_1137 = arith.select %gt3A_1136, %get3A_1135, %select_n3A_1087 : vector<16xi1>, vector<16xf32>
      %select_n3A_1138 = arith.select %gt3A_1136, %broadcast_in_dim3A_1090, %select_n3A_1088 : vector<16xi1>, vector<16xi32>
      %broadcast_in_dim3A_1139 = arith.constant 17 : i32
      %broadcast_in_dim3A_1140 = vector.broadcast %broadcast_in_dim3A_1139 : i32 to vector<16xi32>
      %get3A_1141 = arith.constant 0 : i32
      %get3A_1142 = arith.constant 17 : i32
      %get3A_1143 = arith.constant 0 : i32
      %get3A_1144 = arith.constant 0 : i32
      %get3A_1145 = tpu.memref_slice %arg12[%get3A_1141, %get3A_1143, %get3A_1144] : memref<2x21x64xf32, #tpu.memory_space<vmem>> -> memref<1x21x64xf32, #tpu.memory_space<vmem>>
      %get3A_1146 = tpu.memref_squeeze %get3A_1145 : memref<1x21x64xf32, #tpu.memory_space<vmem>> -> memref<21x64xf32, #tpu.memory_space<vmem>>
      %get3A_1147 = arith.index_cast %get3A_1142 : i32 to index
      %get3A_1148 = arith.constant 0 : index
      %get3A_1149 = tpu.vector_load %get3A_1146[%get3A_1147, %get3A_1148] {strides = array<i32>} : memref<21x64xf32, #tpu.memory_space<vmem>>, vector<16xf32>,
      %gt3A_1150 = arith.cmpf ogt, %get3A_1149, %select_n3A_1101 : vector<16xf32>
      %select_n3A_1151 = arith.select %gt3A_1150, %get3A_1149, %select_n3A_1101 : vector<16xi1>, vector<16xf32>
      %select_n3A_1152 = arith.select %gt3A_1150, %broadcast_in_dim3A_1140, %select_n3A_1102 : vector<16xi1>, vector<16xi32>
      %get3A_1153 = arith.constant 0 : i32
      %get3A_1154 = arith.constant 17 : i32
      %get3A_1155 = arith.constant 0 : i32
      %get3A_1156 = arith.constant 0 : i32
      %get3A_1157 = tpu.memref_slice %arg12[%get3A_1153, %get3A_1155, %get3A_1156] : memref<2x21x64xf32, #tpu.memory_space<vmem>> -> memref<1x21x64xf32, #tpu.memory_space<vmem>>
      %get3A_1158 = tpu.memref_squeeze %get3A_1157 : memref<1x21x64xf32, #tpu.memory_space<vmem>> -> memref<21x64xf32, #tpu.memory_space<vmem>>
      %get3A_1159 = arith.index_cast %get3A_1154 : i32 to index
      %get3A_1160 = arith.constant 16 : index
      %get3A_1161 = tpu.vector_load %get3A_1158[%get3A_1159, %get3A_1160] {strides = array<i32>} : memref<21x64xf32, #tpu.memory_space<vmem>>, vector<16xf32>,
      %gt3A_1162 = arith.cmpf ogt, %get3A_1161, %select_n3A_1113 : vector<16xf32>
      %select_n3A_1163 = arith.select %gt3A_1162, %get3A_1161, %select_n3A_1113 : vector<16xi1>, vector<16xf32>
      %select_n3A_1164 = arith.select %gt3A_1162, %broadcast_in_dim3A_1140, %select_n3A_1114 : vector<16xi1>, vector<16xi32>
      %get3A_1165 = arith.constant 0 : i32
      %get3A_1166 = arith.constant 17 : i32
      %get3A_1167 = arith.constant 0 : i32
      %get3A_1168 = arith.constant 0 : i32
      %get3A_1169 = tpu.memref_slice %arg12[%get3A_1165, %get3A_1167, %get3A_1168] : memref<2x21x64xf32, #tpu.memory_space<vmem>> -> memref<1x21x64xf32, #tpu.memory_space<vmem>>
      %get3A_1170 = tpu.memref_squeeze %get3A_1169 : memref<1x21x64xf32, #tpu.memory_space<vmem>> -> memref<21x64xf32, #tpu.memory_space<vmem>>
      %get3A_1171 = arith.index_cast %get3A_1166 : i32 to index
      %get3A_1172 = arith.constant 32 : index
      %get3A_1173 = tpu.vector_load %get3A_1170[%get3A_1171, %get3A_1172] {strides = array<i32>} : memref<21x64xf32, #tpu.memory_space<vmem>>, vector<16xf32>,
      %gt3A_1174 = arith.cmpf ogt, %get3A_1173, %select_n3A_1125 : vector<16xf32>
      %select_n3A_1175 = arith.select %gt3A_1174, %get3A_1173, %select_n3A_1125 : vector<16xi1>, vector<16xf32>
      %select_n3A_1176 = arith.select %gt3A_1174, %broadcast_in_dim3A_1140, %select_n3A_1126 : vector<16xi1>, vector<16xi32>
      %get3A_1177 = arith.constant 0 : i32
      %get3A_1178 = arith.constant 17 : i32
      %get3A_1179 = arith.constant 0 : i32
      %get3A_1180 = arith.constant 0 : i32
      %get3A_1181 = tpu.memref_slice %arg12[%get3A_1177, %get3A_1179, %get3A_1180] : memref<2x21x64xf32, #tpu.memory_space<vmem>> -> memref<1x21x64xf32, #tpu.memory_space<vmem>>
      %get3A_1182 = tpu.memref_squeeze %get3A_1181 : memref<1x21x64xf32, #tpu.memory_space<vmem>> -> memref<21x64xf32, #tpu.memory_space<vmem>>
      %get3A_1183 = arith.index_cast %get3A_1178 : i32 to index
      %get3A_1184 = arith.constant 48 : index
      %get3A_1185 = tpu.vector_load %get3A_1182[%get3A_1183, %get3A_1184] {strides = array<i32>} : memref<21x64xf32, #tpu.memory_space<vmem>>, vector<16xf32>,
      %gt3A_1186 = arith.cmpf ogt, %get3A_1185, %select_n3A_1137 : vector<16xf32>
      %select_n3A_1187 = arith.select %gt3A_1186, %get3A_1185, %select_n3A_1137 : vector<16xi1>, vector<16xf32>
      %select_n3A_1188 = arith.select %gt3A_1186, %broadcast_in_dim3A_1140, %select_n3A_1138 : vector<16xi1>, vector<16xi32>
      %broadcast_in_dim3A_1189 = arith.constant 18 : i32
      %broadcast_in_dim3A_1190 = vector.broadcast %broadcast_in_dim3A_1189 : i32 to vector<16xi32>
      %get3A_1191 = arith.constant 0 : i32
      %get3A_1192 = arith.constant 18 : i32
      %get3A_1193 = arith.constant 0 : i32
      %get3A_1194 = arith.constant 0 : i32
      %get3A_1195 = tpu.memref_slice %arg12[%get3A_1191, %get3A_1193, %get3A_1194] : memref<2x21x64xf32, #tpu.memory_space<vmem>> -> memref<1x21x64xf32, #tpu.memory_space<vmem>>
      %get3A_1196 = tpu.memref_squeeze %get3A_1195 : memref<1x21x64xf32, #tpu.memory_space<vmem>> -> memref<21x64xf32, #tpu.memory_space<vmem>>
      %get3A_1197 = arith.index_cast %get3A_1192 : i32 to index
      %get3A_1198 = arith.constant 0 : index
      %get3A_1199 = tpu.vector_load %get3A_1196[%get3A_1197, %get3A_1198] {strides = array<i32>} : memref<21x64xf32, #tpu.memory_space<vmem>>, vector<16xf32>,
      %gt3A_1200 = arith.cmpf ogt, %get3A_1199, %select_n3A_1151 : vector<16xf32>
      %select_n3A_1201 = arith.select %gt3A_1200, %get3A_1199, %select_n3A_1151 : vector<16xi1>, vector<16xf32>
      %select_n3A_1202 = arith.select %gt3A_1200, %broadcast_in_dim3A_1190, %select_n3A_1152 : vector<16xi1>, vector<16xi32>
      %get3A_1203 = arith.constant 0 : i32
      %get3A_1204 = arith.constant 18 : i32
      %get3A_1205 = arith.constant 0 : i32
      %get3A_1206 = arith.constant 0 : i32
      %get3A_1207 = tpu.memref_slice %arg12[%get3A_1203, %get3A_1205, %get3A_1206] : memref<2x21x64xf32, #tpu.memory_space<vmem>> -> memref<1x21x64xf32, #tpu.memory_space<vmem>>
      %get3A_1208 = tpu.memref_squeeze %get3A_1207 : memref<1x21x64xf32, #tpu.memory_space<vmem>> -> memref<21x64xf32, #tpu.memory_space<vmem>>
      %get3A_1209 = arith.index_cast %get3A_1204 : i32 to index
      %get3A_1210 = arith.constant 16 : index
      %get3A_1211 = tpu.vector_load %get3A_1208[%get3A_1209, %get3A_1210] {strides = array<i32>} : memref<21x64xf32, #tpu.memory_space<vmem>>, vector<16xf32>,
      %gt3A_1212 = arith.cmpf ogt, %get3A_1211, %select_n3A_1163 : vector<16xf32>
      %select_n3A_1213 = arith.select %gt3A_1212, %get3A_1211, %select_n3A_1163 : vector<16xi1>, vector<16xf32>
      %select_n3A_1214 = arith.select %gt3A_1212, %broadcast_in_dim3A_1190, %select_n3A_1164 : vector<16xi1>, vector<16xi32>
      %get3A_1215 = arith.constant 0 : i32
      %get3A_1216 = arith.constant 18 : i32
      %get3A_1217 = arith.constant 0 : i32
      %get3A_1218 = arith.constant 0 : i32
      %get3A_1219 = tpu.memref_slice %arg12[%get3A_1215, %get3A_1217, %get3A_1218] : memref<2x21x64xf32, #tpu.memory_space<vmem>> -> memref<1x21x64xf32, #tpu.memory_space<vmem>>
      %get3A_1220 = tpu.memref_squeeze %get3A_1219 : memref<1x21x64xf32, #tpu.memory_space<vmem>> -> memref<21x64xf32, #tpu.memory_space<vmem>>
      %get3A_1221 = arith.index_cast %get3A_1216 : i32 to index
      %get3A_1222 = arith.constant 32 : index
      %get3A_1223 = tpu.vector_load %get3A_1220[%get3A_1221, %get3A_1222] {strides = array<i32>} : memref<21x64xf32, #tpu.memory_space<vmem>>, vector<16xf32>,
      %gt3A_1224 = arith.cmpf ogt, %get3A_1223, %select_n3A_1175 : vector<16xf32>
      %select_n3A_1225 = arith.select %gt3A_1224, %get3A_1223, %select_n3A_1175 : vector<16xi1>, vector<16xf32>
      %select_n3A_1226 = arith.select %gt3A_1224, %broadcast_in_dim3A_1190, %select_n3A_1176 : vector<16xi1>, vector<16xi32>
      %get3A_1227 = arith.constant 0 : i32
      %get3A_1228 = arith.constant 18 : i32
      %get3A_1229 = arith.constant 0 : i32
      %get3A_1230 = arith.constant 0 : i32
      %get3A_1231 = tpu.memref_slice %arg12[%get3A_1227, %get3A_1229, %get3A_1230] : memref<2x21x64xf32, #tpu.memory_space<vmem>> -> memref<1x21x64xf32, #tpu.memory_space<vmem>>
      %get3A_1232 = tpu.memref_squeeze %get3A_1231 : memref<1x21x64xf32, #tpu.memory_space<vmem>> -> memref<21x64xf32, #tpu.memory_space<vmem>>
      %get3A_1233 = arith.index_cast %get3A_1228 : i32 to index
      %get3A_1234 = arith.constant 48 : index
      %get3A_1235 = tpu.vector_load %get3A_1232[%get3A_1233, %get3A_1234] {strides = array<i32>} : memref<21x64xf32, #tpu.memory_space<vmem>>, vector<16xf32>,
      %gt3A_1236 = arith.cmpf ogt, %get3A_1235, %select_n3A_1187 : vector<16xf32>
      %select_n3A_1237 = arith.select %gt3A_1236, %get3A_1235, %select_n3A_1187 : vector<16xi1>, vector<16xf32>
      %select_n3A_1238 = arith.select %gt3A_1236, %broadcast_in_dim3A_1190, %select_n3A_1188 : vector<16xi1>, vector<16xi32>
      %broadcast_in_dim3A_1239 = arith.constant 19 : i32
      %broadcast_in_dim3A_1240 = vector.broadcast %broadcast_in_dim3A_1239 : i32 to vector<16xi32>
      %get3A_1241 = arith.constant 0 : i32
      %get3A_1242 = arith.constant 19 : i32
      %get3A_1243 = arith.constant 0 : i32
      %get3A_1244 = arith.constant 0 : i32
      %get3A_1245 = tpu.memref_slice %arg12[%get3A_1241, %get3A_1243, %get3A_1244] : memref<2x21x64xf32, #tpu.memory_space<vmem>> -> memref<1x21x64xf32, #tpu.memory_space<vmem>>
      %get3A_1246 = tpu.memref_squeeze %get3A_1245 : memref<1x21x64xf32, #tpu.memory_space<vmem>> -> memref<21x64xf32, #tpu.memory_space<vmem>>
      %get3A_1247 = arith.index_cast %get3A_1242 : i32 to index
      %get3A_1248 = arith.constant 0 : index
      %get3A_1249 = tpu.vector_load %get3A_1246[%get3A_1247, %get3A_1248] {strides = array<i32>} : memref<21x64xf32, #tpu.memory_space<vmem>>, vector<16xf32>,
      %gt3A_1250 = arith.cmpf ogt, %get3A_1249, %select_n3A_1201 : vector<16xf32>
      %select_n3A_1251 = arith.select %gt3A_1250, %get3A_1249, %select_n3A_1201 : vector<16xi1>, vector<16xf32>
      %select_n3A_1252 = arith.select %gt3A_1250, %broadcast_in_dim3A_1240, %select_n3A_1202 : vector<16xi1>, vector<16xi32>
      %get3A_1253 = arith.constant 0 : i32
      %get3A_1254 = arith.constant 19 : i32
      %get3A_1255 = arith.constant 0 : i32
      %get3A_1256 = arith.constant 0 : i32
      %get3A_1257 = tpu.memref_slice %arg12[%get3A_1253, %get3A_1255, %get3A_1256] : memref<2x21x64xf32, #tpu.memory_space<vmem>> -> memref<1x21x64xf32, #tpu.memory_space<vmem>>
      %get3A_1258 = tpu.memref_squeeze %get3A_1257 : memref<1x21x64xf32, #tpu.memory_space<vmem>> -> memref<21x64xf32, #tpu.memory_space<vmem>>
      %get3A_1259 = arith.index_cast %get3A_1254 : i32 to index
      %get3A_1260 = arith.constant 16 : index
      %get3A_1261 = tpu.vector_load %get3A_1258[%get3A_1259, %get3A_1260] {strides = array<i32>} : memref<21x64xf32, #tpu.memory_space<vmem>>, vector<16xf32>,
      %gt3A_1262 = arith.cmpf ogt, %get3A_1261, %select_n3A_1213 : vector<16xf32>
      %select_n3A_1263 = arith.select %gt3A_1262, %get3A_1261, %select_n3A_1213 : vector<16xi1>, vector<16xf32>
      %select_n3A_1264 = arith.select %gt3A_1262, %broadcast_in_dim3A_1240, %select_n3A_1214 : vector<16xi1>, vector<16xi32>
      %get3A_1265 = arith.constant 0 : i32
      %get3A_1266 = arith.constant 19 : i32
      %get3A_1267 = arith.constant 0 : i32
      %get3A_1268 = arith.constant 0 : i32
      %get3A_1269 = tpu.memref_slice %arg12[%get3A_1265, %get3A_1267, %get3A_1268] : memref<2x21x64xf32, #tpu.memory_space<vmem>> -> memref<1x21x64xf32, #tpu.memory_space<vmem>>
      %get3A_1270 = tpu.memref_squeeze %get3A_1269 : memref<1x21x64xf32, #tpu.memory_space<vmem>> -> memref<21x64xf32, #tpu.memory_space<vmem>>
      %get3A_1271 = arith.index_cast %get3A_1266 : i32 to index
      %get3A_1272 = arith.constant 32 : index
      %get3A_1273 = tpu.vector_load %get3A_1270[%get3A_1271, %get3A_1272] {strides = array<i32>} : memref<21x64xf32, #tpu.memory_space<vmem>>, vector<16xf32>,
      %gt3A_1274 = arith.cmpf ogt, %get3A_1273, %select_n3A_1225 : vector<16xf32>
      %select_n3A_1275 = arith.select %gt3A_1274, %get3A_1273, %select_n3A_1225 : vector<16xi1>, vector<16xf32>
      %select_n3A_1276 = arith.select %gt3A_1274, %broadcast_in_dim3A_1240, %select_n3A_1226 : vector<16xi1>, vector<16xi32>
      %get3A_1277 = arith.constant 0 : i32
      %get3A_1278 = arith.constant 19 : i32
      %get3A_1279 = arith.constant 0 : i32
      %get3A_1280 = arith.constant 0 : i32
      %get3A_1281 = tpu.memref_slice %arg12[%get3A_1277, %get3A_1279, %get3A_1280] : memref<2x21x64xf32, #tpu.memory_space<vmem>> -> memref<1x21x64xf32, #tpu.memory_space<vmem>>
      %get3A_1282 = tpu.memref_squeeze %get3A_1281 : memref<1x21x64xf32, #tpu.memory_space<vmem>> -> memref<21x64xf32, #tpu.memory_space<vmem>>
      %get3A_1283 = arith.index_cast %get3A_1278 : i32 to index
      %get3A_1284 = arith.constant 48 : index
      %get3A_1285 = tpu.vector_load %get3A_1282[%get3A_1283, %get3A_1284] {strides = array<i32>} : memref<21x64xf32, #tpu.memory_space<vmem>>, vector<16xf32>,
      %gt3A_1286 = arith.cmpf ogt, %get3A_1285, %select_n3A_1237 : vector<16xf32>
      %select_n3A_1287 = arith.select %gt3A_1286, %get3A_1285, %select_n3A_1237 : vector<16xi1>, vector<16xf32>
      %select_n3A_1288 = arith.select %gt3A_1286, %broadcast_in_dim3A_1240, %select_n3A_1238 : vector<16xi1>, vector<16xi32>
      %broadcast_in_dim3A_1289 = arith.constant 20 : i32
      %broadcast_in_dim3A_1290 = vector.broadcast %broadcast_in_dim3A_1289 : i32 to vector<16xi32>
      %get3A_1291 = arith.constant 0 : i32
      %get3A_1292 = arith.constant 20 : i32
      %get3A_1293 = arith.constant 0 : i32
      %get3A_1294 = arith.constant 0 : i32
      %get3A_1295 = tpu.memref_slice %arg12[%get3A_1291, %get3A_1293, %get3A_1294] : memref<2x21x64xf32, #tpu.memory_space<vmem>> -> memref<1x21x64xf32, #tpu.memory_space<vmem>>
      %get3A_1296 = tpu.memref_squeeze %get3A_1295 : memref<1x21x64xf32, #tpu.memory_space<vmem>> -> memref<21x64xf32, #tpu.memory_space<vmem>>
      %get3A_1297 = arith.index_cast %get3A_1292 : i32 to index
      %get3A_1298 = arith.constant 0 : index
      %get3A_1299 = tpu.vector_load %get3A_1296[%get3A_1297, %get3A_1298] {strides = array<i32>} : memref<21x64xf32, #tpu.memory_space<vmem>>, vector<16xf32>,
      %gt3A_1300 = arith.cmpf ogt, %get3A_1299, %select_n3A_1251 : vector<16xf32>
      %select_n3A_1301 = arith.select %gt3A_1300, %get3A_1299, %select_n3A_1251 : vector<16xi1>, vector<16xf32>
      %select_n3A_1302 = arith.select %gt3A_1300, %broadcast_in_dim3A_1290, %select_n3A_1252 : vector<16xi1>, vector<16xi32>
      %get3A_1303 = arith.constant 0 : i32
      %get3A_1304 = arith.constant 20 : i32
      %get3A_1305 = arith.constant 0 : i32
      %get3A_1306 = arith.constant 0 : i32
      %get3A_1307 = tpu.memref_slice %arg12[%get3A_1303, %get3A_1305, %get3A_1306] : memref<2x21x64xf32, #tpu.memory_space<vmem>> -> memref<1x21x64xf32, #tpu.memory_space<vmem>>
      %get3A_1308 = tpu.memref_squeeze %get3A_1307 : memref<1x21x64xf32, #tpu.memory_space<vmem>> -> memref<21x64xf32, #tpu.memory_space<vmem>>
      %get3A_1309 = arith.index_cast %get3A_1304 : i32 to index
      %get3A_1310 = arith.constant 16 : index
      %get3A_1311 = tpu.vector_load %get3A_1308[%get3A_1309, %get3A_1310] {strides = array<i32>} : memref<21x64xf32, #tpu.memory_space<vmem>>, vector<16xf32>,
      %gt3A_1312 = arith.cmpf ogt, %get3A_1311, %select_n3A_1263 : vector<16xf32>
      %select_n3A_1313 = arith.select %gt3A_1312, %get3A_1311, %select_n3A_1263 : vector<16xi1>, vector<16xf32>
      %select_n3A_1314 = arith.select %gt3A_1312, %broadcast_in_dim3A_1290, %select_n3A_1264 : vector<16xi1>, vector<16xi32>
      %get3A_1315 = arith.constant 0 : i32
      %get3A_1316 = arith.constant 20 : i32
      %get3A_1317 = arith.constant 0 : i32
      %get3A_1318 = arith.constant 0 : i32
      %get3A_1319 = tpu.memref_slice %arg12[%get3A_1315, %get3A_1317, %get3A_1318] : memref<2x21x64xf32, #tpu.memory_space<vmem>> -> memref<1x21x64xf32, #tpu.memory_space<vmem>>
      %get3A_1320 = tpu.memref_squeeze %get3A_1319 : memref<1x21x64xf32, #tpu.memory_space<vmem>> -> memref<21x64xf32, #tpu.memory_space<vmem>>
      %get3A_1321 = arith.index_cast %get3A_1316 : i32 to index
      %get3A_1322 = arith.constant 32 : index
      %get3A_1323 = tpu.vector_load %get3A_1320[%get3A_1321, %get3A_1322] {strides = array<i32>} : memref<21x64xf32, #tpu.memory_space<vmem>>, vector<16xf32>,
      %gt3A_1324 = arith.cmpf ogt, %get3A_1323, %select_n3A_1275 : vector<16xf32>
      %select_n3A_1325 = arith.select %gt3A_1324, %get3A_1323, %select_n3A_1275 : vector<16xi1>, vector<16xf32>
      %select_n3A_1326 = arith.select %gt3A_1324, %broadcast_in_dim3A_1290, %select_n3A_1276 : vector<16xi1>, vector<16xi32>
      %get3A_1327 = arith.constant 0 : i32
      %get3A_1328 = arith.constant 20 : i32
      %get3A_1329 = arith.constant 0 : i32
      %get3A_1330 = arith.constant 0 : i32
      %get3A_1331 = tpu.memref_slice %arg12[%get3A_1327, %get3A_1329, %get3A_1330] : memref<2x21x64xf32, #tpu.memory_space<vmem>> -> memref<1x21x64xf32, #tpu.memory_space<vmem>>
      %get3A_1332 = tpu.memref_squeeze %get3A_1331 : memref<1x21x64xf32, #tpu.memory_space<vmem>> -> memref<21x64xf32, #tpu.memory_space<vmem>>
      %get3A_1333 = arith.index_cast %get3A_1328 : i32 to index
      %get3A_1334 = arith.constant 48 : index
      %get3A_1335 = tpu.vector_load %get3A_1332[%get3A_1333, %get3A_1334] {strides = array<i32>} : memref<21x64xf32, #tpu.memory_space<vmem>>, vector<16xf32>,
      %gt3A_1336 = arith.cmpf ogt, %get3A_1335, %select_n3A_1287 : vector<16xf32>
      %select_n3A_1337 = arith.select %gt3A_1336, %get3A_1335, %select_n3A_1287 : vector<16xi1>, vector<16xf32>
      %select_n3A_1338 = arith.select %gt3A_1336, %broadcast_in_dim3A_1290, %select_n3A_1288 : vector<16xi1>, vector<16xi32>
      %get3A_1339 = arith.constant 0 : i32
      %get3A_1340 = arith.constant 0 : i32
      %get3A_1341 = tpu.memref_slice %arg13[%get3A_1339, %get3A_1340] : memref<2x64xi32, #tpu.memory_space<vmem>> -> memref<1x64xi32, #tpu.memory_space<vmem>>
      %get3A_1342 = tpu.memref_squeeze %get3A_1341 : memref<1x64xi32, #tpu.memory_space<vmem>> -> memref<64xi32, #tpu.memory_space<vmem>>
      %get3A_1343 = arith.constant 0 : index
      %get3A_1344 = tpu.vector_load %get3A_1342[%get3A_1343] {strides = array<i32>} : memref<64xi32, #tpu.memory_space<vmem>>, vector<16xi32>,
      %lt3A_1345 = arith.cmpi slt, %get3A_1344, %get3A_39 : vector<16xi32>
      %jit3A_1346 = arith.constant 0 : i32
      %broadcast_in_dim3A_1347 = vector.broadcast %jit3A_1346 : i32 to vector<16xi32>
      %select_n3A_1348 = arith.select %lt3A_1345, %select_n3A_1302, %broadcast_in_dim3A_1347 : vector<16xi1>, vector<16xi32>
      %mul3A_1349 = arith.constant 8 : i32
      %mul3A_1350 = vector.broadcast %mul3A_1349 : i32 to vector<16xi32>
      %mul3A_1351 = arith.muli %select_n3A_1348, %mul3A_1350 : vector<16xi32>
      %add3A_1352 = arith.addi %mul3A_1351, %select_n3A_63 : vector<16xi32>
      tpu.vector_store_idx %arg17[%add3A_1352], %broadcast_in_dim3A_41 {add = true} : memref<256xf32, #tpu.memory_space<vmem>>[vector<16xi32>], vector<16xf32>,
      %mul3A_1353 = arith.constant 8 : i32
      %mul3A_1354 = vector.broadcast %mul3A_1353 : i32 to vector<16xi32>
      %mul3A_1355 = arith.muli %select_n3A_1348, %mul3A_1354 : vector<16xi32>
      %add3A_1356 = arith.addi %mul3A_1355, %select_n3A_63 : vector<16xi32>
      %get3A_1357 = arith.constant 0 : i32
      %get3A_1358 = arith.constant 0 : i32
      %get3A_1359 = tpu.memref_slice %arg13[%get3A_1357, %get3A_1358] : memref<2x64xi32, #tpu.memory_space<vmem>> -> memref<1x64xi32, #tpu.memory_space<vmem>>
      %get3A_1360 = tpu.memref_squeeze %get3A_1359 : memref<1x64xi32, #tpu.memory_space<vmem>> -> memref<64xi32, #tpu.memory_space<vmem>>
      %get3A_1361 = arith.constant 16 : index
      %get3A_1362 = tpu.vector_load %get3A_1360[%get3A_1361] {strides = array<i32>} : memref<64xi32, #tpu.memory_space<vmem>>, vector<16xi32>,
      %lt3A_1363 = arith.cmpi slt, %get3A_1362, %get3A_39 : vector<16xi32>
      %jit3A_1364 = arith.constant 0 : i32
      %broadcast_in_dim3A_1365 = vector.broadcast %jit3A_1364 : i32 to vector<16xi32>
      %select_n3A_1366 = arith.select %lt3A_1363, %select_n3A_1314, %broadcast_in_dim3A_1365 : vector<16xi1>, vector<16xi32>
      %mul3A_1367 = arith.constant 8 : i32
      %mul3A_1368 = vector.broadcast %mul3A_1367 : i32 to vector<16xi32>
      %mul3A_1369 = arith.muli %select_n3A_1366, %mul3A_1368 : vector<16xi32>
      %add3A_1370 = arith.addi %mul3A_1369, %select_n3A_63 : vector<16xi32>
      tpu.vector_store_idx %arg17[%add3A_1370], %broadcast_in_dim3A_41 {add = true} : memref<256xf32, #tpu.memory_space<vmem>>[vector<16xi32>], vector<16xf32>,
      %mul3A_1371 = arith.constant 8 : i32
      %mul3A_1372 = vector.broadcast %mul3A_1371 : i32 to vector<16xi32>
      %mul3A_1373 = arith.muli %select_n3A_1366, %mul3A_1372 : vector<16xi32>
      %add3A_1374 = arith.addi %mul3A_1373, %select_n3A_63 : vector<16xi32>
      %get3A_1375 = arith.constant 0 : i32
      %get3A_1376 = arith.constant 0 : i32
      %get3A_1377 = tpu.memref_slice %arg13[%get3A_1375, %get3A_1376] : memref<2x64xi32, #tpu.memory_space<vmem>> -> memref<1x64xi32, #tpu.memory_space<vmem>>
      %get3A_1378 = tpu.memref_squeeze %get3A_1377 : memref<1x64xi32, #tpu.memory_space<vmem>> -> memref<64xi32, #tpu.memory_space<vmem>>
      %get3A_1379 = arith.constant 32 : index
      %get3A_1380 = tpu.vector_load %get3A_1378[%get3A_1379] {strides = array<i32>} : memref<64xi32, #tpu.memory_space<vmem>>, vector<16xi32>,
      %lt3A_1381 = arith.cmpi slt, %get3A_1380, %get3A_39 : vector<16xi32>
      %jit3A_1382 = arith.constant 0 : i32
      %broadcast_in_dim3A_1383 = vector.broadcast %jit3A_1382 : i32 to vector<16xi32>
      %select_n3A_1384 = arith.select %lt3A_1381, %select_n3A_1326, %broadcast_in_dim3A_1383 : vector<16xi1>, vector<16xi32>
      %mul3A_1385 = arith.constant 8 : i32
      %mul3A_1386 = vector.broadcast %mul3A_1385 : i32 to vector<16xi32>
      %mul3A_1387 = arith.muli %select_n3A_1384, %mul3A_1386 : vector<16xi32>
      %add3A_1388 = arith.addi %mul3A_1387, %select_n3A_63 : vector<16xi32>
      tpu.vector_store_idx %arg17[%add3A_1388], %broadcast_in_dim3A_41 {add = true} : memref<256xf32, #tpu.memory_space<vmem>>[vector<16xi32>], vector<16xf32>,
      %mul3A_1389 = arith.constant 8 : i32
      %mul3A_1390 = vector.broadcast %mul3A_1389 : i32 to vector<16xi32>
      %mul3A_1391 = arith.muli %select_n3A_1384, %mul3A_1390 : vector<16xi32>
      %add3A_1392 = arith.addi %mul3A_1391, %select_n3A_63 : vector<16xi32>
      %get3A_1393 = arith.constant 0 : i32
      %get3A_1394 = arith.constant 0 : i32
      %get3A_1395 = tpu.memref_slice %arg13[%get3A_1393, %get3A_1394] : memref<2x64xi32, #tpu.memory_space<vmem>> -> memref<1x64xi32, #tpu.memory_space<vmem>>
      %get3A_1396 = tpu.memref_squeeze %get3A_1395 : memref<1x64xi32, #tpu.memory_space<vmem>> -> memref<64xi32, #tpu.memory_space<vmem>>
      %get3A_1397 = arith.constant 48 : index
      %get3A_1398 = tpu.vector_load %get3A_1396[%get3A_1397] {strides = array<i32>} : memref<64xi32, #tpu.memory_space<vmem>>, vector<16xi32>,
      %lt3A_1399 = arith.cmpi slt, %get3A_1398, %get3A_39 : vector<16xi32>
      %jit3A_1400 = arith.constant 0 : i32
      %broadcast_in_dim3A_1401 = vector.broadcast %jit3A_1400 : i32 to vector<16xi32>
      %select_n3A_1402 = arith.select %lt3A_1399, %select_n3A_1338, %broadcast_in_dim3A_1401 : vector<16xi1>, vector<16xi32>
      %mul3A_1403 = arith.constant 8 : i32
      %mul3A_1404 = vector.broadcast %mul3A_1403 : i32 to vector<16xi32>
      %mul3A_1405 = arith.muli %select_n3A_1402, %mul3A_1404 : vector<16xi32>
      %add3A_1406 = arith.addi %mul3A_1405, %select_n3A_63 : vector<16xi32>
      tpu.vector_store_idx %arg17[%add3A_1406], %broadcast_in_dim3A_41 {add = true} : memref<256xf32, #tpu.memory_space<vmem>>[vector<16xi32>], vector<16xf32>,
      %mul3A_1407 = arith.constant 8 : i32
      %mul3A_1408 = vector.broadcast %mul3A_1407 : i32 to vector<16xi32>
      %mul3A_1409 = arith.muli %select_n3A_1402, %mul3A_1408 : vector<16xi32>
      %add3A_1410 = arith.addi %mul3A_1409, %select_n3A_63 : vector<16xi32>
      %broadcast_in_dim3A_1411 = arith.constant 0.000000e+00 : f32
      %broadcast_in_dim3A_1412 = vector.broadcast %broadcast_in_dim3A_1411 : f32 to vector<16xf32>
      %broadcast_in_dim3A_1413 = arith.constant 0.000000e+00 : f32
      %broadcast_in_dim3A_1414 = vector.broadcast %broadcast_in_dim3A_1413 : f32 to vector<16xf32>
      %broadcast_in_dim3A_1415 = arith.constant 0.000000e+00 : f32
      %broadcast_in_dim3A_1416 = vector.broadcast %broadcast_in_dim3A_1415 : f32 to vector<16xf32>
      %broadcast_in_dim3A_1417 = arith.constant 0.000000e+00 : f32
      %broadcast_in_dim3A_1418 = vector.broadcast %broadcast_in_dim3A_1417 : f32 to vector<16xf32>
      %parallel_loop3A_1419 = arith.constant 0 : i32
      %parallel_loop3A_1420 = arith.constant 256 : i32
      %parallel_loop3A_1421 = arith.constant 2 : i32
      %parallel_loop3A_1422 = arith.constant 0 : i32
      %parallel_loop3A_1423 = arith.constant 0 : i32
      %parallel_loop3A_1424:4 = scf.for %parallel_loop3A_2640 = %parallel_loop3A_1419 to %parallel_loop3A_1420 step %parallel_loop3A_1421 iter_args(%parallel_loop3A_2641 = %broadcast_in_dim3A_1412, %parallel_loop3A_2642 = %broadcast_in_dim3A_1414, %parallel_loop3A_2643 = %broadcast_in_dim3A_1416, %parallel_loop3A_2644 = %broadcast_in_dim3A_1418) -> (vector<16xf32>, vector<16xf32>, vector<16xf32>, vector<16xf32>)  : i32 {
        %parallel_loop3A_2645 = arith.constant 0 : i32
        %parallel_loop3A_2646 = arith.addi %parallel_loop3A_2640, %parallel_loop3A_2645 : i32
        %parallel_loop3A_2647 = arith.constant 168 : i32
        %parallel_loop3A_2648 = arith.muli %parallel_loop3A_2646, %parallel_loop3A_2647 : i32
        %parallel_loop3A_2649 = arith.constant 0 : i32
        %parallel_loop3A_2650 = arith.constant 0 : i32
        %parallel_loop3A_2651 = tpu.memref_slice %arg10[%parallel_loop3A_1422, %parallel_loop3A_2649, %parallel_loop3A_2650] : memref<2x256x64xf32, #tpu.memory_space<vmem>> -> memref<1x256x64xf32, #tpu.memory_space<vmem>>
        %parallel_loop3A_2652 = tpu.memref_squeeze %parallel_loop3A_2651 : memref<1x256x64xf32, #tpu.memory_space<vmem>> -> memref<256x64xf32, #tpu.memory_space<vmem>>
        %parallel_loop3A_2653 = arith.index_cast %parallel_loop3A_2646 : i32 to index
        %parallel_loop3A_2654 = arith.constant 0 : index
        %parallel_loop3A_2655 = tpu.vector_load %parallel_loop3A_2652[%parallel_loop3A_2653, %parallel_loop3A_2654] {strides = array<i32>} : memref<256x64xf32, #tpu.memory_space<vmem>>, vector<16xf32>,
        %parallel_loop3A_2656 = arith.constant 0 : i32
        %parallel_loop3A_2657 = arith.constant 0 : i32
        %parallel_loop3A_2658 = tpu.memref_slice %arg11[%parallel_loop3A_1423, %parallel_loop3A_2656, %parallel_loop3A_2657] : memref<2x256x64xf32, #tpu.memory_space<vmem>> -> memref<1x256x64xf32, #tpu.memory_space<vmem>>
        %parallel_loop3A_2659 = tpu.memref_squeeze %parallel_loop3A_2658 : memref<1x256x64xf32, #tpu.memory_space<vmem>> -> memref<256x64xf32, #tpu.memory_space<vmem>>
        %parallel_loop3A_2660 = arith.index_cast %parallel_loop3A_2646 : i32 to index
        %parallel_loop3A_2661 = arith.constant 0 : index
        %parallel_loop3A_2662 = tpu.vector_load %parallel_loop3A_2659[%parallel_loop3A_2660, %parallel_loop3A_2661] {strides = array<i32>} : memref<256x64xf32, #tpu.memory_space<vmem>>, vector<16xf32>,
        %parallel_loop3A_2663 = arith.subf %parallel_loop3A_2655, %parallel_loop3A_2662 : vector<16xf32>
        %parallel_loop3A_2664 = vector.broadcast %parallel_loop3A_2648 : i32 to vector<16xi32>
        %parallel_loop3A_2665 = arith.addi %add3A_1356, %parallel_loop3A_2664 : vector<16xi32>
        tpu.vector_store_idx %arg15[%parallel_loop3A_2665], %parallel_loop3A_2663 {add = true} : memref<43008xf32, #tpu.memory_space<vmem>>[vector<16xi32>], vector<16xf32>,
        %parallel_loop3A_2666 = arith.mulf %parallel_loop3A_2663, %parallel_loop3A_2663 : vector<16xf32>
        %parallel_loop3A_2667 = arith.addf %parallel_loop3A_2641, %parallel_loop3A_2666 : vector<16xf32>
        %parallel_loop3A_2668 = arith.constant 0 : i32
        %parallel_loop3A_2669 = arith.constant 0 : i32
        %parallel_loop3A_2670 = tpu.memref_slice %arg10[%parallel_loop3A_1422, %parallel_loop3A_2668, %parallel_loop3A_2669] : memref<2x256x64xf32, #tpu.memory_space<vmem>> -> memref<1x256x64xf32, #tpu.memory_space<vmem>>
        %parallel_loop3A_2671 = tpu.memref_squeeze %parallel_loop3A_2670 : memref<1x256x64xf32, #tpu.memory_space<vmem>> -> memref<256x64xf32, #tpu.memory_space<vmem>>
        %parallel_loop3A_2672 = arith.index_cast %parallel_loop3A_2646 : i32 to index
        %parallel_loop3A_2673 = arith.constant 16 : index
        %parallel_loop3A_2674 = tpu.vector_load %parallel_loop3A_2671[%parallel_loop3A_2672, %parallel_loop3A_2673] {strides = array<i32>} : memref<256x64xf32, #tpu.memory_space<vmem>>, vector<16xf32>,
        %parallel_loop3A_2675 = arith.constant 0 : i32
        %parallel_loop3A_2676 = arith.constant 0 : i32
        %parallel_loop3A_2677 = tpu.memref_slice %arg11[%parallel_loop3A_1423, %parallel_loop3A_2675, %parallel_loop3A_2676] : memref<2x256x64xf32, #tpu.memory_space<vmem>> -> memref<1x256x64xf32, #tpu.memory_space<vmem>>
        %parallel_loop3A_2678 = tpu.memref_squeeze %parallel_loop3A_2677 : memref<1x256x64xf32, #tpu.memory_space<vmem>> -> memref<256x64xf32, #tpu.memory_space<vmem>>
        %parallel_loop3A_2679 = arith.index_cast %parallel_loop3A_2646 : i32 to index
        %parallel_loop3A_2680 = arith.constant 16 : index
        %parallel_loop3A_2681 = tpu.vector_load %parallel_loop3A_2678[%parallel_loop3A_2679, %parallel_loop3A_2680] {strides = array<i32>} : memref<256x64xf32, #tpu.memory_space<vmem>>, vector<16xf32>,
        %parallel_loop3A_2682 = arith.subf %parallel_loop3A_2674, %parallel_loop3A_2681 : vector<16xf32>
        %parallel_loop3A_2683 = vector.broadcast %parallel_loop3A_2648 : i32 to vector<16xi32>
        %parallel_loop3A_2684 = arith.addi %add3A_1374, %parallel_loop3A_2683 : vector<16xi32>
        tpu.vector_store_idx %arg15[%parallel_loop3A_2684], %parallel_loop3A_2682 {add = true} : memref<43008xf32, #tpu.memory_space<vmem>>[vector<16xi32>], vector<16xf32>,
        %parallel_loop3A_2685 = arith.mulf %parallel_loop3A_2682, %parallel_loop3A_2682 : vector<16xf32>
        %parallel_loop3A_2686 = arith.addf %parallel_loop3A_2642, %parallel_loop3A_2685 : vector<16xf32>
        %parallel_loop3A_2687 = arith.constant 0 : i32
        %parallel_loop3A_2688 = arith.constant 0 : i32
        %parallel_loop3A_2689 = tpu.memref_slice %arg10[%parallel_loop3A_1422, %parallel_loop3A_2687, %parallel_loop3A_2688] : memref<2x256x64xf32, #tpu.memory_space<vmem>> -> memref<1x256x64xf32, #tpu.memory_space<vmem>>
        %parallel_loop3A_2690 = tpu.memref_squeeze %parallel_loop3A_2689 : memref<1x256x64xf32, #tpu.memory_space<vmem>> -> memref<256x64xf32, #tpu.memory_space<vmem>>
        %parallel_loop3A_2691 = arith.index_cast %parallel_loop3A_2646 : i32 to index
        %parallel_loop3A_2692 = arith.constant 32 : index
        %parallel_loop3A_2693 = tpu.vector_load %parallel_loop3A_2690[%parallel_loop3A_2691, %parallel_loop3A_2692] {strides = array<i32>} : memref<256x64xf32, #tpu.memory_space<vmem>>, vector<16xf32>,
        %parallel_loop3A_2694 = arith.constant 0 : i32
        %parallel_loop3A_2695 = arith.constant 0 : i32
        %parallel_loop3A_2696 = tpu.memref_slice %arg11[%parallel_loop3A_1423, %parallel_loop3A_2694, %parallel_loop3A_2695] : memref<2x256x64xf32, #tpu.memory_space<vmem>> -> memref<1x256x64xf32, #tpu.memory_space<vmem>>
        %parallel_loop3A_2697 = tpu.memref_squeeze %parallel_loop3A_2696 : memref<1x256x64xf32, #tpu.memory_space<vmem>> -> memref<256x64xf32, #tpu.memory_space<vmem>>
        %parallel_loop3A_2698 = arith.index_cast %parallel_loop3A_2646 : i32 to index
        %parallel_loop3A_2699 = arith.constant 32 : index
        %parallel_loop3A_2700 = tpu.vector_load %parallel_loop3A_2697[%parallel_loop3A_2698, %parallel_loop3A_2699] {strides = array<i32>} : memref<256x64xf32, #tpu.memory_space<vmem>>, vector<16xf32>,
        %parallel_loop3A_2701 = arith.subf %parallel_loop3A_2693, %parallel_loop3A_2700 : vector<16xf32>
        %parallel_loop3A_2702 = vector.broadcast %parallel_loop3A_2648 : i32 to vector<16xi32>
        %parallel_loop3A_2703 = arith.addi %add3A_1392, %parallel_loop3A_2702 : vector<16xi32>
        tpu.vector_store_idx %arg15[%parallel_loop3A_2703], %parallel_loop3A_2701 {add = true} : memref<43008xf32, #tpu.memory_space<vmem>>[vector<16xi32>], vector<16xf32>,
        %parallel_loop3A_2704 = arith.mulf %parallel_loop3A_2701, %parallel_loop3A_2701 : vector<16xf32>
        %parallel_loop3A_2705 = arith.addf %parallel_loop3A_2643, %parallel_loop3A_2704 : vector<16xf32>
        %parallel_loop3A_2706 = arith.constant 0 : i32
        %parallel_loop3A_2707 = arith.constant 0 : i32
        %parallel_loop3A_2708 = tpu.memref_slice %arg10[%parallel_loop3A_1422, %parallel_loop3A_2706, %parallel_loop3A_2707] : memref<2x256x64xf32, #tpu.memory_space<vmem>> -> memref<1x256x64xf32, #tpu.memory_space<vmem>>
        %parallel_loop3A_2709 = tpu.memref_squeeze %parallel_loop3A_2708 : memref<1x256x64xf32, #tpu.memory_space<vmem>> -> memref<256x64xf32, #tpu.memory_space<vmem>>
        %parallel_loop3A_2710 = arith.index_cast %parallel_loop3A_2646 : i32 to index
        %parallel_loop3A_2711 = arith.constant 48 : index
        %parallel_loop3A_2712 = tpu.vector_load %parallel_loop3A_2709[%parallel_loop3A_2710, %parallel_loop3A_2711] {strides = array<i32>} : memref<256x64xf32, #tpu.memory_space<vmem>>, vector<16xf32>,
        %parallel_loop3A_2713 = arith.constant 0 : i32
        %parallel_loop3A_2714 = arith.constant 0 : i32
        %parallel_loop3A_2715 = tpu.memref_slice %arg11[%parallel_loop3A_1423, %parallel_loop3A_2713, %parallel_loop3A_2714] : memref<2x256x64xf32, #tpu.memory_space<vmem>> -> memref<1x256x64xf32, #tpu.memory_space<vmem>>
        %parallel_loop3A_2716 = tpu.memref_squeeze %parallel_loop3A_2715 : memref<1x256x64xf32, #tpu.memory_space<vmem>> -> memref<256x64xf32, #tpu.memory_space<vmem>>
        %parallel_loop3A_2717 = arith.index_cast %parallel_loop3A_2646 : i32 to index
        %parallel_loop3A_2718 = arith.constant 48 : index
        %parallel_loop3A_2719 = tpu.vector_load %parallel_loop3A_2716[%parallel_loop3A_2717, %parallel_loop3A_2718] {strides = array<i32>} : memref<256x64xf32, #tpu.memory_space<vmem>>, vector<16xf32>,
        %parallel_loop3A_2720 = arith.subf %parallel_loop3A_2712, %parallel_loop3A_2719 : vector<16xf32>
        %parallel_loop3A_2721 = vector.broadcast %parallel_loop3A_2648 : i32 to vector<16xi32>
        %parallel_loop3A_2722 = arith.addi %add3A_1410, %parallel_loop3A_2721 : vector<16xi32>
        tpu.vector_store_idx %arg15[%parallel_loop3A_2722], %parallel_loop3A_2720 {add = true} : memref<43008xf32, #tpu.memory_space<vmem>>[vector<16xi32>], vector<16xf32>,
        %parallel_loop3A_2723 = arith.mulf %parallel_loop3A_2720, %parallel_loop3A_2720 : vector<16xf32>
        %parallel_loop3A_2724 = arith.addf %parallel_loop3A_2644, %parallel_loop3A_2723 : vector<16xf32>
        %parallel_loop3A_2725 = arith.constant 1 : i32
        %parallel_loop3A_2726 = arith.addi %parallel_loop3A_2640, %parallel_loop3A_2725 : i32
        %parallel_loop3A_2727 = arith.constant 168 : i32
        %parallel_loop3A_2728 = arith.muli %parallel_loop3A_2726, %parallel_loop3A_2727 : i32
        %parallel_loop3A_2729 = arith.constant 0 : i32
        %parallel_loop3A_2730 = arith.constant 0 : i32
        %parallel_loop3A_2731 = tpu.memref_slice %arg10[%parallel_loop3A_1422, %parallel_loop3A_2729, %parallel_loop3A_2730] : memref<2x256x64xf32, #tpu.memory_space<vmem>> -> memref<1x256x64xf32, #tpu.memory_space<vmem>>
        %parallel_loop3A_2732 = tpu.memref_squeeze %parallel_loop3A_2731 : memref<1x256x64xf32, #tpu.memory_space<vmem>> -> memref<256x64xf32, #tpu.memory_space<vmem>>
        %parallel_loop3A_2733 = arith.index_cast %parallel_loop3A_2726 : i32 to index
        %parallel_loop3A_2734 = arith.constant 0 : index
        %parallel_loop3A_2735 = tpu.vector_load %parallel_loop3A_2732[%parallel_loop3A_2733, %parallel_loop3A_2734] {strides = array<i32>} : memref<256x64xf32, #tpu.memory_space<vmem>>, vector<16xf32>,
        %parallel_loop3A_2736 = arith.constant 0 : i32
        %parallel_loop3A_2737 = arith.constant 0 : i32
        %parallel_loop3A_2738 = tpu.memref_slice %arg11[%parallel_loop3A_1423, %parallel_loop3A_2736, %parallel_loop3A_2737] : memref<2x256x64xf32, #tpu.memory_space<vmem>> -> memref<1x256x64xf32, #tpu.memory_space<vmem>>
        %parallel_loop3A_2739 = tpu.memref_squeeze %parallel_loop3A_2738 : memref<1x256x64xf32, #tpu.memory_space<vmem>> -> memref<256x64xf32, #tpu.memory_space<vmem>>
        %parallel_loop3A_2740 = arith.index_cast %parallel_loop3A_2726 : i32 to index
        %parallel_loop3A_2741 = arith.constant 0 : index
        %parallel_loop3A_2742 = tpu.vector_load %parallel_loop3A_2739[%parallel_loop3A_2740, %parallel_loop3A_2741] {strides = array<i32>} : memref<256x64xf32, #tpu.memory_space<vmem>>, vector<16xf32>,
        %parallel_loop3A_2743 = arith.subf %parallel_loop3A_2735, %parallel_loop3A_2742 : vector<16xf32>
        %parallel_loop3A_2744 = vector.broadcast %parallel_loop3A_2728 : i32 to vector<16xi32>
        %parallel_loop3A_2745 = arith.addi %add3A_1356, %parallel_loop3A_2744 : vector<16xi32>
        tpu.vector_store_idx %arg15[%parallel_loop3A_2745], %parallel_loop3A_2743 {add = true} : memref<43008xf32, #tpu.memory_space<vmem>>[vector<16xi32>], vector<16xf32>,
        %parallel_loop3A_2746 = arith.mulf %parallel_loop3A_2743, %parallel_loop3A_2743 : vector<16xf32>
        %parallel_loop3A_2747 = arith.addf %parallel_loop3A_2667, %parallel_loop3A_2746 : vector<16xf32>
        %parallel_loop3A_2748 = arith.constant 0 : i32
        %parallel_loop3A_2749 = arith.constant 0 : i32
        %parallel_loop3A_2750 = tpu.memref_slice %arg10[%parallel_loop3A_1422, %parallel_loop3A_2748, %parallel_loop3A_2749] : memref<2x256x64xf32, #tpu.memory_space<vmem>> -> memref<1x256x64xf32, #tpu.memory_space<vmem>>
        %parallel_loop3A_2751 = tpu.memref_squeeze %parallel_loop3A_2750 : memref<1x256x64xf32, #tpu.memory_space<vmem>> -> memref<256x64xf32, #tpu.memory_space<vmem>>
        %parallel_loop3A_2752 = arith.index_cast %parallel_loop3A_2726 : i32 to index
        %parallel_loop3A_2753 = arith.constant 16 : index
        %parallel_loop3A_2754 = tpu.vector_load %parallel_loop3A_2751[%parallel_loop3A_2752, %parallel_loop3A_2753] {strides = array<i32>} : memref<256x64xf32, #tpu.memory_space<vmem>>, vector<16xf32>,
        %parallel_loop3A_2755 = arith.constant 0 : i32
        %parallel_loop3A_2756 = arith.constant 0 : i32
        %parallel_loop3A_2757 = tpu.memref_slice %arg11[%parallel_loop3A_1423, %parallel_loop3A_2755, %parallel_loop3A_2756] : memref<2x256x64xf32, #tpu.memory_space<vmem>> -> memref<1x256x64xf32, #tpu.memory_space<vmem>>
        %parallel_loop3A_2758 = tpu.memref_squeeze %parallel_loop3A_2757 : memref<1x256x64xf32, #tpu.memory_space<vmem>> -> memref<256x64xf32, #tpu.memory_space<vmem>>
        %parallel_loop3A_2759 = arith.index_cast %parallel_loop3A_2726 : i32 to index
        %parallel_loop3A_2760 = arith.constant 16 : index
        %parallel_loop3A_2761 = tpu.vector_load %parallel_loop3A_2758[%parallel_loop3A_2759, %parallel_loop3A_2760] {strides = array<i32>} : memref<256x64xf32, #tpu.memory_space<vmem>>, vector<16xf32>,
        %parallel_loop3A_2762 = arith.subf %parallel_loop3A_2754, %parallel_loop3A_2761 : vector<16xf32>
        %parallel_loop3A_2763 = vector.broadcast %parallel_loop3A_2728 : i32 to vector<16xi32>
        %parallel_loop3A_2764 = arith.addi %add3A_1374, %parallel_loop3A_2763 : vector<16xi32>
        tpu.vector_store_idx %arg15[%parallel_loop3A_2764], %parallel_loop3A_2762 {add = true} : memref<43008xf32, #tpu.memory_space<vmem>>[vector<16xi32>], vector<16xf32>,
        %parallel_loop3A_2765 = arith.mulf %parallel_loop3A_2762, %parallel_loop3A_2762 : vector<16xf32>
        %parallel_loop3A_2766 = arith.addf %parallel_loop3A_2686, %parallel_loop3A_2765 : vector<16xf32>
        %parallel_loop3A_2767 = arith.constant 0 : i32
        %parallel_loop3A_2768 = arith.constant 0 : i32
        %parallel_loop3A_2769 = tpu.memref_slice %arg10[%parallel_loop3A_1422, %parallel_loop3A_2767, %parallel_loop3A_2768] : memref<2x256x64xf32, #tpu.memory_space<vmem>> -> memref<1x256x64xf32, #tpu.memory_space<vmem>>
        %parallel_loop3A_2770 = tpu.memref_squeeze %parallel_loop3A_2769 : memref<1x256x64xf32, #tpu.memory_space<vmem>> -> memref<256x64xf32, #tpu.memory_space<vmem>>
        %parallel_loop3A_2771 = arith.index_cast %parallel_loop3A_2726 : i32 to index
        %parallel_loop3A_2772 = arith.constant 32 : index
        %parallel_loop3A_2773 = tpu.vector_load %parallel_loop3A_2770[%parallel_loop3A_2771, %parallel_loop3A_2772] {strides = array<i32>} : memref<256x64xf32, #tpu.memory_space<vmem>>, vector<16xf32>,
        %parallel_loop3A_2774 = arith.constant 0 : i32
        %parallel_loop3A_2775 = arith.constant 0 : i32
        %parallel_loop3A_2776 = tpu.memref_slice %arg11[%parallel_loop3A_1423, %parallel_loop3A_2774, %parallel_loop3A_2775] : memref<2x256x64xf32, #tpu.memory_space<vmem>> -> memref<1x256x64xf32, #tpu.memory_space<vmem>>
        %parallel_loop3A_2777 = tpu.memref_squeeze %parallel_loop3A_2776 : memref<1x256x64xf32, #tpu.memory_space<vmem>> -> memref<256x64xf32, #tpu.memory_space<vmem>>
        %parallel_loop3A_2778 = arith.index_cast %parallel_loop3A_2726 : i32 to index
        %parallel_loop3A_2779 = arith.constant 32 : index
        %parallel_loop3A_2780 = tpu.vector_load %parallel_loop3A_2777[%parallel_loop3A_2778, %parallel_loop3A_2779] {strides = array<i32>} : memref<256x64xf32, #tpu.memory_space<vmem>>, vector<16xf32>,
        %parallel_loop3A_2781 = arith.subf %parallel_loop3A_2773, %parallel_loop3A_2780 : vector<16xf32>
        %parallel_loop3A_2782 = vector.broadcast %parallel_loop3A_2728 : i32 to vector<16xi32>
        %parallel_loop3A_2783 = arith.addi %add3A_1392, %parallel_loop3A_2782 : vector<16xi32>
        tpu.vector_store_idx %arg15[%parallel_loop3A_2783], %parallel_loop3A_2781 {add = true} : memref<43008xf32, #tpu.memory_space<vmem>>[vector<16xi32>], vector<16xf32>,
        %parallel_loop3A_2784 = arith.mulf %parallel_loop3A_2781, %parallel_loop3A_2781 : vector<16xf32>
        %parallel_loop3A_2785 = arith.addf %parallel_loop3A_2705, %parallel_loop3A_2784 : vector<16xf32>
        %parallel_loop3A_2786 = arith.constant 0 : i32
        %parallel_loop3A_2787 = arith.constant 0 : i32
        %parallel_loop3A_2788 = tpu.memref_slice %arg10[%parallel_loop3A_1422, %parallel_loop3A_2786, %parallel_loop3A_2787] : memref<2x256x64xf32, #tpu.memory_space<vmem>> -> memref<1x256x64xf32, #tpu.memory_space<vmem>>
        %parallel_loop3A_2789 = tpu.memref_squeeze %parallel_loop3A_2788 : memref<1x256x64xf32, #tpu.memory_space<vmem>> -> memref<256x64xf32, #tpu.memory_space<vmem>>
        %parallel_loop3A_2790 = arith.index_cast %parallel_loop3A_2726 : i32 to index
        %parallel_loop3A_2791 = arith.constant 48 : index
        %parallel_loop3A_2792 = tpu.vector_load %parallel_loop3A_2789[%parallel_loop3A_2790, %parallel_loop3A_2791] {strides = array<i32>} : memref<256x64xf32, #tpu.memory_space<vmem>>, vector<16xf32>,
        %parallel_loop3A_2793 = arith.constant 0 : i32
        %parallel_loop3A_2794 = arith.constant 0 : i32
        %parallel_loop3A_2795 = tpu.memref_slice %arg11[%parallel_loop3A_1423, %parallel_loop3A_2793, %parallel_loop3A_2794] : memref<2x256x64xf32, #tpu.memory_space<vmem>> -> memref<1x256x64xf32, #tpu.memory_space<vmem>>
        %parallel_loop3A_2796 = tpu.memref_squeeze %parallel_loop3A_2795 : memref<1x256x64xf32, #tpu.memory_space<vmem>> -> memref<256x64xf32, #tpu.memory_space<vmem>>
        %parallel_loop3A_2797 = arith.index_cast %parallel_loop3A_2726 : i32 to index
        %parallel_loop3A_2798 = arith.constant 48 : index
        %parallel_loop3A_2799 = tpu.vector_load %parallel_loop3A_2796[%parallel_loop3A_2797, %parallel_loop3A_2798] {strides = array<i32>} : memref<256x64xf32, #tpu.memory_space<vmem>>, vector<16xf32>,
        %parallel_loop3A_2800 = arith.subf %parallel_loop3A_2792, %parallel_loop3A_2799 : vector<16xf32>
        %parallel_loop3A_2801 = vector.broadcast %parallel_loop3A_2728 : i32 to vector<16xi32>
        %parallel_loop3A_2802 = arith.addi %add3A_1410, %parallel_loop3A_2801 : vector<16xi32>
        tpu.vector_store_idx %arg15[%parallel_loop3A_2802], %parallel_loop3A_2800 {add = true} : memref<43008xf32, #tpu.memory_space<vmem>>[vector<16xi32>], vector<16xf32>,
        %parallel_loop3A_2803 = arith.mulf %parallel_loop3A_2800, %parallel_loop3A_2800 : vector<16xf32>
        %parallel_loop3A_2804 = arith.addf %parallel_loop3A_2724, %parallel_loop3A_2803 : vector<16xf32>
        scf.yield %parallel_loop3A_2747, %parallel_loop3A_2766, %parallel_loop3A_2785, %parallel_loop3A_2804 : vector<16xf32>, vector<16xf32>, vector<16xf32>, vector<16xf32>
      } {sc.loop_unroll_factor = 4 : i64, sc.parallel_access}
      tpu.vector_store_idx %arg16[%add3A_1356], %parallel_loop3A_1424#0 {add = true} : memref<256xf32, #tpu.memory_space<vmem>>[vector<16xi32>], vector<16xf32>,
      tpu.vector_store_idx %arg16[%add3A_1374], %parallel_loop3A_1424#1 {add = true} : memref<256xf32, #tpu.memory_space<vmem>>[vector<16xi32>], vector<16xf32>,
      tpu.vector_store_idx %arg16[%add3A_1392], %parallel_loop3A_1424#2 {add = true} : memref<256xf32, #tpu.memory_space<vmem>>[vector<16xi32>], vector<16xf32>,
      tpu.vector_store_idx %arg16[%add3A_1410], %parallel_loop3A_1424#3 {add = true} : memref<256xf32, #tpu.memory_space<vmem>>[vector<16xi32>], vector<16xf32>,
      %add3A_1425 = arith.constant 2 : i32
      %add3A_1426 = arith.addi %add3A_225, %add3A_1425 : i32
      %lt3A_1427 = arith.constant 64 : i32
      %lt3A_1428 = arith.cmpi slt, %add3A_1426, %lt3A_1427 : i32
      %convert_element_type3A = arith.extui %lt3A_1428 : i1 to i32
      %cond3A = arith.constant 0 : i32
      %cond3A_1429 = arith.cmpi ne, %convert_element_type3A, %cond3A : i32
      scf.if %cond3A_1429 {
        %add3A_2640 = arith.constant 2 : i32
        %add3A_2641 = arith.addi %add3A_225, %add3A_2640 : i32
        %mul3A_2642 = arith.constant 64 : i32
        %mul3A_2643 = arith.muli %add3A_2641, %mul3A_2642 : i32
        %add3A_2644 = arith.addi %mul3A_32, %mul3A_2643 : i32
        %dma_start3A_2645 = arith.constant 0 : i32
        %dma_start3A_2646 = arith.constant 0 : i32
        %dma_start3A_2647 = arith.constant 0 : i32
        %dma_start3A_2648 = arith.constant 0 : i32
        %dma_start3A_2649 = tpu.memref_slice %arg10[%dma_start3A_2645, %dma_start3A_2647, %dma_start3A_2648] : memref<2x256x64xf32, #tpu.memory_space<vmem>> -> memref<1x256x64xf32, #tpu.memory_space<vmem>>
        %dma_start3A_2650 = tpu.memref_squeeze %dma_start3A_2649 : memref<1x256x64xf32, #tpu.memory_space<vmem>> -> memref<256x64xf32, #tpu.memory_space<vmem>>
        %dma_start3A_2651 = arith.constant 0 : i32
        %dma_start3A_2652 = tpu.memref_slice %arg2[%select_n3A, %dma_start3A_2651, %add3A_2644] : memref<8x256x16384xf32, #tpu.memory_space<hbm>> -> memref<1x256x64xf32, #tpu.memory_space<hbm>>
        %dma_start3A_2653 = tpu.memref_squeeze %dma_start3A_2652 : memref<1x256x64xf32, #tpu.memory_space<hbm>> -> memref<256x64xf32, #tpu.memory_space<hbm>>
        %dma_start3A_2654 = tpu.memref_slice %arg21[%dma_start3A_2646] : memref<2x!tpu.dma_semaphore, #tpu.memory_space<semaphore_mem>> -> memref<1x!tpu.dma_semaphore, #tpu.memory_space<semaphore_mem>>
        %dma_start3A_2655 = tpu.memref_squeeze %dma_start3A_2654 : memref<1x!tpu.dma_semaphore, #tpu.memory_space<semaphore_mem>> -> memref<!tpu.dma_semaphore, #tpu.memory_space<semaphore_mem>>
        %dma_start3A_2656 = arith.constant 0 : i32
        %dma_start3A_2657 = arith.constant 0 : i32
        %dma_start3A_2658 = tpu.memref_slice %arg10[%dma_start3A_2645, %dma_start3A_2656, %dma_start3A_2657] : memref<2x256x64xf32, #tpu.memory_space<vmem>> -> memref<1x256x64xf32, #tpu.memory_space<vmem>>
        %dma_start3A_2659 = tpu.memref_squeeze %dma_start3A_2658 : memref<1x256x64xf32, #tpu.memory_space<vmem>> -> memref<256x64xf32, #tpu.memory_space<vmem>>
        %dma_start3A_2660 = arith.constant 0 : i32
        %dma_start3A_2661 = tpu.memref_slice %arg2[%select_n3A, %dma_start3A_2660, %add3A_2644] : memref<8x256x16384xf32, #tpu.memory_space<hbm>> -> memref<1x256x64xf32, #tpu.memory_space<hbm>>
        %dma_start3A_2662 = tpu.memref_squeeze %dma_start3A_2661 : memref<1x256x64xf32, #tpu.memory_space<hbm>> -> memref<256x64xf32, #tpu.memory_space<hbm>>
        tpu.enqueue_dma source(%dma_start3A_2662 : memref<256x64xf32, #tpu.memory_space<hbm>>) target(%dma_start3A_2659 : memref<256x64xf32, #tpu.memory_space<vmem>>) target_semaphore(%dma_start3A_2655 : memref<!tpu.dma_semaphore, #tpu.memory_space<semaphore_mem>>)
        %dma_start3A_2663 = arith.constant 0 : i32
        %dma_start3A_2664 = arith.constant 0 : i32
        %dma_start3A_2665 = arith.constant 0 : i32
        %dma_start3A_2666 = arith.constant 0 : i32
        %dma_start3A_2667 = tpu.memref_slice %arg11[%dma_start3A_2663, %dma_start3A_2665, %dma_start3A_2666] : memref<2x256x64xf32, #tpu.memory_space<vmem>> -> memref<1x256x64xf32, #tpu.memory_space<vmem>>
        %dma_start3A_2668 = tpu.memref_squeeze %dma_start3A_2667 : memref<1x256x64xf32, #tpu.memory_space<vmem>> -> memref<256x64xf32, #tpu.memory_space<vmem>>
        %dma_start3A_2669 = arith.constant 0 : i32
        %dma_start3A_2670 = tpu.memref_slice %arg3[%select_n3A, %dma_start3A_2669, %add3A_2644] : memref<8x256x16384xf32, #tpu.memory_space<hbm>> -> memref<1x256x64xf32, #tpu.memory_space<hbm>>
        %dma_start3A_2671 = tpu.memref_squeeze %dma_start3A_2670 : memref<1x256x64xf32, #tpu.memory_space<hbm>> -> memref<256x64xf32, #tpu.memory_space<hbm>>
        %dma_start3A_2672 = tpu.memref_slice %arg21[%dma_start3A_2664] : memref<2x!tpu.dma_semaphore, #tpu.memory_space<semaphore_mem>> -> memref<1x!tpu.dma_semaphore, #tpu.memory_space<semaphore_mem>>
        %dma_start3A_2673 = tpu.memref_squeeze %dma_start3A_2672 : memref<1x!tpu.dma_semaphore, #tpu.memory_space<semaphore_mem>> -> memref<!tpu.dma_semaphore, #tpu.memory_space<semaphore_mem>>
        %dma_start3A_2674 = arith.constant 0 : i32
        %dma_start3A_2675 = arith.constant 0 : i32
        %dma_start3A_2676 = tpu.memref_slice %arg11[%dma_start3A_2663, %dma_start3A_2674, %dma_start3A_2675] : memref<2x256x64xf32, #tpu.memory_space<vmem>> -> memref<1x256x64xf32, #tpu.memory_space<vmem>>
        %dma_start3A_2677 = tpu.memref_squeeze %dma_start3A_2676 : memref<1x256x64xf32, #tpu.memory_space<vmem>> -> memref<256x64xf32, #tpu.memory_space<vmem>>
        %dma_start3A_2678 = arith.constant 0 : i32
        %dma_start3A_2679 = tpu.memref_slice %arg3[%select_n3A, %dma_start3A_2678, %add3A_2644] : memref<8x256x16384xf32, #tpu.memory_space<hbm>> -> memref<1x256x64xf32, #tpu.memory_space<hbm>>
        %dma_start3A_2680 = tpu.memref_squeeze %dma_start3A_2679 : memref<1x256x64xf32, #tpu.memory_space<hbm>> -> memref<256x64xf32, #tpu.memory_space<hbm>>
        tpu.enqueue_dma source(%dma_start3A_2680 : memref<256x64xf32, #tpu.memory_space<hbm>>) target(%dma_start3A_2677 : memref<256x64xf32, #tpu.memory_space<vmem>>) target_semaphore(%dma_start3A_2673 : memref<!tpu.dma_semaphore, #tpu.memory_space<semaphore_mem>>)
        %dma_start3A_2681 = arith.constant 0 : i32
        %dma_start3A_2682 = arith.constant 0 : i32
        %dma_start3A_2683 = arith.constant 0 : i32
        %dma_start3A_2684 = arith.constant 0 : i32
        %dma_start3A_2685 = tpu.memref_slice %arg12[%dma_start3A_2681, %dma_start3A_2683, %dma_start3A_2684] : memref<2x21x64xf32, #tpu.memory_space<vmem>> -> memref<1x21x64xf32, #tpu.memory_space<vmem>>
        %dma_start3A_2686 = tpu.memref_squeeze %dma_start3A_2685 : memref<1x21x64xf32, #tpu.memory_space<vmem>> -> memref<21x64xf32, #tpu.memory_space<vmem>>
        %dma_start3A_2687 = arith.constant 0 : i32
        %dma_start3A_2688 = tpu.memref_slice %arg4[%select_n3A, %dma_start3A_2687, %add3A_2644] : memref<8x21x16384xf32, #tpu.memory_space<hbm>> -> memref<1x21x64xf32, #tpu.memory_space<hbm>>
        %dma_start3A_2689 = tpu.memref_squeeze %dma_start3A_2688 : memref<1x21x64xf32, #tpu.memory_space<hbm>> -> memref<21x64xf32, #tpu.memory_space<hbm>>
        %dma_start3A_2690 = tpu.memref_slice %arg21[%dma_start3A_2682] : memref<2x!tpu.dma_semaphore, #tpu.memory_space<semaphore_mem>> -> memref<1x!tpu.dma_semaphore, #tpu.memory_space<semaphore_mem>>
        %dma_start3A_2691 = tpu.memref_squeeze %dma_start3A_2690 : memref<1x!tpu.dma_semaphore, #tpu.memory_space<semaphore_mem>> -> memref<!tpu.dma_semaphore, #tpu.memory_space<semaphore_mem>>
        %dma_start3A_2692 = arith.constant 0 : i32
        %dma_start3A_2693 = arith.constant 0 : i32
        %dma_start3A_2694 = tpu.memref_slice %arg12[%dma_start3A_2681, %dma_start3A_2692, %dma_start3A_2693] : memref<2x21x64xf32, #tpu.memory_space<vmem>> -> memref<1x21x64xf32, #tpu.memory_space<vmem>>
        %dma_start3A_2695 = tpu.memref_squeeze %dma_start3A_2694 : memref<1x21x64xf32, #tpu.memory_space<vmem>> -> memref<21x64xf32, #tpu.memory_space<vmem>>
        %dma_start3A_2696 = arith.constant 0 : i32
        %dma_start3A_2697 = tpu.memref_slice %arg4[%select_n3A, %dma_start3A_2696, %add3A_2644] : memref<8x21x16384xf32, #tpu.memory_space<hbm>> -> memref<1x21x64xf32, #tpu.memory_space<hbm>>
        %dma_start3A_2698 = tpu.memref_squeeze %dma_start3A_2697 : memref<1x21x64xf32, #tpu.memory_space<hbm>> -> memref<21x64xf32, #tpu.memory_space<hbm>>
        tpu.enqueue_dma source(%dma_start3A_2698 : memref<21x64xf32, #tpu.memory_space<hbm>>) target(%dma_start3A_2695 : memref<21x64xf32, #tpu.memory_space<vmem>>) target_semaphore(%dma_start3A_2691 : memref<!tpu.dma_semaphore, #tpu.memory_space<semaphore_mem>>)
        %dma_start3A_2699 = arith.constant 0 : i32
        %dma_start3A_2700 = arith.constant 0 : i32
        %dma_start3A_2701 = arith.constant 0 : i32
        %dma_start3A_2702 = tpu.memref_slice %arg13[%dma_start3A_2699, %dma_start3A_2701] : memref<2x64xi32, #tpu.memory_space<vmem>> -> memref<1x64xi32, #tpu.memory_space<vmem>>
        %dma_start3A_2703 = tpu.memref_squeeze %dma_start3A_2702 : memref<1x64xi32, #tpu.memory_space<vmem>> -> memref<64xi32, #tpu.memory_space<vmem>>
        %dma_start3A_2704 = tpu.memref_slice %arg5[%select_n3A, %add3A_2644] : memref<8x16384xi32, #tpu.memory_space<hbm>> -> memref<1x64xi32, #tpu.memory_space<hbm>>
        %dma_start3A_2705 = tpu.memref_squeeze %dma_start3A_2704 : memref<1x64xi32, #tpu.memory_space<hbm>> -> memref<64xi32, #tpu.memory_space<hbm>>
        %dma_start3A_2706 = tpu.memref_slice %arg21[%dma_start3A_2700] : memref<2x!tpu.dma_semaphore, #tpu.memory_space<semaphore_mem>> -> memref<1x!tpu.dma_semaphore, #tpu.memory_space<semaphore_mem>>
        %dma_start3A_2707 = tpu.memref_squeeze %dma_start3A_2706 : memref<1x!tpu.dma_semaphore, #tpu.memory_space<semaphore_mem>> -> memref<!tpu.dma_semaphore, #tpu.memory_space<semaphore_mem>>
        %dma_start3A_2708 = arith.constant 0 : i32
        %dma_start3A_2709 = tpu.memref_slice %arg13[%dma_start3A_2699, %dma_start3A_2708] : memref<2x64xi32, #tpu.memory_space<vmem>> -> memref<1x64xi32, #tpu.memory_space<vmem>>
        %dma_start3A_2710 = tpu.memref_squeeze %dma_start3A_2709 : memref<1x64xi32, #tpu.memory_space<vmem>> -> memref<64xi32, #tpu.memory_space<vmem>>
        %dma_start3A_2711 = tpu.memref_slice %arg5[%select_n3A, %add3A_2644] : memref<8x16384xi32, #tpu.memory_space<hbm>> -> memref<1x64xi32, #tpu.memory_space<hbm>>
        %dma_start3A_2712 = tpu.memref_squeeze %dma_start3A_2711 : memref<1x64xi32, #tpu.memory_space<hbm>> -> memref<64xi32, #tpu.memory_space<hbm>>
        tpu.enqueue_dma source(%dma_start3A_2712 : memref<64xi32, #tpu.memory_space<hbm>>) target(%dma_start3A_2710 : memref<64xi32, #tpu.memory_space<vmem>>) target_semaphore(%dma_start3A_2707 : memref<!tpu.dma_semaphore, #tpu.memory_space<semaphore_mem>>)
      } else {
      }
      %add3A_1430 = arith.constant 1 : i32
      %add3A_1431 = arith.addi %mul3A_223, %add3A_1430 : i32
      %mul3A_1432 = arith.constant 64 : i32
      %mul3A_1433 = arith.muli %add3A_1431, %mul3A_1432 : i32
      %add3A_1434 = arith.addi %mul3A_32, %mul3A_1433 : i32
      %dma_wait3A_1435 = arith.constant 1 : i32
      %dma_wait3A_1436 = arith.constant 1 : i32
      %dma_wait3A_1437 = arith.constant 0 : i32
      %dma_wait3A_1438 = arith.constant 0 : i32
      %dma_wait3A_1439 = tpu.memref_slice %arg10[%dma_wait3A_1435, %dma_wait3A_1437, %dma_wait3A_1438] : memref<2x256x64xf32, #tpu.memory_space<vmem>> -> memref<1x256x64xf32, #tpu.memory_space<vmem>>
      %dma_wait3A_1440 = tpu.memref_squeeze %dma_wait3A_1439 : memref<1x256x64xf32, #tpu.memory_space<vmem>> -> memref<256x64xf32, #tpu.memory_space<vmem>>
      %dma_wait3A_1441 = arith.constant 0 : i32
      %dma_wait3A_1442 = tpu.memref_slice %arg2[%select_n3A, %dma_wait3A_1441, %add3A_1434] : memref<8x256x16384xf32, #tpu.memory_space<hbm>> -> memref<1x256x64xf32, #tpu.memory_space<hbm>>
      %dma_wait3A_1443 = tpu.memref_squeeze %dma_wait3A_1442 : memref<1x256x64xf32, #tpu.memory_space<hbm>> -> memref<256x64xf32, #tpu.memory_space<hbm>>
      %dma_wait3A_1444 = tpu.memref_slice %arg21[%dma_wait3A_1436] : memref<2x!tpu.dma_semaphore, #tpu.memory_space<semaphore_mem>> -> memref<1x!tpu.dma_semaphore, #tpu.memory_space<semaphore_mem>>
      %dma_wait3A_1445 = tpu.memref_squeeze %dma_wait3A_1444 : memref<1x!tpu.dma_semaphore, #tpu.memory_space<semaphore_mem>> -> memref<!tpu.dma_semaphore, #tpu.memory_space<semaphore_mem>>
      %dma_wait3A_1446 = arith.constant 0 : i32
      %dma_wait3A_1447 = arith.constant 0 : i32
      %dma_wait3A_1448 = tpu.memref_slice %arg10[%dma_wait3A_1435, %dma_wait3A_1446, %dma_wait3A_1447] : memref<2x256x64xf32, #tpu.memory_space<vmem>> -> memref<1x256x64xf32, #tpu.memory_space<vmem>>
      %dma_wait3A_1449 = tpu.memref_squeeze %dma_wait3A_1448 : memref<1x256x64xf32, #tpu.memory_space<vmem>> -> memref<256x64xf32, #tpu.memory_space<vmem>>
      %dma_wait3A_1450 = arith.constant 0 : i32
      %dma_wait3A_1451 = tpu.memref_slice %arg2[%select_n3A, %dma_wait3A_1450, %add3A_1434] : memref<8x256x16384xf32, #tpu.memory_space<hbm>> -> memref<1x256x64xf32, #tpu.memory_space<hbm>>
      %dma_wait3A_1452 = tpu.memref_squeeze %dma_wait3A_1451 : memref<1x256x64xf32, #tpu.memory_space<hbm>> -> memref<256x64xf32, #tpu.memory_space<hbm>>
      tpu.wait_dma2 semaphore(%dma_wait3A_1445 : memref<!tpu.dma_semaphore, #tpu.memory_space<semaphore_mem>>) src(%dma_wait3A_1452 : memref<256x64xf32, #tpu.memory_space<hbm>>) dst(%dma_wait3A_1449 : memref<256x64xf32, #tpu.memory_space<vmem>>)
      %dma_wait3A_1453 = arith.constant 1 : i32
      %dma_wait3A_1454 = arith.constant 1 : i32
      %dma_wait3A_1455 = arith.constant 0 : i32
      %dma_wait3A_1456 = arith.constant 0 : i32
      %dma_wait3A_1457 = tpu.memref_slice %arg11[%dma_wait3A_1453, %dma_wait3A_1455, %dma_wait3A_1456] : memref<2x256x64xf32, #tpu.memory_space<vmem>> -> memref<1x256x64xf32, #tpu.memory_space<vmem>>
      %dma_wait3A_1458 = tpu.memref_squeeze %dma_wait3A_1457 : memref<1x256x64xf32, #tpu.memory_space<vmem>> -> memref<256x64xf32, #tpu.memory_space<vmem>>
      %dma_wait3A_1459 = arith.constant 0 : i32
      %dma_wait3A_1460 = tpu.memref_slice %arg3[%select_n3A, %dma_wait3A_1459, %add3A_1434] : memref<8x256x16384xf32, #tpu.memory_space<hbm>> -> memref<1x256x64xf32, #tpu.memory_space<hbm>>
      %dma_wait3A_1461 = tpu.memref_squeeze %dma_wait3A_1460 : memref<1x256x64xf32, #tpu.memory_space<hbm>> -> memref<256x64xf32, #tpu.memory_space<hbm>>
      %dma_wait3A_1462 = tpu.memref_slice %arg21[%dma_wait3A_1454] : memref<2x!tpu.dma_semaphore, #tpu.memory_space<semaphore_mem>> -> memref<1x!tpu.dma_semaphore, #tpu.memory_space<semaphore_mem>>
      %dma_wait3A_1463 = tpu.memref_squeeze %dma_wait3A_1462 : memref<1x!tpu.dma_semaphore, #tpu.memory_space<semaphore_mem>> -> memref<!tpu.dma_semaphore, #tpu.memory_space<semaphore_mem>>
      %dma_wait3A_1464 = arith.constant 0 : i32
      %dma_wait3A_1465 = arith.constant 0 : i32
      %dma_wait3A_1466 = tpu.memref_slice %arg11[%dma_wait3A_1453, %dma_wait3A_1464, %dma_wait3A_1465] : memref<2x256x64xf32, #tpu.memory_space<vmem>> -> memref<1x256x64xf32, #tpu.memory_space<vmem>>
      %dma_wait3A_1467 = tpu.memref_squeeze %dma_wait3A_1466 : memref<1x256x64xf32, #tpu.memory_space<vmem>> -> memref<256x64xf32, #tpu.memory_space<vmem>>
      %dma_wait3A_1468 = arith.constant 0 : i32
      %dma_wait3A_1469 = tpu.memref_slice %arg3[%select_n3A, %dma_wait3A_1468, %add3A_1434] : memref<8x256x16384xf32, #tpu.memory_space<hbm>> -> memref<1x256x64xf32, #tpu.memory_space<hbm>>
      %dma_wait3A_1470 = tpu.memref_squeeze %dma_wait3A_1469 : memref<1x256x64xf32, #tpu.memory_space<hbm>> -> memref<256x64xf32, #tpu.memory_space<hbm>>
      tpu.wait_dma2 semaphore(%dma_wait3A_1463 : memref<!tpu.dma_semaphore, #tpu.memory_space<semaphore_mem>>) src(%dma_wait3A_1470 : memref<256x64xf32, #tpu.memory_space<hbm>>) dst(%dma_wait3A_1467 : memref<256x64xf32, #tpu.memory_space<vmem>>)
      %dma_wait3A_1471 = arith.constant 1 : i32
      %dma_wait3A_1472 = arith.constant 1 : i32
      %dma_wait3A_1473 = arith.constant 0 : i32
      %dma_wait3A_1474 = arith.constant 0 : i32
      %dma_wait3A_1475 = tpu.memref_slice %arg12[%dma_wait3A_1471, %dma_wait3A_1473, %dma_wait3A_1474] : memref<2x21x64xf32, #tpu.memory_space<vmem>> -> memref<1x21x64xf32, #tpu.memory_space<vmem>>
      %dma_wait3A_1476 = tpu.memref_squeeze %dma_wait3A_1475 : memref<1x21x64xf32, #tpu.memory_space<vmem>> -> memref<21x64xf32, #tpu.memory_space<vmem>>
      %dma_wait3A_1477 = arith.constant 0 : i32
      %dma_wait3A_1478 = tpu.memref_slice %arg4[%select_n3A, %dma_wait3A_1477, %add3A_1434] : memref<8x21x16384xf32, #tpu.memory_space<hbm>> -> memref<1x21x64xf32, #tpu.memory_space<hbm>>
      %dma_wait3A_1479 = tpu.memref_squeeze %dma_wait3A_1478 : memref<1x21x64xf32, #tpu.memory_space<hbm>> -> memref<21x64xf32, #tpu.memory_space<hbm>>
      %dma_wait3A_1480 = tpu.memref_slice %arg21[%dma_wait3A_1472] : memref<2x!tpu.dma_semaphore, #tpu.memory_space<semaphore_mem>> -> memref<1x!tpu.dma_semaphore, #tpu.memory_space<semaphore_mem>>
      %dma_wait3A_1481 = tpu.memref_squeeze %dma_wait3A_1480 : memref<1x!tpu.dma_semaphore, #tpu.memory_space<semaphore_mem>> -> memref<!tpu.dma_semaphore, #tpu.memory_space<semaphore_mem>>
      %dma_wait3A_1482 = arith.constant 0 : i32
      %dma_wait3A_1483 = arith.constant 0 : i32
      %dma_wait3A_1484 = tpu.memref_slice %arg12[%dma_wait3A_1471, %dma_wait3A_1482, %dma_wait3A_1483] : memref<2x21x64xf32, #tpu.memory_space<vmem>> -> memref<1x21x64xf32, #tpu.memory_space<vmem>>
      %dma_wait3A_1485 = tpu.memref_squeeze %dma_wait3A_1484 : memref<1x21x64xf32, #tpu.memory_space<vmem>> -> memref<21x64xf32, #tpu.memory_space<vmem>>
      %dma_wait3A_1486 = arith.constant 0 : i32
      %dma_wait3A_1487 = tpu.memref_slice %arg4[%select_n3A, %dma_wait3A_1486, %add3A_1434] : memref<8x21x16384xf32, #tpu.memory_space<hbm>> -> memref<1x21x64xf32, #tpu.memory_space<hbm>>
      %dma_wait3A_1488 = tpu.memref_squeeze %dma_wait3A_1487 : memref<1x21x64xf32, #tpu.memory_space<hbm>> -> memref<21x64xf32, #tpu.memory_space<hbm>>
      tpu.wait_dma2 semaphore(%dma_wait3A_1481 : memref<!tpu.dma_semaphore, #tpu.memory_space<semaphore_mem>>) src(%dma_wait3A_1488 : memref<21x64xf32, #tpu.memory_space<hbm>>) dst(%dma_wait3A_1485 : memref<21x64xf32, #tpu.memory_space<vmem>>)
      %dma_wait3A_1489 = arith.constant 1 : i32
      %dma_wait3A_1490 = arith.constant 1 : i32
      %dma_wait3A_1491 = arith.constant 0 : i32
      %dma_wait3A_1492 = tpu.memref_slice %arg13[%dma_wait3A_1489, %dma_wait3A_1491] : memref<2x64xi32, #tpu.memory_space<vmem>> -> memref<1x64xi32, #tpu.memory_space<vmem>>
      %dma_wait3A_1493 = tpu.memref_squeeze %dma_wait3A_1492 : memref<1x64xi32, #tpu.memory_space<vmem>> -> memref<64xi32, #tpu.memory_space<vmem>>
      %dma_wait3A_1494 = tpu.memref_slice %arg5[%select_n3A, %add3A_1434] : memref<8x16384xi32, #tpu.memory_space<hbm>> -> memref<1x64xi32, #tpu.memory_space<hbm>>
      %dma_wait3A_1495 = tpu.memref_squeeze %dma_wait3A_1494 : memref<1x64xi32, #tpu.memory_space<hbm>> -> memref<64xi32, #tpu.memory_space<hbm>>
      %dma_wait3A_1496 = tpu.memref_slice %arg21[%dma_wait3A_1490] : memref<2x!tpu.dma_semaphore, #tpu.memory_space<semaphore_mem>> -> memref<1x!tpu.dma_semaphore, #tpu.memory_space<semaphore_mem>>
      %dma_wait3A_1497 = tpu.memref_squeeze %dma_wait3A_1496 : memref<1x!tpu.dma_semaphore, #tpu.memory_space<semaphore_mem>> -> memref<!tpu.dma_semaphore, #tpu.memory_space<semaphore_mem>>
      %dma_wait3A_1498 = arith.constant 0 : i32
      %dma_wait3A_1499 = tpu.memref_slice %arg13[%dma_wait3A_1489, %dma_wait3A_1498] : memref<2x64xi32, #tpu.memory_space<vmem>> -> memref<1x64xi32, #tpu.memory_space<vmem>>
      %dma_wait3A_1500 = tpu.memref_squeeze %dma_wait3A_1499 : memref<1x64xi32, #tpu.memory_space<vmem>> -> memref<64xi32, #tpu.memory_space<vmem>>
      %dma_wait3A_1501 = tpu.memref_slice %arg5[%select_n3A, %add3A_1434] : memref<8x16384xi32, #tpu.memory_space<hbm>> -> memref<1x64xi32, #tpu.memory_space<hbm>>
      %dma_wait3A_1502 = tpu.memref_squeeze %dma_wait3A_1501 : memref<1x64xi32, #tpu.memory_space<hbm>> -> memref<64xi32, #tpu.memory_space<hbm>>
      tpu.wait_dma2 semaphore(%dma_wait3A_1497 : memref<!tpu.dma_semaphore, #tpu.memory_space<semaphore_mem>>) src(%dma_wait3A_1502 : memref<64xi32, #tpu.memory_space<hbm>>) dst(%dma_wait3A_1500 : memref<64xi32, #tpu.memory_space<vmem>>)
      %get3A_1503 = arith.constant 1 : i32
      %get3A_1504 = arith.constant 0 : i32
      %get3A_1505 = arith.constant 0 : i32
      %get3A_1506 = arith.constant 0 : i32
      %get3A_1507 = tpu.memref_slice %arg12[%get3A_1503, %get3A_1505, %get3A_1506] : memref<2x21x64xf32, #tpu.memory_space<vmem>> -> memref<1x21x64xf32, #tpu.memory_space<vmem>>
      %get3A_1508 = tpu.memref_squeeze %get3A_1507 : memref<1x21x64xf32, #tpu.memory_space<vmem>> -> memref<21x64xf32, #tpu.memory_space<vmem>>
      %get3A_1509 = arith.index_cast %get3A_1504 : i32 to index
      %get3A_1510 = arith.constant 0 : index
      %get3A_1511 = tpu.vector_load %get3A_1508[%get3A_1509, %get3A_1510] {strides = array<i32>} : memref<21x64xf32, #tpu.memory_space<vmem>>, vector<16xf32>,
      %get3A_1512 = arith.constant 1 : i32
      %get3A_1513 = arith.constant 0 : i32
      %get3A_1514 = arith.constant 0 : i32
      %get3A_1515 = arith.constant 0 : i32
      %get3A_1516 = tpu.memref_slice %arg12[%get3A_1512, %get3A_1514, %get3A_1515] : memref<2x21x64xf32, #tpu.memory_space<vmem>> -> memref<1x21x64xf32, #tpu.memory_space<vmem>>
      %get3A_1517 = tpu.memref_squeeze %get3A_1516 : memref<1x21x64xf32, #tpu.memory_space<vmem>> -> memref<21x64xf32, #tpu.memory_space<vmem>>
      %get3A_1518 = arith.index_cast %get3A_1513 : i32 to index
      %get3A_1519 = arith.constant 16 : index
      %get3A_1520 = tpu.vector_load %get3A_1517[%get3A_1518, %get3A_1519] {strides = array<i32>} : memref<21x64xf32, #tpu.memory_space<vmem>>, vector<16xf32>,
      %get3A_1521 = arith.constant 1 : i32
      %get3A_1522 = arith.constant 0 : i32
      %get3A_1523 = arith.constant 0 : i32
      %get3A_1524 = arith.constant 0 : i32
      %get3A_1525 = tpu.memref_slice %arg12[%get3A_1521, %get3A_1523, %get3A_1524] : memref<2x21x64xf32, #tpu.memory_space<vmem>> -> memref<1x21x64xf32, #tpu.memory_space<vmem>>
      %get3A_1526 = tpu.memref_squeeze %get3A_1525 : memref<1x21x64xf32, #tpu.memory_space<vmem>> -> memref<21x64xf32, #tpu.memory_space<vmem>>
      %get3A_1527 = arith.index_cast %get3A_1522 : i32 to index
      %get3A_1528 = arith.constant 32 : index
      %get3A_1529 = tpu.vector_load %get3A_1526[%get3A_1527, %get3A_1528] {strides = array<i32>} : memref<21x64xf32, #tpu.memory_space<vmem>>, vector<16xf32>,
      %get3A_1530 = arith.constant 1 : i32
      %get3A_1531 = arith.constant 0 : i32
      %get3A_1532 = arith.constant 0 : i32
      %get3A_1533 = arith.constant 0 : i32
      %get3A_1534 = tpu.memref_slice %arg12[%get3A_1530, %get3A_1532, %get3A_1533] : memref<2x21x64xf32, #tpu.memory_space<vmem>> -> memref<1x21x64xf32, #tpu.memory_space<vmem>>
      %get3A_1535 = tpu.memref_squeeze %get3A_1534 : memref<1x21x64xf32, #tpu.memory_space<vmem>> -> memref<21x64xf32, #tpu.memory_space<vmem>>
      %get3A_1536 = arith.index_cast %get3A_1531 : i32 to index
      %get3A_1537 = arith.constant 48 : index
      %get3A_1538 = tpu.vector_load %get3A_1535[%get3A_1536, %get3A_1537] {strides = array<i32>} : memref<21x64xf32, #tpu.memory_space<vmem>>, vector<16xf32>,
      %broadcast_in_dim3A_1539 = arith.constant 0 : i32
      %broadcast_in_dim3A_1540 = vector.broadcast %broadcast_in_dim3A_1539 : i32 to vector<16xi32>
      %broadcast_in_dim3A_1541 = arith.constant 0 : i32
      %broadcast_in_dim3A_1542 = vector.broadcast %broadcast_in_dim3A_1541 : i32 to vector<16xi32>
      %broadcast_in_dim3A_1543 = arith.constant 0 : i32
      %broadcast_in_dim3A_1544 = vector.broadcast %broadcast_in_dim3A_1543 : i32 to vector<16xi32>
      %broadcast_in_dim3A_1545 = arith.constant 0 : i32
      %broadcast_in_dim3A_1546 = vector.broadcast %broadcast_in_dim3A_1545 : i32 to vector<16xi32>
      %broadcast_in_dim3A_1547 = arith.constant 1 : i32
      %broadcast_in_dim3A_1548 = vector.broadcast %broadcast_in_dim3A_1547 : i32 to vector<16xi32>
      %get3A_1549 = arith.constant 1 : i32
      %get3A_1550 = arith.constant 1 : i32
      %get3A_1551 = arith.constant 0 : i32
      %get3A_1552 = arith.constant 0 : i32
      %get3A_1553 = tpu.memref_slice %arg12[%get3A_1549, %get3A_1551, %get3A_1552] : memref<2x21x64xf32, #tpu.memory_space<vmem>> -> memref<1x21x64xf32, #tpu.memory_space<vmem>>
      %get3A_1554 = tpu.memref_squeeze %get3A_1553 : memref<1x21x64xf32, #tpu.memory_space<vmem>> -> memref<21x64xf32, #tpu.memory_space<vmem>>
      %get3A_1555 = arith.index_cast %get3A_1550 : i32 to index
      %get3A_1556 = arith.constant 0 : index
      %get3A_1557 = tpu.vector_load %get3A_1554[%get3A_1555, %get3A_1556] {strides = array<i32>} : memref<21x64xf32, #tpu.memory_space<vmem>>, vector<16xf32>,
      %gt3A_1558 = arith.cmpf ogt, %get3A_1557, %get3A_1511 : vector<16xf32>
      %select_n3A_1559 = arith.select %gt3A_1558, %get3A_1557, %get3A_1511 : vector<16xi1>, vector<16xf32>
      %select_n3A_1560 = arith.select %gt3A_1558, %broadcast_in_dim3A_1548, %broadcast_in_dim3A_1540 : vector<16xi1>, vector<16xi32>
      %get3A_1561 = arith.constant 1 : i32
      %get3A_1562 = arith.constant 1 : i32
      %get3A_1563 = arith.constant 0 : i32
      %get3A_1564 = arith.constant 0 : i32
      %get3A_1565 = tpu.memref_slice %arg12[%get3A_1561, %get3A_1563, %get3A_1564] : memref<2x21x64xf32, #tpu.memory_space<vmem>> -> memref<1x21x64xf32, #tpu.memory_space<vmem>>
      %get3A_1566 = tpu.memref_squeeze %get3A_1565 : memref<1x21x64xf32, #tpu.memory_space<vmem>> -> memref<21x64xf32, #tpu.memory_space<vmem>>
      %get3A_1567 = arith.index_cast %get3A_1562 : i32 to index
      %get3A_1568 = arith.constant 16 : index
      %get3A_1569 = tpu.vector_load %get3A_1566[%get3A_1567, %get3A_1568] {strides = array<i32>} : memref<21x64xf32, #tpu.memory_space<vmem>>, vector<16xf32>,
      %gt3A_1570 = arith.cmpf ogt, %get3A_1569, %get3A_1520 : vector<16xf32>
      %select_n3A_1571 = arith.select %gt3A_1570, %get3A_1569, %get3A_1520 : vector<16xi1>, vector<16xf32>
      %select_n3A_1572 = arith.select %gt3A_1570, %broadcast_in_dim3A_1548, %broadcast_in_dim3A_1542 : vector<16xi1>, vector<16xi32>
      %get3A_1573 = arith.constant 1 : i32
      %get3A_1574 = arith.constant 1 : i32
      %get3A_1575 = arith.constant 0 : i32
      %get3A_1576 = arith.constant 0 : i32
      %get3A_1577 = tpu.memref_slice %arg12[%get3A_1573, %get3A_1575, %get3A_1576] : memref<2x21x64xf32, #tpu.memory_space<vmem>> -> memref<1x21x64xf32, #tpu.memory_space<vmem>>
      %get3A_1578 = tpu.memref_squeeze %get3A_1577 : memref<1x21x64xf32, #tpu.memory_space<vmem>> -> memref<21x64xf32, #tpu.memory_space<vmem>>
      %get3A_1579 = arith.index_cast %get3A_1574 : i32 to index
      %get3A_1580 = arith.constant 32 : index
      %get3A_1581 = tpu.vector_load %get3A_1578[%get3A_1579, %get3A_1580] {strides = array<i32>} : memref<21x64xf32, #tpu.memory_space<vmem>>, vector<16xf32>,
      %gt3A_1582 = arith.cmpf ogt, %get3A_1581, %get3A_1529 : vector<16xf32>
      %select_n3A_1583 = arith.select %gt3A_1582, %get3A_1581, %get3A_1529 : vector<16xi1>, vector<16xf32>
      %select_n3A_1584 = arith.select %gt3A_1582, %broadcast_in_dim3A_1548, %broadcast_in_dim3A_1544 : vector<16xi1>, vector<16xi32>
      %get3A_1585 = arith.constant 1 : i32
      %get3A_1586 = arith.constant 1 : i32
      %get3A_1587 = arith.constant 0 : i32
      %get3A_1588 = arith.constant 0 : i32
      %get3A_1589 = tpu.memref_slice %arg12[%get3A_1585, %get3A_1587, %get3A_1588] : memref<2x21x64xf32, #tpu.memory_space<vmem>> -> memref<1x21x64xf32, #tpu.memory_space<vmem>>
      %get3A_1590 = tpu.memref_squeeze %get3A_1589 : memref<1x21x64xf32, #tpu.memory_space<vmem>> -> memref<21x64xf32, #tpu.memory_space<vmem>>
      %get3A_1591 = arith.index_cast %get3A_1586 : i32 to index
      %get3A_1592 = arith.constant 48 : index
      %get3A_1593 = tpu.vector_load %get3A_1590[%get3A_1591, %get3A_1592] {strides = array<i32>} : memref<21x64xf32, #tpu.memory_space<vmem>>, vector<16xf32>,
      %gt3A_1594 = arith.cmpf ogt, %get3A_1593, %get3A_1538 : vector<16xf32>
      %select_n3A_1595 = arith.select %gt3A_1594, %get3A_1593, %get3A_1538 : vector<16xi1>, vector<16xf32>
      %select_n3A_1596 = arith.select %gt3A_1594, %broadcast_in_dim3A_1548, %broadcast_in_dim3A_1546 : vector<16xi1>, vector<16xi32>
      %broadcast_in_dim3A_1597 = arith.constant 2 : i32
      %broadcast_in_dim3A_1598 = vector.broadcast %broadcast_in_dim3A_1597 : i32 to vector<16xi32>
      %get3A_1599 = arith.constant 1 : i32
      %get3A_1600 = arith.constant 2 : i32
      %get3A_1601 = arith.constant 0 : i32
      %get3A_1602 = arith.constant 0 : i32
      %get3A_1603 = tpu.memref_slice %arg12[%get3A_1599, %get3A_1601, %get3A_1602] : memref<2x21x64xf32, #tpu.memory_space<vmem>> -> memref<1x21x64xf32, #tpu.memory_space<vmem>>
      %get3A_1604 = tpu.memref_squeeze %get3A_1603 : memref<1x21x64xf32, #tpu.memory_space<vmem>> -> memref<21x64xf32, #tpu.memory_space<vmem>>
      %get3A_1605 = arith.index_cast %get3A_1600 : i32 to index
      %get3A_1606 = arith.constant 0 : index
      %get3A_1607 = tpu.vector_load %get3A_1604[%get3A_1605, %get3A_1606] {strides = array<i32>} : memref<21x64xf32, #tpu.memory_space<vmem>>, vector<16xf32>,
      %gt3A_1608 = arith.cmpf ogt, %get3A_1607, %select_n3A_1559 : vector<16xf32>
      %select_n3A_1609 = arith.select %gt3A_1608, %get3A_1607, %select_n3A_1559 : vector<16xi1>, vector<16xf32>
      %select_n3A_1610 = arith.select %gt3A_1608, %broadcast_in_dim3A_1598, %select_n3A_1560 : vector<16xi1>, vector<16xi32>
      %get3A_1611 = arith.constant 1 : i32
      %get3A_1612 = arith.constant 2 : i32
      %get3A_1613 = arith.constant 0 : i32
      %get3A_1614 = arith.constant 0 : i32
      %get3A_1615 = tpu.memref_slice %arg12[%get3A_1611, %get3A_1613, %get3A_1614] : memref<2x21x64xf32, #tpu.memory_space<vmem>> -> memref<1x21x64xf32, #tpu.memory_space<vmem>>
      %get3A_1616 = tpu.memref_squeeze %get3A_1615 : memref<1x21x64xf32, #tpu.memory_space<vmem>> -> memref<21x64xf32, #tpu.memory_space<vmem>>
      %get3A_1617 = arith.index_cast %get3A_1612 : i32 to index
      %get3A_1618 = arith.constant 16 : index
      %get3A_1619 = tpu.vector_load %get3A_1616[%get3A_1617, %get3A_1618] {strides = array<i32>} : memref<21x64xf32, #tpu.memory_space<vmem>>, vector<16xf32>,
      %gt3A_1620 = arith.cmpf ogt, %get3A_1619, %select_n3A_1571 : vector<16xf32>
      %select_n3A_1621 = arith.select %gt3A_1620, %get3A_1619, %select_n3A_1571 : vector<16xi1>, vector<16xf32>
      %select_n3A_1622 = arith.select %gt3A_1620, %broadcast_in_dim3A_1598, %select_n3A_1572 : vector<16xi1>, vector<16xi32>
      %get3A_1623 = arith.constant 1 : i32
      %get3A_1624 = arith.constant 2 : i32
      %get3A_1625 = arith.constant 0 : i32
      %get3A_1626 = arith.constant 0 : i32
      %get3A_1627 = tpu.memref_slice %arg12[%get3A_1623, %get3A_1625, %get3A_1626] : memref<2x21x64xf32, #tpu.memory_space<vmem>> -> memref<1x21x64xf32, #tpu.memory_space<vmem>>
      %get3A_1628 = tpu.memref_squeeze %get3A_1627 : memref<1x21x64xf32, #tpu.memory_space<vmem>> -> memref<21x64xf32, #tpu.memory_space<vmem>>
      %get3A_1629 = arith.index_cast %get3A_1624 : i32 to index
      %get3A_1630 = arith.constant 32 : index
      %get3A_1631 = tpu.vector_load %get3A_1628[%get3A_1629, %get3A_1630] {strides = array<i32>} : memref<21x64xf32, #tpu.memory_space<vmem>>, vector<16xf32>,
      %gt3A_1632 = arith.cmpf ogt, %get3A_1631, %select_n3A_1583 : vector<16xf32>
      %select_n3A_1633 = arith.select %gt3A_1632, %get3A_1631, %select_n3A_1583 : vector<16xi1>, vector<16xf32>
      %select_n3A_1634 = arith.select %gt3A_1632, %broadcast_in_dim3A_1598, %select_n3A_1584 : vector<16xi1>, vector<16xi32>
      %get3A_1635 = arith.constant 1 : i32
      %get3A_1636 = arith.constant 2 : i32
      %get3A_1637 = arith.constant 0 : i32
      %get3A_1638 = arith.constant 0 : i32
      %get3A_1639 = tpu.memref_slice %arg12[%get3A_1635, %get3A_1637, %get3A_1638] : memref<2x21x64xf32, #tpu.memory_space<vmem>> -> memref<1x21x64xf32, #tpu.memory_space<vmem>>
      %get3A_1640 = tpu.memref_squeeze %get3A_1639 : memref<1x21x64xf32, #tpu.memory_space<vmem>> -> memref<21x64xf32, #tpu.memory_space<vmem>>
      %get3A_1641 = arith.index_cast %get3A_1636 : i32 to index
      %get3A_1642 = arith.constant 48 : index
      %get3A_1643 = tpu.vector_load %get3A_1640[%get3A_1641, %get3A_1642] {strides = array<i32>} : memref<21x64xf32, #tpu.memory_space<vmem>>, vector<16xf32>,
      %gt3A_1644 = arith.cmpf ogt, %get3A_1643, %select_n3A_1595 : vector<16xf32>
      %select_n3A_1645 = arith.select %gt3A_1644, %get3A_1643, %select_n3A_1595 : vector<16xi1>, vector<16xf32>
      %select_n3A_1646 = arith.select %gt3A_1644, %broadcast_in_dim3A_1598, %select_n3A_1596 : vector<16xi1>, vector<16xi32>
      %broadcast_in_dim3A_1647 = arith.constant 3 : i32
      %broadcast_in_dim3A_1648 = vector.broadcast %broadcast_in_dim3A_1647 : i32 to vector<16xi32>
      %get3A_1649 = arith.constant 1 : i32
      %get3A_1650 = arith.constant 3 : i32
      %get3A_1651 = arith.constant 0 : i32
      %get3A_1652 = arith.constant 0 : i32
      %get3A_1653 = tpu.memref_slice %arg12[%get3A_1649, %get3A_1651, %get3A_1652] : memref<2x21x64xf32, #tpu.memory_space<vmem>> -> memref<1x21x64xf32, #tpu.memory_space<vmem>>
      %get3A_1654 = tpu.memref_squeeze %get3A_1653 : memref<1x21x64xf32, #tpu.memory_space<vmem>> -> memref<21x64xf32, #tpu.memory_space<vmem>>
      %get3A_1655 = arith.index_cast %get3A_1650 : i32 to index
      %get3A_1656 = arith.constant 0 : index
      %get3A_1657 = tpu.vector_load %get3A_1654[%get3A_1655, %get3A_1656] {strides = array<i32>} : memref<21x64xf32, #tpu.memory_space<vmem>>, vector<16xf32>,
      %gt3A_1658 = arith.cmpf ogt, %get3A_1657, %select_n3A_1609 : vector<16xf32>
      %select_n3A_1659 = arith.select %gt3A_1658, %get3A_1657, %select_n3A_1609 : vector<16xi1>, vector<16xf32>
      %select_n3A_1660 = arith.select %gt3A_1658, %broadcast_in_dim3A_1648, %select_n3A_1610 : vector<16xi1>, vector<16xi32>
      %get3A_1661 = arith.constant 1 : i32
      %get3A_1662 = arith.constant 3 : i32
      %get3A_1663 = arith.constant 0 : i32
      %get3A_1664 = arith.constant 0 : i32
      %get3A_1665 = tpu.memref_slice %arg12[%get3A_1661, %get3A_1663, %get3A_1664] : memref<2x21x64xf32, #tpu.memory_space<vmem>> -> memref<1x21x64xf32, #tpu.memory_space<vmem>>
      %get3A_1666 = tpu.memref_squeeze %get3A_1665 : memref<1x21x64xf32, #tpu.memory_space<vmem>> -> memref<21x64xf32, #tpu.memory_space<vmem>>
      %get3A_1667 = arith.index_cast %get3A_1662 : i32 to index
      %get3A_1668 = arith.constant 16 : index
      %get3A_1669 = tpu.vector_load %get3A_1666[%get3A_1667, %get3A_1668] {strides = array<i32>} : memref<21x64xf32, #tpu.memory_space<vmem>>, vector<16xf32>,
      %gt3A_1670 = arith.cmpf ogt, %get3A_1669, %select_n3A_1621 : vector<16xf32>
      %select_n3A_1671 = arith.select %gt3A_1670, %get3A_1669, %select_n3A_1621 : vector<16xi1>, vector<16xf32>
      %select_n3A_1672 = arith.select %gt3A_1670, %broadcast_in_dim3A_1648, %select_n3A_1622 : vector<16xi1>, vector<16xi32>
      %get3A_1673 = arith.constant 1 : i32
      %get3A_1674 = arith.constant 3 : i32
      %get3A_1675 = arith.constant 0 : i32
      %get3A_1676 = arith.constant 0 : i32
      %get3A_1677 = tpu.memref_slice %arg12[%get3A_1673, %get3A_1675, %get3A_1676] : memref<2x21x64xf32, #tpu.memory_space<vmem>> -> memref<1x21x64xf32, #tpu.memory_space<vmem>>
      %get3A_1678 = tpu.memref_squeeze %get3A_1677 : memref<1x21x64xf32, #tpu.memory_space<vmem>> -> memref<21x64xf32, #tpu.memory_space<vmem>>
      %get3A_1679 = arith.index_cast %get3A_1674 : i32 to index
      %get3A_1680 = arith.constant 32 : index
      %get3A_1681 = tpu.vector_load %get3A_1678[%get3A_1679, %get3A_1680] {strides = array<i32>} : memref<21x64xf32, #tpu.memory_space<vmem>>, vector<16xf32>,
      %gt3A_1682 = arith.cmpf ogt, %get3A_1681, %select_n3A_1633 : vector<16xf32>
      %select_n3A_1683 = arith.select %gt3A_1682, %get3A_1681, %select_n3A_1633 : vector<16xi1>, vector<16xf32>
      %select_n3A_1684 = arith.select %gt3A_1682, %broadcast_in_dim3A_1648, %select_n3A_1634 : vector<16xi1>, vector<16xi32>
      %get3A_1685 = arith.constant 1 : i32
      %get3A_1686 = arith.constant 3 : i32
      %get3A_1687 = arith.constant 0 : i32
      %get3A_1688 = arith.constant 0 : i32
      %get3A_1689 = tpu.memref_slice %arg12[%get3A_1685, %get3A_1687, %get3A_1688] : memref<2x21x64xf32, #tpu.memory_space<vmem>> -> memref<1x21x64xf32, #tpu.memory_space<vmem>>
      %get3A_1690 = tpu.memref_squeeze %get3A_1689 : memref<1x21x64xf32, #tpu.memory_space<vmem>> -> memref<21x64xf32, #tpu.memory_space<vmem>>
      %get3A_1691 = arith.index_cast %get3A_1686 : i32 to index
      %get3A_1692 = arith.constant 48 : index
      %get3A_1693 = tpu.vector_load %get3A_1690[%get3A_1691, %get3A_1692] {strides = array<i32>} : memref<21x64xf32, #tpu.memory_space<vmem>>, vector<16xf32>,
      %gt3A_1694 = arith.cmpf ogt, %get3A_1693, %select_n3A_1645 : vector<16xf32>
      %select_n3A_1695 = arith.select %gt3A_1694, %get3A_1693, %select_n3A_1645 : vector<16xi1>, vector<16xf32>
      %select_n3A_1696 = arith.select %gt3A_1694, %broadcast_in_dim3A_1648, %select_n3A_1646 : vector<16xi1>, vector<16xi32>
      %broadcast_in_dim3A_1697 = arith.constant 4 : i32
      %broadcast_in_dim3A_1698 = vector.broadcast %broadcast_in_dim3A_1697 : i32 to vector<16xi32>
      %get3A_1699 = arith.constant 1 : i32
      %get3A_1700 = arith.constant 4 : i32
      %get3A_1701 = arith.constant 0 : i32
      %get3A_1702 = arith.constant 0 : i32
      %get3A_1703 = tpu.memref_slice %arg12[%get3A_1699, %get3A_1701, %get3A_1702] : memref<2x21x64xf32, #tpu.memory_space<vmem>> -> memref<1x21x64xf32, #tpu.memory_space<vmem>>
      %get3A_1704 = tpu.memref_squeeze %get3A_1703 : memref<1x21x64xf32, #tpu.memory_space<vmem>> -> memref<21x64xf32, #tpu.memory_space<vmem>>
      %get3A_1705 = arith.index_cast %get3A_1700 : i32 to index
      %get3A_1706 = arith.constant 0 : index
      %get3A_1707 = tpu.vector_load %get3A_1704[%get3A_1705, %get3A_1706] {strides = array<i32>} : memref<21x64xf32, #tpu.memory_space<vmem>>, vector<16xf32>,
      %gt3A_1708 = arith.cmpf ogt, %get3A_1707, %select_n3A_1659 : vector<16xf32>
      %select_n3A_1709 = arith.select %gt3A_1708, %get3A_1707, %select_n3A_1659 : vector<16xi1>, vector<16xf32>
      %select_n3A_1710 = arith.select %gt3A_1708, %broadcast_in_dim3A_1698, %select_n3A_1660 : vector<16xi1>, vector<16xi32>
      %get3A_1711 = arith.constant 1 : i32
      %get3A_1712 = arith.constant 4 : i32
      %get3A_1713 = arith.constant 0 : i32
      %get3A_1714 = arith.constant 0 : i32
      %get3A_1715 = tpu.memref_slice %arg12[%get3A_1711, %get3A_1713, %get3A_1714] : memref<2x21x64xf32, #tpu.memory_space<vmem>> -> memref<1x21x64xf32, #tpu.memory_space<vmem>>
      %get3A_1716 = tpu.memref_squeeze %get3A_1715 : memref<1x21x64xf32, #tpu.memory_space<vmem>> -> memref<21x64xf32, #tpu.memory_space<vmem>>
      %get3A_1717 = arith.index_cast %get3A_1712 : i32 to index
      %get3A_1718 = arith.constant 16 : index
      %get3A_1719 = tpu.vector_load %get3A_1716[%get3A_1717, %get3A_1718] {strides = array<i32>} : memref<21x64xf32, #tpu.memory_space<vmem>>, vector<16xf32>,
      %gt3A_1720 = arith.cmpf ogt, %get3A_1719, %select_n3A_1671 : vector<16xf32>
      %select_n3A_1721 = arith.select %gt3A_1720, %get3A_1719, %select_n3A_1671 : vector<16xi1>, vector<16xf32>
      %select_n3A_1722 = arith.select %gt3A_1720, %broadcast_in_dim3A_1698, %select_n3A_1672 : vector<16xi1>, vector<16xi32>
      %get3A_1723 = arith.constant 1 : i32
      %get3A_1724 = arith.constant 4 : i32
      %get3A_1725 = arith.constant 0 : i32
      %get3A_1726 = arith.constant 0 : i32
      %get3A_1727 = tpu.memref_slice %arg12[%get3A_1723, %get3A_1725, %get3A_1726] : memref<2x21x64xf32, #tpu.memory_space<vmem>> -> memref<1x21x64xf32, #tpu.memory_space<vmem>>
      %get3A_1728 = tpu.memref_squeeze %get3A_1727 : memref<1x21x64xf32, #tpu.memory_space<vmem>> -> memref<21x64xf32, #tpu.memory_space<vmem>>
      %get3A_1729 = arith.index_cast %get3A_1724 : i32 to index
      %get3A_1730 = arith.constant 32 : index
      %get3A_1731 = tpu.vector_load %get3A_1728[%get3A_1729, %get3A_1730] {strides = array<i32>} : memref<21x64xf32, #tpu.memory_space<vmem>>, vector<16xf32>,
      %gt3A_1732 = arith.cmpf ogt, %get3A_1731, %select_n3A_1683 : vector<16xf32>
      %select_n3A_1733 = arith.select %gt3A_1732, %get3A_1731, %select_n3A_1683 : vector<16xi1>, vector<16xf32>
      %select_n3A_1734 = arith.select %gt3A_1732, %broadcast_in_dim3A_1698, %select_n3A_1684 : vector<16xi1>, vector<16xi32>
      %get3A_1735 = arith.constant 1 : i32
      %get3A_1736 = arith.constant 4 : i32
      %get3A_1737 = arith.constant 0 : i32
      %get3A_1738 = arith.constant 0 : i32
      %get3A_1739 = tpu.memref_slice %arg12[%get3A_1735, %get3A_1737, %get3A_1738] : memref<2x21x64xf32, #tpu.memory_space<vmem>> -> memref<1x21x64xf32, #tpu.memory_space<vmem>>
      %get3A_1740 = tpu.memref_squeeze %get3A_1739 : memref<1x21x64xf32, #tpu.memory_space<vmem>> -> memref<21x64xf32, #tpu.memory_space<vmem>>
      %get3A_1741 = arith.index_cast %get3A_1736 : i32 to index
      %get3A_1742 = arith.constant 48 : index
      %get3A_1743 = tpu.vector_load %get3A_1740[%get3A_1741, %get3A_1742] {strides = array<i32>} : memref<21x64xf32, #tpu.memory_space<vmem>>, vector<16xf32>,
      %gt3A_1744 = arith.cmpf ogt, %get3A_1743, %select_n3A_1695 : vector<16xf32>
      %select_n3A_1745 = arith.select %gt3A_1744, %get3A_1743, %select_n3A_1695 : vector<16xi1>, vector<16xf32>
      %select_n3A_1746 = arith.select %gt3A_1744, %broadcast_in_dim3A_1698, %select_n3A_1696 : vector<16xi1>, vector<16xi32>
      %broadcast_in_dim3A_1747 = arith.constant 5 : i32
      %broadcast_in_dim3A_1748 = vector.broadcast %broadcast_in_dim3A_1747 : i32 to vector<16xi32>
      %get3A_1749 = arith.constant 1 : i32
      %get3A_1750 = arith.constant 5 : i32
      %get3A_1751 = arith.constant 0 : i32
      %get3A_1752 = arith.constant 0 : i32
      %get3A_1753 = tpu.memref_slice %arg12[%get3A_1749, %get3A_1751, %get3A_1752] : memref<2x21x64xf32, #tpu.memory_space<vmem>> -> memref<1x21x64xf32, #tpu.memory_space<vmem>>
      %get3A_1754 = tpu.memref_squeeze %get3A_1753 : memref<1x21x64xf32, #tpu.memory_space<vmem>> -> memref<21x64xf32, #tpu.memory_space<vmem>>
      %get3A_1755 = arith.index_cast %get3A_1750 : i32 to index
      %get3A_1756 = arith.constant 0 : index
      %get3A_1757 = tpu.vector_load %get3A_1754[%get3A_1755, %get3A_1756] {strides = array<i32>} : memref<21x64xf32, #tpu.memory_space<vmem>>, vector<16xf32>,
      %gt3A_1758 = arith.cmpf ogt, %get3A_1757, %select_n3A_1709 : vector<16xf32>
      %select_n3A_1759 = arith.select %gt3A_1758, %get3A_1757, %select_n3A_1709 : vector<16xi1>, vector<16xf32>
      %select_n3A_1760 = arith.select %gt3A_1758, %broadcast_in_dim3A_1748, %select_n3A_1710 : vector<16xi1>, vector<16xi32>
      %get3A_1761 = arith.constant 1 : i32
      %get3A_1762 = arith.constant 5 : i32
      %get3A_1763 = arith.constant 0 : i32
      %get3A_1764 = arith.constant 0 : i32
      %get3A_1765 = tpu.memref_slice %arg12[%get3A_1761, %get3A_1763, %get3A_1764] : memref<2x21x64xf32, #tpu.memory_space<vmem>> -> memref<1x21x64xf32, #tpu.memory_space<vmem>>
      %get3A_1766 = tpu.memref_squeeze %get3A_1765 : memref<1x21x64xf32, #tpu.memory_space<vmem>> -> memref<21x64xf32, #tpu.memory_space<vmem>>
      %get3A_1767 = arith.index_cast %get3A_1762 : i32 to index
      %get3A_1768 = arith.constant 16 : index
      %get3A_1769 = tpu.vector_load %get3A_1766[%get3A_1767, %get3A_1768] {strides = array<i32>} : memref<21x64xf32, #tpu.memory_space<vmem>>, vector<16xf32>,
      %gt3A_1770 = arith.cmpf ogt, %get3A_1769, %select_n3A_1721 : vector<16xf32>
      %select_n3A_1771 = arith.select %gt3A_1770, %get3A_1769, %select_n3A_1721 : vector<16xi1>, vector<16xf32>
      %select_n3A_1772 = arith.select %gt3A_1770, %broadcast_in_dim3A_1748, %select_n3A_1722 : vector<16xi1>, vector<16xi32>
      %get3A_1773 = arith.constant 1 : i32
      %get3A_1774 = arith.constant 5 : i32
      %get3A_1775 = arith.constant 0 : i32
      %get3A_1776 = arith.constant 0 : i32
      %get3A_1777 = tpu.memref_slice %arg12[%get3A_1773, %get3A_1775, %get3A_1776] : memref<2x21x64xf32, #tpu.memory_space<vmem>> -> memref<1x21x64xf32, #tpu.memory_space<vmem>>
      %get3A_1778 = tpu.memref_squeeze %get3A_1777 : memref<1x21x64xf32, #tpu.memory_space<vmem>> -> memref<21x64xf32, #tpu.memory_space<vmem>>
      %get3A_1779 = arith.index_cast %get3A_1774 : i32 to index
      %get3A_1780 = arith.constant 32 : index
      %get3A_1781 = tpu.vector_load %get3A_1778[%get3A_1779, %get3A_1780] {strides = array<i32>} : memref<21x64xf32, #tpu.memory_space<vmem>>, vector<16xf32>,
      %gt3A_1782 = arith.cmpf ogt, %get3A_1781, %select_n3A_1733 : vector<16xf32>
      %select_n3A_1783 = arith.select %gt3A_1782, %get3A_1781, %select_n3A_1733 : vector<16xi1>, vector<16xf32>
      %select_n3A_1784 = arith.select %gt3A_1782, %broadcast_in_dim3A_1748, %select_n3A_1734 : vector<16xi1>, vector<16xi32>
      %get3A_1785 = arith.constant 1 : i32
      %get3A_1786 = arith.constant 5 : i32
      %get3A_1787 = arith.constant 0 : i32
      %get3A_1788 = arith.constant 0 : i32
      %get3A_1789 = tpu.memref_slice %arg12[%get3A_1785, %get3A_1787, %get3A_1788] : memref<2x21x64xf32, #tpu.memory_space<vmem>> -> memref<1x21x64xf32, #tpu.memory_space<vmem>>
      %get3A_1790 = tpu.memref_squeeze %get3A_1789 : memref<1x21x64xf32, #tpu.memory_space<vmem>> -> memref<21x64xf32, #tpu.memory_space<vmem>>
      %get3A_1791 = arith.index_cast %get3A_1786 : i32 to index
      %get3A_1792 = arith.constant 48 : index
      %get3A_1793 = tpu.vector_load %get3A_1790[%get3A_1791, %get3A_1792] {strides = array<i32>} : memref<21x64xf32, #tpu.memory_space<vmem>>, vector<16xf32>,
      %gt3A_1794 = arith.cmpf ogt, %get3A_1793, %select_n3A_1745 : vector<16xf32>
      %select_n3A_1795 = arith.select %gt3A_1794, %get3A_1793, %select_n3A_1745 : vector<16xi1>, vector<16xf32>
      %select_n3A_1796 = arith.select %gt3A_1794, %broadcast_in_dim3A_1748, %select_n3A_1746 : vector<16xi1>, vector<16xi32>
      %broadcast_in_dim3A_1797 = arith.constant 6 : i32
      %broadcast_in_dim3A_1798 = vector.broadcast %broadcast_in_dim3A_1797 : i32 to vector<16xi32>
      %get3A_1799 = arith.constant 1 : i32
      %get3A_1800 = arith.constant 6 : i32
      %get3A_1801 = arith.constant 0 : i32
      %get3A_1802 = arith.constant 0 : i32
      %get3A_1803 = tpu.memref_slice %arg12[%get3A_1799, %get3A_1801, %get3A_1802] : memref<2x21x64xf32, #tpu.memory_space<vmem>> -> memref<1x21x64xf32, #tpu.memory_space<vmem>>
      %get3A_1804 = tpu.memref_squeeze %get3A_1803 : memref<1x21x64xf32, #tpu.memory_space<vmem>> -> memref<21x64xf32, #tpu.memory_space<vmem>>
      %get3A_1805 = arith.index_cast %get3A_1800 : i32 to index
      %get3A_1806 = arith.constant 0 : index
      %get3A_1807 = tpu.vector_load %get3A_1804[%get3A_1805, %get3A_1806] {strides = array<i32>} : memref<21x64xf32, #tpu.memory_space<vmem>>, vector<16xf32>,
      %gt3A_1808 = arith.cmpf ogt, %get3A_1807, %select_n3A_1759 : vector<16xf32>
      %select_n3A_1809 = arith.select %gt3A_1808, %get3A_1807, %select_n3A_1759 : vector<16xi1>, vector<16xf32>
      %select_n3A_1810 = arith.select %gt3A_1808, %broadcast_in_dim3A_1798, %select_n3A_1760 : vector<16xi1>, vector<16xi32>
      %get3A_1811 = arith.constant 1 : i32
      %get3A_1812 = arith.constant 6 : i32
      %get3A_1813 = arith.constant 0 : i32
      %get3A_1814 = arith.constant 0 : i32
      %get3A_1815 = tpu.memref_slice %arg12[%get3A_1811, %get3A_1813, %get3A_1814] : memref<2x21x64xf32, #tpu.memory_space<vmem>> -> memref<1x21x64xf32, #tpu.memory_space<vmem>>
      %get3A_1816 = tpu.memref_squeeze %get3A_1815 : memref<1x21x64xf32, #tpu.memory_space<vmem>> -> memref<21x64xf32, #tpu.memory_space<vmem>>
      %get3A_1817 = arith.index_cast %get3A_1812 : i32 to index
      %get3A_1818 = arith.constant 16 : index
      %get3A_1819 = tpu.vector_load %get3A_1816[%get3A_1817, %get3A_1818] {strides = array<i32>} : memref<21x64xf32, #tpu.memory_space<vmem>>, vector<16xf32>,
      %gt3A_1820 = arith.cmpf ogt, %get3A_1819, %select_n3A_1771 : vector<16xf32>
      %select_n3A_1821 = arith.select %gt3A_1820, %get3A_1819, %select_n3A_1771 : vector<16xi1>, vector<16xf32>
      %select_n3A_1822 = arith.select %gt3A_1820, %broadcast_in_dim3A_1798, %select_n3A_1772 : vector<16xi1>, vector<16xi32>
      %get3A_1823 = arith.constant 1 : i32
      %get3A_1824 = arith.constant 6 : i32
      %get3A_1825 = arith.constant 0 : i32
      %get3A_1826 = arith.constant 0 : i32
      %get3A_1827 = tpu.memref_slice %arg12[%get3A_1823, %get3A_1825, %get3A_1826] : memref<2x21x64xf32, #tpu.memory_space<vmem>> -> memref<1x21x64xf32, #tpu.memory_space<vmem>>
      %get3A_1828 = tpu.memref_squeeze %get3A_1827 : memref<1x21x64xf32, #tpu.memory_space<vmem>> -> memref<21x64xf32, #tpu.memory_space<vmem>>
      %get3A_1829 = arith.index_cast %get3A_1824 : i32 to index
      %get3A_1830 = arith.constant 32 : index
      %get3A_1831 = tpu.vector_load %get3A_1828[%get3A_1829, %get3A_1830] {strides = array<i32>} : memref<21x64xf32, #tpu.memory_space<vmem>>, vector<16xf32>,
      %gt3A_1832 = arith.cmpf ogt, %get3A_1831, %select_n3A_1783 : vector<16xf32>
      %select_n3A_1833 = arith.select %gt3A_1832, %get3A_1831, %select_n3A_1783 : vector<16xi1>, vector<16xf32>
      %select_n3A_1834 = arith.select %gt3A_1832, %broadcast_in_dim3A_1798, %select_n3A_1784 : vector<16xi1>, vector<16xi32>
      %get3A_1835 = arith.constant 1 : i32
      %get3A_1836 = arith.constant 6 : i32
      %get3A_1837 = arith.constant 0 : i32
      %get3A_1838 = arith.constant 0 : i32
      %get3A_1839 = tpu.memref_slice %arg12[%get3A_1835, %get3A_1837, %get3A_1838] : memref<2x21x64xf32, #tpu.memory_space<vmem>> -> memref<1x21x64xf32, #tpu.memory_space<vmem>>
      %get3A_1840 = tpu.memref_squeeze %get3A_1839 : memref<1x21x64xf32, #tpu.memory_space<vmem>> -> memref<21x64xf32, #tpu.memory_space<vmem>>
      %get3A_1841 = arith.index_cast %get3A_1836 : i32 to index
      %get3A_1842 = arith.constant 48 : index
      %get3A_1843 = tpu.vector_load %get3A_1840[%get3A_1841, %get3A_1842] {strides = array<i32>} : memref<21x64xf32, #tpu.memory_space<vmem>>, vector<16xf32>,
      %gt3A_1844 = arith.cmpf ogt, %get3A_1843, %select_n3A_1795 : vector<16xf32>
      %select_n3A_1845 = arith.select %gt3A_1844, %get3A_1843, %select_n3A_1795 : vector<16xi1>, vector<16xf32>
      %select_n3A_1846 = arith.select %gt3A_1844, %broadcast_in_dim3A_1798, %select_n3A_1796 : vector<16xi1>, vector<16xi32>
      %broadcast_in_dim3A_1847 = arith.constant 7 : i32
      %broadcast_in_dim3A_1848 = vector.broadcast %broadcast_in_dim3A_1847 : i32 to vector<16xi32>
      %get3A_1849 = arith.constant 1 : i32
      %get3A_1850 = arith.constant 7 : i32
      %get3A_1851 = arith.constant 0 : i32
      %get3A_1852 = arith.constant 0 : i32
      %get3A_1853 = tpu.memref_slice %arg12[%get3A_1849, %get3A_1851, %get3A_1852] : memref<2x21x64xf32, #tpu.memory_space<vmem>> -> memref<1x21x64xf32, #tpu.memory_space<vmem>>
      %get3A_1854 = tpu.memref_squeeze %get3A_1853 : memref<1x21x64xf32, #tpu.memory_space<vmem>> -> memref<21x64xf32, #tpu.memory_space<vmem>>
      %get3A_1855 = arith.index_cast %get3A_1850 : i32 to index
      %get3A_1856 = arith.constant 0 : index
      %get3A_1857 = tpu.vector_load %get3A_1854[%get3A_1855, %get3A_1856] {strides = array<i32>} : memref<21x64xf32, #tpu.memory_space<vmem>>, vector<16xf32>,
      %gt3A_1858 = arith.cmpf ogt, %get3A_1857, %select_n3A_1809 : vector<16xf32>
      %select_n3A_1859 = arith.select %gt3A_1858, %get3A_1857, %select_n3A_1809 : vector<16xi1>, vector<16xf32>
      %select_n3A_1860 = arith.select %gt3A_1858, %broadcast_in_dim3A_1848, %select_n3A_1810 : vector<16xi1>, vector<16xi32>
      %get3A_1861 = arith.constant 1 : i32
      %get3A_1862 = arith.constant 7 : i32
      %get3A_1863 = arith.constant 0 : i32
      %get3A_1864 = arith.constant 0 : i32
      %get3A_1865 = tpu.memref_slice %arg12[%get3A_1861, %get3A_1863, %get3A_1864] : memref<2x21x64xf32, #tpu.memory_space<vmem>> -> memref<1x21x64xf32, #tpu.memory_space<vmem>>
      %get3A_1866 = tpu.memref_squeeze %get3A_1865 : memref<1x21x64xf32, #tpu.memory_space<vmem>> -> memref<21x64xf32, #tpu.memory_space<vmem>>
      %get3A_1867 = arith.index_cast %get3A_1862 : i32 to index
      %get3A_1868 = arith.constant 16 : index
      %get3A_1869 = tpu.vector_load %get3A_1866[%get3A_1867, %get3A_1868] {strides = array<i32>} : memref<21x64xf32, #tpu.memory_space<vmem>>, vector<16xf32>,
      %gt3A_1870 = arith.cmpf ogt, %get3A_1869, %select_n3A_1821 : vector<16xf32>
      %select_n3A_1871 = arith.select %gt3A_1870, %get3A_1869, %select_n3A_1821 : vector<16xi1>, vector<16xf32>
      %select_n3A_1872 = arith.select %gt3A_1870, %broadcast_in_dim3A_1848, %select_n3A_1822 : vector<16xi1>, vector<16xi32>
      %get3A_1873 = arith.constant 1 : i32
      %get3A_1874 = arith.constant 7 : i32
      %get3A_1875 = arith.constant 0 : i32
      %get3A_1876 = arith.constant 0 : i32
      %get3A_1877 = tpu.memref_slice %arg12[%get3A_1873, %get3A_1875, %get3A_1876] : memref<2x21x64xf32, #tpu.memory_space<vmem>> -> memref<1x21x64xf32, #tpu.memory_space<vmem>>
      %get3A_1878 = tpu.memref_squeeze %get3A_1877 : memref<1x21x64xf32, #tpu.memory_space<vmem>> -> memref<21x64xf32, #tpu.memory_space<vmem>>
      %get3A_1879 = arith.index_cast %get3A_1874 : i32 to index
      %get3A_1880 = arith.constant 32 : index
      %get3A_1881 = tpu.vector_load %get3A_1878[%get3A_1879, %get3A_1880] {strides = array<i32>} : memref<21x64xf32, #tpu.memory_space<vmem>>, vector<16xf32>,
      %gt3A_1882 = arith.cmpf ogt, %get3A_1881, %select_n3A_1833 : vector<16xf32>
      %select_n3A_1883 = arith.select %gt3A_1882, %get3A_1881, %select_n3A_1833 : vector<16xi1>, vector<16xf32>
      %select_n3A_1884 = arith.select %gt3A_1882, %broadcast_in_dim3A_1848, %select_n3A_1834 : vector<16xi1>, vector<16xi32>
      %get3A_1885 = arith.constant 1 : i32
      %get3A_1886 = arith.constant 7 : i32
      %get3A_1887 = arith.constant 0 : i32
      %get3A_1888 = arith.constant 0 : i32
      %get3A_1889 = tpu.memref_slice %arg12[%get3A_1885, %get3A_1887, %get3A_1888] : memref<2x21x64xf32, #tpu.memory_space<vmem>> -> memref<1x21x64xf32, #tpu.memory_space<vmem>>
      %get3A_1890 = tpu.memref_squeeze %get3A_1889 : memref<1x21x64xf32, #tpu.memory_space<vmem>> -> memref<21x64xf32, #tpu.memory_space<vmem>>
      %get3A_1891 = arith.index_cast %get3A_1886 : i32 to index
      %get3A_1892 = arith.constant 48 : index
      %get3A_1893 = tpu.vector_load %get3A_1890[%get3A_1891, %get3A_1892] {strides = array<i32>} : memref<21x64xf32, #tpu.memory_space<vmem>>, vector<16xf32>,
      %gt3A_1894 = arith.cmpf ogt, %get3A_1893, %select_n3A_1845 : vector<16xf32>
      %select_n3A_1895 = arith.select %gt3A_1894, %get3A_1893, %select_n3A_1845 : vector<16xi1>, vector<16xf32>
      %select_n3A_1896 = arith.select %gt3A_1894, %broadcast_in_dim3A_1848, %select_n3A_1846 : vector<16xi1>, vector<16xi32>
      %broadcast_in_dim3A_1897 = arith.constant 8 : i32
      %broadcast_in_dim3A_1898 = vector.broadcast %broadcast_in_dim3A_1897 : i32 to vector<16xi32>
      %get3A_1899 = arith.constant 1 : i32
      %get3A_1900 = arith.constant 8 : i32
      %get3A_1901 = arith.constant 0 : i32
      %get3A_1902 = arith.constant 0 : i32
      %get3A_1903 = tpu.memref_slice %arg12[%get3A_1899, %get3A_1901, %get3A_1902] : memref<2x21x64xf32, #tpu.memory_space<vmem>> -> memref<1x21x64xf32, #tpu.memory_space<vmem>>
      %get3A_1904 = tpu.memref_squeeze %get3A_1903 : memref<1x21x64xf32, #tpu.memory_space<vmem>> -> memref<21x64xf32, #tpu.memory_space<vmem>>
      %get3A_1905 = arith.index_cast %get3A_1900 : i32 to index
      %get3A_1906 = arith.constant 0 : index
      %get3A_1907 = tpu.vector_load %get3A_1904[%get3A_1905, %get3A_1906] {strides = array<i32>} : memref<21x64xf32, #tpu.memory_space<vmem>>, vector<16xf32>,
      %gt3A_1908 = arith.cmpf ogt, %get3A_1907, %select_n3A_1859 : vector<16xf32>
      %select_n3A_1909 = arith.select %gt3A_1908, %get3A_1907, %select_n3A_1859 : vector<16xi1>, vector<16xf32>
      %select_n3A_1910 = arith.select %gt3A_1908, %broadcast_in_dim3A_1898, %select_n3A_1860 : vector<16xi1>, vector<16xi32>
      %get3A_1911 = arith.constant 1 : i32
      %get3A_1912 = arith.constant 8 : i32
      %get3A_1913 = arith.constant 0 : i32
      %get3A_1914 = arith.constant 0 : i32
      %get3A_1915 = tpu.memref_slice %arg12[%get3A_1911, %get3A_1913, %get3A_1914] : memref<2x21x64xf32, #tpu.memory_space<vmem>> -> memref<1x21x64xf32, #tpu.memory_space<vmem>>
      %get3A_1916 = tpu.memref_squeeze %get3A_1915 : memref<1x21x64xf32, #tpu.memory_space<vmem>> -> memref<21x64xf32, #tpu.memory_space<vmem>>
      %get3A_1917 = arith.index_cast %get3A_1912 : i32 to index
      %get3A_1918 = arith.constant 16 : index
      %get3A_1919 = tpu.vector_load %get3A_1916[%get3A_1917, %get3A_1918] {strides = array<i32>} : memref<21x64xf32, #tpu.memory_space<vmem>>, vector<16xf32>,
      %gt3A_1920 = arith.cmpf ogt, %get3A_1919, %select_n3A_1871 : vector<16xf32>
      %select_n3A_1921 = arith.select %gt3A_1920, %get3A_1919, %select_n3A_1871 : vector<16xi1>, vector<16xf32>
      %select_n3A_1922 = arith.select %gt3A_1920, %broadcast_in_dim3A_1898, %select_n3A_1872 : vector<16xi1>, vector<16xi32>
      %get3A_1923 = arith.constant 1 : i32
      %get3A_1924 = arith.constant 8 : i32
      %get3A_1925 = arith.constant 0 : i32
      %get3A_1926 = arith.constant 0 : i32
      %get3A_1927 = tpu.memref_slice %arg12[%get3A_1923, %get3A_1925, %get3A_1926] : memref<2x21x64xf32, #tpu.memory_space<vmem>> -> memref<1x21x64xf32, #tpu.memory_space<vmem>>
      %get3A_1928 = tpu.memref_squeeze %get3A_1927 : memref<1x21x64xf32, #tpu.memory_space<vmem>> -> memref<21x64xf32, #tpu.memory_space<vmem>>
      %get3A_1929 = arith.index_cast %get3A_1924 : i32 to index
      %get3A_1930 = arith.constant 32 : index
      %get3A_1931 = tpu.vector_load %get3A_1928[%get3A_1929, %get3A_1930] {strides = array<i32>} : memref<21x64xf32, #tpu.memory_space<vmem>>, vector<16xf32>,
      %gt3A_1932 = arith.cmpf ogt, %get3A_1931, %select_n3A_1883 : vector<16xf32>
      %select_n3A_1933 = arith.select %gt3A_1932, %get3A_1931, %select_n3A_1883 : vector<16xi1>, vector<16xf32>
      %select_n3A_1934 = arith.select %gt3A_1932, %broadcast_in_dim3A_1898, %select_n3A_1884 : vector<16xi1>, vector<16xi32>
      %get3A_1935 = arith.constant 1 : i32
      %get3A_1936 = arith.constant 8 : i32
      %get3A_1937 = arith.constant 0 : i32
      %get3A_1938 = arith.constant 0 : i32
      %get3A_1939 = tpu.memref_slice %arg12[%get3A_1935, %get3A_1937, %get3A_1938] : memref<2x21x64xf32, #tpu.memory_space<vmem>> -> memref<1x21x64xf32, #tpu.memory_space<vmem>>
      %get3A_1940 = tpu.memref_squeeze %get3A_1939 : memref<1x21x64xf32, #tpu.memory_space<vmem>> -> memref<21x64xf32, #tpu.memory_space<vmem>>
      %get3A_1941 = arith.index_cast %get3A_1936 : i32 to index
      %get3A_1942 = arith.constant 48 : index
      %get3A_1943 = tpu.vector_load %get3A_1940[%get3A_1941, %get3A_1942] {strides = array<i32>} : memref<21x64xf32, #tpu.memory_space<vmem>>, vector<16xf32>,
      %gt3A_1944 = arith.cmpf ogt, %get3A_1943, %select_n3A_1895 : vector<16xf32>
      %select_n3A_1945 = arith.select %gt3A_1944, %get3A_1943, %select_n3A_1895 : vector<16xi1>, vector<16xf32>
      %select_n3A_1946 = arith.select %gt3A_1944, %broadcast_in_dim3A_1898, %select_n3A_1896 : vector<16xi1>, vector<16xi32>
      %broadcast_in_dim3A_1947 = arith.constant 9 : i32
      %broadcast_in_dim3A_1948 = vector.broadcast %broadcast_in_dim3A_1947 : i32 to vector<16xi32>
      %get3A_1949 = arith.constant 1 : i32
      %get3A_1950 = arith.constant 9 : i32
      %get3A_1951 = arith.constant 0 : i32
      %get3A_1952 = arith.constant 0 : i32
      %get3A_1953 = tpu.memref_slice %arg12[%get3A_1949, %get3A_1951, %get3A_1952] : memref<2x21x64xf32, #tpu.memory_space<vmem>> -> memref<1x21x64xf32, #tpu.memory_space<vmem>>
      %get3A_1954 = tpu.memref_squeeze %get3A_1953 : memref<1x21x64xf32, #tpu.memory_space<vmem>> -> memref<21x64xf32, #tpu.memory_space<vmem>>
      %get3A_1955 = arith.index_cast %get3A_1950 : i32 to index
      %get3A_1956 = arith.constant 0 : index
      %get3A_1957 = tpu.vector_load %get3A_1954[%get3A_1955, %get3A_1956] {strides = array<i32>} : memref<21x64xf32, #tpu.memory_space<vmem>>, vector<16xf32>,
      %gt3A_1958 = arith.cmpf ogt, %get3A_1957, %select_n3A_1909 : vector<16xf32>
      %select_n3A_1959 = arith.select %gt3A_1958, %get3A_1957, %select_n3A_1909 : vector<16xi1>, vector<16xf32>
      %select_n3A_1960 = arith.select %gt3A_1958, %broadcast_in_dim3A_1948, %select_n3A_1910 : vector<16xi1>, vector<16xi32>
      %get3A_1961 = arith.constant 1 : i32
      %get3A_1962 = arith.constant 9 : i32
      %get3A_1963 = arith.constant 0 : i32
      %get3A_1964 = arith.constant 0 : i32
      %get3A_1965 = tpu.memref_slice %arg12[%get3A_1961, %get3A_1963, %get3A_1964] : memref<2x21x64xf32, #tpu.memory_space<vmem>> -> memref<1x21x64xf32, #tpu.memory_space<vmem>>
      %get3A_1966 = tpu.memref_squeeze %get3A_1965 : memref<1x21x64xf32, #tpu.memory_space<vmem>> -> memref<21x64xf32, #tpu.memory_space<vmem>>
      %get3A_1967 = arith.index_cast %get3A_1962 : i32 to index
      %get3A_1968 = arith.constant 16 : index
      %get3A_1969 = tpu.vector_load %get3A_1966[%get3A_1967, %get3A_1968] {strides = array<i32>} : memref<21x64xf32, #tpu.memory_space<vmem>>, vector<16xf32>,
      %gt3A_1970 = arith.cmpf ogt, %get3A_1969, %select_n3A_1921 : vector<16xf32>
      %select_n3A_1971 = arith.select %gt3A_1970, %get3A_1969, %select_n3A_1921 : vector<16xi1>, vector<16xf32>
      %select_n3A_1972 = arith.select %gt3A_1970, %broadcast_in_dim3A_1948, %select_n3A_1922 : vector<16xi1>, vector<16xi32>
      %get3A_1973 = arith.constant 1 : i32
      %get3A_1974 = arith.constant 9 : i32
      %get3A_1975 = arith.constant 0 : i32
      %get3A_1976 = arith.constant 0 : i32
      %get3A_1977 = tpu.memref_slice %arg12[%get3A_1973, %get3A_1975, %get3A_1976] : memref<2x21x64xf32, #tpu.memory_space<vmem>> -> memref<1x21x64xf32, #tpu.memory_space<vmem>>
      %get3A_1978 = tpu.memref_squeeze %get3A_1977 : memref<1x21x64xf32, #tpu.memory_space<vmem>> -> memref<21x64xf32, #tpu.memory_space<vmem>>
      %get3A_1979 = arith.index_cast %get3A_1974 : i32 to index
      %get3A_1980 = arith.constant 32 : index
      %get3A_1981 = tpu.vector_load %get3A_1978[%get3A_1979, %get3A_1980] {strides = array<i32>} : memref<21x64xf32, #tpu.memory_space<vmem>>, vector<16xf32>,
      %gt3A_1982 = arith.cmpf ogt, %get3A_1981, %select_n3A_1933 : vector<16xf32>
      %select_n3A_1983 = arith.select %gt3A_1982, %get3A_1981, %select_n3A_1933 : vector<16xi1>, vector<16xf32>
      %select_n3A_1984 = arith.select %gt3A_1982, %broadcast_in_dim3A_1948, %select_n3A_1934 : vector<16xi1>, vector<16xi32>
      %get3A_1985 = arith.constant 1 : i32
      %get3A_1986 = arith.constant 9 : i32
      %get3A_1987 = arith.constant 0 : i32
      %get3A_1988 = arith.constant 0 : i32
      %get3A_1989 = tpu.memref_slice %arg12[%get3A_1985, %get3A_1987, %get3A_1988] : memref<2x21x64xf32, #tpu.memory_space<vmem>> -> memref<1x21x64xf32, #tpu.memory_space<vmem>>
      %get3A_1990 = tpu.memref_squeeze %get3A_1989 : memref<1x21x64xf32, #tpu.memory_space<vmem>> -> memref<21x64xf32, #tpu.memory_space<vmem>>
      %get3A_1991 = arith.index_cast %get3A_1986 : i32 to index
      %get3A_1992 = arith.constant 48 : index
      %get3A_1993 = tpu.vector_load %get3A_1990[%get3A_1991, %get3A_1992] {strides = array<i32>} : memref<21x64xf32, #tpu.memory_space<vmem>>, vector<16xf32>,
      %gt3A_1994 = arith.cmpf ogt, %get3A_1993, %select_n3A_1945 : vector<16xf32>
      %select_n3A_1995 = arith.select %gt3A_1994, %get3A_1993, %select_n3A_1945 : vector<16xi1>, vector<16xf32>
      %select_n3A_1996 = arith.select %gt3A_1994, %broadcast_in_dim3A_1948, %select_n3A_1946 : vector<16xi1>, vector<16xi32>
      %broadcast_in_dim3A_1997 = arith.constant 10 : i32
      %broadcast_in_dim3A_1998 = vector.broadcast %broadcast_in_dim3A_1997 : i32 to vector<16xi32>
      %get3A_1999 = arith.constant 1 : i32
      %get3A_2000 = arith.constant 10 : i32
      %get3A_2001 = arith.constant 0 : i32
      %get3A_2002 = arith.constant 0 : i32
      %get3A_2003 = tpu.memref_slice %arg12[%get3A_1999, %get3A_2001, %get3A_2002] : memref<2x21x64xf32, #tpu.memory_space<vmem>> -> memref<1x21x64xf32, #tpu.memory_space<vmem>>
      %get3A_2004 = tpu.memref_squeeze %get3A_2003 : memref<1x21x64xf32, #tpu.memory_space<vmem>> -> memref<21x64xf32, #tpu.memory_space<vmem>>
      %get3A_2005 = arith.index_cast %get3A_2000 : i32 to index
      %get3A_2006 = arith.constant 0 : index
      %get3A_2007 = tpu.vector_load %get3A_2004[%get3A_2005, %get3A_2006] {strides = array<i32>} : memref<21x64xf32, #tpu.memory_space<vmem>>, vector<16xf32>,
      %gt3A_2008 = arith.cmpf ogt, %get3A_2007, %select_n3A_1959 : vector<16xf32>
      %select_n3A_2009 = arith.select %gt3A_2008, %get3A_2007, %select_n3A_1959 : vector<16xi1>, vector<16xf32>
      %select_n3A_2010 = arith.select %gt3A_2008, %broadcast_in_dim3A_1998, %select_n3A_1960 : vector<16xi1>, vector<16xi32>
      %get3A_2011 = arith.constant 1 : i32
      %get3A_2012 = arith.constant 10 : i32
      %get3A_2013 = arith.constant 0 : i32
      %get3A_2014 = arith.constant 0 : i32
      %get3A_2015 = tpu.memref_slice %arg12[%get3A_2011, %get3A_2013, %get3A_2014] : memref<2x21x64xf32, #tpu.memory_space<vmem>> -> memref<1x21x64xf32, #tpu.memory_space<vmem>>
      %get3A_2016 = tpu.memref_squeeze %get3A_2015 : memref<1x21x64xf32, #tpu.memory_space<vmem>> -> memref<21x64xf32, #tpu.memory_space<vmem>>
      %get3A_2017 = arith.index_cast %get3A_2012 : i32 to index
      %get3A_2018 = arith.constant 16 : index
      %get3A_2019 = tpu.vector_load %get3A_2016[%get3A_2017, %get3A_2018] {strides = array<i32>} : memref<21x64xf32, #tpu.memory_space<vmem>>, vector<16xf32>,
      %gt3A_2020 = arith.cmpf ogt, %get3A_2019, %select_n3A_1971 : vector<16xf32>
      %select_n3A_2021 = arith.select %gt3A_2020, %get3A_2019, %select_n3A_1971 : vector<16xi1>, vector<16xf32>
      %select_n3A_2022 = arith.select %gt3A_2020, %broadcast_in_dim3A_1998, %select_n3A_1972 : vector<16xi1>, vector<16xi32>
      %get3A_2023 = arith.constant 1 : i32
      %get3A_2024 = arith.constant 10 : i32
      %get3A_2025 = arith.constant 0 : i32
      %get3A_2026 = arith.constant 0 : i32
      %get3A_2027 = tpu.memref_slice %arg12[%get3A_2023, %get3A_2025, %get3A_2026] : memref<2x21x64xf32, #tpu.memory_space<vmem>> -> memref<1x21x64xf32, #tpu.memory_space<vmem>>
      %get3A_2028 = tpu.memref_squeeze %get3A_2027 : memref<1x21x64xf32, #tpu.memory_space<vmem>> -> memref<21x64xf32, #tpu.memory_space<vmem>>
      %get3A_2029 = arith.index_cast %get3A_2024 : i32 to index
      %get3A_2030 = arith.constant 32 : index
      %get3A_2031 = tpu.vector_load %get3A_2028[%get3A_2029, %get3A_2030] {strides = array<i32>} : memref<21x64xf32, #tpu.memory_space<vmem>>, vector<16xf32>,
      %gt3A_2032 = arith.cmpf ogt, %get3A_2031, %select_n3A_1983 : vector<16xf32>
      %select_n3A_2033 = arith.select %gt3A_2032, %get3A_2031, %select_n3A_1983 : vector<16xi1>, vector<16xf32>
      %select_n3A_2034 = arith.select %gt3A_2032, %broadcast_in_dim3A_1998, %select_n3A_1984 : vector<16xi1>, vector<16xi32>
      %get3A_2035 = arith.constant 1 : i32
      %get3A_2036 = arith.constant 10 : i32
      %get3A_2037 = arith.constant 0 : i32
      %get3A_2038 = arith.constant 0 : i32
      %get3A_2039 = tpu.memref_slice %arg12[%get3A_2035, %get3A_2037, %get3A_2038] : memref<2x21x64xf32, #tpu.memory_space<vmem>> -> memref<1x21x64xf32, #tpu.memory_space<vmem>>
      %get3A_2040 = tpu.memref_squeeze %get3A_2039 : memref<1x21x64xf32, #tpu.memory_space<vmem>> -> memref<21x64xf32, #tpu.memory_space<vmem>>
      %get3A_2041 = arith.index_cast %get3A_2036 : i32 to index
      %get3A_2042 = arith.constant 48 : index
      %get3A_2043 = tpu.vector_load %get3A_2040[%get3A_2041, %get3A_2042] {strides = array<i32>} : memref<21x64xf32, #tpu.memory_space<vmem>>, vector<16xf32>,
      %gt3A_2044 = arith.cmpf ogt, %get3A_2043, %select_n3A_1995 : vector<16xf32>
      %select_n3A_2045 = arith.select %gt3A_2044, %get3A_2043, %select_n3A_1995 : vector<16xi1>, vector<16xf32>
      %select_n3A_2046 = arith.select %gt3A_2044, %broadcast_in_dim3A_1998, %select_n3A_1996 : vector<16xi1>, vector<16xi32>
      %broadcast_in_dim3A_2047 = arith.constant 11 : i32
      %broadcast_in_dim3A_2048 = vector.broadcast %broadcast_in_dim3A_2047 : i32 to vector<16xi32>
      %get3A_2049 = arith.constant 1 : i32
      %get3A_2050 = arith.constant 11 : i32
      %get3A_2051 = arith.constant 0 : i32
      %get3A_2052 = arith.constant 0 : i32
      %get3A_2053 = tpu.memref_slice %arg12[%get3A_2049, %get3A_2051, %get3A_2052] : memref<2x21x64xf32, #tpu.memory_space<vmem>> -> memref<1x21x64xf32, #tpu.memory_space<vmem>>
      %get3A_2054 = tpu.memref_squeeze %get3A_2053 : memref<1x21x64xf32, #tpu.memory_space<vmem>> -> memref<21x64xf32, #tpu.memory_space<vmem>>
      %get3A_2055 = arith.index_cast %get3A_2050 : i32 to index
      %get3A_2056 = arith.constant 0 : index
      %get3A_2057 = tpu.vector_load %get3A_2054[%get3A_2055, %get3A_2056] {strides = array<i32>} : memref<21x64xf32, #tpu.memory_space<vmem>>, vector<16xf32>,
      %gt3A_2058 = arith.cmpf ogt, %get3A_2057, %select_n3A_2009 : vector<16xf32>
      %select_n3A_2059 = arith.select %gt3A_2058, %get3A_2057, %select_n3A_2009 : vector<16xi1>, vector<16xf32>
      %select_n3A_2060 = arith.select %gt3A_2058, %broadcast_in_dim3A_2048, %select_n3A_2010 : vector<16xi1>, vector<16xi32>
      %get3A_2061 = arith.constant 1 : i32
      %get3A_2062 = arith.constant 11 : i32
      %get3A_2063 = arith.constant 0 : i32
      %get3A_2064 = arith.constant 0 : i32
      %get3A_2065 = tpu.memref_slice %arg12[%get3A_2061, %get3A_2063, %get3A_2064] : memref<2x21x64xf32, #tpu.memory_space<vmem>> -> memref<1x21x64xf32, #tpu.memory_space<vmem>>
      %get3A_2066 = tpu.memref_squeeze %get3A_2065 : memref<1x21x64xf32, #tpu.memory_space<vmem>> -> memref<21x64xf32, #tpu.memory_space<vmem>>
      %get3A_2067 = arith.index_cast %get3A_2062 : i32 to index
      %get3A_2068 = arith.constant 16 : index
      %get3A_2069 = tpu.vector_load %get3A_2066[%get3A_2067, %get3A_2068] {strides = array<i32>} : memref<21x64xf32, #tpu.memory_space<vmem>>, vector<16xf32>,
      %gt3A_2070 = arith.cmpf ogt, %get3A_2069, %select_n3A_2021 : vector<16xf32>
      %select_n3A_2071 = arith.select %gt3A_2070, %get3A_2069, %select_n3A_2021 : vector<16xi1>, vector<16xf32>
      %select_n3A_2072 = arith.select %gt3A_2070, %broadcast_in_dim3A_2048, %select_n3A_2022 : vector<16xi1>, vector<16xi32>
      %get3A_2073 = arith.constant 1 : i32
      %get3A_2074 = arith.constant 11 : i32
      %get3A_2075 = arith.constant 0 : i32
      %get3A_2076 = arith.constant 0 : i32
      %get3A_2077 = tpu.memref_slice %arg12[%get3A_2073, %get3A_2075, %get3A_2076] : memref<2x21x64xf32, #tpu.memory_space<vmem>> -> memref<1x21x64xf32, #tpu.memory_space<vmem>>
      %get3A_2078 = tpu.memref_squeeze %get3A_2077 : memref<1x21x64xf32, #tpu.memory_space<vmem>> -> memref<21x64xf32, #tpu.memory_space<vmem>>
      %get3A_2079 = arith.index_cast %get3A_2074 : i32 to index
      %get3A_2080 = arith.constant 32 : index
      %get3A_2081 = tpu.vector_load %get3A_2078[%get3A_2079, %get3A_2080] {strides = array<i32>} : memref<21x64xf32, #tpu.memory_space<vmem>>, vector<16xf32>,
      %gt3A_2082 = arith.cmpf ogt, %get3A_2081, %select_n3A_2033 : vector<16xf32>
      %select_n3A_2083 = arith.select %gt3A_2082, %get3A_2081, %select_n3A_2033 : vector<16xi1>, vector<16xf32>
      %select_n3A_2084 = arith.select %gt3A_2082, %broadcast_in_dim3A_2048, %select_n3A_2034 : vector<16xi1>, vector<16xi32>
      %get3A_2085 = arith.constant 1 : i32
      %get3A_2086 = arith.constant 11 : i32
      %get3A_2087 = arith.constant 0 : i32
      %get3A_2088 = arith.constant 0 : i32
      %get3A_2089 = tpu.memref_slice %arg12[%get3A_2085, %get3A_2087, %get3A_2088] : memref<2x21x64xf32, #tpu.memory_space<vmem>> -> memref<1x21x64xf32, #tpu.memory_space<vmem>>
      %get3A_2090 = tpu.memref_squeeze %get3A_2089 : memref<1x21x64xf32, #tpu.memory_space<vmem>> -> memref<21x64xf32, #tpu.memory_space<vmem>>
      %get3A_2091 = arith.index_cast %get3A_2086 : i32 to index
      %get3A_2092 = arith.constant 48 : index
      %get3A_2093 = tpu.vector_load %get3A_2090[%get3A_2091, %get3A_2092] {strides = array<i32>} : memref<21x64xf32, #tpu.memory_space<vmem>>, vector<16xf32>,
      %gt3A_2094 = arith.cmpf ogt, %get3A_2093, %select_n3A_2045 : vector<16xf32>
      %select_n3A_2095 = arith.select %gt3A_2094, %get3A_2093, %select_n3A_2045 : vector<16xi1>, vector<16xf32>
      %select_n3A_2096 = arith.select %gt3A_2094, %broadcast_in_dim3A_2048, %select_n3A_2046 : vector<16xi1>, vector<16xi32>
      %broadcast_in_dim3A_2097 = arith.constant 12 : i32
      %broadcast_in_dim3A_2098 = vector.broadcast %broadcast_in_dim3A_2097 : i32 to vector<16xi32>
      %get3A_2099 = arith.constant 1 : i32
      %get3A_2100 = arith.constant 12 : i32
      %get3A_2101 = arith.constant 0 : i32
      %get3A_2102 = arith.constant 0 : i32
      %get3A_2103 = tpu.memref_slice %arg12[%get3A_2099, %get3A_2101, %get3A_2102] : memref<2x21x64xf32, #tpu.memory_space<vmem>> -> memref<1x21x64xf32, #tpu.memory_space<vmem>>
      %get3A_2104 = tpu.memref_squeeze %get3A_2103 : memref<1x21x64xf32, #tpu.memory_space<vmem>> -> memref<21x64xf32, #tpu.memory_space<vmem>>
      %get3A_2105 = arith.index_cast %get3A_2100 : i32 to index
      %get3A_2106 = arith.constant 0 : index
      %get3A_2107 = tpu.vector_load %get3A_2104[%get3A_2105, %get3A_2106] {strides = array<i32>} : memref<21x64xf32, #tpu.memory_space<vmem>>, vector<16xf32>,
      %gt3A_2108 = arith.cmpf ogt, %get3A_2107, %select_n3A_2059 : vector<16xf32>
      %select_n3A_2109 = arith.select %gt3A_2108, %get3A_2107, %select_n3A_2059 : vector<16xi1>, vector<16xf32>
      %select_n3A_2110 = arith.select %gt3A_2108, %broadcast_in_dim3A_2098, %select_n3A_2060 : vector<16xi1>, vector<16xi32>
      %get3A_2111 = arith.constant 1 : i32
      %get3A_2112 = arith.constant 12 : i32
      %get3A_2113 = arith.constant 0 : i32
      %get3A_2114 = arith.constant 0 : i32
      %get3A_2115 = tpu.memref_slice %arg12[%get3A_2111, %get3A_2113, %get3A_2114] : memref<2x21x64xf32, #tpu.memory_space<vmem>> -> memref<1x21x64xf32, #tpu.memory_space<vmem>>
      %get3A_2116 = tpu.memref_squeeze %get3A_2115 : memref<1x21x64xf32, #tpu.memory_space<vmem>> -> memref<21x64xf32, #tpu.memory_space<vmem>>
      %get3A_2117 = arith.index_cast %get3A_2112 : i32 to index
      %get3A_2118 = arith.constant 16 : index
      %get3A_2119 = tpu.vector_load %get3A_2116[%get3A_2117, %get3A_2118] {strides = array<i32>} : memref<21x64xf32, #tpu.memory_space<vmem>>, vector<16xf32>,
      %gt3A_2120 = arith.cmpf ogt, %get3A_2119, %select_n3A_2071 : vector<16xf32>
      %select_n3A_2121 = arith.select %gt3A_2120, %get3A_2119, %select_n3A_2071 : vector<16xi1>, vector<16xf32>
      %select_n3A_2122 = arith.select %gt3A_2120, %broadcast_in_dim3A_2098, %select_n3A_2072 : vector<16xi1>, vector<16xi32>
      %get3A_2123 = arith.constant 1 : i32
      %get3A_2124 = arith.constant 12 : i32
      %get3A_2125 = arith.constant 0 : i32
      %get3A_2126 = arith.constant 0 : i32
      %get3A_2127 = tpu.memref_slice %arg12[%get3A_2123, %get3A_2125, %get3A_2126] : memref<2x21x64xf32, #tpu.memory_space<vmem>> -> memref<1x21x64xf32, #tpu.memory_space<vmem>>
      %get3A_2128 = tpu.memref_squeeze %get3A_2127 : memref<1x21x64xf32, #tpu.memory_space<vmem>> -> memref<21x64xf32, #tpu.memory_space<vmem>>
      %get3A_2129 = arith.index_cast %get3A_2124 : i32 to index
      %get3A_2130 = arith.constant 32 : index
      %get3A_2131 = tpu.vector_load %get3A_2128[%get3A_2129, %get3A_2130] {strides = array<i32>} : memref<21x64xf32, #tpu.memory_space<vmem>>, vector<16xf32>,
      %gt3A_2132 = arith.cmpf ogt, %get3A_2131, %select_n3A_2083 : vector<16xf32>
      %select_n3A_2133 = arith.select %gt3A_2132, %get3A_2131, %select_n3A_2083 : vector<16xi1>, vector<16xf32>
      %select_n3A_2134 = arith.select %gt3A_2132, %broadcast_in_dim3A_2098, %select_n3A_2084 : vector<16xi1>, vector<16xi32>
      %get3A_2135 = arith.constant 1 : i32
      %get3A_2136 = arith.constant 12 : i32
      %get3A_2137 = arith.constant 0 : i32
      %get3A_2138 = arith.constant 0 : i32
      %get3A_2139 = tpu.memref_slice %arg12[%get3A_2135, %get3A_2137, %get3A_2138] : memref<2x21x64xf32, #tpu.memory_space<vmem>> -> memref<1x21x64xf32, #tpu.memory_space<vmem>>
      %get3A_2140 = tpu.memref_squeeze %get3A_2139 : memref<1x21x64xf32, #tpu.memory_space<vmem>> -> memref<21x64xf32, #tpu.memory_space<vmem>>
      %get3A_2141 = arith.index_cast %get3A_2136 : i32 to index
      %get3A_2142 = arith.constant 48 : index
      %get3A_2143 = tpu.vector_load %get3A_2140[%get3A_2141, %get3A_2142] {strides = array<i32>} : memref<21x64xf32, #tpu.memory_space<vmem>>, vector<16xf32>,
      %gt3A_2144 = arith.cmpf ogt, %get3A_2143, %select_n3A_2095 : vector<16xf32>
      %select_n3A_2145 = arith.select %gt3A_2144, %get3A_2143, %select_n3A_2095 : vector<16xi1>, vector<16xf32>
      %select_n3A_2146 = arith.select %gt3A_2144, %broadcast_in_dim3A_2098, %select_n3A_2096 : vector<16xi1>, vector<16xi32>
      %broadcast_in_dim3A_2147 = arith.constant 13 : i32
      %broadcast_in_dim3A_2148 = vector.broadcast %broadcast_in_dim3A_2147 : i32 to vector<16xi32>
      %get3A_2149 = arith.constant 1 : i32
      %get3A_2150 = arith.constant 13 : i32
      %get3A_2151 = arith.constant 0 : i32
      %get3A_2152 = arith.constant 0 : i32
      %get3A_2153 = tpu.memref_slice %arg12[%get3A_2149, %get3A_2151, %get3A_2152] : memref<2x21x64xf32, #tpu.memory_space<vmem>> -> memref<1x21x64xf32, #tpu.memory_space<vmem>>
      %get3A_2154 = tpu.memref_squeeze %get3A_2153 : memref<1x21x64xf32, #tpu.memory_space<vmem>> -> memref<21x64xf32, #tpu.memory_space<vmem>>
      %get3A_2155 = arith.index_cast %get3A_2150 : i32 to index
      %get3A_2156 = arith.constant 0 : index
      %get3A_2157 = tpu.vector_load %get3A_2154[%get3A_2155, %get3A_2156] {strides = array<i32>} : memref<21x64xf32, #tpu.memory_space<vmem>>, vector<16xf32>,
      %gt3A_2158 = arith.cmpf ogt, %get3A_2157, %select_n3A_2109 : vector<16xf32>
      %select_n3A_2159 = arith.select %gt3A_2158, %get3A_2157, %select_n3A_2109 : vector<16xi1>, vector<16xf32>
      %select_n3A_2160 = arith.select %gt3A_2158, %broadcast_in_dim3A_2148, %select_n3A_2110 : vector<16xi1>, vector<16xi32>
      %get3A_2161 = arith.constant 1 : i32
      %get3A_2162 = arith.constant 13 : i32
      %get3A_2163 = arith.constant 0 : i32
      %get3A_2164 = arith.constant 0 : i32
      %get3A_2165 = tpu.memref_slice %arg12[%get3A_2161, %get3A_2163, %get3A_2164] : memref<2x21x64xf32, #tpu.memory_space<vmem>> -> memref<1x21x64xf32, #tpu.memory_space<vmem>>
      %get3A_2166 = tpu.memref_squeeze %get3A_2165 : memref<1x21x64xf32, #tpu.memory_space<vmem>> -> memref<21x64xf32, #tpu.memory_space<vmem>>
      %get3A_2167 = arith.index_cast %get3A_2162 : i32 to index
      %get3A_2168 = arith.constant 16 : index
      %get3A_2169 = tpu.vector_load %get3A_2166[%get3A_2167, %get3A_2168] {strides = array<i32>} : memref<21x64xf32, #tpu.memory_space<vmem>>, vector<16xf32>,
      %gt3A_2170 = arith.cmpf ogt, %get3A_2169, %select_n3A_2121 : vector<16xf32>
      %select_n3A_2171 = arith.select %gt3A_2170, %get3A_2169, %select_n3A_2121 : vector<16xi1>, vector<16xf32>
      %select_n3A_2172 = arith.select %gt3A_2170, %broadcast_in_dim3A_2148, %select_n3A_2122 : vector<16xi1>, vector<16xi32>
      %get3A_2173 = arith.constant 1 : i32
      %get3A_2174 = arith.constant 13 : i32
      %get3A_2175 = arith.constant 0 : i32
      %get3A_2176 = arith.constant 0 : i32
      %get3A_2177 = tpu.memref_slice %arg12[%get3A_2173, %get3A_2175, %get3A_2176] : memref<2x21x64xf32, #tpu.memory_space<vmem>> -> memref<1x21x64xf32, #tpu.memory_space<vmem>>
      %get3A_2178 = tpu.memref_squeeze %get3A_2177 : memref<1x21x64xf32, #tpu.memory_space<vmem>> -> memref<21x64xf32, #tpu.memory_space<vmem>>
      %get3A_2179 = arith.index_cast %get3A_2174 : i32 to index
      %get3A_2180 = arith.constant 32 : index
      %get3A_2181 = tpu.vector_load %get3A_2178[%get3A_2179, %get3A_2180] {strides = array<i32>} : memref<21x64xf32, #tpu.memory_space<vmem>>, vector<16xf32>,
      %gt3A_2182 = arith.cmpf ogt, %get3A_2181, %select_n3A_2133 : vector<16xf32>
      %select_n3A_2183 = arith.select %gt3A_2182, %get3A_2181, %select_n3A_2133 : vector<16xi1>, vector<16xf32>
      %select_n3A_2184 = arith.select %gt3A_2182, %broadcast_in_dim3A_2148, %select_n3A_2134 : vector<16xi1>, vector<16xi32>
      %get3A_2185 = arith.constant 1 : i32
      %get3A_2186 = arith.constant 13 : i32
      %get3A_2187 = arith.constant 0 : i32
      %get3A_2188 = arith.constant 0 : i32
      %get3A_2189 = tpu.memref_slice %arg12[%get3A_2185, %get3A_2187, %get3A_2188] : memref<2x21x64xf32, #tpu.memory_space<vmem>> -> memref<1x21x64xf32, #tpu.memory_space<vmem>>
      %get3A_2190 = tpu.memref_squeeze %get3A_2189 : memref<1x21x64xf32, #tpu.memory_space<vmem>> -> memref<21x64xf32, #tpu.memory_space<vmem>>
      %get3A_2191 = arith.index_cast %get3A_2186 : i32 to index
      %get3A_2192 = arith.constant 48 : index
      %get3A_2193 = tpu.vector_load %get3A_2190[%get3A_2191, %get3A_2192] {strides = array<i32>} : memref<21x64xf32, #tpu.memory_space<vmem>>, vector<16xf32>,
      %gt3A_2194 = arith.cmpf ogt, %get3A_2193, %select_n3A_2145 : vector<16xf32>
      %select_n3A_2195 = arith.select %gt3A_2194, %get3A_2193, %select_n3A_2145 : vector<16xi1>, vector<16xf32>
      %select_n3A_2196 = arith.select %gt3A_2194, %broadcast_in_dim3A_2148, %select_n3A_2146 : vector<16xi1>, vector<16xi32>
      %broadcast_in_dim3A_2197 = arith.constant 14 : i32
      %broadcast_in_dim3A_2198 = vector.broadcast %broadcast_in_dim3A_2197 : i32 to vector<16xi32>
      %get3A_2199 = arith.constant 1 : i32
      %get3A_2200 = arith.constant 14 : i32
      %get3A_2201 = arith.constant 0 : i32
      %get3A_2202 = arith.constant 0 : i32
      %get3A_2203 = tpu.memref_slice %arg12[%get3A_2199, %get3A_2201, %get3A_2202] : memref<2x21x64xf32, #tpu.memory_space<vmem>> -> memref<1x21x64xf32, #tpu.memory_space<vmem>>
      %get3A_2204 = tpu.memref_squeeze %get3A_2203 : memref<1x21x64xf32, #tpu.memory_space<vmem>> -> memref<21x64xf32, #tpu.memory_space<vmem>>
      %get3A_2205 = arith.index_cast %get3A_2200 : i32 to index
      %get3A_2206 = arith.constant 0 : index
      %get3A_2207 = tpu.vector_load %get3A_2204[%get3A_2205, %get3A_2206] {strides = array<i32>} : memref<21x64xf32, #tpu.memory_space<vmem>>, vector<16xf32>,
      %gt3A_2208 = arith.cmpf ogt, %get3A_2207, %select_n3A_2159 : vector<16xf32>
      %select_n3A_2209 = arith.select %gt3A_2208, %get3A_2207, %select_n3A_2159 : vector<16xi1>, vector<16xf32>
      %select_n3A_2210 = arith.select %gt3A_2208, %broadcast_in_dim3A_2198, %select_n3A_2160 : vector<16xi1>, vector<16xi32>
      %get3A_2211 = arith.constant 1 : i32
      %get3A_2212 = arith.constant 14 : i32
      %get3A_2213 = arith.constant 0 : i32
      %get3A_2214 = arith.constant 0 : i32
      %get3A_2215 = tpu.memref_slice %arg12[%get3A_2211, %get3A_2213, %get3A_2214] : memref<2x21x64xf32, #tpu.memory_space<vmem>> -> memref<1x21x64xf32, #tpu.memory_space<vmem>>
      %get3A_2216 = tpu.memref_squeeze %get3A_2215 : memref<1x21x64xf32, #tpu.memory_space<vmem>> -> memref<21x64xf32, #tpu.memory_space<vmem>>
      %get3A_2217 = arith.index_cast %get3A_2212 : i32 to index
      %get3A_2218 = arith.constant 16 : index
      %get3A_2219 = tpu.vector_load %get3A_2216[%get3A_2217, %get3A_2218] {strides = array<i32>} : memref<21x64xf32, #tpu.memory_space<vmem>>, vector<16xf32>,
      %gt3A_2220 = arith.cmpf ogt, %get3A_2219, %select_n3A_2171 : vector<16xf32>
      %select_n3A_2221 = arith.select %gt3A_2220, %get3A_2219, %select_n3A_2171 : vector<16xi1>, vector<16xf32>
      %select_n3A_2222 = arith.select %gt3A_2220, %broadcast_in_dim3A_2198, %select_n3A_2172 : vector<16xi1>, vector<16xi32>
      %get3A_2223 = arith.constant 1 : i32
      %get3A_2224 = arith.constant 14 : i32
      %get3A_2225 = arith.constant 0 : i32
      %get3A_2226 = arith.constant 0 : i32
      %get3A_2227 = tpu.memref_slice %arg12[%get3A_2223, %get3A_2225, %get3A_2226] : memref<2x21x64xf32, #tpu.memory_space<vmem>> -> memref<1x21x64xf32, #tpu.memory_space<vmem>>
      %get3A_2228 = tpu.memref_squeeze %get3A_2227 : memref<1x21x64xf32, #tpu.memory_space<vmem>> -> memref<21x64xf32, #tpu.memory_space<vmem>>
      %get3A_2229 = arith.index_cast %get3A_2224 : i32 to index
      %get3A_2230 = arith.constant 32 : index
      %get3A_2231 = tpu.vector_load %get3A_2228[%get3A_2229, %get3A_2230] {strides = array<i32>} : memref<21x64xf32, #tpu.memory_space<vmem>>, vector<16xf32>,
      %gt3A_2232 = arith.cmpf ogt, %get3A_2231, %select_n3A_2183 : vector<16xf32>
      %select_n3A_2233 = arith.select %gt3A_2232, %get3A_2231, %select_n3A_2183 : vector<16xi1>, vector<16xf32>
      %select_n3A_2234 = arith.select %gt3A_2232, %broadcast_in_dim3A_2198, %select_n3A_2184 : vector<16xi1>, vector<16xi32>
      %get3A_2235 = arith.constant 1 : i32
      %get3A_2236 = arith.constant 14 : i32
      %get3A_2237 = arith.constant 0 : i32
      %get3A_2238 = arith.constant 0 : i32
      %get3A_2239 = tpu.memref_slice %arg12[%get3A_2235, %get3A_2237, %get3A_2238] : memref<2x21x64xf32, #tpu.memory_space<vmem>> -> memref<1x21x64xf32, #tpu.memory_space<vmem>>
      %get3A_2240 = tpu.memref_squeeze %get3A_2239 : memref<1x21x64xf32, #tpu.memory_space<vmem>> -> memref<21x64xf32, #tpu.memory_space<vmem>>
      %get3A_2241 = arith.index_cast %get3A_2236 : i32 to index
      %get3A_2242 = arith.constant 48 : index
      %get3A_2243 = tpu.vector_load %get3A_2240[%get3A_2241, %get3A_2242] {strides = array<i32>} : memref<21x64xf32, #tpu.memory_space<vmem>>, vector<16xf32>,
      %gt3A_2244 = arith.cmpf ogt, %get3A_2243, %select_n3A_2195 : vector<16xf32>
      %select_n3A_2245 = arith.select %gt3A_2244, %get3A_2243, %select_n3A_2195 : vector<16xi1>, vector<16xf32>
      %select_n3A_2246 = arith.select %gt3A_2244, %broadcast_in_dim3A_2198, %select_n3A_2196 : vector<16xi1>, vector<16xi32>
      %broadcast_in_dim3A_2247 = arith.constant 15 : i32
      %broadcast_in_dim3A_2248 = vector.broadcast %broadcast_in_dim3A_2247 : i32 to vector<16xi32>
      %get3A_2249 = arith.constant 1 : i32
      %get3A_2250 = arith.constant 15 : i32
      %get3A_2251 = arith.constant 0 : i32
      %get3A_2252 = arith.constant 0 : i32
      %get3A_2253 = tpu.memref_slice %arg12[%get3A_2249, %get3A_2251, %get3A_2252] : memref<2x21x64xf32, #tpu.memory_space<vmem>> -> memref<1x21x64xf32, #tpu.memory_space<vmem>>
      %get3A_2254 = tpu.memref_squeeze %get3A_2253 : memref<1x21x64xf32, #tpu.memory_space<vmem>> -> memref<21x64xf32, #tpu.memory_space<vmem>>
      %get3A_2255 = arith.index_cast %get3A_2250 : i32 to index
      %get3A_2256 = arith.constant 0 : index
      %get3A_2257 = tpu.vector_load %get3A_2254[%get3A_2255, %get3A_2256] {strides = array<i32>} : memref<21x64xf32, #tpu.memory_space<vmem>>, vector<16xf32>,
      %gt3A_2258 = arith.cmpf ogt, %get3A_2257, %select_n3A_2209 : vector<16xf32>
      %select_n3A_2259 = arith.select %gt3A_2258, %get3A_2257, %select_n3A_2209 : vector<16xi1>, vector<16xf32>
      %select_n3A_2260 = arith.select %gt3A_2258, %broadcast_in_dim3A_2248, %select_n3A_2210 : vector<16xi1>, vector<16xi32>
      %get3A_2261 = arith.constant 1 : i32
      %get3A_2262 = arith.constant 15 : i32
      %get3A_2263 = arith.constant 0 : i32
      %get3A_2264 = arith.constant 0 : i32
      %get3A_2265 = tpu.memref_slice %arg12[%get3A_2261, %get3A_2263, %get3A_2264] : memref<2x21x64xf32, #tpu.memory_space<vmem>> -> memref<1x21x64xf32, #tpu.memory_space<vmem>>
      %get3A_2266 = tpu.memref_squeeze %get3A_2265 : memref<1x21x64xf32, #tpu.memory_space<vmem>> -> memref<21x64xf32, #tpu.memory_space<vmem>>
      %get3A_2267 = arith.index_cast %get3A_2262 : i32 to index
      %get3A_2268 = arith.constant 16 : index
      %get3A_2269 = tpu.vector_load %get3A_2266[%get3A_2267, %get3A_2268] {strides = array<i32>} : memref<21x64xf32, #tpu.memory_space<vmem>>, vector<16xf32>,
      %gt3A_2270 = arith.cmpf ogt, %get3A_2269, %select_n3A_2221 : vector<16xf32>
      %select_n3A_2271 = arith.select %gt3A_2270, %get3A_2269, %select_n3A_2221 : vector<16xi1>, vector<16xf32>
      %select_n3A_2272 = arith.select %gt3A_2270, %broadcast_in_dim3A_2248, %select_n3A_2222 : vector<16xi1>, vector<16xi32>
      %get3A_2273 = arith.constant 1 : i32
      %get3A_2274 = arith.constant 15 : i32
      %get3A_2275 = arith.constant 0 : i32
      %get3A_2276 = arith.constant 0 : i32
      %get3A_2277 = tpu.memref_slice %arg12[%get3A_2273, %get3A_2275, %get3A_2276] : memref<2x21x64xf32, #tpu.memory_space<vmem>> -> memref<1x21x64xf32, #tpu.memory_space<vmem>>
      %get3A_2278 = tpu.memref_squeeze %get3A_2277 : memref<1x21x64xf32, #tpu.memory_space<vmem>> -> memref<21x64xf32, #tpu.memory_space<vmem>>
      %get3A_2279 = arith.index_cast %get3A_2274 : i32 to index
      %get3A_2280 = arith.constant 32 : index
      %get3A_2281 = tpu.vector_load %get3A_2278[%get3A_2279, %get3A_2280] {strides = array<i32>} : memref<21x64xf32, #tpu.memory_space<vmem>>, vector<16xf32>,
      %gt3A_2282 = arith.cmpf ogt, %get3A_2281, %select_n3A_2233 : vector<16xf32>
      %select_n3A_2283 = arith.select %gt3A_2282, %get3A_2281, %select_n3A_2233 : vector<16xi1>, vector<16xf32>
      %select_n3A_2284 = arith.select %gt3A_2282, %broadcast_in_dim3A_2248, %select_n3A_2234 : vector<16xi1>, vector<16xi32>
      %get3A_2285 = arith.constant 1 : i32
      %get3A_2286 = arith.constant 15 : i32
      %get3A_2287 = arith.constant 0 : i32
      %get3A_2288 = arith.constant 0 : i32
      %get3A_2289 = tpu.memref_slice %arg12[%get3A_2285, %get3A_2287, %get3A_2288] : memref<2x21x64xf32, #tpu.memory_space<vmem>> -> memref<1x21x64xf32, #tpu.memory_space<vmem>>
      %get3A_2290 = tpu.memref_squeeze %get3A_2289 : memref<1x21x64xf32, #tpu.memory_space<vmem>> -> memref<21x64xf32, #tpu.memory_space<vmem>>
      %get3A_2291 = arith.index_cast %get3A_2286 : i32 to index
      %get3A_2292 = arith.constant 48 : index
      %get3A_2293 = tpu.vector_load %get3A_2290[%get3A_2291, %get3A_2292] {strides = array<i32>} : memref<21x64xf32, #tpu.memory_space<vmem>>, vector<16xf32>,
      %gt3A_2294 = arith.cmpf ogt, %get3A_2293, %select_n3A_2245 : vector<16xf32>
      %select_n3A_2295 = arith.select %gt3A_2294, %get3A_2293, %select_n3A_2245 : vector<16xi1>, vector<16xf32>
      %select_n3A_2296 = arith.select %gt3A_2294, %broadcast_in_dim3A_2248, %select_n3A_2246 : vector<16xi1>, vector<16xi32>
      %broadcast_in_dim3A_2297 = arith.constant 16 : i32
      %broadcast_in_dim3A_2298 = vector.broadcast %broadcast_in_dim3A_2297 : i32 to vector<16xi32>
      %get3A_2299 = arith.constant 1 : i32
      %get3A_2300 = arith.constant 16 : i32
      %get3A_2301 = arith.constant 0 : i32
      %get3A_2302 = arith.constant 0 : i32
      %get3A_2303 = tpu.memref_slice %arg12[%get3A_2299, %get3A_2301, %get3A_2302] : memref<2x21x64xf32, #tpu.memory_space<vmem>> -> memref<1x21x64xf32, #tpu.memory_space<vmem>>
      %get3A_2304 = tpu.memref_squeeze %get3A_2303 : memref<1x21x64xf32, #tpu.memory_space<vmem>> -> memref<21x64xf32, #tpu.memory_space<vmem>>
      %get3A_2305 = arith.index_cast %get3A_2300 : i32 to index
      %get3A_2306 = arith.constant 0 : index
      %get3A_2307 = tpu.vector_load %get3A_2304[%get3A_2305, %get3A_2306] {strides = array<i32>} : memref<21x64xf32, #tpu.memory_space<vmem>>, vector<16xf32>,
      %gt3A_2308 = arith.cmpf ogt, %get3A_2307, %select_n3A_2259 : vector<16xf32>
      %select_n3A_2309 = arith.select %gt3A_2308, %get3A_2307, %select_n3A_2259 : vector<16xi1>, vector<16xf32>
      %select_n3A_2310 = arith.select %gt3A_2308, %broadcast_in_dim3A_2298, %select_n3A_2260 : vector<16xi1>, vector<16xi32>
      %get3A_2311 = arith.constant 1 : i32
      %get3A_2312 = arith.constant 16 : i32
      %get3A_2313 = arith.constant 0 : i32
      %get3A_2314 = arith.constant 0 : i32
      %get3A_2315 = tpu.memref_slice %arg12[%get3A_2311, %get3A_2313, %get3A_2314] : memref<2x21x64xf32, #tpu.memory_space<vmem>> -> memref<1x21x64xf32, #tpu.memory_space<vmem>>
      %get3A_2316 = tpu.memref_squeeze %get3A_2315 : memref<1x21x64xf32, #tpu.memory_space<vmem>> -> memref<21x64xf32, #tpu.memory_space<vmem>>
      %get3A_2317 = arith.index_cast %get3A_2312 : i32 to index
      %get3A_2318 = arith.constant 16 : index
      %get3A_2319 = tpu.vector_load %get3A_2316[%get3A_2317, %get3A_2318] {strides = array<i32>} : memref<21x64xf32, #tpu.memory_space<vmem>>, vector<16xf32>,
      %gt3A_2320 = arith.cmpf ogt, %get3A_2319, %select_n3A_2271 : vector<16xf32>
      %select_n3A_2321 = arith.select %gt3A_2320, %get3A_2319, %select_n3A_2271 : vector<16xi1>, vector<16xf32>
      %select_n3A_2322 = arith.select %gt3A_2320, %broadcast_in_dim3A_2298, %select_n3A_2272 : vector<16xi1>, vector<16xi32>
      %get3A_2323 = arith.constant 1 : i32
      %get3A_2324 = arith.constant 16 : i32
      %get3A_2325 = arith.constant 0 : i32
      %get3A_2326 = arith.constant 0 : i32
      %get3A_2327 = tpu.memref_slice %arg12[%get3A_2323, %get3A_2325, %get3A_2326] : memref<2x21x64xf32, #tpu.memory_space<vmem>> -> memref<1x21x64xf32, #tpu.memory_space<vmem>>
      %get3A_2328 = tpu.memref_squeeze %get3A_2327 : memref<1x21x64xf32, #tpu.memory_space<vmem>> -> memref<21x64xf32, #tpu.memory_space<vmem>>
      %get3A_2329 = arith.index_cast %get3A_2324 : i32 to index
      %get3A_2330 = arith.constant 32 : index
      %get3A_2331 = tpu.vector_load %get3A_2328[%get3A_2329, %get3A_2330] {strides = array<i32>} : memref<21x64xf32, #tpu.memory_space<vmem>>, vector<16xf32>,
      %gt3A_2332 = arith.cmpf ogt, %get3A_2331, %select_n3A_2283 : vector<16xf32>
      %select_n3A_2333 = arith.select %gt3A_2332, %get3A_2331, %select_n3A_2283 : vector<16xi1>, vector<16xf32>
      %select_n3A_2334 = arith.select %gt3A_2332, %broadcast_in_dim3A_2298, %select_n3A_2284 : vector<16xi1>, vector<16xi32>
      %get3A_2335 = arith.constant 1 : i32
      %get3A_2336 = arith.constant 16 : i32
      %get3A_2337 = arith.constant 0 : i32
      %get3A_2338 = arith.constant 0 : i32
      %get3A_2339 = tpu.memref_slice %arg12[%get3A_2335, %get3A_2337, %get3A_2338] : memref<2x21x64xf32, #tpu.memory_space<vmem>> -> memref<1x21x64xf32, #tpu.memory_space<vmem>>
      %get3A_2340 = tpu.memref_squeeze %get3A_2339 : memref<1x21x64xf32, #tpu.memory_space<vmem>> -> memref<21x64xf32, #tpu.memory_space<vmem>>
      %get3A_2341 = arith.index_cast %get3A_2336 : i32 to index
      %get3A_2342 = arith.constant 48 : index
      %get3A_2343 = tpu.vector_load %get3A_2340[%get3A_2341, %get3A_2342] {strides = array<i32>} : memref<21x64xf32, #tpu.memory_space<vmem>>, vector<16xf32>,
      %gt3A_2344 = arith.cmpf ogt, %get3A_2343, %select_n3A_2295 : vector<16xf32>
      %select_n3A_2345 = arith.select %gt3A_2344, %get3A_2343, %select_n3A_2295 : vector<16xi1>, vector<16xf32>
      %select_n3A_2346 = arith.select %gt3A_2344, %broadcast_in_dim3A_2298, %select_n3A_2296 : vector<16xi1>, vector<16xi32>
      %broadcast_in_dim3A_2347 = arith.constant 17 : i32
      %broadcast_in_dim3A_2348 = vector.broadcast %broadcast_in_dim3A_2347 : i32 to vector<16xi32>
      %get3A_2349 = arith.constant 1 : i32
      %get3A_2350 = arith.constant 17 : i32
      %get3A_2351 = arith.constant 0 : i32
      %get3A_2352 = arith.constant 0 : i32
      %get3A_2353 = tpu.memref_slice %arg12[%get3A_2349, %get3A_2351, %get3A_2352] : memref<2x21x64xf32, #tpu.memory_space<vmem>> -> memref<1x21x64xf32, #tpu.memory_space<vmem>>
      %get3A_2354 = tpu.memref_squeeze %get3A_2353 : memref<1x21x64xf32, #tpu.memory_space<vmem>> -> memref<21x64xf32, #tpu.memory_space<vmem>>
      %get3A_2355 = arith.index_cast %get3A_2350 : i32 to index
      %get3A_2356 = arith.constant 0 : index
      %get3A_2357 = tpu.vector_load %get3A_2354[%get3A_2355, %get3A_2356] {strides = array<i32>} : memref<21x64xf32, #tpu.memory_space<vmem>>, vector<16xf32>,
      %gt3A_2358 = arith.cmpf ogt, %get3A_2357, %select_n3A_2309 : vector<16xf32>
      %select_n3A_2359 = arith.select %gt3A_2358, %get3A_2357, %select_n3A_2309 : vector<16xi1>, vector<16xf32>
      %select_n3A_2360 = arith.select %gt3A_2358, %broadcast_in_dim3A_2348, %select_n3A_2310 : vector<16xi1>, vector<16xi32>
      %get3A_2361 = arith.constant 1 : i32
      %get3A_2362 = arith.constant 17 : i32
      %get3A_2363 = arith.constant 0 : i32
      %get3A_2364 = arith.constant 0 : i32
      %get3A_2365 = tpu.memref_slice %arg12[%get3A_2361, %get3A_2363, %get3A_2364] : memref<2x21x64xf32, #tpu.memory_space<vmem>> -> memref<1x21x64xf32, #tpu.memory_space<vmem>>
      %get3A_2366 = tpu.memref_squeeze %get3A_2365 : memref<1x21x64xf32, #tpu.memory_space<vmem>> -> memref<21x64xf32, #tpu.memory_space<vmem>>
      %get3A_2367 = arith.index_cast %get3A_2362 : i32 to index
      %get3A_2368 = arith.constant 16 : index
      %get3A_2369 = tpu.vector_load %get3A_2366[%get3A_2367, %get3A_2368] {strides = array<i32>} : memref<21x64xf32, #tpu.memory_space<vmem>>, vector<16xf32>,
      %gt3A_2370 = arith.cmpf ogt, %get3A_2369, %select_n3A_2321 : vector<16xf32>
      %select_n3A_2371 = arith.select %gt3A_2370, %get3A_2369, %select_n3A_2321 : vector<16xi1>, vector<16xf32>
      %select_n3A_2372 = arith.select %gt3A_2370, %broadcast_in_dim3A_2348, %select_n3A_2322 : vector<16xi1>, vector<16xi32>
      %get3A_2373 = arith.constant 1 : i32
      %get3A_2374 = arith.constant 17 : i32
      %get3A_2375 = arith.constant 0 : i32
      %get3A_2376 = arith.constant 0 : i32
      %get3A_2377 = tpu.memref_slice %arg12[%get3A_2373, %get3A_2375, %get3A_2376] : memref<2x21x64xf32, #tpu.memory_space<vmem>> -> memref<1x21x64xf32, #tpu.memory_space<vmem>>
      %get3A_2378 = tpu.memref_squeeze %get3A_2377 : memref<1x21x64xf32, #tpu.memory_space<vmem>> -> memref<21x64xf32, #tpu.memory_space<vmem>>
      %get3A_2379 = arith.index_cast %get3A_2374 : i32 to index
      %get3A_2380 = arith.constant 32 : index
      %get3A_2381 = tpu.vector_load %get3A_2378[%get3A_2379, %get3A_2380] {strides = array<i32>} : memref<21x64xf32, #tpu.memory_space<vmem>>, vector<16xf32>,
      %gt3A_2382 = arith.cmpf ogt, %get3A_2381, %select_n3A_2333 : vector<16xf32>
      %select_n3A_2383 = arith.select %gt3A_2382, %get3A_2381, %select_n3A_2333 : vector<16xi1>, vector<16xf32>
      %select_n3A_2384 = arith.select %gt3A_2382, %broadcast_in_dim3A_2348, %select_n3A_2334 : vector<16xi1>, vector<16xi32>
      %get3A_2385 = arith.constant 1 : i32
      %get3A_2386 = arith.constant 17 : i32
      %get3A_2387 = arith.constant 0 : i32
      %get3A_2388 = arith.constant 0 : i32
      %get3A_2389 = tpu.memref_slice %arg12[%get3A_2385, %get3A_2387, %get3A_2388] : memref<2x21x64xf32, #tpu.memory_space<vmem>> -> memref<1x21x64xf32, #tpu.memory_space<vmem>>
      %get3A_2390 = tpu.memref_squeeze %get3A_2389 : memref<1x21x64xf32, #tpu.memory_space<vmem>> -> memref<21x64xf32, #tpu.memory_space<vmem>>
      %get3A_2391 = arith.index_cast %get3A_2386 : i32 to index
      %get3A_2392 = arith.constant 48 : index
      %get3A_2393 = tpu.vector_load %get3A_2390[%get3A_2391, %get3A_2392] {strides = array<i32>} : memref<21x64xf32, #tpu.memory_space<vmem>>, vector<16xf32>,
      %gt3A_2394 = arith.cmpf ogt, %get3A_2393, %select_n3A_2345 : vector<16xf32>
      %select_n3A_2395 = arith.select %gt3A_2394, %get3A_2393, %select_n3A_2345 : vector<16xi1>, vector<16xf32>
      %select_n3A_2396 = arith.select %gt3A_2394, %broadcast_in_dim3A_2348, %select_n3A_2346 : vector<16xi1>, vector<16xi32>
      %broadcast_in_dim3A_2397 = arith.constant 18 : i32
      %broadcast_in_dim3A_2398 = vector.broadcast %broadcast_in_dim3A_2397 : i32 to vector<16xi32>
      %get3A_2399 = arith.constant 1 : i32
      %get3A_2400 = arith.constant 18 : i32
      %get3A_2401 = arith.constant 0 : i32
      %get3A_2402 = arith.constant 0 : i32
      %get3A_2403 = tpu.memref_slice %arg12[%get3A_2399, %get3A_2401, %get3A_2402] : memref<2x21x64xf32, #tpu.memory_space<vmem>> -> memref<1x21x64xf32, #tpu.memory_space<vmem>>
      %get3A_2404 = tpu.memref_squeeze %get3A_2403 : memref<1x21x64xf32, #tpu.memory_space<vmem>> -> memref<21x64xf32, #tpu.memory_space<vmem>>
      %get3A_2405 = arith.index_cast %get3A_2400 : i32 to index
      %get3A_2406 = arith.constant 0 : index
      %get3A_2407 = tpu.vector_load %get3A_2404[%get3A_2405, %get3A_2406] {strides = array<i32>} : memref<21x64xf32, #tpu.memory_space<vmem>>, vector<16xf32>,
      %gt3A_2408 = arith.cmpf ogt, %get3A_2407, %select_n3A_2359 : vector<16xf32>
      %select_n3A_2409 = arith.select %gt3A_2408, %get3A_2407, %select_n3A_2359 : vector<16xi1>, vector<16xf32>
      %select_n3A_2410 = arith.select %gt3A_2408, %broadcast_in_dim3A_2398, %select_n3A_2360 : vector<16xi1>, vector<16xi32>
      %get3A_2411 = arith.constant 1 : i32
      %get3A_2412 = arith.constant 18 : i32
      %get3A_2413 = arith.constant 0 : i32
      %get3A_2414 = arith.constant 0 : i32
      %get3A_2415 = tpu.memref_slice %arg12[%get3A_2411, %get3A_2413, %get3A_2414] : memref<2x21x64xf32, #tpu.memory_space<vmem>> -> memref<1x21x64xf32, #tpu.memory_space<vmem>>
      %get3A_2416 = tpu.memref_squeeze %get3A_2415 : memref<1x21x64xf32, #tpu.memory_space<vmem>> -> memref<21x64xf32, #tpu.memory_space<vmem>>
      %get3A_2417 = arith.index_cast %get3A_2412 : i32 to index
      %get3A_2418 = arith.constant 16 : index
      %get3A_2419 = tpu.vector_load %get3A_2416[%get3A_2417, %get3A_2418] {strides = array<i32>} : memref<21x64xf32, #tpu.memory_space<vmem>>, vector<16xf32>,
      %gt3A_2420 = arith.cmpf ogt, %get3A_2419, %select_n3A_2371 : vector<16xf32>
      %select_n3A_2421 = arith.select %gt3A_2420, %get3A_2419, %select_n3A_2371 : vector<16xi1>, vector<16xf32>
      %select_n3A_2422 = arith.select %gt3A_2420, %broadcast_in_dim3A_2398, %select_n3A_2372 : vector<16xi1>, vector<16xi32>
      %get3A_2423 = arith.constant 1 : i32
      %get3A_2424 = arith.constant 18 : i32
      %get3A_2425 = arith.constant 0 : i32
      %get3A_2426 = arith.constant 0 : i32
      %get3A_2427 = tpu.memref_slice %arg12[%get3A_2423, %get3A_2425, %get3A_2426] : memref<2x21x64xf32, #tpu.memory_space<vmem>> -> memref<1x21x64xf32, #tpu.memory_space<vmem>>
      %get3A_2428 = tpu.memref_squeeze %get3A_2427 : memref<1x21x64xf32, #tpu.memory_space<vmem>> -> memref<21x64xf32, #tpu.memory_space<vmem>>
      %get3A_2429 = arith.index_cast %get3A_2424 : i32 to index
      %get3A_2430 = arith.constant 32 : index
      %get3A_2431 = tpu.vector_load %get3A_2428[%get3A_2429, %get3A_2430] {strides = array<i32>} : memref<21x64xf32, #tpu.memory_space<vmem>>, vector<16xf32>,
      %gt3A_2432 = arith.cmpf ogt, %get3A_2431, %select_n3A_2383 : vector<16xf32>
      %select_n3A_2433 = arith.select %gt3A_2432, %get3A_2431, %select_n3A_2383 : vector<16xi1>, vector<16xf32>
      %select_n3A_2434 = arith.select %gt3A_2432, %broadcast_in_dim3A_2398, %select_n3A_2384 : vector<16xi1>, vector<16xi32>
      %get3A_2435 = arith.constant 1 : i32
      %get3A_2436 = arith.constant 18 : i32
      %get3A_2437 = arith.constant 0 : i32
      %get3A_2438 = arith.constant 0 : i32
      %get3A_2439 = tpu.memref_slice %arg12[%get3A_2435, %get3A_2437, %get3A_2438] : memref<2x21x64xf32, #tpu.memory_space<vmem>> -> memref<1x21x64xf32, #tpu.memory_space<vmem>>
      %get3A_2440 = tpu.memref_squeeze %get3A_2439 : memref<1x21x64xf32, #tpu.memory_space<vmem>> -> memref<21x64xf32, #tpu.memory_space<vmem>>
      %get3A_2441 = arith.index_cast %get3A_2436 : i32 to index
      %get3A_2442 = arith.constant 48 : index
      %get3A_2443 = tpu.vector_load %get3A_2440[%get3A_2441, %get3A_2442] {strides = array<i32>} : memref<21x64xf32, #tpu.memory_space<vmem>>, vector<16xf32>,
      %gt3A_2444 = arith.cmpf ogt, %get3A_2443, %select_n3A_2395 : vector<16xf32>
      %select_n3A_2445 = arith.select %gt3A_2444, %get3A_2443, %select_n3A_2395 : vector<16xi1>, vector<16xf32>
      %select_n3A_2446 = arith.select %gt3A_2444, %broadcast_in_dim3A_2398, %select_n3A_2396 : vector<16xi1>, vector<16xi32>
      %broadcast_in_dim3A_2447 = arith.constant 19 : i32
      %broadcast_in_dim3A_2448 = vector.broadcast %broadcast_in_dim3A_2447 : i32 to vector<16xi32>
      %get3A_2449 = arith.constant 1 : i32
      %get3A_2450 = arith.constant 19 : i32
      %get3A_2451 = arith.constant 0 : i32
      %get3A_2452 = arith.constant 0 : i32
      %get3A_2453 = tpu.memref_slice %arg12[%get3A_2449, %get3A_2451, %get3A_2452] : memref<2x21x64xf32, #tpu.memory_space<vmem>> -> memref<1x21x64xf32, #tpu.memory_space<vmem>>
      %get3A_2454 = tpu.memref_squeeze %get3A_2453 : memref<1x21x64xf32, #tpu.memory_space<vmem>> -> memref<21x64xf32, #tpu.memory_space<vmem>>
      %get3A_2455 = arith.index_cast %get3A_2450 : i32 to index
      %get3A_2456 = arith.constant 0 : index
      %get3A_2457 = tpu.vector_load %get3A_2454[%get3A_2455, %get3A_2456] {strides = array<i32>} : memref<21x64xf32, #tpu.memory_space<vmem>>, vector<16xf32>,
      %gt3A_2458 = arith.cmpf ogt, %get3A_2457, %select_n3A_2409 : vector<16xf32>
      %select_n3A_2459 = arith.select %gt3A_2458, %get3A_2457, %select_n3A_2409 : vector<16xi1>, vector<16xf32>
      %select_n3A_2460 = arith.select %gt3A_2458, %broadcast_in_dim3A_2448, %select_n3A_2410 : vector<16xi1>, vector<16xi32>
      %get3A_2461 = arith.constant 1 : i32
      %get3A_2462 = arith.constant 19 : i32
      %get3A_2463 = arith.constant 0 : i32
      %get3A_2464 = arith.constant 0 : i32
      %get3A_2465 = tpu.memref_slice %arg12[%get3A_2461, %get3A_2463, %get3A_2464] : memref<2x21x64xf32, #tpu.memory_space<vmem>> -> memref<1x21x64xf32, #tpu.memory_space<vmem>>
      %get3A_2466 = tpu.memref_squeeze %get3A_2465 : memref<1x21x64xf32, #tpu.memory_space<vmem>> -> memref<21x64xf32, #tpu.memory_space<vmem>>
      %get3A_2467 = arith.index_cast %get3A_2462 : i32 to index
      %get3A_2468 = arith.constant 16 : index
      %get3A_2469 = tpu.vector_load %get3A_2466[%get3A_2467, %get3A_2468] {strides = array<i32>} : memref<21x64xf32, #tpu.memory_space<vmem>>, vector<16xf32>,
      %gt3A_2470 = arith.cmpf ogt, %get3A_2469, %select_n3A_2421 : vector<16xf32>
      %select_n3A_2471 = arith.select %gt3A_2470, %get3A_2469, %select_n3A_2421 : vector<16xi1>, vector<16xf32>
      %select_n3A_2472 = arith.select %gt3A_2470, %broadcast_in_dim3A_2448, %select_n3A_2422 : vector<16xi1>, vector<16xi32>
      %get3A_2473 = arith.constant 1 : i32
      %get3A_2474 = arith.constant 19 : i32
      %get3A_2475 = arith.constant 0 : i32
      %get3A_2476 = arith.constant 0 : i32
      %get3A_2477 = tpu.memref_slice %arg12[%get3A_2473, %get3A_2475, %get3A_2476] : memref<2x21x64xf32, #tpu.memory_space<vmem>> -> memref<1x21x64xf32, #tpu.memory_space<vmem>>
      %get3A_2478 = tpu.memref_squeeze %get3A_2477 : memref<1x21x64xf32, #tpu.memory_space<vmem>> -> memref<21x64xf32, #tpu.memory_space<vmem>>
      %get3A_2479 = arith.index_cast %get3A_2474 : i32 to index
      %get3A_2480 = arith.constant 32 : index
      %get3A_2481 = tpu.vector_load %get3A_2478[%get3A_2479, %get3A_2480] {strides = array<i32>} : memref<21x64xf32, #tpu.memory_space<vmem>>, vector<16xf32>,
      %gt3A_2482 = arith.cmpf ogt, %get3A_2481, %select_n3A_2433 : vector<16xf32>
      %select_n3A_2483 = arith.select %gt3A_2482, %get3A_2481, %select_n3A_2433 : vector<16xi1>, vector<16xf32>
      %select_n3A_2484 = arith.select %gt3A_2482, %broadcast_in_dim3A_2448, %select_n3A_2434 : vector<16xi1>, vector<16xi32>
      %get3A_2485 = arith.constant 1 : i32
      %get3A_2486 = arith.constant 19 : i32
      %get3A_2487 = arith.constant 0 : i32
      %get3A_2488 = arith.constant 0 : i32
      %get3A_2489 = tpu.memref_slice %arg12[%get3A_2485, %get3A_2487, %get3A_2488] : memref<2x21x64xf32, #tpu.memory_space<vmem>> -> memref<1x21x64xf32, #tpu.memory_space<vmem>>
      %get3A_2490 = tpu.memref_squeeze %get3A_2489 : memref<1x21x64xf32, #tpu.memory_space<vmem>> -> memref<21x64xf32, #tpu.memory_space<vmem>>
      %get3A_2491 = arith.index_cast %get3A_2486 : i32 to index
      %get3A_2492 = arith.constant 48 : index
      %get3A_2493 = tpu.vector_load %get3A_2490[%get3A_2491, %get3A_2492] {strides = array<i32>} : memref<21x64xf32, #tpu.memory_space<vmem>>, vector<16xf32>,
      %gt3A_2494 = arith.cmpf ogt, %get3A_2493, %select_n3A_2445 : vector<16xf32>
      %select_n3A_2495 = arith.select %gt3A_2494, %get3A_2493, %select_n3A_2445 : vector<16xi1>, vector<16xf32>
      %select_n3A_2496 = arith.select %gt3A_2494, %broadcast_in_dim3A_2448, %select_n3A_2446 : vector<16xi1>, vector<16xi32>
      %broadcast_in_dim3A_2497 = arith.constant 20 : i32
      %broadcast_in_dim3A_2498 = vector.broadcast %broadcast_in_dim3A_2497 : i32 to vector<16xi32>
      %get3A_2499 = arith.constant 1 : i32
      %get3A_2500 = arith.constant 20 : i32
      %get3A_2501 = arith.constant 0 : i32
      %get3A_2502 = arith.constant 0 : i32
      %get3A_2503 = tpu.memref_slice %arg12[%get3A_2499, %get3A_2501, %get3A_2502] : memref<2x21x64xf32, #tpu.memory_space<vmem>> -> memref<1x21x64xf32, #tpu.memory_space<vmem>>
      %get3A_2504 = tpu.memref_squeeze %get3A_2503 : memref<1x21x64xf32, #tpu.memory_space<vmem>> -> memref<21x64xf32, #tpu.memory_space<vmem>>
      %get3A_2505 = arith.index_cast %get3A_2500 : i32 to index
      %get3A_2506 = arith.constant 0 : index
      %get3A_2507 = tpu.vector_load %get3A_2504[%get3A_2505, %get3A_2506] {strides = array<i32>} : memref<21x64xf32, #tpu.memory_space<vmem>>, vector<16xf32>,
      %gt3A_2508 = arith.cmpf ogt, %get3A_2507, %select_n3A_2459 : vector<16xf32>
      %select_n3A_2509 = arith.select %gt3A_2508, %get3A_2507, %select_n3A_2459 : vector<16xi1>, vector<16xf32>
      %select_n3A_2510 = arith.select %gt3A_2508, %broadcast_in_dim3A_2498, %select_n3A_2460 : vector<16xi1>, vector<16xi32>
      %get3A_2511 = arith.constant 1 : i32
      %get3A_2512 = arith.constant 20 : i32
      %get3A_2513 = arith.constant 0 : i32
      %get3A_2514 = arith.constant 0 : i32
      %get3A_2515 = tpu.memref_slice %arg12[%get3A_2511, %get3A_2513, %get3A_2514] : memref<2x21x64xf32, #tpu.memory_space<vmem>> -> memref<1x21x64xf32, #tpu.memory_space<vmem>>
      %get3A_2516 = tpu.memref_squeeze %get3A_2515 : memref<1x21x64xf32, #tpu.memory_space<vmem>> -> memref<21x64xf32, #tpu.memory_space<vmem>>
      %get3A_2517 = arith.index_cast %get3A_2512 : i32 to index
      %get3A_2518 = arith.constant 16 : index
      %get3A_2519 = tpu.vector_load %get3A_2516[%get3A_2517, %get3A_2518] {strides = array<i32>} : memref<21x64xf32, #tpu.memory_space<vmem>>, vector<16xf32>,
      %gt3A_2520 = arith.cmpf ogt, %get3A_2519, %select_n3A_2471 : vector<16xf32>
      %select_n3A_2521 = arith.select %gt3A_2520, %get3A_2519, %select_n3A_2471 : vector<16xi1>, vector<16xf32>
      %select_n3A_2522 = arith.select %gt3A_2520, %broadcast_in_dim3A_2498, %select_n3A_2472 : vector<16xi1>, vector<16xi32>
      %get3A_2523 = arith.constant 1 : i32
      %get3A_2524 = arith.constant 20 : i32
      %get3A_2525 = arith.constant 0 : i32
      %get3A_2526 = arith.constant 0 : i32
      %get3A_2527 = tpu.memref_slice %arg12[%get3A_2523, %get3A_2525, %get3A_2526] : memref<2x21x64xf32, #tpu.memory_space<vmem>> -> memref<1x21x64xf32, #tpu.memory_space<vmem>>
      %get3A_2528 = tpu.memref_squeeze %get3A_2527 : memref<1x21x64xf32, #tpu.memory_space<vmem>> -> memref<21x64xf32, #tpu.memory_space<vmem>>
      %get3A_2529 = arith.index_cast %get3A_2524 : i32 to index
      %get3A_2530 = arith.constant 32 : index
      %get3A_2531 = tpu.vector_load %get3A_2528[%get3A_2529, %get3A_2530] {strides = array<i32>} : memref<21x64xf32, #tpu.memory_space<vmem>>, vector<16xf32>,
      %gt3A_2532 = arith.cmpf ogt, %get3A_2531, %select_n3A_2483 : vector<16xf32>
      %select_n3A_2533 = arith.select %gt3A_2532, %get3A_2531, %select_n3A_2483 : vector<16xi1>, vector<16xf32>
      %select_n3A_2534 = arith.select %gt3A_2532, %broadcast_in_dim3A_2498, %select_n3A_2484 : vector<16xi1>, vector<16xi32>
      %get3A_2535 = arith.constant 1 : i32
      %get3A_2536 = arith.constant 20 : i32
      %get3A_2537 = arith.constant 0 : i32
      %get3A_2538 = arith.constant 0 : i32
      %get3A_2539 = tpu.memref_slice %arg12[%get3A_2535, %get3A_2537, %get3A_2538] : memref<2x21x64xf32, #tpu.memory_space<vmem>> -> memref<1x21x64xf32, #tpu.memory_space<vmem>>
      %get3A_2540 = tpu.memref_squeeze %get3A_2539 : memref<1x21x64xf32, #tpu.memory_space<vmem>> -> memref<21x64xf32, #tpu.memory_space<vmem>>
      %get3A_2541 = arith.index_cast %get3A_2536 : i32 to index
      %get3A_2542 = arith.constant 48 : index
      %get3A_2543 = tpu.vector_load %get3A_2540[%get3A_2541, %get3A_2542] {strides = array<i32>} : memref<21x64xf32, #tpu.memory_space<vmem>>, vector<16xf32>,
      %gt3A_2544 = arith.cmpf ogt, %get3A_2543, %select_n3A_2495 : vector<16xf32>
      %select_n3A_2545 = arith.select %gt3A_2544, %get3A_2543, %select_n3A_2495 : vector<16xi1>, vector<16xf32>
      %select_n3A_2546 = arith.select %gt3A_2544, %broadcast_in_dim3A_2498, %select_n3A_2496 : vector<16xi1>, vector<16xi32>
      %get3A_2547 = arith.constant 1 : i32
      %get3A_2548 = arith.constant 0 : i32
      %get3A_2549 = tpu.memref_slice %arg13[%get3A_2547, %get3A_2548] : memref<2x64xi32, #tpu.memory_space<vmem>> -> memref<1x64xi32, #tpu.memory_space<vmem>>
      %get3A_2550 = tpu.memref_squeeze %get3A_2549 : memref<1x64xi32, #tpu.memory_space<vmem>> -> memref<64xi32, #tpu.memory_space<vmem>>
      %get3A_2551 = arith.constant 0 : index
      %get3A_2552 = tpu.vector_load %get3A_2550[%get3A_2551] {strides = array<i32>} : memref<64xi32, #tpu.memory_space<vmem>>, vector<16xi32>,
      %lt3A_2553 = arith.cmpi slt, %get3A_2552, %get3A_39 : vector<16xi32>
      %jit3A_2554 = arith.constant 0 : i32
      %broadcast_in_dim3A_2555 = vector.broadcast %jit3A_2554 : i32 to vector<16xi32>
      %select_n3A_2556 = arith.select %lt3A_2553, %select_n3A_2510, %broadcast_in_dim3A_2555 : vector<16xi1>, vector<16xi32>
      %mul3A_2557 = arith.constant 8 : i32
      %mul3A_2558 = vector.broadcast %mul3A_2557 : i32 to vector<16xi32>
      %mul3A_2559 = arith.muli %select_n3A_2556, %mul3A_2558 : vector<16xi32>
      %add3A_2560 = arith.addi %mul3A_2559, %select_n3A_63 : vector<16xi32>
      tpu.vector_store_idx %arg17[%add3A_2560], %broadcast_in_dim3A_41 {add = true} : memref<256xf32, #tpu.memory_space<vmem>>[vector<16xi32>], vector<16xf32>,
      %mul3A_2561 = arith.constant 8 : i32
      %mul3A_2562 = vector.broadcast %mul3A_2561 : i32 to vector<16xi32>
      %mul3A_2563 = arith.muli %select_n3A_2556, %mul3A_2562 : vector<16xi32>
      %add3A_2564 = arith.addi %mul3A_2563, %select_n3A_63 : vector<16xi32>
      %get3A_2565 = arith.constant 1 : i32
      %get3A_2566 = arith.constant 0 : i32
      %get3A_2567 = tpu.memref_slice %arg13[%get3A_2565, %get3A_2566] : memref<2x64xi32, #tpu.memory_space<vmem>> -> memref<1x64xi32, #tpu.memory_space<vmem>>
      %get3A_2568 = tpu.memref_squeeze %get3A_2567 : memref<1x64xi32, #tpu.memory_space<vmem>> -> memref<64xi32, #tpu.memory_space<vmem>>
      %get3A_2569 = arith.constant 16 : index
      %get3A_2570 = tpu.vector_load %get3A_2568[%get3A_2569] {strides = array<i32>} : memref<64xi32, #tpu.memory_space<vmem>>, vector<16xi32>,
      %lt3A_2571 = arith.cmpi slt, %get3A_2570, %get3A_39 : vector<16xi32>
      %jit3A_2572 = arith.constant 0 : i32
      %broadcast_in_dim3A_2573 = vector.broadcast %jit3A_2572 : i32 to vector<16xi32>
      %select_n3A_2574 = arith.select %lt3A_2571, %select_n3A_2522, %broadcast_in_dim3A_2573 : vector<16xi1>, vector<16xi32>
      %mul3A_2575 = arith.constant 8 : i32
      %mul3A_2576 = vector.broadcast %mul3A_2575 : i32 to vector<16xi32>
      %mul3A_2577 = arith.muli %select_n3A_2574, %mul3A_2576 : vector<16xi32>
      %add3A_2578 = arith.addi %mul3A_2577, %select_n3A_63 : vector<16xi32>
      tpu.vector_store_idx %arg17[%add3A_2578], %broadcast_in_dim3A_41 {add = true} : memref<256xf32, #tpu.memory_space<vmem>>[vector<16xi32>], vector<16xf32>,
      %mul3A_2579 = arith.constant 8 : i32
      %mul3A_2580 = vector.broadcast %mul3A_2579 : i32 to vector<16xi32>
      %mul3A_2581 = arith.muli %select_n3A_2574, %mul3A_2580 : vector<16xi32>
      %add3A_2582 = arith.addi %mul3A_2581, %select_n3A_63 : vector<16xi32>
      %get3A_2583 = arith.constant 1 : i32
      %get3A_2584 = arith.constant 0 : i32
      %get3A_2585 = tpu.memref_slice %arg13[%get3A_2583, %get3A_2584] : memref<2x64xi32, #tpu.memory_space<vmem>> -> memref<1x64xi32, #tpu.memory_space<vmem>>
      %get3A_2586 = tpu.memref_squeeze %get3A_2585 : memref<1x64xi32, #tpu.memory_space<vmem>> -> memref<64xi32, #tpu.memory_space<vmem>>
      %get3A_2587 = arith.constant 32 : index
      %get3A_2588 = tpu.vector_load %get3A_2586[%get3A_2587] {strides = array<i32>} : memref<64xi32, #tpu.memory_space<vmem>>, vector<16xi32>,
      %lt3A_2589 = arith.cmpi slt, %get3A_2588, %get3A_39 : vector<16xi32>
      %jit3A_2590 = arith.constant 0 : i32
      %broadcast_in_dim3A_2591 = vector.broadcast %jit3A_2590 : i32 to vector<16xi32>
      %select_n3A_2592 = arith.select %lt3A_2589, %select_n3A_2534, %broadcast_in_dim3A_2591 : vector<16xi1>, vector<16xi32>
      %mul3A_2593 = arith.constant 8 : i32
      %mul3A_2594 = vector.broadcast %mul3A_2593 : i32 to vector<16xi32>
      %mul3A_2595 = arith.muli %select_n3A_2592, %mul3A_2594 : vector<16xi32>
      %add3A_2596 = arith.addi %mul3A_2595, %select_n3A_63 : vector<16xi32>
      tpu.vector_store_idx %arg17[%add3A_2596], %broadcast_in_dim3A_41 {add = true} : memref<256xf32, #tpu.memory_space<vmem>>[vector<16xi32>], vector<16xf32>,
      %mul3A_2597 = arith.constant 8 : i32
      %mul3A_2598 = vector.broadcast %mul3A_2597 : i32 to vector<16xi32>
      %mul3A_2599 = arith.muli %select_n3A_2592, %mul3A_2598 : vector<16xi32>
      %add3A_2600 = arith.addi %mul3A_2599, %select_n3A_63 : vector<16xi32>
      %get3A_2601 = arith.constant 1 : i32
      %get3A_2602 = arith.constant 0 : i32
      %get3A_2603 = tpu.memref_slice %arg13[%get3A_2601, %get3A_2602] : memref<2x64xi32, #tpu.memory_space<vmem>> -> memref<1x64xi32, #tpu.memory_space<vmem>>
      %get3A_2604 = tpu.memref_squeeze %get3A_2603 : memref<1x64xi32, #tpu.memory_space<vmem>> -> memref<64xi32, #tpu.memory_space<vmem>>
      %get3A_2605 = arith.constant 48 : index
      %get3A_2606 = tpu.vector_load %get3A_2604[%get3A_2605] {strides = array<i32>} : memref<64xi32, #tpu.memory_space<vmem>>, vector<16xi32>,
      %lt3A_2607 = arith.cmpi slt, %get3A_2606, %get3A_39 : vector<16xi32>
      %jit3A_2608 = arith.constant 0 : i32
      %broadcast_in_dim3A_2609 = vector.broadcast %jit3A_2608 : i32 to vector<16xi32>
      %select_n3A_2610 = arith.select %lt3A_2607, %select_n3A_2546, %broadcast_in_dim3A_2609 : vector<16xi1>, vector<16xi32>
      %mul3A_2611 = arith.constant 8 : i32
      %mul3A_2612 = vector.broadcast %mul3A_2611 : i32 to vector<16xi32>
      %mul3A_2613 = arith.muli %select_n3A_2610, %mul3A_2612 : vector<16xi32>
      %add3A_2614 = arith.addi %mul3A_2613, %select_n3A_63 : vector<16xi32>
      tpu.vector_store_idx %arg17[%add3A_2614], %broadcast_in_dim3A_41 {add = true} : memref<256xf32, #tpu.memory_space<vmem>>[vector<16xi32>], vector<16xf32>,
      %mul3A_2615 = arith.constant 8 : i32
      %mul3A_2616 = vector.broadcast %mul3A_2615 : i32 to vector<16xi32>
      %mul3A_2617 = arith.muli %select_n3A_2610, %mul3A_2616 : vector<16xi32>
      %add3A_2618 = arith.addi %mul3A_2617, %select_n3A_63 : vector<16xi32>
      %broadcast_in_dim3A_2619 = arith.constant 0.000000e+00 : f32
      %broadcast_in_dim3A_2620 = vector.broadcast %broadcast_in_dim3A_2619 : f32 to vector<16xf32>
      %broadcast_in_dim3A_2621 = arith.constant 0.000000e+00 : f32
      %broadcast_in_dim3A_2622 = vector.broadcast %broadcast_in_dim3A_2621 : f32 to vector<16xf32>
      %broadcast_in_dim3A_2623 = arith.constant 0.000000e+00 : f32
      %broadcast_in_dim3A_2624 = vector.broadcast %broadcast_in_dim3A_2623 : f32 to vector<16xf32>
      %broadcast_in_dim3A_2625 = arith.constant 0.000000e+00 : f32
      %broadcast_in_dim3A_2626 = vector.broadcast %broadcast_in_dim3A_2625 : f32 to vector<16xf32>
      %parallel_loop3A_2627 = arith.constant 0 : i32
      %parallel_loop3A_2628 = arith.constant 256 : i32
      %parallel_loop3A_2629 = arith.constant 2 : i32
      %parallel_loop3A_2630 = arith.constant 1 : i32
      %parallel_loop3A_2631 = arith.constant 1 : i32
      %parallel_loop3A_2632:4 = scf.for %parallel_loop3A_2640 = %parallel_loop3A_2627 to %parallel_loop3A_2628 step %parallel_loop3A_2629 iter_args(%parallel_loop3A_2641 = %broadcast_in_dim3A_2620, %parallel_loop3A_2642 = %broadcast_in_dim3A_2622, %parallel_loop3A_2643 = %broadcast_in_dim3A_2624, %parallel_loop3A_2644 = %broadcast_in_dim3A_2626) -> (vector<16xf32>, vector<16xf32>, vector<16xf32>, vector<16xf32>)  : i32 {
        %parallel_loop3A_2645 = arith.constant 0 : i32
        %parallel_loop3A_2646 = arith.addi %parallel_loop3A_2640, %parallel_loop3A_2645 : i32
        %parallel_loop3A_2647 = arith.constant 168 : i32
        %parallel_loop3A_2648 = arith.muli %parallel_loop3A_2646, %parallel_loop3A_2647 : i32
        %parallel_loop3A_2649 = arith.constant 0 : i32
        %parallel_loop3A_2650 = arith.constant 0 : i32
        %parallel_loop3A_2651 = tpu.memref_slice %arg10[%parallel_loop3A_2630, %parallel_loop3A_2649, %parallel_loop3A_2650] : memref<2x256x64xf32, #tpu.memory_space<vmem>> -> memref<1x256x64xf32, #tpu.memory_space<vmem>>
        %parallel_loop3A_2652 = tpu.memref_squeeze %parallel_loop3A_2651 : memref<1x256x64xf32, #tpu.memory_space<vmem>> -> memref<256x64xf32, #tpu.memory_space<vmem>>
        %parallel_loop3A_2653 = arith.index_cast %parallel_loop3A_2646 : i32 to index
        %parallel_loop3A_2654 = arith.constant 0 : index
        %parallel_loop3A_2655 = tpu.vector_load %parallel_loop3A_2652[%parallel_loop3A_2653, %parallel_loop3A_2654] {strides = array<i32>} : memref<256x64xf32, #tpu.memory_space<vmem>>, vector<16xf32>,
        %parallel_loop3A_2656 = arith.constant 0 : i32
        %parallel_loop3A_2657 = arith.constant 0 : i32
        %parallel_loop3A_2658 = tpu.memref_slice %arg11[%parallel_loop3A_2631, %parallel_loop3A_2656, %parallel_loop3A_2657] : memref<2x256x64xf32, #tpu.memory_space<vmem>> -> memref<1x256x64xf32, #tpu.memory_space<vmem>>
        %parallel_loop3A_2659 = tpu.memref_squeeze %parallel_loop3A_2658 : memref<1x256x64xf32, #tpu.memory_space<vmem>> -> memref<256x64xf32, #tpu.memory_space<vmem>>
        %parallel_loop3A_2660 = arith.index_cast %parallel_loop3A_2646 : i32 to index
        %parallel_loop3A_2661 = arith.constant 0 : index
        %parallel_loop3A_2662 = tpu.vector_load %parallel_loop3A_2659[%parallel_loop3A_2660, %parallel_loop3A_2661] {strides = array<i32>} : memref<256x64xf32, #tpu.memory_space<vmem>>, vector<16xf32>,
        %parallel_loop3A_2663 = arith.subf %parallel_loop3A_2655, %parallel_loop3A_2662 : vector<16xf32>
        %parallel_loop3A_2664 = vector.broadcast %parallel_loop3A_2648 : i32 to vector<16xi32>
        %parallel_loop3A_2665 = arith.addi %add3A_2564, %parallel_loop3A_2664 : vector<16xi32>
        tpu.vector_store_idx %arg15[%parallel_loop3A_2665], %parallel_loop3A_2663 {add = true} : memref<43008xf32, #tpu.memory_space<vmem>>[vector<16xi32>], vector<16xf32>,
        %parallel_loop3A_2666 = arith.mulf %parallel_loop3A_2663, %parallel_loop3A_2663 : vector<16xf32>
        %parallel_loop3A_2667 = arith.addf %parallel_loop3A_2641, %parallel_loop3A_2666 : vector<16xf32>
        %parallel_loop3A_2668 = arith.constant 0 : i32
        %parallel_loop3A_2669 = arith.constant 0 : i32
        %parallel_loop3A_2670 = tpu.memref_slice %arg10[%parallel_loop3A_2630, %parallel_loop3A_2668, %parallel_loop3A_2669] : memref<2x256x64xf32, #tpu.memory_space<vmem>> -> memref<1x256x64xf32, #tpu.memory_space<vmem>>
        %parallel_loop3A_2671 = tpu.memref_squeeze %parallel_loop3A_2670 : memref<1x256x64xf32, #tpu.memory_space<vmem>> -> memref<256x64xf32, #tpu.memory_space<vmem>>
        %parallel_loop3A_2672 = arith.index_cast %parallel_loop3A_2646 : i32 to index
        %parallel_loop3A_2673 = arith.constant 16 : index
        %parallel_loop3A_2674 = tpu.vector_load %parallel_loop3A_2671[%parallel_loop3A_2672, %parallel_loop3A_2673] {strides = array<i32>} : memref<256x64xf32, #tpu.memory_space<vmem>>, vector<16xf32>,
        %parallel_loop3A_2675 = arith.constant 0 : i32
        %parallel_loop3A_2676 = arith.constant 0 : i32
        %parallel_loop3A_2677 = tpu.memref_slice %arg11[%parallel_loop3A_2631, %parallel_loop3A_2675, %parallel_loop3A_2676] : memref<2x256x64xf32, #tpu.memory_space<vmem>> -> memref<1x256x64xf32, #tpu.memory_space<vmem>>
        %parallel_loop3A_2678 = tpu.memref_squeeze %parallel_loop3A_2677 : memref<1x256x64xf32, #tpu.memory_space<vmem>> -> memref<256x64xf32, #tpu.memory_space<vmem>>
        %parallel_loop3A_2679 = arith.index_cast %parallel_loop3A_2646 : i32 to index
        %parallel_loop3A_2680 = arith.constant 16 : index
        %parallel_loop3A_2681 = tpu.vector_load %parallel_loop3A_2678[%parallel_loop3A_2679, %parallel_loop3A_2680] {strides = array<i32>} : memref<256x64xf32, #tpu.memory_space<vmem>>, vector<16xf32>,
        %parallel_loop3A_2682 = arith.subf %parallel_loop3A_2674, %parallel_loop3A_2681 : vector<16xf32>
        %parallel_loop3A_2683 = vector.broadcast %parallel_loop3A_2648 : i32 to vector<16xi32>
        %parallel_loop3A_2684 = arith.addi %add3A_2582, %parallel_loop3A_2683 : vector<16xi32>
        tpu.vector_store_idx %arg15[%parallel_loop3A_2684], %parallel_loop3A_2682 {add = true} : memref<43008xf32, #tpu.memory_space<vmem>>[vector<16xi32>], vector<16xf32>,
        %parallel_loop3A_2685 = arith.mulf %parallel_loop3A_2682, %parallel_loop3A_2682 : vector<16xf32>
        %parallel_loop3A_2686 = arith.addf %parallel_loop3A_2642, %parallel_loop3A_2685 : vector<16xf32>
        %parallel_loop3A_2687 = arith.constant 0 : i32
        %parallel_loop3A_2688 = arith.constant 0 : i32
        %parallel_loop3A_2689 = tpu.memref_slice %arg10[%parallel_loop3A_2630, %parallel_loop3A_2687, %parallel_loop3A_2688] : memref<2x256x64xf32, #tpu.memory_space<vmem>> -> memref<1x256x64xf32, #tpu.memory_space<vmem>>
        %parallel_loop3A_2690 = tpu.memref_squeeze %parallel_loop3A_2689 : memref<1x256x64xf32, #tpu.memory_space<vmem>> -> memref<256x64xf32, #tpu.memory_space<vmem>>
        %parallel_loop3A_2691 = arith.index_cast %parallel_loop3A_2646 : i32 to index
        %parallel_loop3A_2692 = arith.constant 32 : index
        %parallel_loop3A_2693 = tpu.vector_load %parallel_loop3A_2690[%parallel_loop3A_2691, %parallel_loop3A_2692] {strides = array<i32>} : memref<256x64xf32, #tpu.memory_space<vmem>>, vector<16xf32>,
        %parallel_loop3A_2694 = arith.constant 0 : i32
        %parallel_loop3A_2695 = arith.constant 0 : i32
        %parallel_loop3A_2696 = tpu.memref_slice %arg11[%parallel_loop3A_2631, %parallel_loop3A_2694, %parallel_loop3A_2695] : memref<2x256x64xf32, #tpu.memory_space<vmem>> -> memref<1x256x64xf32, #tpu.memory_space<vmem>>
        %parallel_loop3A_2697 = tpu.memref_squeeze %parallel_loop3A_2696 : memref<1x256x64xf32, #tpu.memory_space<vmem>> -> memref<256x64xf32, #tpu.memory_space<vmem>>
        %parallel_loop3A_2698 = arith.index_cast %parallel_loop3A_2646 : i32 to index
        %parallel_loop3A_2699 = arith.constant 32 : index
        %parallel_loop3A_2700 = tpu.vector_load %parallel_loop3A_2697[%parallel_loop3A_2698, %parallel_loop3A_2699] {strides = array<i32>} : memref<256x64xf32, #tpu.memory_space<vmem>>, vector<16xf32>,
        %parallel_loop3A_2701 = arith.subf %parallel_loop3A_2693, %parallel_loop3A_2700 : vector<16xf32>
        %parallel_loop3A_2702 = vector.broadcast %parallel_loop3A_2648 : i32 to vector<16xi32>
        %parallel_loop3A_2703 = arith.addi %add3A_2600, %parallel_loop3A_2702 : vector<16xi32>
        tpu.vector_store_idx %arg15[%parallel_loop3A_2703], %parallel_loop3A_2701 {add = true} : memref<43008xf32, #tpu.memory_space<vmem>>[vector<16xi32>], vector<16xf32>,
        %parallel_loop3A_2704 = arith.mulf %parallel_loop3A_2701, %parallel_loop3A_2701 : vector<16xf32>
        %parallel_loop3A_2705 = arith.addf %parallel_loop3A_2643, %parallel_loop3A_2704 : vector<16xf32>
        %parallel_loop3A_2706 = arith.constant 0 : i32
        %parallel_loop3A_2707 = arith.constant 0 : i32
        %parallel_loop3A_2708 = tpu.memref_slice %arg10[%parallel_loop3A_2630, %parallel_loop3A_2706, %parallel_loop3A_2707] : memref<2x256x64xf32, #tpu.memory_space<vmem>> -> memref<1x256x64xf32, #tpu.memory_space<vmem>>
        %parallel_loop3A_2709 = tpu.memref_squeeze %parallel_loop3A_2708 : memref<1x256x64xf32, #tpu.memory_space<vmem>> -> memref<256x64xf32, #tpu.memory_space<vmem>>
        %parallel_loop3A_2710 = arith.index_cast %parallel_loop3A_2646 : i32 to index
        %parallel_loop3A_2711 = arith.constant 48 : index
        %parallel_loop3A_2712 = tpu.vector_load %parallel_loop3A_2709[%parallel_loop3A_2710, %parallel_loop3A_2711] {strides = array<i32>} : memref<256x64xf32, #tpu.memory_space<vmem>>, vector<16xf32>,
        %parallel_loop3A_2713 = arith.constant 0 : i32
        %parallel_loop3A_2714 = arith.constant 0 : i32
        %parallel_loop3A_2715 = tpu.memref_slice %arg11[%parallel_loop3A_2631, %parallel_loop3A_2713, %parallel_loop3A_2714] : memref<2x256x64xf32, #tpu.memory_space<vmem>> -> memref<1x256x64xf32, #tpu.memory_space<vmem>>
        %parallel_loop3A_2716 = tpu.memref_squeeze %parallel_loop3A_2715 : memref<1x256x64xf32, #tpu.memory_space<vmem>> -> memref<256x64xf32, #tpu.memory_space<vmem>>
        %parallel_loop3A_2717 = arith.index_cast %parallel_loop3A_2646 : i32 to index
        %parallel_loop3A_2718 = arith.constant 48 : index
        %parallel_loop3A_2719 = tpu.vector_load %parallel_loop3A_2716[%parallel_loop3A_2717, %parallel_loop3A_2718] {strides = array<i32>} : memref<256x64xf32, #tpu.memory_space<vmem>>, vector<16xf32>,
        %parallel_loop3A_2720 = arith.subf %parallel_loop3A_2712, %parallel_loop3A_2719 : vector<16xf32>
        %parallel_loop3A_2721 = vector.broadcast %parallel_loop3A_2648 : i32 to vector<16xi32>
        %parallel_loop3A_2722 = arith.addi %add3A_2618, %parallel_loop3A_2721 : vector<16xi32>
        tpu.vector_store_idx %arg15[%parallel_loop3A_2722], %parallel_loop3A_2720 {add = true} : memref<43008xf32, #tpu.memory_space<vmem>>[vector<16xi32>], vector<16xf32>,
        %parallel_loop3A_2723 = arith.mulf %parallel_loop3A_2720, %parallel_loop3A_2720 : vector<16xf32>
        %parallel_loop3A_2724 = arith.addf %parallel_loop3A_2644, %parallel_loop3A_2723 : vector<16xf32>
        %parallel_loop3A_2725 = arith.constant 1 : i32
        %parallel_loop3A_2726 = arith.addi %parallel_loop3A_2640, %parallel_loop3A_2725 : i32
        %parallel_loop3A_2727 = arith.constant 168 : i32
        %parallel_loop3A_2728 = arith.muli %parallel_loop3A_2726, %parallel_loop3A_2727 : i32
        %parallel_loop3A_2729 = arith.constant 0 : i32
        %parallel_loop3A_2730 = arith.constant 0 : i32
        %parallel_loop3A_2731 = tpu.memref_slice %arg10[%parallel_loop3A_2630, %parallel_loop3A_2729, %parallel_loop3A_2730] : memref<2x256x64xf32, #tpu.memory_space<vmem>> -> memref<1x256x64xf32, #tpu.memory_space<vmem>>
        %parallel_loop3A_2732 = tpu.memref_squeeze %parallel_loop3A_2731 : memref<1x256x64xf32, #tpu.memory_space<vmem>> -> memref<256x64xf32, #tpu.memory_space<vmem>>
        %parallel_loop3A_2733 = arith.index_cast %parallel_loop3A_2726 : i32 to index
        %parallel_loop3A_2734 = arith.constant 0 : index
        %parallel_loop3A_2735 = tpu.vector_load %parallel_loop3A_2732[%parallel_loop3A_2733, %parallel_loop3A_2734] {strides = array<i32>} : memref<256x64xf32, #tpu.memory_space<vmem>>, vector<16xf32>,
        %parallel_loop3A_2736 = arith.constant 0 : i32
        %parallel_loop3A_2737 = arith.constant 0 : i32
        %parallel_loop3A_2738 = tpu.memref_slice %arg11[%parallel_loop3A_2631, %parallel_loop3A_2736, %parallel_loop3A_2737] : memref<2x256x64xf32, #tpu.memory_space<vmem>> -> memref<1x256x64xf32, #tpu.memory_space<vmem>>
        %parallel_loop3A_2739 = tpu.memref_squeeze %parallel_loop3A_2738 : memref<1x256x64xf32, #tpu.memory_space<vmem>> -> memref<256x64xf32, #tpu.memory_space<vmem>>
        %parallel_loop3A_2740 = arith.index_cast %parallel_loop3A_2726 : i32 to index
        %parallel_loop3A_2741 = arith.constant 0 : index
        %parallel_loop3A_2742 = tpu.vector_load %parallel_loop3A_2739[%parallel_loop3A_2740, %parallel_loop3A_2741] {strides = array<i32>} : memref<256x64xf32, #tpu.memory_space<vmem>>, vector<16xf32>,
        %parallel_loop3A_2743 = arith.subf %parallel_loop3A_2735, %parallel_loop3A_2742 : vector<16xf32>
        %parallel_loop3A_2744 = vector.broadcast %parallel_loop3A_2728 : i32 to vector<16xi32>
        %parallel_loop3A_2745 = arith.addi %add3A_2564, %parallel_loop3A_2744 : vector<16xi32>
        tpu.vector_store_idx %arg15[%parallel_loop3A_2745], %parallel_loop3A_2743 {add = true} : memref<43008xf32, #tpu.memory_space<vmem>>[vector<16xi32>], vector<16xf32>,
        %parallel_loop3A_2746 = arith.mulf %parallel_loop3A_2743, %parallel_loop3A_2743 : vector<16xf32>
        %parallel_loop3A_2747 = arith.addf %parallel_loop3A_2667, %parallel_loop3A_2746 : vector<16xf32>
        %parallel_loop3A_2748 = arith.constant 0 : i32
        %parallel_loop3A_2749 = arith.constant 0 : i32
        %parallel_loop3A_2750 = tpu.memref_slice %arg10[%parallel_loop3A_2630, %parallel_loop3A_2748, %parallel_loop3A_2749] : memref<2x256x64xf32, #tpu.memory_space<vmem>> -> memref<1x256x64xf32, #tpu.memory_space<vmem>>
        %parallel_loop3A_2751 = tpu.memref_squeeze %parallel_loop3A_2750 : memref<1x256x64xf32, #tpu.memory_space<vmem>> -> memref<256x64xf32, #tpu.memory_space<vmem>>
        %parallel_loop3A_2752 = arith.index_cast %parallel_loop3A_2726 : i32 to index
        %parallel_loop3A_2753 = arith.constant 16 : index
        %parallel_loop3A_2754 = tpu.vector_load %parallel_loop3A_2751[%parallel_loop3A_2752, %parallel_loop3A_2753] {strides = array<i32>} : memref<256x64xf32, #tpu.memory_space<vmem>>, vector<16xf32>,
        %parallel_loop3A_2755 = arith.constant 0 : i32
        %parallel_loop3A_2756 = arith.constant 0 : i32
        %parallel_loop3A_2757 = tpu.memref_slice %arg11[%parallel_loop3A_2631, %parallel_loop3A_2755, %parallel_loop3A_2756] : memref<2x256x64xf32, #tpu.memory_space<vmem>> -> memref<1x256x64xf32, #tpu.memory_space<vmem>>
        %parallel_loop3A_2758 = tpu.memref_squeeze %parallel_loop3A_2757 : memref<1x256x64xf32, #tpu.memory_space<vmem>> -> memref<256x64xf32, #tpu.memory_space<vmem>>
        %parallel_loop3A_2759 = arith.index_cast %parallel_loop3A_2726 : i32 to index
        %parallel_loop3A_2760 = arith.constant 16 : index
        %parallel_loop3A_2761 = tpu.vector_load %parallel_loop3A_2758[%parallel_loop3A_2759, %parallel_loop3A_2760] {strides = array<i32>} : memref<256x64xf32, #tpu.memory_space<vmem>>, vector<16xf32>,
        %parallel_loop3A_2762 = arith.subf %parallel_loop3A_2754, %parallel_loop3A_2761 : vector<16xf32>
        %parallel_loop3A_2763 = vector.broadcast %parallel_loop3A_2728 : i32 to vector<16xi32>
        %parallel_loop3A_2764 = arith.addi %add3A_2582, %parallel_loop3A_2763 : vector<16xi32>
        tpu.vector_store_idx %arg15[%parallel_loop3A_2764], %parallel_loop3A_2762 {add = true} : memref<43008xf32, #tpu.memory_space<vmem>>[vector<16xi32>], vector<16xf32>,
        %parallel_loop3A_2765 = arith.mulf %parallel_loop3A_2762, %parallel_loop3A_2762 : vector<16xf32>
        %parallel_loop3A_2766 = arith.addf %parallel_loop3A_2686, %parallel_loop3A_2765 : vector<16xf32>
        %parallel_loop3A_2767 = arith.constant 0 : i32
        %parallel_loop3A_2768 = arith.constant 0 : i32
        %parallel_loop3A_2769 = tpu.memref_slice %arg10[%parallel_loop3A_2630, %parallel_loop3A_2767, %parallel_loop3A_2768] : memref<2x256x64xf32, #tpu.memory_space<vmem>> -> memref<1x256x64xf32, #tpu.memory_space<vmem>>
        %parallel_loop3A_2770 = tpu.memref_squeeze %parallel_loop3A_2769 : memref<1x256x64xf32, #tpu.memory_space<vmem>> -> memref<256x64xf32, #tpu.memory_space<vmem>>
        %parallel_loop3A_2771 = arith.index_cast %parallel_loop3A_2726 : i32 to index
        %parallel_loop3A_2772 = arith.constant 32 : index
        %parallel_loop3A_2773 = tpu.vector_load %parallel_loop3A_2770[%parallel_loop3A_2771, %parallel_loop3A_2772] {strides = array<i32>} : memref<256x64xf32, #tpu.memory_space<vmem>>, vector<16xf32>,
        %parallel_loop3A_2774 = arith.constant 0 : i32
        %parallel_loop3A_2775 = arith.constant 0 : i32
        %parallel_loop3A_2776 = tpu.memref_slice %arg11[%parallel_loop3A_2631, %parallel_loop3A_2774, %parallel_loop3A_2775] : memref<2x256x64xf32, #tpu.memory_space<vmem>> -> memref<1x256x64xf32, #tpu.memory_space<vmem>>
        %parallel_loop3A_2777 = tpu.memref_squeeze %parallel_loop3A_2776 : memref<1x256x64xf32, #tpu.memory_space<vmem>> -> memref<256x64xf32, #tpu.memory_space<vmem>>
        %parallel_loop3A_2778 = arith.index_cast %parallel_loop3A_2726 : i32 to index
        %parallel_loop3A_2779 = arith.constant 32 : index
        %parallel_loop3A_2780 = tpu.vector_load %parallel_loop3A_2777[%parallel_loop3A_2778, %parallel_loop3A_2779] {strides = array<i32>} : memref<256x64xf32, #tpu.memory_space<vmem>>, vector<16xf32>,
        %parallel_loop3A_2781 = arith.subf %parallel_loop3A_2773, %parallel_loop3A_2780 : vector<16xf32>
        %parallel_loop3A_2782 = vector.broadcast %parallel_loop3A_2728 : i32 to vector<16xi32>
        %parallel_loop3A_2783 = arith.addi %add3A_2600, %parallel_loop3A_2782 : vector<16xi32>
        tpu.vector_store_idx %arg15[%parallel_loop3A_2783], %parallel_loop3A_2781 {add = true} : memref<43008xf32, #tpu.memory_space<vmem>>[vector<16xi32>], vector<16xf32>,
        %parallel_loop3A_2784 = arith.mulf %parallel_loop3A_2781, %parallel_loop3A_2781 : vector<16xf32>
        %parallel_loop3A_2785 = arith.addf %parallel_loop3A_2705, %parallel_loop3A_2784 : vector<16xf32>
        %parallel_loop3A_2786 = arith.constant 0 : i32
        %parallel_loop3A_2787 = arith.constant 0 : i32
        %parallel_loop3A_2788 = tpu.memref_slice %arg10[%parallel_loop3A_2630, %parallel_loop3A_2786, %parallel_loop3A_2787] : memref<2x256x64xf32, #tpu.memory_space<vmem>> -> memref<1x256x64xf32, #tpu.memory_space<vmem>>
        %parallel_loop3A_2789 = tpu.memref_squeeze %parallel_loop3A_2788 : memref<1x256x64xf32, #tpu.memory_space<vmem>> -> memref<256x64xf32, #tpu.memory_space<vmem>>
        %parallel_loop3A_2790 = arith.index_cast %parallel_loop3A_2726 : i32 to index
        %parallel_loop3A_2791 = arith.constant 48 : index
        %parallel_loop3A_2792 = tpu.vector_load %parallel_loop3A_2789[%parallel_loop3A_2790, %parallel_loop3A_2791] {strides = array<i32>} : memref<256x64xf32, #tpu.memory_space<vmem>>, vector<16xf32>,
        %parallel_loop3A_2793 = arith.constant 0 : i32
        %parallel_loop3A_2794 = arith.constant 0 : i32
        %parallel_loop3A_2795 = tpu.memref_slice %arg11[%parallel_loop3A_2631, %parallel_loop3A_2793, %parallel_loop3A_2794] : memref<2x256x64xf32, #tpu.memory_space<vmem>> -> memref<1x256x64xf32, #tpu.memory_space<vmem>>
        %parallel_loop3A_2796 = tpu.memref_squeeze %parallel_loop3A_2795 : memref<1x256x64xf32, #tpu.memory_space<vmem>> -> memref<256x64xf32, #tpu.memory_space<vmem>>
        %parallel_loop3A_2797 = arith.index_cast %parallel_loop3A_2726 : i32 to index
        %parallel_loop3A_2798 = arith.constant 48 : index
        %parallel_loop3A_2799 = tpu.vector_load %parallel_loop3A_2796[%parallel_loop3A_2797, %parallel_loop3A_2798] {strides = array<i32>} : memref<256x64xf32, #tpu.memory_space<vmem>>, vector<16xf32>,
        %parallel_loop3A_2800 = arith.subf %parallel_loop3A_2792, %parallel_loop3A_2799 : vector<16xf32>
        %parallel_loop3A_2801 = vector.broadcast %parallel_loop3A_2728 : i32 to vector<16xi32>
        %parallel_loop3A_2802 = arith.addi %add3A_2618, %parallel_loop3A_2801 : vector<16xi32>
        tpu.vector_store_idx %arg15[%parallel_loop3A_2802], %parallel_loop3A_2800 {add = true} : memref<43008xf32, #tpu.memory_space<vmem>>[vector<16xi32>], vector<16xf32>,
        %parallel_loop3A_2803 = arith.mulf %parallel_loop3A_2800, %parallel_loop3A_2800 : vector<16xf32>
        %parallel_loop3A_2804 = arith.addf %parallel_loop3A_2724, %parallel_loop3A_2803 : vector<16xf32>
        scf.yield %parallel_loop3A_2747, %parallel_loop3A_2766, %parallel_loop3A_2785, %parallel_loop3A_2804 : vector<16xf32>, vector<16xf32>, vector<16xf32>, vector<16xf32>
      } {sc.loop_unroll_factor = 4 : i64, sc.parallel_access}
      tpu.vector_store_idx %arg16[%add3A_2564], %parallel_loop3A_2632#0 {add = true} : memref<256xf32, #tpu.memory_space<vmem>>[vector<16xi32>], vector<16xf32>,
      tpu.vector_store_idx %arg16[%add3A_2582], %parallel_loop3A_2632#1 {add = true} : memref<256xf32, #tpu.memory_space<vmem>>[vector<16xi32>], vector<16xf32>,
      tpu.vector_store_idx %arg16[%add3A_2600], %parallel_loop3A_2632#2 {add = true} : memref<256xf32, #tpu.memory_space<vmem>>[vector<16xi32>], vector<16xf32>,
      tpu.vector_store_idx %arg16[%add3A_2618], %parallel_loop3A_2632#3 {add = true} : memref<256xf32, #tpu.memory_space<vmem>>[vector<16xi32>], vector<16xf32>,
      %add3A_2633 = arith.constant 2 : i32
      %add3A_2634 = arith.addi %add3A_1431, %add3A_2633 : i32
      %lt3A_2635 = arith.constant 64 : i32
      %lt3A_2636 = arith.cmpi slt, %add3A_2634, %lt3A_2635 : i32
      %convert_element_type3A_2637 = arith.extui %lt3A_2636 : i1 to i32
      %cond3A_2638 = arith.constant 0 : i32
      %cond3A_2639 = arith.cmpi ne, %convert_element_type3A_2637, %cond3A_2638 : i32
      scf.if %cond3A_2639 {
        %add3A_2640 = arith.constant 2 : i32
        %add3A_2641 = arith.addi %add3A_1431, %add3A_2640 : i32
        %mul3A_2642 = arith.constant 64 : i32
        %mul3A_2643 = arith.muli %add3A_2641, %mul3A_2642 : i32
        %add3A_2644 = arith.addi %mul3A_32, %mul3A_2643 : i32
        %dma_start3A_2645 = arith.constant 1 : i32
        %dma_start3A_2646 = arith.constant 1 : i32
        %dma_start3A_2647 = arith.constant 0 : i32
        %dma_start3A_2648 = arith.constant 0 : i32
        %dma_start3A_2649 = tpu.memref_slice %arg10[%dma_start3A_2645, %dma_start3A_2647, %dma_start3A_2648] : memref<2x256x64xf32, #tpu.memory_space<vmem>> -> memref<1x256x64xf32, #tpu.memory_space<vmem>>
        %dma_start3A_2650 = tpu.memref_squeeze %dma_start3A_2649 : memref<1x256x64xf32, #tpu.memory_space<vmem>> -> memref<256x64xf32, #tpu.memory_space<vmem>>
        %dma_start3A_2651 = arith.constant 0 : i32
        %dma_start3A_2652 = tpu.memref_slice %arg2[%select_n3A, %dma_start3A_2651, %add3A_2644] : memref<8x256x16384xf32, #tpu.memory_space<hbm>> -> memref<1x256x64xf32, #tpu.memory_space<hbm>>
        %dma_start3A_2653 = tpu.memref_squeeze %dma_start3A_2652 : memref<1x256x64xf32, #tpu.memory_space<hbm>> -> memref<256x64xf32, #tpu.memory_space<hbm>>
        %dma_start3A_2654 = tpu.memref_slice %arg21[%dma_start3A_2646] : memref<2x!tpu.dma_semaphore, #tpu.memory_space<semaphore_mem>> -> memref<1x!tpu.dma_semaphore, #tpu.memory_space<semaphore_mem>>
        %dma_start3A_2655 = tpu.memref_squeeze %dma_start3A_2654 : memref<1x!tpu.dma_semaphore, #tpu.memory_space<semaphore_mem>> -> memref<!tpu.dma_semaphore, #tpu.memory_space<semaphore_mem>>
        %dma_start3A_2656 = arith.constant 0 : i32
        %dma_start3A_2657 = arith.constant 0 : i32
        %dma_start3A_2658 = tpu.memref_slice %arg10[%dma_start3A_2645, %dma_start3A_2656, %dma_start3A_2657] : memref<2x256x64xf32, #tpu.memory_space<vmem>> -> memref<1x256x64xf32, #tpu.memory_space<vmem>>
        %dma_start3A_2659 = tpu.memref_squeeze %dma_start3A_2658 : memref<1x256x64xf32, #tpu.memory_space<vmem>> -> memref<256x64xf32, #tpu.memory_space<vmem>>
        %dma_start3A_2660 = arith.constant 0 : i32
        %dma_start3A_2661 = tpu.memref_slice %arg2[%select_n3A, %dma_start3A_2660, %add3A_2644] : memref<8x256x16384xf32, #tpu.memory_space<hbm>> -> memref<1x256x64xf32, #tpu.memory_space<hbm>>
        %dma_start3A_2662 = tpu.memref_squeeze %dma_start3A_2661 : memref<1x256x64xf32, #tpu.memory_space<hbm>> -> memref<256x64xf32, #tpu.memory_space<hbm>>
        tpu.enqueue_dma source(%dma_start3A_2662 : memref<256x64xf32, #tpu.memory_space<hbm>>) target(%dma_start3A_2659 : memref<256x64xf32, #tpu.memory_space<vmem>>) target_semaphore(%dma_start3A_2655 : memref<!tpu.dma_semaphore, #tpu.memory_space<semaphore_mem>>)
        %dma_start3A_2663 = arith.constant 1 : i32
        %dma_start3A_2664 = arith.constant 1 : i32
        %dma_start3A_2665 = arith.constant 0 : i32
        %dma_start3A_2666 = arith.constant 0 : i32
        %dma_start3A_2667 = tpu.memref_slice %arg11[%dma_start3A_2663, %dma_start3A_2665, %dma_start3A_2666] : memref<2x256x64xf32, #tpu.memory_space<vmem>> -> memref<1x256x64xf32, #tpu.memory_space<vmem>>
        %dma_start3A_2668 = tpu.memref_squeeze %dma_start3A_2667 : memref<1x256x64xf32, #tpu.memory_space<vmem>> -> memref<256x64xf32, #tpu.memory_space<vmem>>
        %dma_start3A_2669 = arith.constant 0 : i32
        %dma_start3A_2670 = tpu.memref_slice %arg3[%select_n3A, %dma_start3A_2669, %add3A_2644] : memref<8x256x16384xf32, #tpu.memory_space<hbm>> -> memref<1x256x64xf32, #tpu.memory_space<hbm>>
        %dma_start3A_2671 = tpu.memref_squeeze %dma_start3A_2670 : memref<1x256x64xf32, #tpu.memory_space<hbm>> -> memref<256x64xf32, #tpu.memory_space<hbm>>
        %dma_start3A_2672 = tpu.memref_slice %arg21[%dma_start3A_2664] : memref<2x!tpu.dma_semaphore, #tpu.memory_space<semaphore_mem>> -> memref<1x!tpu.dma_semaphore, #tpu.memory_space<semaphore_mem>>
        %dma_start3A_2673 = tpu.memref_squeeze %dma_start3A_2672 : memref<1x!tpu.dma_semaphore, #tpu.memory_space<semaphore_mem>> -> memref<!tpu.dma_semaphore, #tpu.memory_space<semaphore_mem>>
        %dma_start3A_2674 = arith.constant 0 : i32
        %dma_start3A_2675 = arith.constant 0 : i32
        %dma_start3A_2676 = tpu.memref_slice %arg11[%dma_start3A_2663, %dma_start3A_2674, %dma_start3A_2675] : memref<2x256x64xf32, #tpu.memory_space<vmem>> -> memref<1x256x64xf32, #tpu.memory_space<vmem>>
        %dma_start3A_2677 = tpu.memref_squeeze %dma_start3A_2676 : memref<1x256x64xf32, #tpu.memory_space<vmem>> -> memref<256x64xf32, #tpu.memory_space<vmem>>
        %dma_start3A_2678 = arith.constant 0 : i32
        %dma_start3A_2679 = tpu.memref_slice %arg3[%select_n3A, %dma_start3A_2678, %add3A_2644] : memref<8x256x16384xf32, #tpu.memory_space<hbm>> -> memref<1x256x64xf32, #tpu.memory_space<hbm>>
        %dma_start3A_2680 = tpu.memref_squeeze %dma_start3A_2679 : memref<1x256x64xf32, #tpu.memory_space<hbm>> -> memref<256x64xf32, #tpu.memory_space<hbm>>
        tpu.enqueue_dma source(%dma_start3A_2680 : memref<256x64xf32, #tpu.memory_space<hbm>>) target(%dma_start3A_2677 : memref<256x64xf32, #tpu.memory_space<vmem>>) target_semaphore(%dma_start3A_2673 : memref<!tpu.dma_semaphore, #tpu.memory_space<semaphore_mem>>)
        %dma_start3A_2681 = arith.constant 1 : i32
        %dma_start3A_2682 = arith.constant 1 : i32
        %dma_start3A_2683 = arith.constant 0 : i32
        %dma_start3A_2684 = arith.constant 0 : i32
        %dma_start3A_2685 = tpu.memref_slice %arg12[%dma_start3A_2681, %dma_start3A_2683, %dma_start3A_2684] : memref<2x21x64xf32, #tpu.memory_space<vmem>> -> memref<1x21x64xf32, #tpu.memory_space<vmem>>
        %dma_start3A_2686 = tpu.memref_squeeze %dma_start3A_2685 : memref<1x21x64xf32, #tpu.memory_space<vmem>> -> memref<21x64xf32, #tpu.memory_space<vmem>>
        %dma_start3A_2687 = arith.constant 0 : i32
        %dma_start3A_2688 = tpu.memref_slice %arg4[%select_n3A, %dma_start3A_2687, %add3A_2644] : memref<8x21x16384xf32, #tpu.memory_space<hbm>> -> memref<1x21x64xf32, #tpu.memory_space<hbm>>
        %dma_start3A_2689 = tpu.memref_squeeze %dma_start3A_2688 : memref<1x21x64xf32, #tpu.memory_space<hbm>> -> memref<21x64xf32, #tpu.memory_space<hbm>>
        %dma_start3A_2690 = tpu.memref_slice %arg21[%dma_start3A_2682] : memref<2x!tpu.dma_semaphore, #tpu.memory_space<semaphore_mem>> -> memref<1x!tpu.dma_semaphore, #tpu.memory_space<semaphore_mem>>
        %dma_start3A_2691 = tpu.memref_squeeze %dma_start3A_2690 : memref<1x!tpu.dma_semaphore, #tpu.memory_space<semaphore_mem>> -> memref<!tpu.dma_semaphore, #tpu.memory_space<semaphore_mem>>
        %dma_start3A_2692 = arith.constant 0 : i32
        %dma_start3A_2693 = arith.constant 0 : i32
        %dma_start3A_2694 = tpu.memref_slice %arg12[%dma_start3A_2681, %dma_start3A_2692, %dma_start3A_2693] : memref<2x21x64xf32, #tpu.memory_space<vmem>> -> memref<1x21x64xf32, #tpu.memory_space<vmem>>
        %dma_start3A_2695 = tpu.memref_squeeze %dma_start3A_2694 : memref<1x21x64xf32, #tpu.memory_space<vmem>> -> memref<21x64xf32, #tpu.memory_space<vmem>>
        %dma_start3A_2696 = arith.constant 0 : i32
        %dma_start3A_2697 = tpu.memref_slice %arg4[%select_n3A, %dma_start3A_2696, %add3A_2644] : memref<8x21x16384xf32, #tpu.memory_space<hbm>> -> memref<1x21x64xf32, #tpu.memory_space<hbm>>
        %dma_start3A_2698 = tpu.memref_squeeze %dma_start3A_2697 : memref<1x21x64xf32, #tpu.memory_space<hbm>> -> memref<21x64xf32, #tpu.memory_space<hbm>>
        tpu.enqueue_dma source(%dma_start3A_2698 : memref<21x64xf32, #tpu.memory_space<hbm>>) target(%dma_start3A_2695 : memref<21x64xf32, #tpu.memory_space<vmem>>) target_semaphore(%dma_start3A_2691 : memref<!tpu.dma_semaphore, #tpu.memory_space<semaphore_mem>>)
        %dma_start3A_2699 = arith.constant 1 : i32
        %dma_start3A_2700 = arith.constant 1 : i32
        %dma_start3A_2701 = arith.constant 0 : i32
        %dma_start3A_2702 = tpu.memref_slice %arg13[%dma_start3A_2699, %dma_start3A_2701] : memref<2x64xi32, #tpu.memory_space<vmem>> -> memref<1x64xi32, #tpu.memory_space<vmem>>
        %dma_start3A_2703 = tpu.memref_squeeze %dma_start3A_2702 : memref<1x64xi32, #tpu.memory_space<vmem>> -> memref<64xi32, #tpu.memory_space<vmem>>
        %dma_start3A_2704 = tpu.memref_slice %arg5[%select_n3A, %add3A_2644] : memref<8x16384xi32, #tpu.memory_space<hbm>> -> memref<1x64xi32, #tpu.memory_space<hbm>>
        %dma_start3A_2705 = tpu.memref_squeeze %dma_start3A_2704 : memref<1x64xi32, #tpu.memory_space<hbm>> -> memref<64xi32, #tpu.memory_space<hbm>>
        %dma_start3A_2706 = tpu.memref_slice %arg21[%dma_start3A_2700] : memref<2x!tpu.dma_semaphore, #tpu.memory_space<semaphore_mem>> -> memref<1x!tpu.dma_semaphore, #tpu.memory_space<semaphore_mem>>
        %dma_start3A_2707 = tpu.memref_squeeze %dma_start3A_2706 : memref<1x!tpu.dma_semaphore, #tpu.memory_space<semaphore_mem>> -> memref<!tpu.dma_semaphore, #tpu.memory_space<semaphore_mem>>
        %dma_start3A_2708 = arith.constant 0 : i32
        %dma_start3A_2709 = tpu.memref_slice %arg13[%dma_start3A_2699, %dma_start3A_2708] : memref<2x64xi32, #tpu.memory_space<vmem>> -> memref<1x64xi32, #tpu.memory_space<vmem>>
        %dma_start3A_2710 = tpu.memref_squeeze %dma_start3A_2709 : memref<1x64xi32, #tpu.memory_space<vmem>> -> memref<64xi32, #tpu.memory_space<vmem>>
        %dma_start3A_2711 = tpu.memref_slice %arg5[%select_n3A, %add3A_2644] : memref<8x16384xi32, #tpu.memory_space<hbm>> -> memref<1x64xi32, #tpu.memory_space<hbm>>
        %dma_start3A_2712 = tpu.memref_squeeze %dma_start3A_2711 : memref<1x64xi32, #tpu.memory_space<hbm>> -> memref<64xi32, #tpu.memory_space<hbm>>
        tpu.enqueue_dma source(%dma_start3A_2712 : memref<64xi32, #tpu.memory_space<hbm>>) target(%dma_start3A_2710 : memref<64xi32, #tpu.memory_space<vmem>>) target_semaphore(%dma_start3A_2707 : memref<!tpu.dma_semaphore, #tpu.memory_space<semaphore_mem>>)
      } else {
      }
    }
    %scan3A_207 = arith.constant 32 : i32
    %iota3A_208 = tpu.iota {dimensions = array<i32: 0>} : vector<16xi32>
    %mul3A_209 = arith.constant 8 : i32
    %mul3A_210 = vector.broadcast %mul3A_209 : i32 to vector<16xi32>
    %mul3A_211 = arith.muli %iota3A_208, %mul3A_210 : vector<16xi32>
    %parallel_loop3A_212 = arith.constant 0 : i32
    %parallel_loop3A_213 = arith.constant 336 : i32
    %parallel_loop3A_214 = arith.constant 1 : i32
    scf.for %parallel_loop3A_221 = %parallel_loop3A_212 to %parallel_loop3A_213 step %parallel_loop3A_214  : i32 {
      %parallel_loop3A_222 = arith.constant 128 : i32
      %parallel_loop3A_223 = arith.muli %parallel_loop3A_221, %parallel_loop3A_222 : i32
      %parallel_loop3A_224 = vector.broadcast %parallel_loop3A_223 : i32 to vector<16xi32>
      %parallel_loop3A_225 = arith.addi %parallel_loop3A_224, %mul3A_211 : vector<16xi32>
      %parallel_loop3A_226 = tpu.vector_load_idx %arg15[%parallel_loop3A_225] : memref<43008xf32, #tpu.memory_space<vmem>>[vector<16xi32>], vector<16xf32>,
      %parallel_loop3A_227 = arith.constant 1 : i32
      %parallel_loop3A_228 = vector.broadcast %parallel_loop3A_227 : i32 to vector<16xi32>
      %parallel_loop3A_229 = arith.addi %parallel_loop3A_225, %parallel_loop3A_228 : vector<16xi32>
      %parallel_loop3A_230 = tpu.vector_load_idx %arg15[%parallel_loop3A_229] : memref<43008xf32, #tpu.memory_space<vmem>>[vector<16xi32>], vector<16xf32>,
      %parallel_loop3A_231 = arith.addf %parallel_loop3A_226, %parallel_loop3A_230 : vector<16xf32>
      %parallel_loop3A_232 = arith.constant 2 : i32
      %parallel_loop3A_233 = vector.broadcast %parallel_loop3A_232 : i32 to vector<16xi32>
      %parallel_loop3A_234 = arith.addi %parallel_loop3A_225, %parallel_loop3A_233 : vector<16xi32>
      %parallel_loop3A_235 = tpu.vector_load_idx %arg15[%parallel_loop3A_234] : memref<43008xf32, #tpu.memory_space<vmem>>[vector<16xi32>], vector<16xf32>,
      %parallel_loop3A_236 = arith.addf %parallel_loop3A_231, %parallel_loop3A_235 : vector<16xf32>
      %parallel_loop3A_237 = arith.constant 3 : i32
      %parallel_loop3A_238 = vector.broadcast %parallel_loop3A_237 : i32 to vector<16xi32>
      %parallel_loop3A_239 = arith.addi %parallel_loop3A_225, %parallel_loop3A_238 : vector<16xi32>
      %parallel_loop3A_240 = tpu.vector_load_idx %arg15[%parallel_loop3A_239] : memref<43008xf32, #tpu.memory_space<vmem>>[vector<16xi32>], vector<16xf32>,
      %parallel_loop3A_241 = arith.addf %parallel_loop3A_236, %parallel_loop3A_240 : vector<16xf32>
      %parallel_loop3A_242 = arith.constant 4 : i32
      %parallel_loop3A_243 = vector.broadcast %parallel_loop3A_242 : i32 to vector<16xi32>
      %parallel_loop3A_244 = arith.addi %parallel_loop3A_225, %parallel_loop3A_243 : vector<16xi32>
      %parallel_loop3A_245 = tpu.vector_load_idx %arg15[%parallel_loop3A_244] : memref<43008xf32, #tpu.memory_space<vmem>>[vector<16xi32>], vector<16xf32>,
      %parallel_loop3A_246 = arith.addf %parallel_loop3A_241, %parallel_loop3A_245 : vector<16xf32>
      %parallel_loop3A_247 = arith.constant 5 : i32
      %parallel_loop3A_248 = vector.broadcast %parallel_loop3A_247 : i32 to vector<16xi32>
      %parallel_loop3A_249 = arith.addi %parallel_loop3A_225, %parallel_loop3A_248 : vector<16xi32>
      %parallel_loop3A_250 = tpu.vector_load_idx %arg15[%parallel_loop3A_249] : memref<43008xf32, #tpu.memory_space<vmem>>[vector<16xi32>], vector<16xf32>,
      %parallel_loop3A_251 = arith.addf %parallel_loop3A_246, %parallel_loop3A_250 : vector<16xf32>
      %parallel_loop3A_252 = arith.constant 6 : i32
      %parallel_loop3A_253 = vector.broadcast %parallel_loop3A_252 : i32 to vector<16xi32>
      %parallel_loop3A_254 = arith.addi %parallel_loop3A_225, %parallel_loop3A_253 : vector<16xi32>
      %parallel_loop3A_255 = tpu.vector_load_idx %arg15[%parallel_loop3A_254] : memref<43008xf32, #tpu.memory_space<vmem>>[vector<16xi32>], vector<16xf32>,
      %parallel_loop3A_256 = arith.addf %parallel_loop3A_251, %parallel_loop3A_255 : vector<16xf32>
      %parallel_loop3A_257 = arith.constant 7 : i32
      %parallel_loop3A_258 = vector.broadcast %parallel_loop3A_257 : i32 to vector<16xi32>
      %parallel_loop3A_259 = arith.addi %parallel_loop3A_225, %parallel_loop3A_258 : vector<16xi32>
      %parallel_loop3A_260 = tpu.vector_load_idx %arg15[%parallel_loop3A_259] : memref<43008xf32, #tpu.memory_space<vmem>>[vector<16xi32>], vector<16xf32>,
      %parallel_loop3A_261 = arith.addf %parallel_loop3A_256, %parallel_loop3A_260 : vector<16xf32>
      %parallel_loop3A_262 = arith.constant 16 : i32
      %parallel_loop3A_263 = arith.muli %parallel_loop3A_221, %parallel_loop3A_262 : i32
      %parallel_loop3A_264 = arith.index_cast %parallel_loop3A_263 : i32 to index
      %parallel_loop3A_265 = tpu.vector_load %arg18[%parallel_loop3A_264] {strides = array<i32>} : memref<5376xf32, #tpu.memory_space<vmem>>, vector<16xf32>,
      tpu.vector_store %arg18[%parallel_loop3A_264], %parallel_loop3A_261 {strides = array<i32>} : memref<5376xf32, #tpu.memory_space<vmem>>, vector<16xf32>,
    } {sc.loop_unroll_factor = 2 : i64, sc.parallel_access}
    %scan3A_215 = arith.constant 0 : i32
    %scan3A_216 = arith.constant 0 : i32
    %scan3A_217 = arith.constant 2 : i32
    %scan3A_218 = arith.addi %scan3A_216, %scan3A_217 : i32
    %scan3A_219 = arith.constant 1 : i32
    scf.for %scan3A_221 = %scan3A_216 to %scan3A_218 step %scan3A_219  : i32 {
      %mul3A_222 = arith.constant 128 : i32
      %mul3A_223 = arith.muli %scan3A_221, %mul3A_222 : i32
      %add3A_224 = vector.broadcast %mul3A_223 : i32 to vector<16xi32>
      %add3A_225 = arith.addi %add3A_224, %mul3A_211 : vector<16xi32>
      %gather3A = tpu.vector_load_idx %arg16[%add3A_225] : memref<256xf32, #tpu.memory_space<vmem>>[vector<16xi32>], vector<16xf32>,
      %gather3A_226 = tpu.vector_load_idx %arg17[%add3A_225] : memref<256xf32, #tpu.memory_space<vmem>>[vector<16xi32>], vector<16xf32>,
      %add3A_227 = arith.constant 1 : i32
      %add3A_228 = vector.broadcast %add3A_227 : i32 to vector<16xi32>
      %add3A_229 = arith.addi %add3A_225, %add3A_228 : vector<16xi32>
      %gather3A_230 = tpu.vector_load_idx %arg16[%add3A_229] : memref<256xf32, #tpu.memory_space<vmem>>[vector<16xi32>], vector<16xf32>,
      %add3A_231 = arith.addf %gather3A, %gather3A_230 : vector<16xf32>
      %add3A_232 = arith.constant 1 : i32
      %add3A_233 = vector.broadcast %add3A_232 : i32 to vector<16xi32>
      %add3A_234 = arith.addi %add3A_225, %add3A_233 : vector<16xi32>
      %gather3A_235 = tpu.vector_load_idx %arg17[%add3A_234] : memref<256xf32, #tpu.memory_space<vmem>>[vector<16xi32>], vector<16xf32>,
      %add3A_236 = arith.addf %gather3A_226, %gather3A_235 : vector<16xf32>
      %add3A_237 = arith.constant 2 : i32
      %add3A_238 = vector.broadcast %add3A_237 : i32 to vector<16xi32>
      %add3A_239 = arith.addi %add3A_225, %add3A_238 : vector<16xi32>
      %gather3A_240 = tpu.vector_load_idx %arg16[%add3A_239] : memref<256xf32, #tpu.memory_space<vmem>>[vector<16xi32>], vector<16xf32>,
      %add3A_241 = arith.addf %add3A_231, %gather3A_240 : vector<16xf32>
      %add3A_242 = arith.constant 2 : i32
      %add3A_243 = vector.broadcast %add3A_242 : i32 to vector<16xi32>
      %add3A_244 = arith.addi %add3A_225, %add3A_243 : vector<16xi32>
      %gather3A_245 = tpu.vector_load_idx %arg17[%add3A_244] : memref<256xf32, #tpu.memory_space<vmem>>[vector<16xi32>], vector<16xf32>,
      %add3A_246 = arith.addf %add3A_236, %gather3A_245 : vector<16xf32>
      %add3A_247 = arith.constant 3 : i32
      %add3A_248 = vector.broadcast %add3A_247 : i32 to vector<16xi32>
      %add3A_249 = arith.addi %add3A_225, %add3A_248 : vector<16xi32>
      %gather3A_250 = tpu.vector_load_idx %arg16[%add3A_249] : memref<256xf32, #tpu.memory_space<vmem>>[vector<16xi32>], vector<16xf32>,
      %add3A_251 = arith.addf %add3A_241, %gather3A_250 : vector<16xf32>
      %add3A_252 = arith.constant 3 : i32
      %add3A_253 = vector.broadcast %add3A_252 : i32 to vector<16xi32>
      %add3A_254 = arith.addi %add3A_225, %add3A_253 : vector<16xi32>
      %gather3A_255 = tpu.vector_load_idx %arg17[%add3A_254] : memref<256xf32, #tpu.memory_space<vmem>>[vector<16xi32>], vector<16xf32>,
      %add3A_256 = arith.addf %add3A_246, %gather3A_255 : vector<16xf32>
      %add3A_257 = arith.constant 4 : i32
      %add3A_258 = vector.broadcast %add3A_257 : i32 to vector<16xi32>
      %add3A_259 = arith.addi %add3A_225, %add3A_258 : vector<16xi32>
      %gather3A_260 = tpu.vector_load_idx %arg16[%add3A_259] : memref<256xf32, #tpu.memory_space<vmem>>[vector<16xi32>], vector<16xf32>,
      %add3A_261 = arith.addf %add3A_251, %gather3A_260 : vector<16xf32>
      %add3A_262 = arith.constant 4 : i32
      %add3A_263 = vector.broadcast %add3A_262 : i32 to vector<16xi32>
      %add3A_264 = arith.addi %add3A_225, %add3A_263 : vector<16xi32>
      %gather3A_265 = tpu.vector_load_idx %arg17[%add3A_264] : memref<256xf32, #tpu.memory_space<vmem>>[vector<16xi32>], vector<16xf32>,
      %add3A_266 = arith.addf %add3A_256, %gather3A_265 : vector<16xf32>
      %add3A_267 = arith.constant 5 : i32
      %add3A_268 = vector.broadcast %add3A_267 : i32 to vector<16xi32>
      %add3A_269 = arith.addi %add3A_225, %add3A_268 : vector<16xi32>
      %gather3A_270 = tpu.vector_load_idx %arg16[%add3A_269] : memref<256xf32, #tpu.memory_space<vmem>>[vector<16xi32>], vector<16xf32>,
      %add3A_271 = arith.addf %add3A_261, %gather3A_270 : vector<16xf32>
      %add3A_272 = arith.constant 5 : i32
      %add3A_273 = vector.broadcast %add3A_272 : i32 to vector<16xi32>
      %add3A_274 = arith.addi %add3A_225, %add3A_273 : vector<16xi32>
      %gather3A_275 = tpu.vector_load_idx %arg17[%add3A_274] : memref<256xf32, #tpu.memory_space<vmem>>[vector<16xi32>], vector<16xf32>,
      %add3A_276 = arith.addf %add3A_266, %gather3A_275 : vector<16xf32>
      %add3A_277 = arith.constant 6 : i32
      %add3A_278 = vector.broadcast %add3A_277 : i32 to vector<16xi32>
      %add3A_279 = arith.addi %add3A_225, %add3A_278 : vector<16xi32>
      %gather3A_280 = tpu.vector_load_idx %arg16[%add3A_279] : memref<256xf32, #tpu.memory_space<vmem>>[vector<16xi32>], vector<16xf32>,
      %add3A_281 = arith.addf %add3A_271, %gather3A_280 : vector<16xf32>
      %add3A_282 = arith.constant 6 : i32
      %add3A_283 = vector.broadcast %add3A_282 : i32 to vector<16xi32>
      %add3A_284 = arith.addi %add3A_225, %add3A_283 : vector<16xi32>
      %gather3A_285 = tpu.vector_load_idx %arg17[%add3A_284] : memref<256xf32, #tpu.memory_space<vmem>>[vector<16xi32>], vector<16xf32>,
      %add3A_286 = arith.addf %add3A_276, %gather3A_285 : vector<16xf32>
      %add3A_287 = arith.constant 7 : i32
      %add3A_288 = vector.broadcast %add3A_287 : i32 to vector<16xi32>
      %add3A_289 = arith.addi %add3A_225, %add3A_288 : vector<16xi32>
      %gather3A_290 = tpu.vector_load_idx %arg16[%add3A_289] : memref<256xf32, #tpu.memory_space<vmem>>[vector<16xi32>], vector<16xf32>,
      %add3A_291 = arith.addf %add3A_281, %gather3A_290 : vector<16xf32>
      %add3A_292 = arith.constant 7 : i32
      %add3A_293 = vector.broadcast %add3A_292 : i32 to vector<16xi32>
      %add3A_294 = arith.addi %add3A_225, %add3A_293 : vector<16xi32>
      %gather3A_295 = tpu.vector_load_idx %arg17[%add3A_294] : memref<256xf32, #tpu.memory_space<vmem>>[vector<16xi32>], vector<16xf32>,
      %add3A_296 = arith.addf %add3A_286, %gather3A_295 : vector<16xf32>
      %mul3A_297 = arith.constant 16 : i32
      %mul3A_298 = arith.muli %scan3A_221, %mul3A_297 : i32
      %swap3A = arith.index_cast %mul3A_298 : i32 to index
      %swap3A_299 = tpu.vector_load %arg19[%swap3A] {strides = array<i32>} : memref<32xf32, #tpu.memory_space<vmem>>, vector<16xf32>,
      tpu.vector_store %arg19[%swap3A], %add3A_291 {strides = array<i32>} : memref<32xf32, #tpu.memory_space<vmem>>, vector<16xf32>,
      %mul3A_300 = arith.constant 16 : i32
      %mul3A_301 = arith.muli %scan3A_221, %mul3A_300 : i32
      %swap3A_302 = arith.index_cast %mul3A_301 : i32 to index
      %swap3A_303 = tpu.vector_load %arg20[%swap3A_302] {strides = array<i32>} : memref<32xf32, #tpu.memory_space<vmem>>, vector<16xf32>,
      tpu.vector_store %arg20[%swap3A_302], %add3A_296 {strides = array<i32>} : memref<32xf32, #tpu.memory_space<vmem>>, vector<16xf32>,
    }
    %scan3A_220 = arith.constant 2 : i32
    "tpu.region"() ({
      %run_scoped3A = tpu.sem_alloc : memref<!tpu.dma_semaphore, #tpu.memory_space<semaphore_mem>>
      %dma_start3A_221 = arith.constant 0 : i32
      %dma_start3A_222 = tpu.memref_slice %arg7[%add3A, %dma_start3A_221] : memref<32x5376xf32, #tpu.memory_space<hbm>> -> memref<1x5376xf32, #tpu.memory_space<hbm>>
      %dma_start3A_223 = tpu.memref_squeeze %dma_start3A_222 : memref<1x5376xf32, #tpu.memory_space<hbm>> -> memref<5376xf32, #tpu.memory_space<hbm>>
      %dma_start3A_224 = arith.constant 0 : i32
      %dma_start3A_225 = tpu.memref_slice %arg7[%add3A, %dma_start3A_224] : memref<32x5376xf32, #tpu.memory_space<hbm>> -> memref<1x5376xf32, #tpu.memory_space<hbm>>
      %dma_start3A_226 = tpu.memref_squeeze %dma_start3A_225 : memref<1x5376xf32, #tpu.memory_space<hbm>> -> memref<5376xf32, #tpu.memory_space<hbm>>
      tpu.enqueue_dma source(%arg18 : memref<5376xf32, #tpu.memory_space<vmem>>) target(%dma_start3A_226 : memref<5376xf32, #tpu.memory_space<hbm>>) target_semaphore(%run_scoped3A : memref<!tpu.dma_semaphore, #tpu.memory_space<semaphore_mem>>)
      %dma_wait3A = arith.constant 0 : i32
      %dma_wait3A_227 = tpu.memref_slice %arg7[%add3A, %dma_wait3A] : memref<32x5376xf32, #tpu.memory_space<hbm>> -> memref<1x5376xf32, #tpu.memory_space<hbm>>
      %dma_wait3A_228 = tpu.memref_squeeze %dma_wait3A_227 : memref<1x5376xf32, #tpu.memory_space<hbm>> -> memref<5376xf32, #tpu.memory_space<hbm>>
      %dma_wait3A_229 = arith.constant 0 : i32
      %dma_wait3A_230 = tpu.memref_slice %arg7[%add3A, %dma_wait3A_229] : memref<32x5376xf32, #tpu.memory_space<hbm>> -> memref<1x5376xf32, #tpu.memory_space<hbm>>
      %dma_wait3A_231 = tpu.memref_squeeze %dma_wait3A_230 : memref<1x5376xf32, #tpu.memory_space<hbm>> -> memref<5376xf32, #tpu.memory_space<hbm>>
      tpu.wait_dma2 semaphore(%run_scoped3A : memref<!tpu.dma_semaphore, #tpu.memory_space<semaphore_mem>>) src(%arg18 : memref<5376xf32, #tpu.memory_space<vmem>>) dst(%dma_wait3A_231 : memref<5376xf32, #tpu.memory_space<hbm>>)
      tpu.yield
    }) : () -> ()
    "tpu.region"() ({
      %run_scoped3A = tpu.sem_alloc : memref<!tpu.dma_semaphore, #tpu.memory_space<semaphore_mem>>
      %dma_start3A_221 = arith.constant 0 : i32
      %dma_start3A_222 = tpu.memref_slice %arg8[%add3A, %dma_start3A_221] : memref<32x32xf32, #tpu.memory_space<hbm>> -> memref<1x32xf32, #tpu.memory_space<hbm>>
      %dma_start3A_223 = tpu.memref_squeeze %dma_start3A_222 : memref<1x32xf32, #tpu.memory_space<hbm>> -> memref<32xf32, #tpu.memory_space<hbm>>
      %dma_start3A_224 = arith.constant 0 : i32
      %dma_start3A_225 = tpu.memref_slice %arg8[%add3A, %dma_start3A_224] : memref<32x32xf32, #tpu.memory_space<hbm>> -> memref<1x32xf32, #tpu.memory_space<hbm>>
      %dma_start3A_226 = tpu.memref_squeeze %dma_start3A_225 : memref<1x32xf32, #tpu.memory_space<hbm>> -> memref<32xf32, #tpu.memory_space<hbm>>
      tpu.enqueue_dma source(%arg19 : memref<32xf32, #tpu.memory_space<vmem>>) target(%dma_start3A_226 : memref<32xf32, #tpu.memory_space<hbm>>) target_semaphore(%run_scoped3A : memref<!tpu.dma_semaphore, #tpu.memory_space<semaphore_mem>>)
      %dma_wait3A = arith.constant 0 : i32
      %dma_wait3A_227 = tpu.memref_slice %arg8[%add3A, %dma_wait3A] : memref<32x32xf32, #tpu.memory_space<hbm>> -> memref<1x32xf32, #tpu.memory_space<hbm>>
      %dma_wait3A_228 = tpu.memref_squeeze %dma_wait3A_227 : memref<1x32xf32, #tpu.memory_space<hbm>> -> memref<32xf32, #tpu.memory_space<hbm>>
      %dma_wait3A_229 = arith.constant 0 : i32
      %dma_wait3A_230 = tpu.memref_slice %arg8[%add3A, %dma_wait3A_229] : memref<32x32xf32, #tpu.memory_space<hbm>> -> memref<1x32xf32, #tpu.memory_space<hbm>>
      %dma_wait3A_231 = tpu.memref_squeeze %dma_wait3A_230 : memref<1x32xf32, #tpu.memory_space<hbm>> -> memref<32xf32, #tpu.memory_space<hbm>>
      tpu.wait_dma2 semaphore(%run_scoped3A : memref<!tpu.dma_semaphore, #tpu.memory_space<semaphore_mem>>) src(%arg19 : memref<32xf32, #tpu.memory_space<vmem>>) dst(%dma_wait3A_231 : memref<32xf32, #tpu.memory_space<hbm>>)
      tpu.yield
    }) : () -> ()
    "tpu.region"() ({
      %run_scoped3A = tpu.sem_alloc : memref<!tpu.dma_semaphore, #tpu.memory_space<semaphore_mem>>
      %dma_start3A_221 = arith.constant 0 : i32
      %dma_start3A_222 = tpu.memref_slice %arg9[%add3A, %dma_start3A_221] : memref<32x32xf32, #tpu.memory_space<hbm>> -> memref<1x32xf32, #tpu.memory_space<hbm>>
      %dma_start3A_223 = tpu.memref_squeeze %dma_start3A_222 : memref<1x32xf32, #tpu.memory_space<hbm>> -> memref<32xf32, #tpu.memory_space<hbm>>
      %dma_start3A_224 = arith.constant 0 : i32
      %dma_start3A_225 = tpu.memref_slice %arg9[%add3A, %dma_start3A_224] : memref<32x32xf32, #tpu.memory_space<hbm>> -> memref<1x32xf32, #tpu.memory_space<hbm>>
      %dma_start3A_226 = tpu.memref_squeeze %dma_start3A_225 : memref<1x32xf32, #tpu.memory_space<hbm>> -> memref<32xf32, #tpu.memory_space<hbm>>
      tpu.enqueue_dma source(%arg20 : memref<32xf32, #tpu.memory_space<vmem>>) target(%dma_start3A_226 : memref<32xf32, #tpu.memory_space<hbm>>) target_semaphore(%run_scoped3A : memref<!tpu.dma_semaphore, #tpu.memory_space<semaphore_mem>>)
      %dma_wait3A = arith.constant 0 : i32
      %dma_wait3A_227 = tpu.memref_slice %arg9[%add3A, %dma_wait3A] : memref<32x32xf32, #tpu.memory_space<hbm>> -> memref<1x32xf32, #tpu.memory_space<hbm>>
      %dma_wait3A_228 = tpu.memref_squeeze %dma_wait3A_227 : memref<1x32xf32, #tpu.memory_space<hbm>> -> memref<32xf32, #tpu.memory_space<hbm>>
      %dma_wait3A_229 = arith.constant 0 : i32
      %dma_wait3A_230 = tpu.memref_slice %arg9[%add3A, %dma_wait3A_229] : memref<32x32xf32, #tpu.memory_space<hbm>> -> memref<1x32xf32, #tpu.memory_space<hbm>>
      %dma_wait3A_231 = tpu.memref_squeeze %dma_wait3A_230 : memref<1x32xf32, #tpu.memory_space<hbm>> -> memref<32xf32, #tpu.memory_space<hbm>>
      tpu.wait_dma2 semaphore(%run_scoped3A : memref<!tpu.dma_semaphore, #tpu.memory_space<semaphore_mem>>) src(%arg20 : memref<32xf32, #tpu.memory_space<vmem>>) dst(%dma_wait3A_231 : memref<32xf32, #tpu.memory_space<hbm>>)
      tpu.yield
    }) : () -> ()
    return
  }
}

module attributes {stable_mosaic.version = 14 : i64} {
  func.func @_combine_body(%arg0: memref<32x256x21xf32, #tpu.memory_space<vmem>>, %arg1: memref<32x32xf32, #tpu.memory_space<vmem>>, %arg2: memref<32x32xf32, #tpu.memory_space<vmem>>, %arg3: memref<1x1xf32, #tpu.memory_space<vmem>>) attributes {dimension_semantics = [], scalar_prefetch = 0 : i64, scratch_operands = 0 : i64, tpu.core_type = #tpu.core_type<tc>} {
    %get3A = arith.constant 0 : index
    %get3A_0 = arith.constant 0 : index
    %get3A_1 = arith.constant 0 : index
    %get3A_2 = vector.load %arg0[%get3A, %get3A_0, %get3A_1] : memref<32x256x21xf32, #tpu.memory_space<vmem>>, vector<32x256x21xf32>
    %reduce_sum3A = arith.constant dense<0.000000e+00> : vector<256x21xf32>
    %reduce_sum3A_3 = vector.multi_reduction <add>, %get3A_2, %reduce_sum3A [0] : vector<32x256x21xf32> to vector<256x21xf32>
    %get3A_4 = arith.constant 0 : index
    %get3A_5 = arith.constant 0 : index
    %get3A_6 = vector.load %arg1[%get3A_4, %get3A_5] : memref<32x32xf32, #tpu.memory_space<vmem>>, vector<32x32xf32>
    %reduce_sum3A_7 = arith.constant dense<0.000000e+00> : vector<32xf32>
    %reduce_sum3A_8 = vector.multi_reduction <add>, %get3A_6, %reduce_sum3A_7 [0] : vector<32x32xf32> to vector<32xf32>
    %broadcast_in_dim3A = vector.shape_cast %reduce_sum3A_8 : vector<32xf32> to vector<1x32xf32>
    %slice3A = vector.extract_strided_slice %broadcast_in_dim3A {offsets = [0, 0], sizes = [1, 21], strides = [1, 1]} : vector<1x32xf32> to vector<1x21xf32>
    %get3A_9 = arith.constant 0 : index
    %get3A_10 = arith.constant 0 : index
    %get3A_11 = vector.load %arg2[%get3A_9, %get3A_10] : memref<32x32xf32, #tpu.memory_space<vmem>>, vector<32x32xf32>
    %reduce_sum3A_12 = arith.constant dense<0.000000e+00> : vector<32xf32>
    %reduce_sum3A_13 = vector.multi_reduction <add>, %get3A_11, %reduce_sum3A_12 [0] : vector<32x32xf32> to vector<32xf32>
    %broadcast_in_dim3A_14 = vector.shape_cast %reduce_sum3A_13 : vector<32xf32> to vector<1x32xf32>
    %slice3A_15 = vector.extract_strided_slice %broadcast_in_dim3A_14 {offsets = [0, 0], sizes = [1, 21], strides = [1, 1]} : vector<1x32xf32> to vector<1x21xf32>
    %mul3A = arith.mulf %reduce_sum3A_3, %reduce_sum3A_3 : vector<256x21xf32>
    %reduce_sum3A_16 = arith.constant dense<0.000000e+00> : vector<21xf32>
    %reduce_sum3A_17 = vector.multi_reduction <add>, %mul3A, %reduce_sum3A_16 [0] : vector<256x21xf32> to vector<21xf32>
    %broadcast_in_dim3A_18 = vector.shape_cast %reduce_sum3A_17 : vector<21xf32> to vector<1x21xf32>
    %iota3A = tpu.iota {dimensions = array<i32: 1>} : vector<1x21xi32>
    %max3A = arith.constant 1.000000e+00 : f32
    %max3A_19 = vector.broadcast %max3A : f32 to vector<1x21xf32>
    %max3A_20 = arith.maximumf %slice3A_15, %max3A_19 : vector<1x21xf32>
    %div3A = arith.divf %slice3A, %max3A_20 : vector<1x21xf32>
    %mul3A_21 = arith.mulf %max3A_20, %max3A_20 : vector<1x21xf32>
    %div3A_22 = arith.divf %broadcast_in_dim3A_18, %mul3A_21 : vector<1x21xf32>
    %sub3A = arith.subf %div3A, %div3A_22 : vector<1x21xf32>
    %ge3A = arith.constant 1 : i32
    %ge3A_23 = vector.broadcast %ge3A : i32 to vector<1x21xi32>
    %ge3A_24 = arith.cmpi sge, %iota3A, %ge3A_23 : vector<1x21xi32>
    %gt3A = arith.constant 0.000000e+00 : f32
    %gt3A_25 = vector.broadcast %gt3A : f32 to vector<1x21xf32>
    %gt3A_26 = arith.cmpf ogt, %slice3A_15, %gt3A_25 : vector<1x21xf32>
    %and3A = arith.andi %ge3A_24, %gt3A_26 : vector<1x21xi1>
    %jit3A = arith.constant 0.000000e+00 : f32
    %broadcast_in_dim3A_27 = vector.broadcast %jit3A : f32 to vector<1x21xf32>
    %select_n3A = arith.select %and3A, %sub3A, %broadcast_in_dim3A_27 : vector<1x21xi1>, vector<1x21xf32>
    %reduce_sum3A_28 = vector.shape_cast %select_n3A : vector<1x21xf32> to vector<1x1x21xf32>
    %reduce_sum3A_29 = arith.constant dense<0.000000e+00> : vector<1xf32>
    %reduce_sum3A_30 = vector.multi_reduction <add>, %reduce_sum3A_28, %reduce_sum3A_29 [1, 2] : vector<1x1x21xf32> to vector<1xf32>
    %reduce_sum3A_31 = vector.shape_cast %reduce_sum3A_30 : vector<1xf32> to vector<1x1x1xf32>
    %reduce_sum3A_32 = vector.extract %reduce_sum3A_31[0, 0, 0] : f32 from vector<1x1x1xf32>
    %jit3A_33 = arith.constant 1.000000e+00 : f32
    %jit3A_34 = arith.constant 0.000000e+00 : f32
    %broadcast_in_dim3A_35 = vector.broadcast %jit3A_33 : f32 to vector<1x21xf32>
    %broadcast_in_dim3A_36 = vector.broadcast %jit3A_34 : f32 to vector<1x21xf32>
    %select_n3A_37 = arith.select %and3A, %broadcast_in_dim3A_35, %broadcast_in_dim3A_36 : vector<1x21xi1>, vector<1x21xf32>
    %reduce_sum3A_38 = vector.shape_cast %select_n3A_37 : vector<1x21xf32> to vector<1x1x21xf32>
    %reduce_sum3A_39 = arith.constant dense<0.000000e+00> : vector<1xf32>
    %reduce_sum3A_40 = vector.multi_reduction <add>, %reduce_sum3A_38, %reduce_sum3A_39 [1, 2] : vector<1x1x21xf32> to vector<1xf32>
    %reduce_sum3A_41 = vector.shape_cast %reduce_sum3A_40 : vector<1xf32> to vector<1x1x1xf32>
    %reduce_sum3A_42 = vector.extract %reduce_sum3A_41[0, 0, 0] : f32 from vector<1x1x1xf32>
    %gt3A_43 = arith.constant 0.000000e+00 : f32
    %gt3A_44 = arith.cmpf ogt, %reduce_sum3A_42, %gt3A_43 : f32
    %max3A_45 = arith.constant 1.000000e+00 : f32
    %max3A_46 = arith.maximumf %reduce_sum3A_42, %max3A_45 : f32
    %div3A_47 = arith.divf %reduce_sum3A_32, %max3A_46 : f32
    %jit3A_48 = arith.constant 0.000000e+00 : f32
    %select_n3A_49 = arith.select %gt3A_44, %div3A_47, %jit3A_48 : f32
    %reshape3A = vector.broadcast %select_n3A_49 : f32 to vector<1x1xf32>
    %swap3A = arith.constant 0 : index
    %swap3A_50 = arith.constant 0 : index
    %swap3A_51 = vector.load %arg3[%swap3A, %swap3A_50] : memref<1x1xf32, #tpu.memory_space<vmem>>, vector<1x1xf32>
    tpu.vector_store %arg3[%swap3A, %swap3A_50], %reshape3A {strides = array<i32>} : memref<1x1xf32, #tpu.memory_space<vmem>>, vector<1x1xf32>,
    return
  }
}

</mosaic_0001>

<sc_bundles>
// kernel: kernel.4.cloned.1.call-start
scs
__scs_entry_jumppad:
0x0: {  	(pc) =	sbr.rel $0x88, $3  }
0x1: {  	(tag) =	ssettag $0x0;
	lr =	simm.s32 $0x1  }
0x2: {  	[smem:$0x3F9C] =	sst lr;
	_ =	strace $0xD0000000  }
0x3: {  	_ = 	snop  }
0x4: {  	_ = 	snop  }
0x5: {  	_ = 	snop  }
0x6: {  	_ = 	snop  }
0x7: {  	_ = 	snop  }
__scs_overlays_trampoline_lowered:
0x8: {  	[smem:$0x3FAB] =	sst s0  }
0x9: {  	[smem:$0x3FAC] =	sst s1  }
0xa: {  	[smem:$0x3FAD] =	sst s2  }
0xb: {  	[smem:$0x3FAE] =	sst s3  }
0xc: {  	[smem:$0x3FAF] =	sst s4  }
0xd: {  	[smem:$0x3FB0] =	sst s5  }
0xe: {  	[smem:$0x3FB1] =	sst s6  }
0xf: {  	[smem:$0x3FB2] =	sst s7  }
0x10: {  	[smem:$0x3FB3] =	sst s8  }
0x11: {  	[smem:$0x3FB4] =	sst s9;
	s0 =	simm.s32 @!p0 $0x0  }
0x12: {  	s1 =	sld [smem:$0x3F9A];
	s0 =	simm.s32 @p0 $0x1  }
0x13: {  	[smem:$0x3FB5] =	sst s0;
	s0 =	simm.s32 @!p1 $0x0  }
0x14: {  	s2 =	sld [smem:$0x3F99];
	s0 =	simm.s32 @p1 $0x1  }
0x15: {  	[smem:$0x3FB6] =	sst s0;
	s0 =	simm.s32 @!p2 $0x0  }
0x16: {  	s3 =	sld [smem:$0x3FDB];
	s0 =	simm.s32 @p2 $0x1  }
0x17: {  	s4 =	simm.s32 $0x1BF5;
	[smem:$0x3FB8] =	sst s0  }
0x18: {  	s0 =	sld [smem:$0x3F9B];
	_ =	swait.ge [sflag:s4], $0x0  }
0x19: {  	s7 =	sld [smem:$0x3F9C]  }
0x1a: {  	s8 =	sadd.s32 $0xFFFFE003, lr  }
0x1b: {  	s9 =	sadd.s32 $0xFFFFFEF7, lr;
	s5 =	simm.s32 $0xFFFFFFFF;
	p2 =	slt.u32 s8, $0xFFFFF086  }
0x1c: {  	p1 =	slt.u32 s9, $0xF7A;
	s5 =	simm.s32 @!p2 $0x0  }
0x1d: {  	s5 =	simm.s32 @p1 $0x1;
	p0 =	seq.s32 s7, s2  }
0x1e: {  	s7 =	smul.u32 @!p0 $0xF7A, s2;
	p2 =	seq.s32 @!p0 s5, $0x0  }
0x1f: {  	s9 =	smul.u32 $0xF7A, s1;
	s8 =	simm.s32 @!p0 $0x1BF5;
	p2 =	por !p2, p0  }
0x20: {  	[sflag:s8] =	ssyncset.s32 @!p0 $0xFFFFF086;
	s6 =	sadd.s32 @!p0 s3, s7;
	s7 =	simm.s32 @!p0 $0x108  }
0x21: {  	s3 =	sadd.s32 s3, s9;
	s6 =	sadd.s32 @!p0 $0x88, s6;
	s7 =	simm.s32 @p2 $0x1082  }
0x22: {  	[simem:s7], [sflag:s8] =	dma.local @!p0 [hbm:s6], $0xF7A  }
0x23: {  	s9 =	sor.u32 $0xD0000000, s2;
	s6 =	simm.s32 $0x108;
	_ =	swait.ge @!p0 [sflag:s8], $0x0  }
0x24: {  	s3 =	sadd.s32 $0x88, s3;
	s6 =	simm.s32 @!p1 $0x1082;
	[sflag:s4] =	ssyncset.s32 $0xFFFFF086  }
0x25: {  	[simem:s6], [sflag:s4] =	dma.local [hbm:s3], $0xF7A  }
0x26: {  	[smem:$0x3F9C] =	sst s1;
	(tag) =	ssettag s2;
	_ =	strace s9  }
0x27: {  	s1 =	sld [smem:$0x3FAC]  }
0x28: {  	s2 =	sld [smem:$0x3FAD]  }
0x29: {  	s4 =	sld [smem:$0x3FAF]  }
0x2a: {  	p0 =	seq.s32 s5, $0x0;
	s5 =	sld [smem:$0x3FB0]  }
0x2b: {  	s6 =	sld [smem:$0x3FB1]  }
0x2c: {  	s7 =	sld [smem:$0x3FB2]  }
0x2d: {  	s3 =	simm.s32 $0x108;
	s8 =	sld [smem:$0x3FB3]  }
0x2e: {  	s3 =	simm.s32 @!p0 $0x1082;
	s9 =	sld [smem:$0x3FB4]  }
0x2f: {  	lr =	sadd.s32 s0, s3;
	s0 =	sld [smem:$0x3FAB]  }
0x30: {  	s3 =	sld [smem:$0x3FAE]  }
0x31: {  	[smem:$0x3FB7] =	sst s10  }
0x32: {  	s10 =	sld [smem:$0x3FB5];
	_ =	sdelay $0x3  }
0x33: {  	p0 =	seq.s32 s10, $0x1;
	s10 =	sld [smem:$0x3FB7];
	_ =	sdelay $0x3  }
0x34: {  	[smem:$0x3FB7] =	sst s10  }
0x35: {  	s10 =	sld [smem:$0x3FB6];
	_ =	sdelay $0x3  }
0x36: {  	p1 =	seq.s32 s10, $0x1;
	s10 =	sld [smem:$0x3FB7];
	_ =	sdelay $0x3  }
0x37: {  	[smem:$0x3FB7] =	sst s10  }
0x38: {  	s10 =	sld [smem:$0x3FB8]  }
0x39: {  	_ = 	snop;
	(pc) =	sbr.ind lr, $3  }
0x3a: {  	_ = 	snop  }
0x3b: {  	_ = 	snop  }
0x3c: {  	p2 =	seq.s32 s10, $0x1;
	s10 =	sld [smem:$0x3FB7]  }
0x3d: {  	_ =	shalt  }
0x3e: {  	_ =	shalt  }
0x3f: {  	_ =	shalt  }
0x40: {  	_ =	shalt  }
0x41: {  	_ =	shalt  }
0x42: {  	_ =	shalt  }
0x43: {  	_ =	shalt  }
0x44: {  	_ =	shalt  }
0x45: {  	_ =	shalt  }
0x46: {  	_ =	shalt  }
0x47: {  	_ =	shalt  }
0x48: {  	_ =	shalt  }
0x49: {  	_ =	shalt  }
0x4a: {  	_ =	shalt  }
0x4b: {  	_ =	shalt  }
0x4c: {  	_ =	shalt  }
0x4d: {  	_ =	shalt  }
0x4e: {  	_ =	shalt  }
0x4f: {  	_ =	shalt  }
0x50: {  	_ =	shalt  }
0x51: {  	_ =	shalt  }
0x52: {  	_ =	shalt  }
0x53: {  	_ =	shalt  }
0x54: {  	_ =	shalt  }
0x55: {  	_ =	shalt  }
0x56: {  	_ =	shalt  }
0x57: {  	_ =	shalt  }
0x58: {  	_ =	shalt  }
0x59: {  	_ =	shalt  }
0x5a: {  	_ =	shalt  }
0x5b: {  	_ =	shalt  }
0x5c: {  	_ =	shalt  }
0x5d: {  	_ =	shalt  }
0x5e: {  	_ =	shalt  }
0x5f: {  	_ =	shalt  }
0x60: {  	_ =	shalt  }
0x61: {  	_ =	shalt  }
0x62: {  	_ =	shalt  }
0x63: {  	_ =	shalt  }
0x64: {  	_ =	shalt  }
0x65: {  	_ =	shalt  }
0x66: {  	_ =	shalt  }
0x67: {  	_ =	shalt  }
0x68: {  	_ =	shalt  }
0x69: {  	_ =	shalt  }
0x6a: {  	_ =	shalt  }
0x6b: {  	_ =	shalt  }
0x6c: {  	_ =	shalt  }
0x6d: {  	_ =	shalt  }
0x6e: {  	_ =	shalt  }
0x6f: {  	_ =	shalt  }
0x70: {  	_ =	shalt  }
0x71: {  	_ =	shalt  }
0x72: {  	_ =	shalt  }
0x73: {  	_ =	shalt  }
0x74: {  	_ =	shalt  }
0x75: {  	_ =	shalt  }
0x76: {  	_ =	shalt  }
0x77: {  	_ =	shalt  }
0x78: {  	_ =	shalt  }
0x79: {  	_ =	shalt  }
0x7a: {  	_ =	shalt  }
0x7b: {  	_ =	shalt  }
0x7c: {  	_ =	shalt  }
0x7d: {  	_ =	shalt  }
0x7e: {  	_ =	shalt  }
0x7f: {  	_ =	shalt  }
0x80: {  	_ =	shalt  }
0x81: {  	_ =	shalt  }
0x82: {  	_ =	shalt  }
0x83: {  	_ =	shalt  }
0x84: {  	_ =	shalt  }
0x85: {  	_ =	shalt  }
0x86: {  	_ =	shalt  }
0x87: {  	_ =	shalt  }
.Lfunc_end0:
.L_simem_size_0:
called_computation_lowered:
.L_overlay_start_0:
0x88: {  	s2 =	sld [smem:$0x3FD9]  }
0x89: {  	s3 =	sld [smem:$0x3FFE];
	_ =	sdelay $0x1  }
0x8a: {  	s1 =	srdreg.scid  }
0x8b: {  	s0 =	sand.u32 $0x1, s1  }
0x8c: {  	s17 =	sshll.u32 s0, $0xA;
	s2 =	sadd.s32 s3, s2  }
0x8d: {  	s2 =	sadd.s32 s2, s17  }
0x8e: {  	[smem:$0x3FC3] =	sst s2  }
0x8f: {  	_ = 	snop  }
0x90: {  	s2 =	sld [smem:$0x3FC9]  }
0x91: {  	s18 =	sld [smem:$0x3FC8]  }
0x92: {  	s4 =	sld [smem:$0x3FC7]  }
0x93: {  	s5 =	sld [smem:$0x3FC6]  }
0x94: {  	s6 =	sld [smem:$0x3FD0];
	(tm) =	ssettm $0x1  }
0x95: {  	s7 =	sld [smem:$0x3FFB];
	_ =	sdelay $0x3  }
0x96: {  	_ =	strace s7  }
0x97: {  	s7 =	sld [smem:$0x3FFC];
	_ =	sdelay $0x3  }
0x98: {  	_ =	strace s7  }
0x99: {  	s7 =	sld [smem:$0x3FFD];
	_ =	sdelay $0x3  }
0x9a: {  	_ =	strace s7  }
0x9b: {  	_ =	strace $0x8FFFFFFF  }
0x9c: {  	s19 =	sld [smem:$0x3FDB];
	_ =	sdelay $0x1  }
0x9d: {  	s8 =	simm.s32 $_scs_section_size  }
0x9e: {  	s9 =	simm.s32 $_size__tile_overlayer_lowered;
	s10 =	simm.s32 $_tile_overlayer_lowered  }
0x9f: {  	s22 =	simm.s32 $0x1BFF;
	s21 =	sshll.u32 s10, $0x1;
	s7 =	sadd.s32 s8, s19  }
0xa0: {  	s11 =	simm.s32 $0x0;
	s20 =	sshll.u32 s9, $0x1;
	s9 =	sadd.s32 s21, s7  }
0xa1: {  	[timem:s11], [sflag:s22] =	dma.local [hbm:s9], s20  }
0xa2: {  	_ =	swait.ge [sflag:s22], s20  }
0xa3: {  	s8 =	ssub.s32 $0x0, s20;
	[sflag:s22] =	ssyncset.done $0x0  }
0xa4: {  	[sflag:s22] =	ssyncadd.s32 s8;
	_ =	sdelay $0x1  }
0xa5: {  	s23 =	simm.s32 $0x1B8B  }
0xa6: {  	_ =	swait.ge [sflag:s23], $0x1  }
0xa7: {  	[sflag:s23] =	ssyncset.done $0x0  }
0xa8: {  	s25 =	simm.s32 $0x1B8E;
	s24 =	sld [smem:$0x3FFE];
	[sflag:s23] =	ssyncadd.s32 $0xFFFFFFFF  }
0xa9: {  	s26 =	simm.s32 $execute0_lowered;
	[smem:$0x3FD2] =	sst s25  }
0xaa: {  	s9 =	sshll.u32 s26, $0x1;
	_ =	strace $0x80000046;
	[dreg:$0x1] =	wrdreg $0xFFFFFFFF  }
0xab: {  	s28 =	simm.s32 $_size_execute0_lowered;
	s7 =	sadd.s32 s7, s9;
	[dreg:$0x0] =	wrdreg $0x0  }
0xac: {  	s9 =	sshll.u32 s28, $0x1;
	[dreg:$0x2] =	wrdreg s7  }
0xad: {  	[dreg:$0x3] =	wrdreg s9  }
0xae: {  	[dreg:$0x4] =	wrdreg $0xC0  }
0xaf: {  	_ =	task [dreg:s11], $0x5FFFF  }
0xb0: {  	[dreg:$0x1] =	wrdreg $0xFFFFFFFF  }
0xb1: {  	[dreg:$0x0] =	wrdreg $0x60  }
0xb2: {  	[dreg:$0x2] =	wrdreg s2  }
0xb3: {  	[dreg:$0x3] =	wrdreg s18  }
0xb4: {  	[dreg:$0x4] =	wrdreg s4  }
0xb5: {  	[dreg:$0x5] =	wrdreg s5  }
0xb6: {  	[dreg:$0x6] =	wrdreg s6  }
0xb7: {  	[dreg:$0x7] =	wrdreg s24  }
0xb8: {  	[dreg:$0x8] =	wrdreg $0x9  }
0xb9: {  	_ =	task.clear_ibuf [dreg:s11], $0x9FFFF;
	_ =	strace $0x90000046  }
0xba: {  	s29 =	simm.s32 $0x9;
	_ =	strace $0x80000048  }
0xbb: {  	_ =	swait.ge [sflag:s29], $0x1  }
0xbc: {  	[sflag:s29] =	ssyncadd.s32 $0xFFFFFFFF  }
0xbd: {  	_ =	strace $0x90000048  }
0xbe: {  	_ =	sfence  }
0xbf: {  	s30 =	sld [smem:$0x0];
	_ =	sdelay $0x2  }
0xc0: {  	s31 =	sshll.u32 s1, $0xD;
	s1 =	sshrl.u32 s1, $0x2  }
0xc1: {  	s3 =	sand.u32 $0x4000, s31;
	s1 =	sadd.s32 s1, s30  }
0xc2: {  	s0 =	sor.u32 s3, s0;
	s1 =	sshll.u32 s1, $0x11  }
0xc3: {  	s0 =	sor.u32 s1, s0  }
0xc4: {  	s0 =	sadd.s32 $0x8F2B, s0  }
0xc5: {  	[sflag:s0] =	ssyncadd.remote.s32 $0x1  }
0xc6: {  	_ =	sfence.sel $0xFFFF  }
0xc7: {  	[dreg:$0x0] =	wrdreg $0xFFFFFFFF;
	(pc) =	sbr.abs _section_cstart, $3  }
0xc8: {  	[dreg:$0x1] =	wrdreg $0xFFFFFFFF  }
0xc9: {  	_ =	task.clear_ibuf [dreg:s11], $0x2FFFF;
	_ =	strace $0x9FFFFFFF  }
0xca: {  	(tm) =	ssettm $0x7FFFFFFF  }
0xcb: {  	_ =	shalt  }
tec
execute0_lowered:
.L_overlay_start_1:
0x0: {  	(tag) =	ssettag $0x1  }
0x1: {  	s0 =	rddreg [dreg:$0x0]  }
0x2: {  	s2 =	rddreg [dreg:$0x1]  }
0x3: {  	s3 =	rddreg [dreg:$0x2]  }
0x4: {  	s4 =	rddreg [dreg:$0x3]  }
0x5: {  	s1 =	srdreg.scid;
	s11 =	stileid.u32  }
0x6: {  	s6 =	rddreg [dreg:$0x5];
	s7 =	simm.s32 $0x0;
	v0 =	vlaneseq.u32;
	s28 =	simm.s32 $0x40  }
0x7: {  	s29 =	simm.s32 $0x4000;
	s30 =	simm.s32 $0x1;
	[smem:$0x7FF] =	sst s7;
	v2 =	vand.u32 $0x7, v0  }
0x8: {  	s1 =	sand.u32 $0x1, s1;
	s5 =	sshll.u32 s11, $0x1;
	_ =	strace $0x80000047;
	v0 =	vor.u32 $0x8, v2;
	[tilespmem:$0x1FFE0] =	vst v2  }
0x9: {  	s31 =	simm.s32 $0x1B410;
	s5 =	sor.u32 s1, s5;
	s1 =	ssub.s32 $0x2, s1;
	[tilespmem:$0x1FEB0] =	vst v0;
	v0 =	vor.u32 $0x10, v2  }
0xa: {  	s8 =	smul.u32 $0x2A0, s5;
	s9 =	sshll.u32 s5, $0x2;
	s5 =	sshll.u32 s5, $0xC;
	[tilespmem:$0x1FEC0] =	vst v0;
	v0 =	vor.u32 $0x18, v2  }
0xb: {  	s11 =	sshrl.u32 s11, $0x1;
	s14 =	sshrl.u32 s1, $0x1;
	s5 =	sand.u32 $0x3000, s5;
	[tilespmem:$0x1FED0] =	vst v0;
	v0 =	vor.u32 $0x20, v2  }
0xc: {  	s1 =	ssub.s32 s1, s14;
	s10 =	sadd.s32 s8, s6;
	s8 =	sshll.u32 s11, $0x16;
	[tilespmem:$0x1FEE0] =	vst v0;
	v0 =	vor.u32 $0x28, v2  }
0xd: {  	s6 =	sadd.s32 s9, s6;
	s9 =	smul.u32 $0x54000, s11;
	s14 =	sor.u32 $0x40, s5;
	[tilespmem:$0x1FEF0] =	vst v0;
	v0 =	vor.u32 $0x30, v2  }
0xe: {  	s1 =	smax.u32 s1, $0x1;
	s12 =	sor.u32 s8, s5;
	s24 =	sadd.s32 $0x800, s10;
	[tilespmem:$0x1FF00] =	vst v0;
	v0 =	vor.u32 $0x38, v2  }
0xf: {  	s25 =	sadd.s32 $0x5E00, s6;
	s26 =	sadd.s32 $0x5C00, s6;
	[dreg:$0x12] =	wrdreg s1;
	[tilespmem:$0x1FF10] =	vst v0;
	v0 =	vor.u32 $0x40, v2  }
0x10: {  	s10 =	simm.s32 $0x1B310;
	s6 =	simm.s32 $0x0;
	[dreg:$0xf] =	wrdreg s24;
	[tilespmem:$0x1FF20] =	vst v0;
	v0 =	vor.u32 $0x48, v2  }
0x11: {  	s12 =	sshrl.u32 s12, $0x3;
	s15 =	sor.u32 s9, s5;
	[dreg:$0x10] =	wrdreg s25;
	[tilespmem:$0x1FF30] =	vst v0;
	v0 =	vor.u32 $0x50, v2  }
0x12: {  	s20 =	sor.u32 s9, s14;
	[dreg:$0x11] =	wrdreg s26;
	s13 =	sadd.s32 s0, s12;
	[tilespmem:$0x1FF40] =	vst v0;
	v0 =	vor.u32 $0x58, v2  }
0x13: {  	s25 =	simm.s32 $0x10AC0;
	s12 =	sadd.s32 s2, s12;
	[dreg:$0x7] =	wrdreg s13;
	[tilespmem:$0x1FF50] =	vst v0;
	v0 =	vor.u32 $0x60, v2  }
0x14: {  	s21 =	sshrl.u32 s20, $0x3;
	s20 =	sor.u32 $0xC0, s5;
	[dreg:$0x8] =	wrdreg s12;
	[tilespmem:$0x1FF60] =	vst v0;
	v0 =	vor.u32 $0x68, v2  }
0x15: {  	s12 =	sshll.u32 s11, $0xE;
	s11 =	sshrl.u32 s15, $0x3;
	s15 =	sor.u32 s8, s14;
	[tilespmem:$0x1FF70] =	vst v0;
	v0 =	vor.u32 $0x70, v2  }
0x16: {  	s16 =	sor.u32 s12, s5;
	s11 =	sadd.s32 s3, s11;
	s18 =	sshrl.u32 s15, $0x3;
	[tilespmem:$0x1FF80] =	vst v0;
	v0 =	vor.u32 $0x78, v2  }
0x17: {  	s14 =	sor.u32 s12, s14;
	[dreg:$0x9] =	wrdreg s11;
	s19 =	sadd.s32 s0, s18;
	[tilespmem:$0x1FF90] =	vst v0;
	v0 =	vor.u32 $0x80, v2  }
0x18: {  	s13 =	sshrl.u32 s16, $0x3;
	s11 =	sadd.s32 s2, s18;
	[dreg:$0xb] =	wrdreg s19;
	[tilespmem:$0x1FFA0] =	vst v0;
	v0 =	vor.u32 $0x88, v2  }
0x19: {  	s15 =	simm.s32 $0x3;
	s17 =	sadd.s32 s4, s13;
	[dreg:$0xc] =	wrdreg s11;
	[tilespmem:$0x1FFB0] =	vst v0;
	v0 =	vor.u32 $0x90, v2  }
0x1a: {  	s22 =	sshrl.u32 s14, $0x3;
	s11 =	sadd.s32 s3, s21;
	[dreg:$0xa] =	wrdreg s17;
	[tilespmem:$0x1FFC0] =	vst v0;
	v0 =	vor.u32 $0x98, v2  }
0x1b: {  	s23 =	sadd.s32 s4, s22;
	s19 =	sor.u32 $0x80, s5;
	[dreg:$0xd] =	wrdreg s11;
	[tilespmem:$0x1FFD0] =	vst v0;
	v0 =	vor.u32 $0xA0, v2  }
0x1c: {  	v1 =	vimm.f32 $0.0e+00;
	s5 =	simm.s32 $0x10B10;
	[dreg:$0xe] =	wrdreg s23;
	s11 =	simm.s32 $0x2;
	[tilespmem:$0x1FFF0] =	vst v0  }
.LBB2_1:
0x1d: {  	[dreg:$0x13] =	wrdreg s6;
	s13 =	simm.s32 $0x10B50  }
0x1e: {  	[tilespmem:s13+$0xFFFFFFC0] =	vst v1  }
0x1f: {  	[tilespmem:s13+$0x30] =	vst v1  }
0x20: {  	[tilespmem:s13+$0x20] =	vst v1  }
0x21: {  	[tilespmem:s13+$0x10] =	vst v1  }
0x22: {  	[tilespmem:s13+$0x0] =	vst v1  }
0x23: {  	[tilespmem:s13+$0xFFFFFFF0] =	vst v1  }
0x24: {  	s14 =	simm.s32 $0x0;
	s6 =	simm.s32 $0x1B320;
	s1 =	simm.s32 $0x1B420;
	[tilespmem:s13+$0xFFFFFFE0] =	vst v1  }
.LBB2_2:
0x25: {  	s14 =	sadd.s32 $0x8, s14;
	[tilespmem:s13+$0xFFFFFFD0] =	vst v1;
	s13 =	sadd.s32 $0x80, s13  }
0x26: {  	[tilespmem:s13+$0xFFFFFFC0] =	vst v1;
	p0 =	slt.u32 s14, $0xA78  }
0x27: {  	[tilespmem:s13+$0x30] =	vst v1  }
.Ltmp0:
0x28: {  	[tilespmem:s13+$0x20] =	vst v1;
	(pc) =	sbr.rel @p0 .LBB2_2-.Ltmp0, $4  }
0x29: {  	[tilespmem:s13+$0x10] =	vst v1  }
0x2a: {  	[tilespmem:s13+$0x0] =	vst v1  }
0x2b: {  	[tilespmem:s13+$0xFFFFFFF0] =	vst v1  }
0x2c: {  	[tilespmem:s13+$0xFFFFFFE0] =	vst v1  }
0x2d: {  	[tilespmem:s13+$0xFFFFFFD0] =	vst v1  }
0x2e: {  	[tilespmem:s6+$0x0] =	vst v1  }
0x2f: {  	[tilespmem:s6+$0xFFFFFFF0] =	vst v1  }
0x30: {  	s13 =	simm.s32 $0x0;
	[tilespmem:s1+$0xFFFFFFF0] =	vst v1  }
.LBB2_4:
0x31: {  	s13 =	sadd.s32 $0x2, s13  }
0x32: {  	[tilespmem:s1+$0x0] =	vst v1;
	s6 =	sadd.s32 $0x20, s6;
	s1 =	sadd.s32 $0x20, s1;
	p0 =	slt.u32 s13, $0xE  }
.Ltmp1:
0x33: {  	(pc) =	sbr.rel @p0 .LBB2_4-.Ltmp1, $4  }
0x34: {  	_ = 	snop  }
0x35: {  	[tilespmem:s6+$0x0] =	vst v1  }
0x36: {  	[tilespmem:s6+$0xFFFFFFF0] =	vst v1  }
0x37: {  	[tilespmem:s1+$0xFFFFFFF0] =	vst v1  }
0x38: {  	[tilespmem:s1+$0x0] =	vst v1;
	s14 =	simm.s32 $0x0;
	s22 =	rddreg [dreg:$0x4];
	s6 =	simm.s32 $0x10B00  }
0x39: {  	[tilespmem:s6], [sflag:$0x3] =	stream.linear.gather [hbm4b:s22+s14], $0x10, $0x38;
	[tilespmem:$0x1CA50] =	vst v63  }
0x3a: {  	_ =	swait.ge [sflag:s15], $0x10  }
0x3b: {  	[sflag:s15] =	ssyncset.done $0x0  }
0x3c: {  	s23 =	rddreg [dreg:$0x7];
	[sflag:s15] =	ssyncadd.s32 $0xFFFFFFF0  }
0x3d: {  	v0 =	vld [tilespmem:$0x10B00];
	[tilespmem:s14], [sflag:$0x1] =	stream.strided.gather [hbm4b:s23+s28], $0x4000, s29, s28, $0x38  }
0x3e: {  	s26 =	simm.s32 $0x8000;
	s24 =	rddreg [dreg:$0x8]  }
0x3f: {  	[tilespmem:s26], [sflag:$0x1] =	stream.strided.gather [hbm4b:s24+s28], $0x4000, s29, s28, $0x38;
	[tilespmem:$0x1CA50] =	vst v63  }
0x40: {  	s13 =	rddreg [dreg:$0x9];
	s15 =	simm.s32 $0x10000  }
0x41: {  	[tilespmem:s15], [sflag:$0x1] =	stream.strided.gather [hbm4b:s13+s28], $0x540, s29, s28, $0x38;
	[tilespmem:$0x1CA50] =	vst v63  }
0x42: {  	s17 =	simm.s32 $0x10A80;
	s16 =	rddreg [dreg:$0xa]  }
0x43: {  	[tilespmem:s17], [sflag:$0x1] =	stream.linear.gather [hbm4b:s16+s14], $0x40, $0x38;
	[tilespmem:$0x1CA50] =	vst v63  }
0x44: {  	s18 =	rddreg [dreg:$0xb]  }
0x45: {  	[tilespmem:s29], [sflag:$0x2] =	stream.strided.gather [hbm4b:s18+s28], $0x4000, s29, s28, $0x38;
	[tilespmem:$0x1CA50] =	vst v63  }
0x46: {  	s22 =	simm.s32 $0xC000;
	s21 =	rddreg [dreg:$0xc]  }
0x47: {  	[tilespmem:s22], [sflag:$0x2] =	stream.strided.gather [hbm4b:s21+s28], $0x4000, s29, s28, $0x38;
	[tilespmem:$0x1CA50] =	vst v63  }
0x48: {  	s23 =	rddreg [dreg:$0xd];
	s24 =	simm.s32 $0x10540  }
0x49: {  	[tilespmem:s24], [sflag:$0x2] =	stream.strided.gather [hbm4b:s23+s28], $0x540, s29, s28, $0x38;
	[tilespmem:$0x1CA50] =	vst v63  }
0x4a: {  	s26 =	rddreg [dreg:$0xe];
	[tilespmem:$0x1FEA0] =	vst v0  }
0x4b: {  	[tilespmem:s25], [sflag:$0x2] =	stream.linear.gather [hbm4b:s26+s14], $0x40, $0x38;
	[tilespmem:$0x1CA50] =	vst v63  }
.LBB2_6:
0x4c: {  	_ =	swait.ge [sflag:s30], $0x4000  }
0x4d: {  	[sflag:s30] =	ssyncset.done $0x0  }
0x4e: {  	[sflag:s30] =	ssyncadd.s32 $0xFFFFC000  }
0x4f: {  	_ =	swait.ge [sflag:s30], $0x4000  }
0x50: {  	[sflag:s30] =	ssyncset.done $0x0  }
0x51: {  	[sflag:s30] =	ssyncadd.s32 $0xFFFFC000  }
0x52: {  	_ =	swait.ge [sflag:s30], $0x540  }
0x53: {  	[sflag:s30] =	ssyncset.done $0x0  }
0x54: {  	[sflag:s30] =	ssyncadd.s32 $0xFFFFFAC0  }
0x55: {  	_ =	swait.ge [sflag:s30], $0x40  }
0x56: {  	v28 =	vld [tilespmem:$0x1FEB0]  }
0x57: {  	v2 =	vld [tilespmem:$0x1FFE0]  }
0x58: {  	v27 =	vld [tilespmem:$0x1FEC0]  }
0x59: {  	v9 =	vld [tilespmem:$0x1FED0]  }
0x5a: {  	v10 =	vld [tilespmem:$0x1FEE0]  }
0x5b: {  	v11 =	vld [tilespmem:$0x1FEF0]  }
0x5c: {  	v12 =	vld [tilespmem:$0x1FF00]  }
0x5d: {  	v20 =	vld [tilespmem:$0x1FF90]  }
0x5e: {  	v21 =	vld [tilespmem:$0x1FFB0]  }
0x5f: {  	[sflag:s30] =	ssyncset.done $0x0;
	v22 =	vld [tilespmem:$0x1FFC0]  }
0x60: {  	v24 =	vld [tilespmem:$0x1FFD0];
	[sflag:s30] =	ssyncadd.s32 $0xFFFFFFC0  }
0x61: {  	v29 =	vld [tilespmem:$0x10000]  }
0x62: {  	v37 =	vld [tilespmem:$0x10010]  }
0x63: {  	v53 =	vld [tilespmem:$0x10020]  }
0x64: {  	v26 =	vld [tilespmem:$0x10030]  }
0x65: {  	v31 =	vld [tilespmem:$0x10040]  }
0x66: {  	v39 =	vld [tilespmem:$0x10050]  }
0x67: {  	v55 =	vld [tilespmem:$0x10060]  }
0x68: {  	v38 =	vld [tilespmem:$0x10070]  }
0x69: {  	v32 =	vld [tilespmem:$0x10080]  }
0x6a: {  	v42 =	vld [tilespmem:$0x10090]  }
0x6b: {  	v54 =	vld [tilespmem:$0x100A0]  }
0x6c: {  	v36 =	vld [tilespmem:$0x100B0]  }
0x6d: {  	v35 =	vld [tilespmem:$0x100C0]  }
0x6e: {  	v49 =	vld [tilespmem:$0x100D0]  }
0x6f: {  	v52 =	vld [tilespmem:$0x100E0]  }
0x70: {  	v34 =	vld [tilespmem:$0x100F0]  }
0x71: {  	v44 =	vld [tilespmem:$0x10100]  }
0x72: {  	v50 =	vld [tilespmem:$0x10110]  }
0x73: {  	v25 =	vld [tilespmem:$0x10120]  }
0x74: {  	v33 =	vld [tilespmem:$0x10130]  }
0x75: {  	v45 =	vld [tilespmem:$0x10140]  }
0x76: {  	v56 =	vld [tilespmem:$0x10150]  }
0x77: {  	v48 =	vld [tilespmem:$0x10160]  }
0x78: {  	v30 =	vld [tilespmem:$0x10170]  }
0x79: {  	v47 =	vld [tilespmem:$0x10180]  }
0x7a: {  	v57 =	vld [tilespmem:$0x10190]  }
0x7b: {  	v46 =	vld [tilespmem:$0x101A0]  }
0x7c: {  	v0 =	vld [tilespmem:$0x101B0]  }
0x7d: {  	v51 =	vld [tilespmem:$0x101C0]  }
0x7e: {  	v58 =	vld [tilespmem:$0x101D0]  }
0x7f: {  	v40 =	vld [tilespmem:$0x101E0]  }
0x80: {  	v59 =	vld [tilespmem:$0x10200]  }
0x81: {  	v60 =	vld [tilespmem:$0x10210]  }
0x82: {  	v41 =	vld [tilespmem:$0x10220]  }
0x83: {  	v61 =	vld [tilespmem:$0x10240]  }
0x84: {  	v62 =	vld [tilespmem:$0x10250]  }
0x85: {  	v43 =	vld [tilespmem:$0x10260]  }
0x86: {  	v63 =	vld [tilespmem:$0x10280]  }
0x87: {  	v23 =	vld [tilespmem:$0x102C0]  }
0x88: {  	v3 =	vld [tilespmem:$0x102D0]  }
0x89: {  	v16 =	vld [tilespmem:$0x10300]  }
0x8a: {  	v17 =	vld [tilespmem:$0x10340]  }
0x8b: {  	v18 =	vld [tilespmem:$0x10380]  }
0x8c: {  	v19 =	vld [tilespmem:$0x103C0];
	vm3 =	vgt.f32 v31, v29  }
0x8d: {  	v5 =	vld [tilespmem:$0x10440];
	v29 =	vsel vm3, v31, v29  }
0x8e: {  	[tilespmem:$0x1FE80] =	vst v0;
	v0 =	vld [tilespmem:$0x101F0];
	vm2 =	vgt.f32 v32, v29  }
0x8f: {  	v6 =	vld [tilespmem:$0x10390];
	vm0 =	vgt.f32 v39, v37;
	v31 =	vsel vm2, v32, v29  }
0x90: {  	v39 =	vsel vm0, v39, v37;
	v37 =	vld [tilespmem:$0x10330];
	vm10 =	vgt.f32 v35, v31  }
0x91: {  	vm1 =	vgt.f32 v42, v39;
	v29 =	vld [tilespmem:$0x10230];
	v31 =	vsel vm10, v35, v31  }
0x92: {  	v39 =	vsel vm1, v42, v39;
	v42 =	vld [tilespmem:$0x103B0];
	vm4 =	vgt.f32 v44, v31  }
0x93: {  	v4 =	vsel vm3, v28, v2;
	vm3 =	vgt.f32 v49, v39;
	[tilespmem:$0x1FE90] =	vst v0;
	v0 =	vld [tilespmem:$0x10290];
	v13 =	vsel vm4, v44, v31  }
0x94: {  	v4 =	vsel vm2, v27, v4;
	v39 =	vsel vm3, v49, v39;
	v49 =	vld [tilespmem:$0x10480];
	vm11 =	vgt.f32 v45, v13  }
0x95: {  	v4 =	vsel vm10, v9, v4;
	v31 =	vld [tilespmem:$0x10270];
	v32 =	vsel vm11, v45, v13  }
0x96: {  	v44 =	vld [tilespmem:$0x102A0];
	v4 =	vsel vm4, v10, v4;
	vm4 =	vgt.f32 v50, v39;
	vm5 =	vgt.f32 v47, v32  }
0x97: {  	v50 =	vsel vm4, v50, v39;
	v39 =	vld [tilespmem:$0x10370];
	v14 =	vsel vm5, v47, v32  }
0x98: {  	v45 =	vld [tilespmem:$0x102E0];
	vm7 =	vgt.f32 v51, v14  }
0x99: {  	v13 =	vld [tilespmem:$0x1FF10];
	v35 =	vsel vm7, v51, v14  }
0x9a: {  	v4 =	vsel vm11, v11, v4;
	v32 =	vld [tilespmem:$0x102B0];
	vm6 =	vgt.f32 v59, v35  }
0x9b: {  	v47 =	vld [tilespmem:$0x10320];
	v4 =	vsel vm5, v12, v4;
	vm5 =	vgt.f32 v56, v50;
	v15 =	vsel vm6, v59, v35  }
0x9c: {  	v50 =	vsel vm5, v56, v50;
	v56 =	vld [tilespmem:$0x103A0];
	vm8 =	vgt.f32 v61, v15  }
0x9d: {  	v14 =	vld [tilespmem:$0x1FF20];
	v59 =	vsel vm8, v61, v15  }
0x9e: {  	v51 =	vld [tilespmem:$0x10360];
	vm9 =	vgt.f32 v63, v59  }
0x9f: {  	v35 =	vld [tilespmem:$0x102F0];
	v59 =	vsel vm9, v63, v59  }
0xa0: {  	v61 =	vld [tilespmem:$0x10310];
	vm12 =	vgt.f32 v23, v59  }
0xa1: {  	v4 =	vsel vm7, v13, v4;
	v15 =	vld [tilespmem:$0x1FF30];
	v23 =	vsel vm12, v23, v59  }
0xa2: {  	v4 =	vsel vm6, v14, v4;
	vm6 =	vgt.f32 v57, v50;
	v63 =	vld [tilespmem:$0x10400];
	vm2 =	vgt.f32 v16, v23  }
0xa3: {  	v8 =	vsel vm6, v57, v50;
	v57 =	vld [tilespmem:$0x104C0];
	v23 =	vsel vm2, v16, v23  }
0xa4: {  	v16 =	vld [tilespmem:$0x1FF40];
	vm10 =	vgt.f32 v17, v23  }
0xa5: {  	v23 =	vsel vm10, v17, v23;
	v17 =	vld [tilespmem:$0x1FF50]  }
0xa6: {  	vm7 =	vgt.f32 v58, v8;
	v59 =	vld [tilespmem:$0x10350];
	vm11 =	vgt.f32 v18, v23  }
0xa7: {  	v50 =	vsel vm7, v58, v8;
	v8 =	vld [tilespmem:$0x1FF60];
	v23 =	vsel vm11, v18, v23  }
0xa8: {  	v4 =	vsel vm8, v15, v4;
	vm8 =	vgt.f32 v60, v50;
	v18 =	vld [tilespmem:$0x1FF70];
	vm13 =	vgt.f32 v19, v23  }
0xa9: {  	v50 =	vsel vm8, v60, v50;
	v4 =	vsel vm9, v16, v4;
	v23 =	vsel vm13, v19, v23;
	v19 =	vld [tilespmem:$0x1FF80]  }
0xaa: {  	v58 =	vld [tilespmem:$0x103D0];
	vm9 =	vgt.f32 v62, v50;
	v4 =	vsel vm12, v17, v4;
	vm12 =	vgt.f32 v63, v23  }
0xab: {  	v7 =	vsel vm0, v28, v2;
	v50 =	vsel vm9, v62, v50;
	v62 =	vld [tilespmem:$0x1FFA0];
	v23 =	vsel vm12, v63, v23  }
0xac: {  	v60 =	vld [tilespmem:$0x103E0];
	v4 =	vsel vm2, v8, v4;
	vm2 =	vgt.f32 v55, v53;
	vm14 =	vgt.f32 v5, v23  }
0xad: {  	v63 =	vld [tilespmem:$0x1FFF0];
	v4 =	vsel vm10, v18, v4;
	vm10 =	vgt.f32 v0, v50;
	v5 =	vsel vm14, v5, v23  }
0xae: {  	v23 =	vld [tilespmem:$0x10500];
	v0 =	vsel vm10, v0, v50;
	v4 =	vsel vm11, v19, v4;
	vm15 =	vgt.f32 v49, v5  }
0xaf: {  	v50 =	vld [tilespmem:$0x10430];
	vm11 =	vgt.f32 v3, v0;
	v4 =	vsel vm13, v20, v4;
	v5 =	vsel vm15, v49, v5  }
0xb0: {  	v49 =	vld [tilespmem:$0x103F0];
	v0 =	vsel vm11, v3, v0;
	v3 =	vsel vm2, v55, v53;
	v4 =	vsel vm12, v62, v4  }
0xb1: {  	v55 =	vld [tilespmem:$0x10450];
	vm12 =	vgt.f32 v57, v5;
	vm0 =	vgt.f32 v54, v3;
	v4 =	vsel vm14, v21, v4  }
0xb2: {  	v53 =	vld [tilespmem:$0x10470];
	v5 =	vsel vm12, v57, v5;
	v3 =	vsel vm0, v54, v3;
	v4 =	vsel vm15, v22, v4  }
0xb3: {  	v57 =	vld [tilespmem:$0x10410];
	vm13 =	vgt.f32 v23, v5;
	v4 =	vsel vm12, v24, v4;
	vm12 =	vgt.f32 v61, v0  }
0xb4: {  	v54 =	vld [tilespmem:$0x10A80];
	v23 =	vsel vm1, v27, v7;
	vm1 =	vgt.f32 v52, v3;
	v0 =	vsel vm12, v61, v0  }
0xb5: {  	v7 =	vld [tilespmem:$0x1FEA0];
	v23 =	vsel vm3, v9, v23;
	v4 =	vsel vm13, v63, v4;
	vm13 =	vgt.f32 v59, v0  }
0xb6: {  	v5 =	vld [tilespmem:$0x10420];
	v3 =	vsel vm1, v52, v3;
	v23 =	vsel vm4, v10, v23;
	v0 =	vsel vm13, v59, v0  }
0xb7: {  	v52 =	vld [tilespmem:$0x104B0];
	vm3 =	vgt.f32 v25, v3;
	v23 =	vsel vm5, v11, v23;
	vm4 =	vgt.f32 v6, v0  }
0xb8: {  	v61 =	vld [tilespmem:$0x10460];
	v3 =	vsel vm3, v25, v3;
	v23 =	vsel vm6, v12, v23;
	v0 =	vsel vm4, v6, v0  }
0xb9: {  	v59 =	vld [tilespmem:$0x10490];
	vm6 =	vgt.f32 v48, v3;
	v23 =	vsel vm7, v13, v23;
	vm5 =	vgt.f32 v58, v0  }
0xba: {  	vm14 =	vlt.s32 v54, v7;
	v3 =	vsel vm6, v48, v3;
	v48 =	vld [tilespmem:$0x10510];
	v0 =	vsel vm5, v58, v0  }
0xbb: {  	v6 =	vld [tilespmem:$0x104A0];
	v23 =	vsel vm8, v14, v23;
	v25 =	vsel vm14, v4, v2;
	vm14 =	vgt.f32 v57, v0  }
0xbc: {  	v54 =	vsel vm9, v15, v23;
	v23 =	vld [tilespmem:$0x104E0];
	v0 =	vsel vm14, v57, v0  }
0xbd: {  	vm7 =	vgt.f32 v46, v3;
	v58 =	vld [tilespmem:$0x104D0];
	v4 =	vsel vm10, v16, v54;
	vm9 =	vgt.f32 v55, v0  }
0xbe: {  	v3 =	vsel vm7, v46, v3;
	v46 =	vld [tilespmem:$0x10530];
	v4 =	vsel vm11, v17, v4;
	v0 =	vsel vm9, v55, v0  }
0xbf: {  	v54 =	vld [tilespmem:$0x104F0];
	v4 =	vsel vm12, v8, v4;
	vm15 =	vgt.f32 v59, v0  }
0xc0: {  	v4 =	vsel vm13, v18, v4;
	v55 =	vld [tilespmem:$0x10520];
	v0 =	vsel vm15, v59, v0;
	v59 =	vimm.f32 $1.000000000e+00  }
0xc1: {  	v4 =	vsel vm4, v19, v4;
	[tilespmem:v25+s31+$0x0] =	vst.idx.add.f32.msk $0xffff, v59  }
0xc2: {  	v4 =	vsel vm5, v20, v4;
	vm12 =	vgt.f32 v58, v0;
	v57 =	vld [tilespmem:$0x10A90]  }
0xc3: {  	vm8 =	vgt.f32 v40, v3;
	v4 =	vsel vm14, v62, v4;
	v0 =	vsel vm12, v58, v0  }
0xc4: {  	v3 =	vsel vm8, v40, v3;
	vm13 =	vgt.f32 v48, v0;
	v0 =	vsel vm9, v21, v4  }
0xc5: {  	vm4 =	vgt.f32 v38, v26;
	vm9 =	vgt.f32 v41, v3;
	v0 =	vsel vm15, v22, v0  }
0xc6: {  	v3 =	vsel vm9, v41, v3;
	v41 =	vsel vm4, v38, v26;
	v0 =	vsel vm12, v24, v0  }
0xc7: {  	vm5 =	vgt.f32 v36, v41;
	v0 =	vsel vm13, v63, v0;
	vm14 =	vlt.s32 v57, v7  }
0xc8: {  	v26 =	vsel vm14, v0, v2;
	v0 =	vsel vm5, v36, v41  }
0xc9: {  	v48 =	vsel vm2, v28, v2;
	vm2 =	vgt.f32 v34, v0  }
0xca: {  	v0 =	vsel vm2, v34, v0  }
0xcb: {  	v4 =	vsel vm0, v27, v48;
	vm0 =	vgt.f32 v33, v0  }
0xcc: {  	v0 =	vsel vm0, v33, v0  }
0xcd: {  	v4 =	vsel vm1, v9, v4;
	vm1 =	vgt.f32 v30, v0  }
0xce: {  	v0 =	vsel vm1, v30, v0;
	v30 =	vld [tilespmem:$0x1FE80]  }
0xcf: {  	vm10 =	vgt.f32 v43, v3  }
0xd0: {  	v3 =	vsel vm10, v43, v3  }
0xd1: {  	v4 =	vsel vm3, v10, v4;
	vm11 =	vgt.f32 v44, v3  }
0xd2: {  	v4 =	vsel vm6, v11, v4;
	v3 =	vsel vm11, v44, v3  }
0xd3: {  	v4 =	vsel vm7, v12, v4;
	vm12 =	vgt.f32 v45, v3;
	vm3 =	vgt.f32 v30, v0  }
0xd4: {  	v4 =	vsel vm8, v13, v4;
	v3 =	vsel vm12, v45, v3;
	v0 =	vsel vm3, v30, v0;
	v30 =	vld [tilespmem:$0x1FE90]  }
0xd5: {  	v4 =	vsel vm9, v14, v4;
	vm13 =	vgt.f32 v47, v3  }
0xd6: {  	v4 =	vsel vm10, v15, v4;
	v3 =	vsel vm13, v47, v3  }
0xd7: {  	v4 =	vsel vm11, v16, v4;
	vm14 =	vgt.f32 v51, v3  }
0xd8: {  	v4 =	vsel vm12, v17, v4;
	v3 =	vsel vm14, v51, v3  }
0xd9: {  	[tilespmem:v26+s31+$0x0] =	vst.idx.add.f32.msk $0xffff, v59;
	vm15 =	vgt.f32 v56, v3;
	vm6 =	vgt.f32 v30, v0  }
0xda: {  	v4 =	vsel vm13, v8, v4;
	v3 =	vsel vm15, v56, v3;
	v0 =	vsel vm6, v30, v0  }
0xdb: {  	v51 =	vsel vm4, v28, v2;
	vm10 =	vgt.f32 v60, v3;
	vm7 =	vgt.f32 v29, v0  }
0xdc: {  	v4 =	vsel vm14, v18, v4;
	v3 =	vsel vm10, v60, v3;
	v0 =	vsel vm7, v29, v0  }
0xdd: {  	v4 =	vsel vm15, v19, v4;
	vm11 =	vgt.f32 v5, v3;
	vm8 =	vgt.f32 v31, v0  }
0xde: {  	v4 =	vsel vm10, v20, v4;
	v3 =	vsel vm11, v5, v3;
	v0 =	vsel vm8, v31, v0  }
0xdf: {  	v4 =	vsel vm11, v62, v4;
	v5 =	vsel vm5, v27, v51;
	vm9 =	vgt.f32 v32, v0  }
0xe0: {  	vm12 =	vgt.f32 v61, v3;
	v5 =	vsel vm2, v9, v5;
	v0 =	vsel vm9, v32, v0  }
0xe1: {  	v3 =	vsel vm12, v61, v3;
	v4 =	vsel vm12, v21, v4;
	vm11 =	vgt.f32 v35, v0  }
0xe2: {  	v5 =	vsel vm0, v10, v5;
	vm15 =	vgt.f32 v6, v3;
	v0 =	vsel vm11, v35, v0  }
0xe3: {  	v56 =	vld [tilespmem:$0x10AA0];
	v5 =	vsel vm1, v11, v5;
	v3 =	vsel vm15, v6, v3;
	vm12 =	vgt.f32 v37, v0  }
0xe4: {  	v4 =	vsel vm15, v22, v4;
	vm13 =	vgt.f32 v23, v3;
	v0 =	vsel vm12, v37, v0  }
0xe5: {  	v5 =	vsel vm3, v12, v5;
	v3 =	vsel vm13, v23, v3;
	vm14 =	vgt.f32 v39, v0  }
0xe6: {  	v4 =	vsel vm13, v24, v4;
	vm15 =	vgt.f32 v55, v3;
	v0 =	vsel vm14, v39, v0  }
0xe7: {  	v57 =	vsel vm6, v13, v5;
	v3 =	vsel vm15, v63, v4;
	vm6 =	vgt.f32 v42, v0  }
0xe8: {  	v4 =	vsel vm7, v14, v57;
	vm7 =	vlt.s32 v56, v7;
	v0 =	vsel vm6, v42, v0  }
0xe9: {  	v27 =	vsel vm7, v3, v2;
	v3 =	vsel vm8, v15, v4;
	vm8 =	vgt.f32 v49, v0  }
0xea: {  	v3 =	vsel vm9, v16, v3;
	v0 =	vsel vm8, v49, v0  }
0xeb: {  	v3 =	vsel vm11, v17, v3;
	vm10 =	vgt.f32 v50, v0  }
0xec: {  	v3 =	vsel vm12, v8, v3;
	v0 =	vsel vm10, v50, v0  }
0xed: {  	v3 =	vsel vm14, v18, v3;
	vm11 =	vgt.f32 v53, v0  }
0xee: {  	[tilespmem:v27+s31+$0x0] =	vst.idx.add.f32.msk $0xffff, v59;
	v3 =	vsel vm6, v19, v3;
	v0 =	vsel vm11, v53, v0  }
0xef: {  	v58 =	vld [tilespmem:$0x10AB0];
	v3 =	vsel vm8, v20, v3;
	vm12 =	vgt.f32 v52, v0  }
0xf0: {  	v3 =	vsel vm10, v62, v3;
	v0 =	vsel vm12, v52, v0  }
0xf1: {  	v3 =	vsel vm11, v21, v3;
	vm13 =	vgt.f32 v54, v0  }
0xf2: {  	v3 =	vsel vm12, v22, v3;
	v0 =	vsel vm13, v54, v0  }
0xf3: {  	v3 =	vsel vm13, v24, v3;
	vm14 =	vgt.f32 v46, v0  }
0xf4: {  	vm15 =	vlt.s32 v58, v7;
	v0 =	vsel vm14, v63, v3  }
0xf5: {  	v28 =	vsel vm15, v0, v2;
	_ =	sdelay $0x4  }
0xf6: {  	s16 =	simm.s32 $0x100;
	[tilespmem:v28+s31+$0x0] =	vst.idx.add.f32.msk $0xffff, v59  }
0xf7: {  	s15 =	simm.s32 $0x8100;
	v0 =	vld [tilespmem:s16+$0x80]  }
0xf8: {  	v3 =	vld [tilespmem:s15+$0x80]  }
0xf9: {  	s6 =	simm.s32 $0x3F0  }
0xfa: {  	v59 =	vadd.s32 s6, v25;
	_ =	sdelay $0x2  }
0xfb: {  	v38 =	vsub.f32 v0, v3;
	_ =	sdelay $0x1  }
0xfc: {  	[tilespmem:v59+s5+$0x0] =	vst.idx.add.f32.msk $0xffff, v38  }
0xfd: {  	v0 =	vld [tilespmem:s16+$0x90]  }
0xfe: {  	v3 =	vld [tilespmem:s15+$0x90]  }
0xff: {  	v61 =	vld [tilespmem:s15+$0xFFFFFF00]  }
0x100: {  	v60 =	vadd.s32 s6, v26;
	v62 =	vld [tilespmem:s16+$0xFFFFFF00]  }
0x101: {  	v63 =	vld [tilespmem:s16+$0xFFFFFF80]  }
0x102: {  	s1 =	simm.s32 $0x0;
	v13 =	vld [tilespmem:s15+$0x0]  }
0x103: {  	v16 =	vld [tilespmem:s16+$0x0];
	v29 =	vsub.f32 v0, v3;
	v3 =	vadd.s32 s1, v25  }
0x104: {  	v0 =	vld [tilespmem:s15+$0xFFFFFF80]  }
0x105: {  	s13 =	simm.s32 $0x150;
	[tilespmem:v60+s5+$0x0] =	vst.idx.add.f32.msk $0xffff, v29  }
0x106: {  	v30 =	vadd.s32 s13, v25;
	v5 =	vsub.f32 v62, v61;
	v9 =	vld [tilespmem:s16+$0xA0]  }
0x107: {  	v10 =	vld [tilespmem:s15+$0xA0]  }
0x108: {  	[tilespmem:v3+s5+$0x0] =	vst.idx.add.f32.msk $0xffff, v5  }
0x109: {  	v12 =	vadd.s32 s6, v27;
	v0 =	vsub.f32 v63, v0;
	v3 =	vld [tilespmem:s16+$0xFFFFFF10]  }
0x10a: {  	v11 =	vld [tilespmem:s15+$0xFFFFFF10]  }
0x10b: {  	[tilespmem:v30+s5+$0x0] =	vst.idx.add.f32.msk $0xffff, v0  }
0x10c: {  	v30 =	vadd.s32 s1, v26;
	v14 =	vld [tilespmem:s16+$0xFFFFFF90];
	v31 =	vsub.f32 v9, v10  }
0x10d: {  	v15 =	vld [tilespmem:s15+$0xFFFFFF90]  }
0x10e: {  	[tilespmem:v12+s5+$0x0] =	vst.idx.add.f32.msk $0xffff, v31  }
0x10f: {  	v17 =	vadd.s32 s13, v26;
	v3 =	vsub.f32 v3, v11;
	v4 =	vld [tilespmem:s16+$0xB0]  }
0x110: {  	v18 =	vld [tilespmem:s15+$0xB0]  }
0x111: {  	s18 =	simm.s32 $0x2A0;
	[tilespmem:v30+s5+$0x0] =	vst.idx.add.f32.msk $0xffff, v3  }
0x112: {  	v30 =	vadd.s32 s18, v25;
	v32 =	vsub.f32 v14, v15;
	v19 =	vld [tilespmem:s15+$0xFFFFFF20]  }
0x113: {  	v50 =	vld [tilespmem:s16+$0xFFFFFF20]  }
0x114: {  	[tilespmem:v17+s5+$0x0] =	vst.idx.add.f32.msk $0xffff, v32  }
0x115: {  	v21 =	vadd.s32 s6, v28;
	v23 =	vsub.f32 v16, v13;
	v20 =	vld [tilespmem:s15+$0xFFFFFFA0]  }
0x116: {  	v35 =	vld [tilespmem:s16+$0xFFFFFFA0]  }
0x117: {  	[tilespmem:v30+s5+$0x0] =	vst.idx.add.f32.msk $0xffff, v23  }
0x118: {  	v53 =	vadd.s32 s1, v27;
	v30 =	vsub.f32 v4, v18;
	v44 =	vld [tilespmem:s16+$0x10]  }
0x119: {  	v45 =	vld [tilespmem:s15+$0x10]  }
0x11a: {  	[tilespmem:v21+s5+$0x0] =	vst.idx.add.f32.msk $0xffff, v30  }
0x11b: {  	v22 =	vadd.s32 s13, v27;
	v41 =	vsub.f32 v50, v19;
	v34 =	vld [tilespmem:s16+$0xC0]  }
0x11c: {  	v47 =	vld [tilespmem:s15+$0xC0]  }
0x11d: {  	[tilespmem:v53+s5+$0x0] =	vst.idx.add.f32.msk $0xffff, v41  }
0x11e: {  	v46 =	vadd.s32 s18, v26;
	v36 =	vsub.f32 v35, v20;
	v43 =	vld [tilespmem:s16+$0xFFFFFF30]  }
0x11f: {  	v60 =	vld [tilespmem:s15+$0xFFFFFF30]  }
0x120: {  	s17 =	simm.s32 $0x498;
	[tilespmem:v22+s5+$0x0] =	vst.idx.add.f32.msk $0xffff, v36  }
0x121: {  	v49 =	vadd.s32 s17, v25;
	v4 =	vld [tilespmem:s16+$0xFFFFFFB0];
	v33 =	vsub.f32 v44, v45  }
0x122: {  	v48 =	vld [tilespmem:s15+$0xFFFFFFB0]  }
0x123: {  	[tilespmem:v46+s5+$0x0] =	vst.idx.add.f32.msk $0xffff, v33  }
0x124: {  	v51 =	vadd.s32 s13, v28;
	v45 =	vsub.f32 v34, v47;
	v35 =	vld [tilespmem:s16+$0x20]  }
0x125: {  	v52 =	vld [tilespmem:s15+$0x20]  }
0x126: {  	[tilespmem:v49+s5+$0x0] =	vst.idx.add.f32.msk $0xffff, v45  }
0x127: {  	v54 =	vadd.s32 s18, v27;
	v34 =	vsub.f32 v4, v48;
	v6 =	vld [tilespmem:s16+$0xD0]  }
0x128: {  	v63 =	vld [tilespmem:s15+$0xD0]  }
0x129: {  	[tilespmem:v51+s5+$0x0] =	vst.idx.add.f32.msk $0xffff, v34  }
0x12a: {  	v61 =	vadd.s32 s1, v28;
	v55 =	vld [tilespmem:s15+$0xFFFFFFC0];
	v39 =	vsub.f32 v35, v52  }
0x12b: {  	v42 =	vld [tilespmem:s16+$0xFFFFFFC0]  }
0x12c: {  	s23 =	simm.s32 $0x1F8;
	[tilespmem:v54+s5+$0x0] =	vst.idx.add.f32.msk $0xffff, v39  }
0x12d: {  	v56 =	vadd.s32 s23, v25;
	v46 =	vsub.f32 v43, v60;
	v4 =	vld [tilespmem:s16+$0x30]  }
0x12e: {  	v57 =	vld [tilespmem:s15+$0x30]  }
0x12f: {  	[tilespmem:v61+s5+$0x0] =	vst.idx.add.f32.msk $0xffff, v46  }
0x130: {  	v59 =	vadd.s32 s18, v28;
	v47 =	vld [tilespmem:s16+$0xFFFFFF40];
	v58 =	vsub.f32 v42, v55  }
0x131: {  	v11 =	vld [tilespmem:s15+$0xFFFFFF40]  }
0x132: {  	s26 =	simm.s32 $0xA8;
	[tilespmem:v56+s5+$0x0] =	vst.idx.add.f32.msk $0xffff, v58  }
0x133: {  	v16 =	vadd.s32 s26, v25;
	v35 =	vld [tilespmem:s16+$0xFFFFFFD0];
	v37 =	vsub.f32 v4, v57  }
0x134: {  	v62 =	vld [tilespmem:s15+$0xFFFFFFD0]  }
0x135: {  	[tilespmem:v59+s5+$0x0] =	vst.idx.add.f32.msk $0xffff, v37  }
0x136: {  	v8 =	vadd.s32 s23, v26;
	v40 =	vsub.f32 v47, v11;
	v42 =	vld [tilespmem:s16+$0x40]  }
0x137: {  	v9 =	vld [tilespmem:s15+$0x40]  }
0x138: {  	s24 =	simm.s32 $0x348;
	[tilespmem:v16+s5+$0x0] =	vst.idx.add.f32.msk $0xffff, v40  }
0x139: {  	v10 =	vadd.s32 s24, v25;
	v22 =	vld [tilespmem:s15+$0xFFFFFF50];
	v48 =	vsub.f32 v35, v62  }
0x13a: {  	v60 =	vld [tilespmem:s16+$0xFFFFFF50]  }
0x13b: {  	[tilespmem:v8+s5+$0x0] =	vst.idx.add.f32.msk $0xffff, v48  }
0x13c: {  	v14 =	vadd.s32 s17, v26;
	v12 =	vld [tilespmem:s15+$0xFFFFFFE0];
	v13 =	vsub.f32 v42, v9  }
0x13d: {  	v44 =	vmul.f32 v3, v3;
	v3 =	vadd.s32 s26, v26;
	v15 =	vld [tilespmem:s16+$0xFFFFFFE0]  }
0x13e: {  	v5 =	vmul.f32 v5, v5;
	[tilespmem:v10+s5+$0x0] =	vst.idx.add.f32.msk $0xffff, v13  }
0x13f: {  	v19 =	vadd.s32 s23, v27;
	v35 =	vimm.f32 $0.0e+00;
	v42 =	vsub.f32 v6, v63;
	v17 =	vld [tilespmem:s16+$0x50]  }
0x140: {  	v20 =	vmul.f32 v40, v40;
	v5 =	vadd.f32 v5, v35;
	v63 =	vsub.f32 v60, v22;
	v18 =	vld [tilespmem:s15+$0x50]  }
0x141: {  	v0 =	vmul.f32 v0, v0;
	[tilespmem:v14+s5+$0x0] =	vst.idx.add.f32.msk $0xffff, v42  }
0x142: {  	v21 =	vadd.s32 s24, v26;
	v5 =	vadd.f32 v20, v5;
	[tilespmem:v3+s5+$0x0] =	vst.idx.add.f32.msk $0xffff, v63;
	v49 =	vsub.f32 v15, v12  }
0x143: {  	v50 =	vld [tilespmem:s16+$0xE0]  }
0x144: {  	v59 =	vmul.f32 v58, v58;
	v0 =	vadd.f32 v0, v5;
	[tilespmem:v19+s5+$0x0] =	vst.idx.add.f32.msk $0xffff, v49  }
0x145: {  	v38 =	vmul.f32 v38, v38;
	v4 =	vsub.f32 v17, v18;
	v43 =	vld [tilespmem:s15+$0xFFFFFFF0]  }
0x146: {  	v61 =	vmul.f32 v23, v23;
	v46 =	vmul.f32 v46, v46;
	v0 =	vadd.f32 v59, v0;
	v57 =	vld [tilespmem:s16+$0xFFFFFFF0]  }
0x147: {  	v52 =	vadd.s32 s24, v27;
	v54 =	vadd.s32 s23, v28;
	v47 =	vmul.f32 v41, v41;
	[tilespmem:v21+s5+$0x0] =	vst.idx.add.f32.msk $0xffff, v4  }
0x148: {  	v41 =	vimm.f32 $0.0e+00;
	v62 =	vmul.f32 v13, v13;
	v0 =	vadd.f32 v61, v0;
	v55 =	vld [tilespmem:s16+$0x60]  }
0x149: {  	s21 =	simm.s32 $0x0;
	v40 =	vimm.f32 $0.0e+00;
	v51 =	vmul.f32 v63, v63;
	v53 =	vmul.f32 v49, v49;
	v56 =	vld [tilespmem:s15+$0x60]  }
0x14a: {  	s22 =	simm.s32 $0x300;
	s18 =	simm.s32 $0x498;
	s23 =	simm.s32 $0x8100;
	v58 =	vld [tilespmem:s16+$0xFFFFFF60];
	v49 =	vmul.f32 v48, v48;
	v59 =	vadd.f32 v62, v0;
	v48 =	vmul.f32 v4, v4  }
.LBB2_7:
0x14b: {  	s21 =	sadd.s32 $0x8, s21;
	v0 =	vld [tilespmem:s15+$0xFFFFFF60];
	s17 =	sadd.s32 $0x540, s17;
	s23 =	sadd.s32 $0x200, s23  }
0x14c: {  	v5 =	vmul.f32 v45, v45;
	v3 =	vld [tilespmem:s22+$0x80];
	p0 =	slt.u32 s21, $0xF8;
	v4 =	vadd.f32 v38, v59  }
0x14d: {  	v6 =	vld [tilespmem:s23+$0x80];
	v23 =	vsub.f32 v57, v43  }
0x14e: {  	v45 =	vsub.f32 v55, v56;
	v38 =	vadd.s32 s26, v27;
	v43 =	vadd.f32 v5, v4  }
0x14f: {  	s13 =	sadd.s32 $0xFFFFFF58, s17;
	[tilespmem:v54+s5+$0x0] =	vst.idx.add.f32.msk $0xffff, v23  }
0x150: {  	v4 =	vadd.s32 s13, v25;
	v0 =	vsub.f32 v58, v0;
	[tilespmem:v52+s5+$0x0] =	vst.idx.add.f32.msk $0xffff, v45  }
0x151: {  	v5 =	vld [tilespmem:s15+$0xE0]  }
0x152: {  	v35 =	vadd.f32 v47, v35;
	v47 =	vmul.f32 v0, v0;
	v52 =	vld [tilespmem:s15+$0x70]  }
0x153: {  	[tilespmem:v38+s5+$0x0] =	vst.idx.add.f32.msk $0xffff, v0  }
0x154: {  	v38 =	vsub.f32 v3, v6;
	v6 =	vmul.f32 v36, v36;
	v0 =	vadd.f32 v47, v35;
	v3 =	vld [tilespmem:s15+$0xFFFFFF70]  }
0x155: {  	v35 =	vadd.f32 v44, v41;
	v36 =	vld [tilespmem:s16+$0x70]  }
0x156: {  	[tilespmem:v4+s5+$0x0] =	vst.idx.add.f32.msk $0xffff, v38;
	v0 =	vadd.f32 v6, v0;
	v4 =	vsub.f32 v50, v5;
	v5 =	vadd.s32 s18, v27  }
0x157: {  	v32 =	vmul.f32 v32, v32;
	v41 =	vmul.f32 v29, v29;
	v6 =	vadd.f32 v51, v35;
	v35 =	vld [tilespmem:s16+$0xFFFFFF70]  }
0x158: {  	v39 =	vmul.f32 v39, v39;
	v44 =	vadd.s32 s26, v28;
	v29 =	vld [tilespmem:s22+$0x90];
	v0 =	vadd.f32 v53, v0  }
0x159: {  	v31 =	vmul.f32 v31, v31;
	v6 =	vadd.f32 v32, v6;
	v32 =	vmul.f32 v33, v33;
	v47 =	vld [tilespmem:s23+$0x90]  }
0x15a: {  	v33 =	vld [tilespmem:s23+$0xFFFFFF80];
	v0 =	vadd.f32 v39, v0;
	v39 =	vmul.f32 v45, v45;
	v36 =	vsub.f32 v36, v52  }
0x15b: {  	v40 =	vadd.f32 v46, v40;
	v6 =	vadd.f32 v49, v6;
	[tilespmem:v5+s5+$0x0] =	vst.idx.add.f32.msk $0xffff, v4  }
0x15c: {  	v5 =	vadd.s32 s13, v26;
	v3 =	vsub.f32 v35, v3;
	v0 =	vadd.f32 v39, v0;
	v39 =	vld [tilespmem:s16+$0xF0];
	s16 =	smov.u32 s22  }
0x15d: {  	v34 =	vmul.f32 v34, v34;
	v4 =	vmul.f32 v4, v4;
	v6 =	vadd.f32 v32, v6;
	v32 =	vld [tilespmem:s15+$0xF0];
	s15 =	smov.u32 s23  }
0x15e: {  	[tilespmem:v44+s5+$0x0] =	vst.idx.add.f32.msk $0xffff, v3;
	v3 =	vmul.f32 v3, v3;
	v0 =	vadd.f32 v31, v0;
	v31 =	vadd.s32 s18, v28;
	s18 =	smov.u32 s17  }
0x15f: {  	v37 =	vmul.f32 v37, v37;
	v29 =	vsub.f32 v29, v47;
	v6 =	vadd.f32 v48, v6;
	v44 =	vld [tilespmem:s23+$0xFFFFFF00]  }
0x160: {  	v23 =	vmul.f32 v23, v23;
	v45 =	vld [tilespmem:s22+$0xFFFFFF00];
	v3 =	vadd.f32 v3, v40;
	v35 =	vadd.f32 v4, v0  }
0x161: {  	s26 =	sadd.s32 $0xFFFFFB68, s17;
	v0 =	vadd.s32 s24, v28;
	v4 =	vadd.f32 v41, v6;
	[tilespmem:v5+s5+$0x0] =	vst.idx.add.f32.msk $0xffff, v29;
	v5 =	vmul.f32 v42, v42  }
0x162: {  	v6 =	vadd.s32 s26, v25;
	v40 =	vld [tilespmem:s22+$0xA0];
	v3 =	vadd.f32 v34, v3;
	v32 =	vsub.f32 v39, v32  }
0x163: {  	v34 =	vld [tilespmem:s23+$0xA0];
	v41 =	vadd.f32 v5, v4  }
0x164: {  	v5 =	vmul.f32 v36, v36;
	v4 =	vld [tilespmem:s22+$0xFFFFFF80];
	v3 =	vadd.f32 v23, v3  }
0x165: {  	s1 =	sadd.s32 $0xFFFFFCB8, s17;
	v23 =	vsub.f32 v45, v44;
	[tilespmem:v31+s5+$0x0] =	vst.idx.add.f32.msk $0xffff, v32  }
0x166: {  	v39 =	vadd.s32 s1, v25;
	v3 =	vadd.f32 v37, v3;
	[tilespmem:v0+s5+$0x0] =	vst.idx.add.f32.msk $0xffff, v36;
	v0 =	vmul.f32 v30, v30  }
0x167: {  	[tilespmem:v6+s5+$0x0] =	vst.idx.add.f32.msk $0xffff, v23;
	v49 =	vmul.f32 v23, v23  }
0x168: {  	v6 =	vld [tilespmem:s22+$0xFFFFFF10];
	v31 =	vsub.f32 v40, v34;
	v3 =	vadd.f32 v5, v3  }
0x169: {  	v5 =	vld [tilespmem:s23+$0xFFFFFF10];
	v48 =	vsub.f32 v4, v33;
	v4 =	vadd.s32 s13, v27  }
0x16a: {  	v23 =	vadd.s32 s26, v26;
	v30 =	vld [tilespmem:s23+$0x0];
	v0 =	vadd.f32 v0, v3;
	v3 =	vmul.f32 v32, v32  }
0x16b: {  	[tilespmem:v39+s5+$0x0] =	vst.idx.add.f32.msk $0xffff, v48  }
0x16c: {  	v32 =	vld [tilespmem:s22+$0xFFFFFF90];
	v40 =	vadd.f32 v3, v0  }
0x16d: {  	v0 =	vld [tilespmem:s23+$0xFFFFFF90]  }
0x16e: {  	v3 =	vsub.f32 v6, v5;
	v5 =	vld [tilespmem:s22+$0x0]  }
0x16f: {  	v6 =	vadd.s32 s1, v26;
	[tilespmem:v4+s5+$0x0] =	vst.idx.add.f32.msk $0xffff, v31  }
0x170: {  	s6 =	sadd.s32 $0xFFFFFE08, s17;
	v44 =	vmul.f32 v3, v3;
	v4 =	vld [tilespmem:s22+$0xB0]  }
0x171: {  	[tilespmem:v23+s5+$0x0] =	vst.idx.add.f32.msk $0xffff, v3;
	v3 =	vadd.s32 s6, v25  }
0x172: {  	v32 =	vsub.f32 v32, v0;
	v0 =	vld [tilespmem:s23+$0xB0]  }
0x173: {  	v23 =	vld [tilespmem:s23+$0xFFFFFF20];
	v51 =	vsub.f32 v5, v30  }
0x174: {  	v5 =	vadd.s32 s26, v27;
	[tilespmem:v6+s5+$0x0] =	vst.idx.add.f32.msk $0xffff, v32  }
0x175: {  	v33 =	vadd.s32 s13, v28;
	v6 =	vld [tilespmem:s23+$0xFFFFFFA0]  }
0x176: {  	v34 =	vld [tilespmem:s22+$0xFFFFFFA0]  }
0x177: {  	[tilespmem:v3+s5+$0x0] =	vst.idx.add.f32.msk $0xffff, v51;
	v30 =	vsub.f32 v4, v0  }
0x178: {  	v0 =	vadd.s32 s1, v27;
	v3 =	vld [tilespmem:s22+$0x10]  }
0x179: {  	v37 =	vadd.s32 s6, v26;
	v4 =	vld [tilespmem:s23+$0x10]  }
0x17a: {  	[tilespmem:v33+s5+$0x0] =	vst.idx.add.f32.msk $0xffff, v30  }
0x17b: {  	v36 =	vsub.f32 v34, v6;
	v6 =	vld [tilespmem:s22+$0xC0]  }
0x17c: {  	v34 =	vld [tilespmem:s23+$0xC0]  }
0x17d: {  	[tilespmem:v0+s5+$0x0] =	vst.idx.add.f32.msk $0xffff, v36  }
0x17e: {  	v0 =	vld [tilespmem:s22+$0xFFFFFFB0]  }
0x17f: {  	v33 =	vsub.f32 v3, v4;
	v3 =	vadd.s32 s17, v25;
	v39 =	vld [tilespmem:s23+$0xFFFFFFB0]  }
0x180: {  	v4 =	vld [tilespmem:s22+$0xFFFFFF20]  }
0x181: {  	v42 =	vadd.s32 s1, v28;
	[tilespmem:v37+s5+$0x0] =	vst.idx.add.f32.msk $0xffff, v33;
	v37 =	vadd.s32 s6, v27;
	v45 =	vsub.f32 v6, v34  }
0x182: {  	v6 =	vld [tilespmem:s22+$0x20]  }
0x183: {  	v46 =	vld [tilespmem:s23+$0x20]  }
0x184: {  	v34 =	vsub.f32 v0, v39;
	[tilespmem:v3+s5+$0x0] =	vst.idx.add.f32.msk $0xffff, v45  }
0x185: {  	v0 =	vsub.f32 v4, v23;
	v3 =	vld [tilespmem:s22+$0xD0]  }
0x186: {  	[tilespmem:v42+s5+$0x0] =	vst.idx.add.f32.msk $0xffff, v34  }
0x187: {  	v47 =	vmul.f32 v0, v0;
	v4 =	vld [tilespmem:s23+$0xFFFFFFC0]  }
0x188: {  	v23 =	vld [tilespmem:s22+$0xFFFFFFC0];
	v39 =	vsub.f32 v6, v46  }
0x189: {  	s1 =	sadd.s32 $0xFFFFFD60, s17;
	[tilespmem:v5+s5+$0x0] =	vst.idx.add.f32.msk $0xffff, v0;
	v0 =	vadd.s32 s6, v28  }
0x18a: {  	v5 =	vadd.s32 s1, v25;
	[tilespmem:v37+s5+$0x0] =	vst.idx.add.f32.msk $0xffff, v39  }
0x18b: {  	v6 =	vld [tilespmem:s22+$0x30]  }
0x18c: {  	v37 =	vld [tilespmem:s23+$0x30]  }
0x18d: {  	v42 =	vld [tilespmem:s22+$0xFFFFFF30];
	v4 =	vsub.f32 v23, v4  }
0x18e: {  	v23 =	vld [tilespmem:s23+$0xFFFFFF30]  }
0x18f: {  	[tilespmem:v5+s5+$0x0] =	vst.idx.add.f32.msk $0xffff, v4;
	v4 =	vmul.f32 v4, v4  }
0x190: {  	s24 =	sadd.s32 $0xFFFFFEB0, s17;
	v5 =	vld [tilespmem:s22+$0xFFFFFFD0]  }
0x191: {  	v50 =	vadd.s32 s26, v28;
	v53 =	vld [tilespmem:s23+$0xFFFFFFD0];
	v37 =	vsub.f32 v6, v37;
	v6 =	vadd.s32 s24, v25  }
0x192: {  	v52 =	vadd.s32 s24, v27;
	v54 =	vld [tilespmem:s23+$0xD0]  }
0x193: {  	v55 =	vadd.s32 s1, v26;
	v23 =	vsub.f32 v42, v23;
	[tilespmem:v0+s5+$0x0] =	vst.idx.add.f32.msk $0xffff, v37  }
0x194: {  	v0 =	vld [tilespmem:s22+$0x40]  }
0x195: {  	v46 =	vmul.f32 v23, v23;
	v56 =	vld [tilespmem:s23+$0x40]  }
0x196: {  	[tilespmem:v50+s5+$0x0] =	vst.idx.add.f32.msk $0xffff, v23;
	v5 =	vsub.f32 v5, v53  }
0x197: {  	v23 =	vld [tilespmem:s22+$0xFFFFFF40];
	v42 =	vsub.f32 v3, v54  }
0x198: {  	[tilespmem:v55+s5+$0x0] =	vst.idx.add.f32.msk $0xffff, v5  }
0x199: {  	v3 =	vld [tilespmem:s23+$0xFFFFFFE0]  }
0x19a: {  	v53 =	vadd.s32 s17, v26;
	v50 =	vld [tilespmem:s22+$0xFFFFFFE0];
	v0 =	vsub.f32 v0, v56  }
0x19b: {  	s26 =	sadd.s32 $0xFFFFFC10, s17;
	v54 =	vld [tilespmem:s23+$0xFFFFFF40]  }
0x19c: {  	v55 =	vadd.s32 s26, v25;
	v56 =	vadd.s32 s1, v27;
	[tilespmem:v6+s5+$0x0] =	vst.idx.add.f32.msk $0xffff, v0;
	v0 =	vmul.f32 v0, v0  }
0x19d: {  	v6 =	vld [tilespmem:s22+$0x50]  }
0x19e: {  	v57 =	vld [tilespmem:s23+$0x50]  }
0x19f: {  	v3 =	vsub.f32 v50, v3;
	[tilespmem:v53+s5+$0x0] =	vst.idx.add.f32.msk $0xffff, v42  }
0x1a0: {  	v23 =	vsub.f32 v23, v54;
	v50 =	vld [tilespmem:s22+$0xE0]  }
0x1a1: {  	v43 =	vadd.f32 v49, v43;
	[tilespmem:v56+s5+$0x0] =	vst.idx.add.f32.msk $0xffff, v3;
	v53 =	vmul.f32 v3, v3;
	v3 =	vadd.s32 s24, v26  }
0x1a2: {  	v49 =	vmul.f32 v5, v5;
	[tilespmem:v55+s5+$0x0] =	vst.idx.add.f32.msk $0xffff, v23;
	v23 =	vmul.f32 v23, v23  }
0x1a3: {  	v5 =	vld [tilespmem:s23+$0xFFFFFF50];
	v6 =	vsub.f32 v6, v57  }
0x1a4: {  	v58 =	vadd.s32 s26, v26;
	v55 =	vmul.f32 v48, v48;
	v23 =	vadd.f32 v23, v43;
	v54 =	vld [tilespmem:s22+$0xFFFFFF50]  }
0x1a5: {  	v43 =	vld [tilespmem:s23+$0xFFFFFFF0];
	v48 =	vmul.f32 v6, v6  }
0x1a6: {  	v23 =	vadd.f32 v55, v23;
	[tilespmem:v3+s5+$0x0] =	vst.idx.add.f32.msk $0xffff, v6  }
0x1a7: {  	v55 =	vld [tilespmem:s22+$0x60]  }
.Ltmp2:
0x1a8: {  	v3 =	vadd.f32 v4, v23;
	v4 =	vmul.f32 v51, v51;
	v56 =	vld [tilespmem:s23+$0x60];
	(pc) =	sbr.rel @p0 .LBB2_7-.Ltmp2, $4  }
0x1a9: {  	v5 =	vsub.f32 v54, v5  }
0x1aa: {  	v57 =	vld [tilespmem:s22+$0xFFFFFFF0];
	v3 =	vadd.f32 v4, v3  }
0x1ab: {  	[tilespmem:v58+s5+$0x0] =	vst.idx.add.f32.msk $0xffff, v5;
	v51 =	vmul.f32 v5, v5  }
0x1ac: {  	v38 =	vmul.f32 v38, v38;
	v54 =	vadd.s32 s1, v28;
	s22 =	sadd.s32 $0x200, s22;
	v58 =	vld [tilespmem:s16+$0xFFFFFF60];
	v59 =	vadd.f32 v0, v3  }
0x1ad: {  	v0 =	vld [tilespmem:s15+$0xFFFFFF60];
	_ =	sdelay $0x1  }
0x1ae: {  	v3 =	vadd.s32 s26, v27;
	_ =	sdelay $0x2  }
0x1af: {  	v0 =	vsub.f32 v58, v0  }
0x1b0: {  	v5 =	vld [tilespmem:s15+$0xE0]  }
0x1b1: {  	[tilespmem:v3+s5+$0x0] =	vst.idx.add.f32.msk $0xffff, v0  }
0x1b2: {  	v3 =	vld [tilespmem:s15+$0xFFFFFF70]  }
0x1b3: {  	v6 =	vadd.f32 v47, v35;
	v4 =	vld [tilespmem:s16+$0xFFFFFF70]  }
0x1b4: {  	v16 =	vmul.f32 v45, v45;
	v18 =	vsub.f32 v55, v56;
	v47 =	vadd.s32 s18, v27  }
0x1b5: {  	v19 =	vmul.f32 v36, v36;
	v45 =	vadd.f32 v44, v41;
	v32 =	vmul.f32 v32, v32  }
0x1b6: {  	v29 =	vmul.f32 v29, v29;
	v40 =	vadd.f32 v46, v40;
	[tilespmem:v52+s5+$0x0] =	vst.idx.add.f32.msk $0xffff, v18  }
0x1b7: {  	v39 =	vmul.f32 v39, v39;
	v34 =	vmul.f32 v34, v34;
	v52 =	vld [tilespmem:s15+$0x70];
	v5 =	vsub.f32 v50, v5  }
0x1b8: {  	v33 =	vmul.f32 v33, v33;
	v56 =	vld [tilespmem:s16+$0x70];
	v0 =	vmul.f32 v0, v0;
	v3 =	vsub.f32 v4, v3  }
0x1b9: {  	v31 =	vmul.f32 v31, v31;
	v55 =	vadd.f32 v51, v45;
	[tilespmem:v47+s5+$0x0] =	vst.idx.add.f32.msk $0xffff, v5  }
0x1ba: {  	v17 =	vsub.f32 v57, v43;
	v60 =	vld [tilespmem:s16+$0xF0];
	v0 =	vadd.f32 v0, v6;
	v57 =	vmul.f32 v3, v3  }
0x1bb: {  	v9 =	vadd.s32 s18, v28;
	v23 =	vadd.f32 v38, v59;
	v61 =	vld [tilespmem:s15+$0xF0];
	v6 =	vadd.f32 v32, v55  }
0x1bc: {  	v10 =	vmul.f32 v37, v37;
	v0 =	vadd.f32 v19, v0;
	v59 =	vadd.f32 v57, v40  }
0x1bd: {  	v23 =	vadd.f32 v16, v23;
	v58 =	vadd.s32 s26, v28;
	v6 =	vadd.f32 v49, v6  }
0x1be: {  	v62 =	vmul.f32 v17, v17;
	v0 =	vadd.f32 v53, v0;
	v34 =	vadd.f32 v34, v59  }
0x1bf: {  	v11 =	vadd.s32 s24, v28;
	v4 =	vsub.f32 v56, v52;
	v6 =	vadd.f32 v33, v6  }
0x1c0: {  	v63 =	vmul.f32 v18, v18;
	v13 =	vsub.f32 v60, v61;
	v34 =	vadd.f32 v62, v34  }
0x1c1: {  	[tilespmem:v54+s5+$0x0] =	vst.idx.add.f32.msk $0xffff, v17;
	v0 =	vadd.f32 v39, v0;
	v6 =	vadd.f32 v48, v6  }
0x1c2: {  	v12 =	vmul.f32 v4, v4;
	[tilespmem:v58+s5+$0x0] =	vst.idx.add.f32.msk $0xffff, v3;
	v34 =	vadd.f32 v10, v34  }
0x1c3: {  	v3 =	vmul.f32 v30, v30;
	[tilespmem:v9+s5+$0x0] =	vst.idx.add.f32.msk $0xffff, v13;
	v0 =	vadd.f32 v63, v0  }
0x1c4: {  	v6 =	vadd.f32 v29, v6;
	v29 =	vmul.f32 v42, v42;
	v30 =	vadd.f32 v12, v34  }
0x1c5: {  	v5 =	vmul.f32 v5, v5;
	[tilespmem:v11+s5+$0x0] =	vst.idx.add.f32.msk $0xffff, v4;
	v0 =	vadd.f32 v31, v0  }
0x1c6: {  	p0 =	seq.s32 s14, $0x1F;
	s15 =	sshll.u32 s14, $0x7;
	v14 =	vmul.f32 v13, v13;
	v6 =	vadd.f32 v29, v6;
	v3 =	vadd.f32 v3, v30  }
0x1c7: {  	s1 =	sadd.s32 @!p0 s15, s19;
	[tilespmem:v25+s10+$0x0] =	vst.idx.add.f32.msk $0xffff, v23;
	v0 =	vadd.f32 v5, v0  }
0x1c8: {  	s6 =	sor.u32 @!p0 s8, s1;
	[tilespmem:v26+s10+$0x0] =	vst.idx.add.f32.msk $0xffff, v6;
	v3 =	vadd.f32 v14, v3  }
0x1c9: {  	s17 =	simm.s32 @!p0 $0x4000;
	s6 =	sshrl.u32 @!p0 s6, $0x3;
	[tilespmem:v27+s10+$0x0] =	vst.idx.add.f32.msk $0xffff, v0  }
0x1ca: {  	s18 =	simm.s32 @!p0 $0x0;
	s16 =	simm.s32 @!p0 $0x40;
	s13 =	sadd.s32 @!p0 s0, s6;
	[tilespmem:v28+s10+$0x0] =	vst.idx.add.f32.msk $0xffff, v3  }
0x1cb: {  	[tilespmem:s18], [sflag:$0x1] =	stream.strided.gather @!p0 [hbm4b:s13+s16], $0x4000, s17, s16, $0x38;
	[tilespmem:$0x1CA50] =	vst v63  }
0x1cc: {  	s6 =	sadd.s32 @!p0 s2, s6;
	s13 =	simm.s32 @!p0 $0x8000  }
0x1cd: {  	[tilespmem:s13], [sflag:$0x1] =	stream.strided.gather @!p0 [hbm4b:s6+s16], $0x4000, s17, s16, $0x38;
	[tilespmem:$0x1CA50] =	vst v63  }
0x1ce: {  	s6 =	sadd.s32 @!p0 s9, s1  }
0x1cf: {  	s1 =	sadd.s32 @!p0 s12, s1;
	s6 =	sshrl.u32 @!p0 s6, $0x3  }
0x1d0: {  	s13 =	simm.s32 @!p0 $0x10000;
	s1 =	sshrl.u32 @!p0 s1, $0x3;
	s6 =	sadd.s32 @!p0 s3, s6  }
0x1d1: {  	[tilespmem:s13], [sflag:$0x1] =	stream.strided.gather @!p0 [hbm4b:s6+s16], $0x540, s17, s16, $0x38;
	[tilespmem:$0x1CA50] =	vst v63  }
0x1d2: {  	s1 =	sadd.s32 @!p0 s4, s1;
	s6 =	simm.s32 @!p0 $0x10A80  }
0x1d3: {  	[tilespmem:s6], [sflag:$0x1] =	stream.linear.gather @!p0 [hbm4b:s1+s18], $0x40, $0x38;
	[tilespmem:$0x1CA50] =	vst v63  }
0x1d4: {  	_ =	swait.ge [sflag:s11], $0x4000  }
0x1d5: {  	[sflag:s11] =	ssyncset.done $0x0  }
0x1d6: {  	[sflag:s11] =	ssyncadd.s32 $0xFFFFC000  }
0x1d7: {  	_ =	swait.ge [sflag:s11], $0x4000  }
0x1d8: {  	[sflag:s11] =	ssyncset.done $0x0  }
0x1d9: {  	[sflag:s11] =	ssyncadd.s32 $0xFFFFC000  }
0x1da: {  	_ =	swait.ge [sflag:s11], $0x540  }
0x1db: {  	[sflag:s11] =	ssyncset.done $0x0  }
0x1dc: {  	[sflag:s11] =	ssyncadd.s32 $0xFFFFFAC0  }
0x1dd: {  	_ =	swait.ge [sflag:s11], $0x40  }
0x1de: {  	v28 =	vld [tilespmem:$0x1FEB0]  }
0x1df: {  	v27 =	vld [tilespmem:$0x1FEC0]  }
0x1e0: {  	v20 =	vld [tilespmem:$0x1FF90]  }
0x1e1: {  	[sflag:s11] =	ssyncset.done $0x0;
	v21 =	vld [tilespmem:$0x1FFA0]  }
0x1e2: {  	v24 =	vld [tilespmem:$0x1FFC0];
	[sflag:s11] =	ssyncadd.s32 $0xFFFFFFC0  }
0x1e3: {  	v0 =	vld [tilespmem:$0x10540]  }
0x1e4: {  	v3 =	vld [tilespmem:$0x10550]  }
0x1e5: {  	v53 =	vld [tilespmem:$0x10560]  }
0x1e6: {  	v26 =	vld [tilespmem:$0x10570]  }
0x1e7: {  	v15 =	vld [tilespmem:$0x10580]  }
0x1e8: {  	v16 =	vld [tilespmem:$0x10590]  }
0x1e9: {  	v55 =	vld [tilespmem:$0x105A0]  }
0x1ea: {  	v38 =	vld [tilespmem:$0x105B0]  }
0x1eb: {  	v17 =	vld [tilespmem:$0x105C0]  }
0x1ec: {  	v18 =	vld [tilespmem:$0x105D0]  }
0x1ed: {  	v54 =	vld [tilespmem:$0x105E0]  }
0x1ee: {  	v36 =	vld [tilespmem:$0x105F0]  }
0x1ef: {  	v31 =	vld [tilespmem:$0x10600]  }
0x1f0: {  	v19 =	vld [tilespmem:$0x10610]  }
0x1f1: {  	v52 =	vld [tilespmem:$0x10620]  }
0x1f2: {  	v34 =	vld [tilespmem:$0x10630]  }
0x1f3: {  	v63 =	vld [tilespmem:$0x10640]  }
0x1f4: {  	v42 =	vld [tilespmem:$0x10650]  }
0x1f5: {  	v25 =	vld [tilespmem:$0x10660]  }
0x1f6: {  	v33 =	vld [tilespmem:$0x10670]  }
0x1f7: {  	v9 =	vld [tilespmem:$0x10680]  }
0x1f8: {  	v49 =	vld [tilespmem:$0x10690]  }
0x1f9: {  	v48 =	vld [tilespmem:$0x106A0]  }
0x1fa: {  	v30 =	vld [tilespmem:$0x106B0]  }
0x1fb: {  	v10 =	vld [tilespmem:$0x106C0]  }
0x1fc: {  	v50 =	vld [tilespmem:$0x106D0]  }
0x1fd: {  	v46 =	vld [tilespmem:$0x106E0]  }
0x1fe: {  	v2 =	vld [tilespmem:$0x106F0]  }
0x1ff: {  	v11 =	vld [tilespmem:$0x10700]  }
0x200: {  	v57 =	vld [tilespmem:$0x10710]  }
0x201: {  	v40 =	vld [tilespmem:$0x10720]  }
0x202: {  	v12 =	vld [tilespmem:$0x10740]  }
0x203: {  	v4 =	vld [tilespmem:$0x10750]  }
0x204: {  	v41 =	vld [tilespmem:$0x10760]  }
0x205: {  	v29 =	vld [tilespmem:$0x10770]  }
0x206: {  	v13 =	vld [tilespmem:$0x10780]  }
0x207: {  	v58 =	vld [tilespmem:$0x10790]  }
0x208: {  	v43 =	vld [tilespmem:$0x107A0]  }
0x209: {  	v14 =	vld [tilespmem:$0x107C0]  }
0x20a: {  	v59 =	vld [tilespmem:$0x107D0];
	vm3 =	vgt.f32 v15, v0  }
0x20b: {  	v44 =	vld [tilespmem:$0x107E0];
	v0 =	vsel vm3, v15, v0  }
0x20c: {  	v32 =	vld [tilespmem:$0x107F0];
	vm2 =	vgt.f32 v17, v0  }
0x20d: {  	v60 =	vld [tilespmem:$0x10810];
	v0 =	vsel vm2, v17, v0  }
0x20e: {  	v45 =	vld [tilespmem:$0x10820];
	vm10 =	vgt.f32 v31, v0  }
0x20f: {  	v35 =	vld [tilespmem:$0x10830];
	v0 =	vsel vm10, v31, v0  }
0x210: {  	v61 =	vld [tilespmem:$0x10840];
	vm4 =	vgt.f32 v63, v0  }
0x211: {  	[tilespmem:$0x1FE60] =	vst v2;
	v2 =	vld [tilespmem:$0x10730];
	v0 =	vsel vm4, v63, v0  }
0x212: {  	v6 =	vld [tilespmem:$0x10850];
	vm11 =	vgt.f32 v9, v0  }
0x213: {  	v47 =	vld [tilespmem:$0x10860];
	v0 =	vsel vm11, v9, v0  }
0x214: {  	v37 =	vld [tilespmem:$0x10870];
	vm5 =	vgt.f32 v10, v0  }
0x215: {  	v62 =	vld [tilespmem:$0x10890];
	v0 =	vsel vm5, v10, v0  }
0x216: {  	[tilespmem:$0x1FE70] =	vst v2;
	v2 =	vld [tilespmem:$0x1FFE0];
	vm7 =	vgt.f32 v11, v0  }
0x217: {  	v8 =	vld [tilespmem:$0x10940];
	vm0 =	vgt.f32 v16, v3;
	v0 =	vsel vm7, v11, v0  }
0x218: {  	v15 =	vld [tilespmem:$0x10800];
	v3 =	vsel vm0, v16, v3;
	vm6 =	vgt.f32 v12, v0  }
0x219: {  	v16 =	vld [tilespmem:$0x10880];
	vm1 =	vgt.f32 v18, v3;
	v0 =	vsel vm6, v12, v0  }
0x21a: {  	v3 =	vsel vm1, v18, v3;
	v18 =	vld [tilespmem:$0x108C0];
	vm8 =	vgt.f32 v13, v0  }
0x21b: {  	v9 =	vld [tilespmem:$0x1FED0];
	v17 =	vsel vm3, v28, v2;
	vm3 =	vgt.f32 v19, v3;
	v0 =	vsel vm8, v13, v0  }
0x21c: {  	v3 =	vsel vm3, v19, v3;
	v19 =	vld [tilespmem:$0x10900];
	vm9 =	vgt.f32 v14, v0  }
0x21d: {  	v10 =	vld [tilespmem:$0x1FEE0];
	v0 =	vsel vm9, v14, v0  }
0x21e: {  	v11 =	vld [tilespmem:$0x1FEF0];
	vm12 =	vgt.f32 v15, v0  }
0x21f: {  	v12 =	vld [tilespmem:$0x1FF00];
	v0 =	vsel vm12, v15, v0  }
0x220: {  	v51 =	vsel vm2, v27, v17;
	v13 =	vld [tilespmem:$0x1FF10];
	vm2 =	vgt.f32 v61, v0  }
0x221: {  	v51 =	vsel vm10, v9, v51;
	v14 =	vld [tilespmem:$0x1FF20];
	v0 =	vsel vm2, v61, v0  }
0x222: {  	v7 =	vsel vm4, v10, v51;
	v15 =	vld [tilespmem:$0x1FF30];
	vm10 =	vgt.f32 v16, v0  }
0x223: {  	v39 =	vsel vm11, v11, v7;
	v0 =	vsel vm10, v16, v0;
	v16 =	vld [tilespmem:$0x1FF40]  }
0x224: {  	v17 =	vld [tilespmem:$0x1FF50];
	vm4 =	vgt.f32 v42, v3;
	v61 =	vsel vm5, v12, v39  }
0x225: {  	v23 =	vld [tilespmem:$0x10980];
	v3 =	vsel vm4, v42, v3;
	v42 =	vsel vm7, v13, v61;
	vm11 =	vgt.f32 v18, v0  }
0x226: {  	v56 =	vld [tilespmem:$0x108E0];
	v42 =	vsel vm6, v14, v42;
	v0 =	vsel vm11, v18, v0  }
0x227: {  	v5 =	vld [tilespmem:$0x10950];
	v42 =	vsel vm8, v15, v42;
	vm13 =	vgt.f32 v19, v0  }
0x228: {  	v31 =	vld [tilespmem:$0x107B0];
	vm5 =	vgt.f32 v49, v3;
	v0 =	vsel vm13, v19, v0;
	v42 =	vsel vm9, v16, v42  }
0x229: {  	v3 =	vsel vm5, v49, v3;
	v49 =	vld [tilespmem:$0x109C0];
	v42 =	vsel vm12, v17, v42;
	vm12 =	vgt.f32 v8, v0  }
0x22a: {  	v0 =	vsel vm12, v8, v0;
	v8 =	vld [tilespmem:$0x1FF60]  }
0x22b: {  	v18 =	vld [tilespmem:$0x1FF70]  }
0x22c: {  	vm6 =	vgt.f32 v50, v3;
	v19 =	vld [tilespmem:$0x1FF80]  }
0x22d: {  	v63 =	vld [tilespmem:$0x10A00];
	v3 =	vsel vm6, v50, v3  }
0x22e: {  	v51 =	vld [tilespmem:$0x108A0];
	vm7 =	vgt.f32 v57, v3  }
0x22f: {  	v7 =	vld [tilespmem:$0x1FFF0];
	v3 =	vsel vm7, v57, v3;
	vm14 =	vgt.f32 v23, v0;
	v22 =	vsel vm2, v8, v42  }
0x230: {  	v39 =	vld [tilespmem:$0x108B0];
	vm8 =	vgt.f32 v4, v3;
	v0 =	vsel vm14, v23, v0;
	v50 =	vsel vm10, v18, v22  }
0x231: {  	v61 =	vld [tilespmem:$0x108D0];
	v3 =	vsel vm8, v4, v3;
	vm15 =	vgt.f32 v49, v0;
	v50 =	vsel vm11, v19, v50  }
0x232: {  	vm9 =	vgt.f32 v58, v3;
	v0 =	vsel vm15, v49, v0;
	v22 =	vld [tilespmem:$0x1FFB0];
	v23 =	vsel vm13, v20, v50  }
0x233: {  	v4 =	vld [tilespmem:$0x10A40];
	v3 =	vsel vm9, v58, v3;
	v23 =	vsel vm12, v21, v23;
	vm12 =	vgt.f32 v63, v0  }
0x234: {  	vm10 =	vgt.f32 v59, v3;
	v0 =	vsel vm12, v63, v0;
	v63 =	vld [tilespmem:$0x1FFD0]  }
0x235: {  	v57 =	vld [tilespmem:$0x10910];
	v3 =	vsel vm10, v59, v3  }
0x236: {  	v58 =	vld [tilespmem:$0x10920];
	vm2 =	vgt.f32 v55, v53;
	v59 =	vsel vm0, v28, v2;
	vm11 =	vgt.f32 v60, v3  }
0x237: {  	v49 =	vld [tilespmem:$0x10930];
	v3 =	vsel vm11, v60, v3;
	v60 =	vsel vm2, v55, v53;
	v23 =	vsel vm14, v22, v23  }
0x238: {  	v42 =	vld [tilespmem:$0x108F0];
	v53 =	vsel vm1, v27, v59;
	vm0 =	vgt.f32 v54, v60;
	v23 =	vsel vm15, v24, v23  }
0x239: {  	v50 =	vld [tilespmem:$0x10970];
	vm13 =	vgt.f32 v4, v0;
	v23 =	vsel vm12, v63, v23;
	vm12 =	vgt.f32 v6, v3  }
0x23a: {  	v55 =	vld [tilespmem:$0x10990];
	v53 =	vsel vm3, v9, v53;
	v4 =	vsel vm13, v7, v23;
	v3 =	vsel vm12, v6, v3  }
0x23b: {  	v59 =	vld [tilespmem:$0x109D0];
	v23 =	vsel vm0, v54, v60;
	v60 =	vsel vm4, v10, v53;
	vm13 =	vgt.f32 v62, v3  }
0x23c: {  	v54 =	vld [tilespmem:$0x10AC0];
	vm1 =	vgt.f32 v52, v23;
	v3 =	vsel vm13, v62, v3;
	v62 =	vsel vm5, v11, v60  }
0x23d: {  	v23 =	vsel vm1, v52, v23;
	v52 =	vsel vm6, v12, v62;
	v62 =	vld [tilespmem:$0x1FEA0]  }
0x23e: {  	v0 =	vld [tilespmem:$0x10960];
	vm4 =	vgt.f32 v61, v3  }
0x23f: {  	v6 =	vld [tilespmem:$0x109A0];
	vm3 =	vgt.f32 v25, v23;
	v3 =	vsel vm4, v61, v3  }
0x240: {  	v53 =	vld [tilespmem:$0x109B0];
	v23 =	vsel vm3, v25, v23;
	v25 =	vsel vm7, v13, v52;
	vm5 =	vgt.f32 v57, v3  }
0x241: {  	v60 =	vld [tilespmem:$0x109E0];
	v3 =	vsel vm5, v57, v3;
	v57 =	vsel vm8, v14, v25  }
0x242: {  	v52 =	vld [tilespmem:$0x109F0];
	vm14 =	vlt.s32 v54, v62;
	v54 =	vsel vm9, v15, v57  }
0x243: {  	v61 =	vld [tilespmem:$0x10A10];
	v25 =	vsel vm14, v4, v2;
	vm14 =	vgt.f32 v5, v3;
	v4 =	vsel vm10, v16, v54  }
0x244: {  	vm6 =	vgt.f32 v48, v23;
	v57 =	vld [tilespmem:$0x10A20];
	v3 =	vsel vm14, v5, v3;
	v4 =	vsel vm11, v17, v4  }
0x245: {  	v54 =	vld [tilespmem:$0x10A30];
	v5 =	vsel vm6, v48, v23;
	vm9 =	vgt.f32 v55, v3;
	v4 =	vsel vm12, v8, v4  }
0x246: {  	v23 =	vld [tilespmem:$0x10A50];
	vm7 =	vgt.f32 v46, v5;
	v3 =	vsel vm9, v55, v3;
	v4 =	vsel vm13, v18, v4  }
0x247: {  	v48 =	vld [tilespmem:$0x10A60];
	v5 =	vsel vm7, v46, v5;
	vm15 =	vgt.f32 v59, v3;
	v4 =	vsel vm4, v19, v4  }
0x248: {  	v46 =	vld [tilespmem:$0x10A70];
	vm8 =	vgt.f32 v40, v5;
	v3 =	vsel vm15, v59, v3;
	v59 =	vimm.f32 $1.000000000e+00  }
0x249: {  	v4 =	vsel vm5, v20, v4;
	[tilespmem:v25+s31+$0x0] =	vst.idx.add.f32.msk $0xffff, v59;
	vm12 =	vgt.f32 v61, v3  }
0x24a: {  	v5 =	vsel vm8, v40, v5;
	v4 =	vsel vm14, v21, v4;
	v55 =	vld [tilespmem:$0x10AD0];
	v3 =	vsel vm12, v61, v3  }
0x24b: {  	vm13 =	vgt.f32 v23, v3;
	v3 =	vsel vm9, v22, v4;
	vm9 =	vgt.f32 v41, v5  }
0x24c: {  	vm4 =	vgt.f32 v38, v26;
	v40 =	vsel vm9, v41, v5;
	v3 =	vsel vm15, v24, v3  }
0x24d: {  	v41 =	vsel vm4, v38, v26;
	v3 =	vsel vm12, v63, v3;
	vm10 =	vgt.f32 v43, v40  }
0x24e: {  	vm5 =	vgt.f32 v36, v41;
	v4 =	vsel vm10, v43, v40;
	v3 =	vsel vm13, v7, v3  }
0x24f: {  	vm14 =	vlt.s32 v55, v62;
	vm11 =	vgt.f32 v44, v4;
	v55 =	vsel vm2, v28, v2  }
0x250: {  	v26 =	vsel vm14, v3, v2;
	v3 =	vsel vm5, v36, v41;
	v4 =	vsel vm11, v44, v4  }
0x251: {  	v5 =	vsel vm0, v27, v55;
	v36 =	vsel vm4, v28, v2;
	vm2 =	vgt.f32 v34, v3  }
0x252: {  	v61 =	vld [tilespmem:$0x1FE60];
	vm12 =	vgt.f32 v45, v4;
	v5 =	vsel vm1, v9, v5;
	v3 =	vsel vm2, v34, v3  }
0x253: {  	v4 =	vsel vm12, v45, v4;
	v5 =	vsel vm3, v10, v5;
	vm0 =	vgt.f32 v33, v3  }
0x254: {  	vm13 =	vgt.f32 v47, v4;
	v5 =	vsel vm6, v11, v5;
	v3 =	vsel vm0, v33, v3;
	v33 =	vld [tilespmem:$0x1FE70]  }
0x255: {  	v4 =	vsel vm13, v47, v4;
	v5 =	vsel vm7, v12, v5;
	vm1 =	vgt.f32 v30, v3  }
0x256: {  	vm14 =	vgt.f32 v51, v4;
	v5 =	vsel vm8, v13, v5;
	v3 =	vsel vm1, v30, v3  }
0x257: {  	[tilespmem:v26+s31+$0x0] =	vst.idx.add.f32.msk $0xffff, v59;
	v4 =	vsel vm14, v51, v4;
	vm3 =	vgt.f32 v61, v3  }
0x258: {  	v5 =	vsel vm9, v14, v5;
	vm15 =	vgt.f32 v56, v4;
	v3 =	vsel vm3, v61, v3  }
0x259: {  	v5 =	vsel vm10, v15, v5;
	v4 =	vsel vm15, v56, v4;
	vm6 =	vgt.f32 v33, v3  }
0x25a: {  	v5 =	vsel vm11, v16, v5;
	vm10 =	vgt.f32 v58, v4;
	v3 =	vsel vm6, v33, v3  }
0x25b: {  	v5 =	vsel vm12, v17, v5;
	v4 =	vsel vm10, v58, v4;
	vm7 =	vgt.f32 v29, v3  }
0x25c: {  	v5 =	vsel vm13, v8, v5;
	vm11 =	vgt.f32 v0, v4;
	v3 =	vsel vm7, v29, v3  }
0x25d: {  	v34 =	vsel vm14, v18, v5;
	v5 =	vsel vm5, v27, v36;
	vm8 =	vgt.f32 v31, v3  }
0x25e: {  	v0 =	vsel vm11, v0, v4;
	v4 =	vsel vm15, v19, v34;
	v3 =	vsel vm8, v31, v3  }
0x25f: {  	v5 =	vsel vm2, v9, v5;
	vm12 =	vgt.f32 v6, v0;
	vm9 =	vgt.f32 v32, v3  }
0x260: {  	v4 =	vsel vm10, v20, v4;
	v5 =	vsel vm0, v10, v5;
	v3 =	vsel vm9, v32, v3  }
0x261: {  	v0 =	vsel vm12, v6, v0;
	v4 =	vsel vm11, v21, v4;
	vm11 =	vgt.f32 v35, v3  }
0x262: {  	v5 =	vsel vm1, v11, v5;
	vm15 =	vgt.f32 v60, v0;
	v3 =	vsel vm11, v35, v3  }
0x263: {  	v38 =	vld [tilespmem:$0x10AE0];
	v4 =	vsel vm12, v22, v4;
	v0 =	vsel vm15, v60, v0;
	vm12 =	vgt.f32 v37, v3  }
0x264: {  	v5 =	vsel vm3, v12, v5;
	vm13 =	vgt.f32 v57, v0;
	v3 =	vsel vm12, v37, v3  }
0x265: {  	v4 =	vsel vm15, v24, v4;
	v0 =	vsel vm13, v57, v0;
	vm14 =	vgt.f32 v39, v3  }
0x266: {  	v4 =	vsel vm13, v63, v4;
	vm15 =	vgt.f32 v48, v0;
	v3 =	vsel vm14, v39, v3  }
0x267: {  	v0 =	vsel vm15, v7, v4;
	v39 =	vsel vm6, v13, v5;
	vm6 =	vgt.f32 v42, v3  }
0x268: {  	v4 =	vsel vm7, v14, v39;
	vm7 =	vlt.s32 v38, v62;
	v3 =	vsel vm6, v42, v3  }
0x269: {  	v27 =	vsel vm7, v0, v2;
	v0 =	vsel vm8, v15, v4;
	vm8 =	vgt.f32 v49, v3  }
0x26a: {  	v0 =	vsel vm9, v16, v0;
	v3 =	vsel vm8, v49, v3  }
0x26b: {  	v0 =	vsel vm11, v17, v0;
	vm10 =	vgt.f32 v50, v3  }
0x26c: {  	v0 =	vsel vm12, v8, v0;
	v3 =	vsel vm10, v50, v3  }
0x26d: {  	v0 =	vsel vm14, v18, v0;
	vm11 =	vgt.f32 v53, v3  }
0x26e: {  	v0 =	vsel vm6, v19, v0;
	[tilespmem:v27+s31+$0x0] =	vst.idx.add.f32.msk $0xffff, v59;
	v3 =	vsel vm11, v53, v3  }
0x26f: {  	v0 =	vsel vm8, v20, v0;
	v40 =	vld [tilespmem:$0x10AF0];
	vm12 =	vgt.f32 v52, v3  }
0x270: {  	v0 =	vsel vm10, v21, v0;
	v3 =	vsel vm12, v52, v3  }
0x271: {  	v0 =	vsel vm11, v22, v0;
	vm13 =	vgt.f32 v54, v3  }
0x272: {  	v0 =	vsel vm12, v24, v0;
	v3 =	vsel vm13, v54, v3  }
0x273: {  	v0 =	vsel vm13, v63, v0;
	vm14 =	vgt.f32 v46, v3  }
0x274: {  	vm15 =	vlt.s32 v40, v62;
	v0 =	vsel vm14, v7, v0  }
0x275: {  	v28 =	vsel vm15, v0, v2;
	_ =	sdelay $0x4  }
0x276: {  	s16 =	simm.s32 $0x0;
	[tilespmem:v28+s31+$0x0] =	vst.idx.add.f32.msk $0xffff, v59  }
0x277: {  	v0 =	vld [tilespmem:s16+$0xC080]  }
0x278: {  	v3 =	vld [tilespmem:s16+$0x4080]  }
0x279: {  	v41 =	vld [tilespmem:s16+$0x4100]  }
0x27a: {  	v42 =	vld [tilespmem:s16+$0xC000]  }
0x27b: {  	s18 =	simm.s32 $0x150;
	v44 =	vld [tilespmem:s16+$0x4000]  }
0x27c: {  	s21 =	simm.s32 $0x0;
	v43 =	vadd.s32 s18, v25;
	v29 =	vld [tilespmem:s16+$0xC100]  }
0x27d: {  	s22 =	simm.s32 $0x2A0;
	v31 =	vadd.s32 s21, v25  }
0x27e: {  	v45 =	vadd.s32 s22, v25  }
0x27f: {  	v30 =	vld [tilespmem:s16+$0x4180];
	v0 =	vsub.f32 v3, v0  }
0x280: {  	v3 =	vld [tilespmem:s16+$0xC180];
	v5 =	vsub.f32 v44, v42  }
0x281: {  	v39 =	vsub.f32 v41, v29;
	[tilespmem:v43+s5+$0x0] =	vst.idx.add.f32.msk $0xffff, v0  }
0x282: {  	[tilespmem:v31+s5+$0x0] =	vst.idx.add.f32.msk $0xffff, v5  }
0x283: {  	[tilespmem:v45+s5+$0x0] =	vst.idx.add.f32.msk $0xffff, v39  }
0x284: {  	s23 =	simm.s32 $0x3F0;
	v6 =	vld [tilespmem:s16+$0xC090]  }
0x285: {  	v31 =	vadd.s32 s23, v25;
	v46 =	vld [tilespmem:s16+$0x4090]  }
0x286: {  	v32 =	vld [tilespmem:s16+$0x4110]  }
0x287: {  	v48 =	vld [tilespmem:s16+$0xC110]  }
0x288: {  	v47 =	vadd.s32 s18, v26;
	v49 =	vld [tilespmem:s16+$0x4010];
	v29 =	vsub.f32 v30, v3  }
0x289: {  	v50 =	vadd.s32 s22, v26;
	v3 =	vld [tilespmem:s16+$0xC010]  }
0x28a: {  	[tilespmem:v31+s5+$0x0] =	vst.idx.add.f32.msk $0xffff, v29  }
0x28b: {  	v4 =	vsub.f32 v46, v6;
	v30 =	vld [tilespmem:s16+$0xC190]  }
0x28c: {  	v23 =	vsub.f32 v32, v48;
	v31 =	vld [tilespmem:s16+$0x4190]  }
0x28d: {  	[tilespmem:v47+s5+$0x0] =	vst.idx.add.f32.msk $0xffff, v4  }
0x28e: {  	[tilespmem:v50+s5+$0x0] =	vst.idx.add.f32.msk $0xffff, v23  }
0x28f: {  	v53 =	vld [tilespmem:s16+$0xC120]  }
0x290: {  	v51 =	vadd.s32 s21, v26;
	v54 =	vld [tilespmem:s16+$0x4120]  }
0x291: {  	v55 =	vld [tilespmem:s16+$0xC0A0]  }
0x292: {  	v56 =	vld [tilespmem:s16+$0x40A0]  }
0x293: {  	v3 =	vsub.f32 v49, v3;
	v30 =	vsub.f32 v31, v30;
	v31 =	vadd.s32 s22, v27  }
0x294: {  	v57 =	vadd.s32 s18, v27  }
0x295: {  	[tilespmem:v51+s5+$0x0] =	vst.idx.add.f32.msk $0xffff, v3  }
0x296: {  	v32 =	vld [tilespmem:s16+$0x4020];
	v33 =	vsub.f32 v54, v53  }
0x297: {  	v58 =	vld [tilespmem:s16+$0xC020];
	v34 =	vsub.f32 v56, v55  }
0x298: {  	[tilespmem:v31+s5+$0x0] =	vst.idx.add.f32.msk $0xffff, v33  }
0x299: {  	[tilespmem:v57+s5+$0x0] =	vst.idx.add.f32.msk $0xffff, v34  }
0x29a: {  	v59 =	vld [tilespmem:s16+$0x4130]  }
0x29b: {  	v31 =	vadd.s32 s21, v27;
	v60 =	vld [tilespmem:s16+$0xC130]  }
0x29c: {  	v61 =	vld [tilespmem:s16+$0x40B0]  }
0x29d: {  	v63 =	vld [tilespmem:s16+$0xC0B0]  }
0x29e: {  	v62 =	vadd.s32 s22, v28;
	v6 =	vsub.f32 v32, v58  }
0x29f: {  	v7 =	vadd.s32 s18, v28  }
0x2a0: {  	[tilespmem:v31+s5+$0x0] =	vst.idx.add.f32.msk $0xffff, v6  }
0x2a1: {  	v8 =	vld [tilespmem:s16+$0x4030];
	v31 =	vsub.f32 v59, v60  }
0x2a2: {  	v9 =	vld [tilespmem:s16+$0xC030];
	v32 =	vsub.f32 v61, v63  }
0x2a3: {  	[tilespmem:v62+s5+$0x0] =	vst.idx.add.f32.msk $0xffff, v31  }
0x2a4: {  	[tilespmem:v7+s5+$0x0] =	vst.idx.add.f32.msk $0xffff, v32  }
0x2a5: {  	v52 =	vadd.s32 s23, v26;
	v11 =	vld [tilespmem:s16+$0x4140]  }
0x2a6: {  	v10 =	vadd.s32 s21, v28;
	v12 =	vld [tilespmem:s16+$0xC140]  }
0x2a7: {  	v13 =	vld [tilespmem:s16+$0x40C0]  }
0x2a8: {  	s24 =	simm.s32 $0x348;
	v15 =	vld [tilespmem:s16+$0xC0C0]  }
0x2a9: {  	s26 =	simm.s32 $0x1F8;
	v14 =	vadd.s32 s24, v25;
	v41 =	vsub.f32 v8, v9  }
0x2aa: {  	v16 =	vadd.s32 s26, v25;
	[tilespmem:v52+s5+$0x0] =	vst.idx.add.f32.msk $0xffff, v30  }
0x2ab: {  	[tilespmem:v10+s5+$0x0] =	vst.idx.add.f32.msk $0xffff, v41  }
0x2ac: {  	v35 =	vld [tilespmem:s16+$0x4040];
	v44 =	vsub.f32 v11, v12  }
0x2ad: {  	v17 =	vld [tilespmem:s16+$0xC040];
	v19 =	vsub.f32 v13, v15  }
0x2ae: {  	[tilespmem:v14+s5+$0x0] =	vst.idx.add.f32.msk $0xffff, v44  }
0x2af: {  	[tilespmem:v16+s5+$0x0] =	vst.idx.add.f32.msk $0xffff, v19  }
0x2b0: {  	s17 =	simm.s32 $0xA8;
	v20 =	vld [tilespmem:s16+$0xC150]  }
0x2b1: {  	v18 =	vadd.s32 s17, v25;
	v21 =	vld [tilespmem:s16+$0x4150]  }
0x2b2: {  	v53 =	vld [tilespmem:s16+$0x40D0]  }
0x2b3: {  	v43 =	vld [tilespmem:s16+$0xC0D0]  }
0x2b4: {  	v54 =	vadd.s32 s24, v26;
	v60 =	vld [tilespmem:s16+$0xC1A0];
	v22 =	vsub.f32 v35, v17  }
0x2b5: {  	v56 =	vadd.s32 s26, v26;
	v62 =	vld [tilespmem:s16+$0x41A0]  }
0x2b6: {  	[tilespmem:v18+s5+$0x0] =	vst.idx.add.f32.msk $0xffff, v22  }
0x2b7: {  	v38 =	vld [tilespmem:s16+$0x4050];
	v42 =	vsub.f32 v21, v20  }
0x2b8: {  	v55 =	vld [tilespmem:s16+$0xC050];
	v58 =	vsub.f32 v53, v43  }
0x2b9: {  	[tilespmem:v54+s5+$0x0] =	vst.idx.add.f32.msk $0xffff, v42  }
0x2ba: {  	[tilespmem:v56+s5+$0x0] =	vst.idx.add.f32.msk $0xffff, v58  }
0x2bb: {  	v59 =	vadd.s32 s17, v26;
	v37 =	vld [tilespmem:s16+$0x4160]  }
0x2bc: {  	v57 =	vld [tilespmem:s16+$0xC160]  }
0x2bd: {  	v46 =	vld [tilespmem:s16+$0x40E0]  }
0x2be: {  	v61 =	vadd.s32 s24, v27;
	v63 =	vld [tilespmem:s16+$0xC0E0];
	v38 =	vsub.f32 v38, v55  }
0x2bf: {  	v7 =	vadd.s32 s23, v27  }
0x2c0: {  	v8 =	vadd.s32 s26, v27;
	[tilespmem:v59+s5+$0x0] =	vst.idx.add.f32.msk $0xffff, v38  }
0x2c1: {  	v36 =	vsub.f32 v37, v57;
	v14 =	vld [tilespmem:s16+$0x4060]  }
0x2c2: {  	v37 =	vsub.f32 v62, v60;
	v17 =	vld [tilespmem:s16+$0xC060]  }
0x2c3: {  	v43 =	vsub.f32 v46, v63;
	[tilespmem:v61+s5+$0x0] =	vst.idx.add.f32.msk $0xffff, v36  }
0x2c4: {  	[tilespmem:v7+s5+$0x0] =	vst.idx.add.f32.msk $0xffff, v37  }
0x2c5: {  	v5 =	vmul.f32 v5, v5;
	[tilespmem:v8+s5+$0x0] =	vst.idx.add.f32.msk $0xffff, v43  }
0x2c6: {  	v35 =	vimm.f32 $0.0e+00;
	v9 =	vld [tilespmem:s16+$0x4170]  }
0x2c7: {  	v5 =	vadd.f32 v5, v35;
	v45 =	vmul.f32 v22, v22;
	v10 =	vld [tilespmem:s16+$0xC170]  }
0x2c8: {  	v0 =	vmul.f32 v0, v0;
	v3 =	vmul.f32 v3, v3;
	v11 =	vld [tilespmem:s16+$0x41B0]  }
0x2c9: {  	v4 =	vmul.f32 v4, v4;
	v23 =	vmul.f32 v23, v23;
	v5 =	vadd.f32 v45, v5;
	v47 =	vld [tilespmem:s16+$0xC1B0]  }
0x2ca: {  	v3 =	vadd.f32 v3, v35;
	v38 =	vmul.f32 v38, v38;
	v59 =	vadd.s32 s17, v27;
	v49 =	vld [tilespmem:s16+$0x40F0]  }
0x2cb: {  	v13 =	vadd.s32 s24, v28;
	v15 =	vmul.f32 v19, v19;
	v0 =	vadd.f32 v0, v5;
	v12 =	vld [tilespmem:s16+$0xC0F0]  }
0x2cc: {  	v6 =	vmul.f32 v6, v6;
	v16 =	vadd.s32 s23, v28;
	v3 =	vadd.f32 v38, v3  }
0x2cd: {  	v19 =	vadd.s32 s26, v28;
	v0 =	vadd.f32 v15, v0;
	v61 =	vsub.f32 v14, v17  }
0x2ce: {  	v18 =	vmul.f32 v58, v58;
	v3 =	vadd.f32 v4, v3;
	v40 =	vsub.f32 v9, v10  }
0x2cf: {  	v60 =	vmul.f32 v39, v39;
	[tilespmem:v59+s5+$0x0] =	vst.idx.add.f32.msk $0xffff, v61;
	v38 =	vsub.f32 v11, v47  }
0x2d0: {  	v3 =	vadd.f32 v18, v3;
	v48 =	vsub.f32 v49, v12;
	[tilespmem:v13+s5+$0x0] =	vst.idx.add.f32.msk $0xffff, v40  }
0x2d1: {  	v62 =	vmul.f32 v44, v44;
	v63 =	vmul.f32 v42, v42;
	[tilespmem:v16+s5+$0x0] =	vst.idx.add.f32.msk $0xffff, v38  }
0x2d2: {  	v0 =	vadd.f32 v60, v0;
	v3 =	vadd.f32 v23, v3;
	[tilespmem:v19+s5+$0x0] =	vst.idx.add.f32.msk $0xffff, v48  }
0x2d3: {  	s18 =	simm.s32 $0x498;
	v39 =	vmul.f32 v41, v41;
	v41 =	vadd.f32 v6, v35;
	v45 =	vld [tilespmem:s16+$0x41C0]  }
0x2d4: {  	s22 =	simm.s32 $0x0;
	s21 =	simm.s32 $0x498;
	s23 =	simm.s32 $0x800;
	v42 =	vadd.f32 v62, v0;
	v47 =	vmul.f32 v61, v61;
	v44 =	vadd.f32 v63, v3;
	v46 =	vld [tilespmem:s16+$0xC1C0]  }
.LBB2_9:
0x2d5: {  	s13 =	sshra.s32 s23, $0x2;
	s22 =	sadd.s32 $0x8, s22;
	v0 =	vld [tilespmem:s16+$0xC070];
	s21 =	sadd.s32 $0x540, s21  }
0x2d6: {  	v5 =	vmul.f32 v34, v34;
	v3 =	vld [tilespmem:s13+$0x4180];
	p1 =	slt.u32 s22, $0xF8;
	v4 =	vadd.f32 v47, v41  }
0x2d7: {  	v6 =	vld [tilespmem:s13+$0xC080]  }
0x2d8: {  	s26 =	sadd.s32 $0xFFFFFB68, s21;
	v23 =	vld [tilespmem:s13+$0x4100];
	v4 =	vadd.f32 v5, v4;
	v5 =	vmul.f32 v43, v43  }
0x2d9: {  	v34 =	vadd.s32 s26, v25;
	v43 =	vadd.s32 s18, v25;
	v41 =	vld [tilespmem:s13+$0xC180]  }
0x2da: {  	v47 =	vld [tilespmem:s13+$0x4080];
	v4 =	vadd.f32 v5, v4;
	v5 =	vmul.f32 v33, v33  }
0x2db: {  	v29 =	vmul.f32 v29, v29;
	s6 =	sadd.s32 $0xFFFFFCB8, s21;
	v33 =	vld [tilespmem:s13+$0xC000]  }
0x2dc: {  	v50 =	vadd.s32 s6, v25;
	v49 =	vld [tilespmem:s13+$0x4000];
	v4 =	vadd.f32 v5, v4;
	v5 =	vsub.f32 v45, v46  }
0x2dd: {  	v45 =	vld [tilespmem:s13+$0xC100]  }
0x2de: {  	s24 =	sadd.s32 $0xFFFFFF58, s21;
	v29 =	vadd.f32 v29, v42;
	[tilespmem:v43+s5+$0x0] =	vst.idx.add.f32.msk $0xffff, v5;
	v5 =	vmul.f32 v5, v5  }
0x2df: {  	s1 =	sadd.s32 $0xFFFFFE08, s21;
	v42 =	vsub.f32 v47, v6;
	v6 =	vadd.s32 s24, v25;
	v51 =	vld [tilespmem:s16+$0x41D0]  }
0x2e0: {  	v52 =	vadd.s32 s1, v25;
	v46 =	vadd.f32 v5, v29;
	v5 =	vld [tilespmem:s16+$0xC1D0]  }
0x2e1: {  	v29 =	vsub.f32 v3, v41;
	v33 =	vsub.f32 v49, v33;
	[tilespmem:v50+s5+$0x0] =	vst.idx.add.f32.msk $0xffff, v42  }
0x2e2: {  	v3 =	vadd.s32 s26, v26;
	v43 =	vsub.f32 v23, v45;
	v23 =	vld [tilespmem:s16+$0x4070]  }
0x2e3: {  	[tilespmem:v34+s5+$0x0] =	vst.idx.add.f32.msk $0xffff, v33;
	v47 =	vmul.f32 v33, v33  }
0x2e4: {  	v34 =	vadd.s32 s18, v26;
	v33 =	vld [tilespmem:s13+$0x4010]  }
0x2e5: {  	v30 =	vmul.f32 v30, v30;
	v49 =	vadd.s32 s6, v26;
	v41 =	vld [tilespmem:s13+$0xC010];
	v5 =	vsub.f32 v51, v5  }
0x2e6: {  	v50 =	vld [tilespmem:s13+$0xC090]  }
0x2e7: {  	v51 =	vld [tilespmem:s13+$0x4090];
	v0 =	vsub.f32 v23, v0;
	v23 =	vadd.f32 v30, v44;
	v30 =	vmul.f32 v5, v5  }
0x2e8: {  	v35 =	vadd.f32 v39, v35;
	[tilespmem:v52+s5+$0x0] =	vst.idx.add.f32.msk $0xffff, v43  }
0x2e9: {  	v39 =	vmul.f32 v0, v0;
	[tilespmem:v34+s5+$0x0] =	vst.idx.add.f32.msk $0xffff, v5;
	v45 =	vadd.f32 v30, v23  }
0x2ea: {  	v5 =	vld [tilespmem:s16+$0x41E0]  }
0x2eb: {  	v32 =	vmul.f32 v32, v32;
	v23 =	vadd.s32 s26, v27;
	v30 =	vadd.f32 v39, v35;
	v34 =	vld [tilespmem:s16+$0xC1E0]  }
0x2ec: {  	v44 =	vsub.f32 v51, v50;
	v35 =	vld [tilespmem:s13+$0x4110]  }
0x2ed: {  	v39 =	vld [tilespmem:s13+$0xC110];
	v30 =	vadd.f32 v32, v30;
	v32 =	vmul.f32 v48, v48;
	v48 =	vadd.s32 s18, v27  }
0x2ee: {  	v31 =	vmul.f32 v31, v31;
	v36 =	vmul.f32 v36, v36;
	v50 =	vadd.s32 s6, v27;
	[tilespmem:v49+s5+$0x0] =	vst.idx.add.f32.msk $0xffff, v44  }
0x2ef: {  	v37 =	vmul.f32 v37, v37;
	v49 =	vld [tilespmem:s13+$0xC0A0];
	v30 =	vadd.f32 v32, v30;
	v32 =	vmul.f32 v40, v40  }
0x2f0: {  	v4 =	vadd.f32 v36, v4;
	[tilespmem:v6+s5+$0x0] =	vst.idx.add.f32.msk $0xffff, v29;
	v5 =	vsub.f32 v5, v34  }
0x2f1: {  	v36 =	vsub.f32 v33, v41;
	v33 =	vadd.s32 s1, v26;
	v6 =	vld [tilespmem:s13+$0x40A0];
	v30 =	vadd.f32 v31, v30  }
0x2f2: {  	v4 =	vadd.f32 v37, v4;
	v40 =	vsub.f32 v35, v39;
	v31 =	vld [tilespmem:s13+$0xC190];
	v34 =	vmul.f32 v5, v5  }
0x2f3: {  	v32 =	vadd.f32 v32, v30;
	[tilespmem:v48+s5+$0x0] =	vst.idx.add.f32.msk $0xffff, v5  }
0x2f4: {  	v5 =	vld [tilespmem:s13+$0x4190];
	v41 =	vadd.f32 v34, v4  }
0x2f5: {  	v4 =	vadd.s32 s24, v26;
	v35 =	vld [tilespmem:s16+$0x41F0]  }
0x2f6: {  	v34 =	vsub.f32 v6, v49;
	v6 =	vld [tilespmem:s16+$0xC1F0];
	s16 =	smov.u32 s13  }
0x2f7: {  	v37 =	vadd.s32 s6, v28;
	[tilespmem:v33+s5+$0x0] =	vst.idx.add.f32.msk $0xffff, v40  }
0x2f8: {  	v39 =	vadd.s32 s18, v28;
	s18 =	smov.u32 s21;
	v33 =	vld [tilespmem:s16+$0xC120]  }
0x2f9: {  	v48 =	vld [tilespmem:s16+$0x4120];
	v30 =	vsub.f32 v5, v31  }
0x2fa: {  	[tilespmem:v3+s5+$0x0] =	vst.idx.add.f32.msk $0xffff, v36;
	v3 =	vadd.s32 s17, v28  }
0x2fb: {  	v5 =	vadd.s32 s1, v27;
	[tilespmem:v4+s5+$0x0] =	vst.idx.add.f32.msk $0xffff, v30;
	v4 =	vmul.f32 v38, v38;
	v6 =	vsub.f32 v35, v6  }
0x2fc: {  	v31 =	vld [tilespmem:s16+$0x4020]  }
0x2fd: {  	v4 =	vadd.f32 v4, v32;
	[tilespmem:v39+s5+$0x0] =	vst.idx.add.f32.msk $0xffff, v6;
	v6 =	vmul.f32 v6, v6  }
0x2fe: {  	v32 =	vld [tilespmem:s16+$0xC020];
	v33 =	vsub.f32 v48, v33  }
0x2ff: {  	[tilespmem:v3+s5+$0x0] =	vst.idx.add.f32.msk $0xffff, v0;
	v35 =	vadd.f32 v6, v4  }
0x300: {  	[tilespmem:v5+s5+$0x0] =	vst.idx.add.f32.msk $0xffff, v33  }
0x301: {  	v0 =	vld [tilespmem:s16+$0x4130]  }
0x302: {  	v3 =	vld [tilespmem:s16+$0xC130]  }
0x303: {  	v49 =	vsub.f32 v31, v32;
	[tilespmem:v50+s5+$0x0] =	vst.idx.add.f32.msk $0xffff, v34  }
0x304: {  	v5 =	vadd.s32 s1, v28;
	v4 =	vld [tilespmem:s16+$0x40B0]  }
0x305: {  	v6 =	vld [tilespmem:s16+$0xC0B0]  }
0x306: {  	[tilespmem:v23+s5+$0x0] =	vst.idx.add.f32.msk $0xffff, v49  }
0x307: {  	v23 =	vld [tilespmem:s16+$0x4030];
	v31 =	vsub.f32 v0, v3  }
0x308: {  	v0 =	vld [tilespmem:s16+$0xC030]  }
0x309: {  	[tilespmem:v5+s5+$0x0] =	vst.idx.add.f32.msk $0xffff, v31  }
0x30a: {  	v3 =	vadd.s32 s26, v28;
	v32 =	vsub.f32 v4, v6;
	v4 =	vld [tilespmem:s16+$0x4140]  }
0x30b: {  	v5 =	vld [tilespmem:s16+$0xC140]  }
0x30c: {  	s6 =	sadd.s32 $0xFFFFFEB0, s21;
	[tilespmem:v37+s5+$0x0] =	vst.idx.add.f32.msk $0xffff, v32  }
0x30d: {  	v0 =	vsub.f32 v23, v0;
	v6 =	vld [tilespmem:s16+$0x40C0];
	v23 =	vadd.s32 s6, v25  }
0x30e: {  	v37 =	vld [tilespmem:s16+$0xC0C0]  }
0x30f: {  	s1 =	sadd.s32 $0xFFFFFD60, s21;
	[tilespmem:v3+s5+$0x0] =	vst.idx.add.f32.msk $0xffff, v0;
	v39 =	vmul.f32 v0, v0  }
0x310: {  	v3 =	vadd.s32 s1, v25;
	v0 =	vld [tilespmem:s16+$0x4040];
	v4 =	vsub.f32 v4, v5  }
0x311: {  	v5 =	vld [tilespmem:s16+$0xC040]  }
0x312: {  	s17 =	sadd.s32 $0xFFFFFC10, s21;
	[tilespmem:v23+s5+$0x0] =	vst.idx.add.f32.msk $0xffff, v4  }
0x313: {  	v23 =	vadd.s32 s17, v25;
	v6 =	vsub.f32 v6, v37;
	v37 =	vld [tilespmem:s16+$0xC150]  }
0x314: {  	v38 =	vld [tilespmem:s16+$0x4150]  }
0x315: {  	[tilespmem:v3+s5+$0x0] =	vst.idx.add.f32.msk $0xffff, v6  }
0x316: {  	v0 =	vsub.f32 v0, v5;
	v3 =	vld [tilespmem:s16+$0x40D0];
	v5 =	vadd.s32 s6, v26  }
0x317: {  	v48 =	vld [tilespmem:s16+$0xC0D0]  }
0x318: {  	v46 =	vadd.f32 v47, v46;
	[tilespmem:v23+s5+$0x0] =	vst.idx.add.f32.msk $0xffff, v0;
	v0 =	vmul.f32 v0, v0  }
0x319: {  	v23 =	vld [tilespmem:s16+$0x4050];
	v38 =	vsub.f32 v38, v37  }
0x31a: {  	v42 =	vmul.f32 v42, v42;
	v0 =	vadd.f32 v0, v46;
	v37 =	vld [tilespmem:s16+$0xC050]  }
0x31b: {  	v46 =	vadd.s32 s1, v26;
	[tilespmem:v5+s5+$0x0] =	vst.idx.add.f32.msk $0xffff, v38  }
0x31c: {  	v5 =	vmul.f32 v6, v6;
	v0 =	vadd.f32 v42, v0;
	v3 =	vsub.f32 v3, v48;
	v6 =	vld [tilespmem:s16+$0x4160]  }
0x31d: {  	v47 =	vld [tilespmem:s16+$0xC160]  }
0x31e: {  	v48 =	vadd.s32 s17, v26;
	v0 =	vadd.f32 v5, v0;
	v5 =	vmul.f32 v43, v43;
	v43 =	vld [tilespmem:s16+$0xC1A0]  }
0x31f: {  	v36 =	vmul.f32 v36, v36;
	v23 =	vsub.f32 v23, v37;
	v37 =	vadd.s32 s6, v27;
	v50 =	vld [tilespmem:s16+$0x41A0]  }
0x320: {  	v4 =	vmul.f32 v4, v4;
	[tilespmem:v46+s5+$0x0] =	vst.idx.add.f32.msk $0xffff, v3;
	v0 =	vadd.f32 v5, v0  }
0x321: {  	v5 =	vadd.f32 v36, v45;
	v45 =	vmul.f32 v23, v23;
	v46 =	vld [tilespmem:s16+$0x40E0]  }
0x322: {  	v51 =	vld [tilespmem:s16+$0xC0E0];
	v42 =	vadd.f32 v4, v0;
	v36 =	vsub.f32 v6, v47;
	v0 =	vadd.s32 s24, v27  }
0x323: {  	[tilespmem:v48+s5+$0x0] =	vst.idx.add.f32.msk $0xffff, v23;
	v4 =	vadd.f32 v45, v5;
	v5 =	vmul.f32 v44, v44  }
0x324: {  	[tilespmem:v37+s5+$0x0] =	vst.idx.add.f32.msk $0xffff, v36;
	v37 =	vsub.f32 v50, v43  }
0x325: {  	v3 =	vmul.f32 v3, v3;
	v4 =	vadd.f32 v5, v4;
	v5 =	vadd.s32 s1, v27;
	v6 =	vld [tilespmem:s16+$0x4170]  }
0x326: {  	v23 =	vmul.f32 v40, v40;
	v40 =	vld [tilespmem:s16+$0xC170]  }
0x327: {  	v3 =	vadd.f32 v3, v4;
	v43 =	vsub.f32 v46, v51;
	[tilespmem:v0+s5+$0x0] =	vst.idx.add.f32.msk $0xffff, v37  }
0x328: {  	v0 =	vadd.s32 s6, v28;
	v4 =	vld [tilespmem:s16+$0x41B0]  }
0x329: {  	v3 =	vadd.f32 v23, v3;
	v23 =	vmul.f32 v38, v38;
	v38 =	vld [tilespmem:s16+$0xC1B0]  }
0x32a: {  	[tilespmem:v5+s5+$0x0] =	vst.idx.add.f32.msk $0xffff, v43  }
0x32b: {  	v5 =	vld [tilespmem:s16+$0x40F0];
	v44 =	vadd.f32 v23, v3;
	v40 =	vsub.f32 v6, v40;
	v3 =	vadd.s32 s24, v28  }
0x32c: {  	v6 =	vld [tilespmem:s16+$0xC0F0]  }
0x32d: {  	[tilespmem:v0+s5+$0x0] =	vst.idx.add.f32.msk $0xffff, v40  }
0x32e: {  	v23 =	vadd.s32 s1, v28;
	v0 =	vld [tilespmem:s16+$0x4060];
	v38 =	vsub.f32 v4, v38  }
0x32f: {  	v4 =	vld [tilespmem:s16+$0xC060]  }
0x330: {  	[tilespmem:v3+s5+$0x0] =	vst.idx.add.f32.msk $0xffff, v38  }
0x331: {  	v3 =	vadd.s32 s17, v27;
	v48 =	vsub.f32 v5, v6;
	v45 =	vld [tilespmem:s16+$0x41C0]  }
.Ltmp3:
0x332: {  	v46 =	vld [tilespmem:s16+$0xC1C0];
	(pc) =	sbr.rel @p1 .LBB2_9-.Ltmp3, $3  }
0x333: {  	[tilespmem:v23+s5+$0x0] =	vst.idx.add.f32.msk $0xffff, v48  }
0x334: {  	v5 =	vmul.f32 v49, v49;
	v0 =	vsub.f32 v0, v4;
	_ =	sdelay $0x1  }
0x335: {  	s23 =	sadd.s32 $0x800, s23;
	v41 =	vadd.f32 v5, v41;
	[tilespmem:v3+s5+$0x0] =	vst.idx.add.f32.msk $0xffff, v0;
	v47 =	vmul.f32 v0, v0  }
0x336: {  	v0 =	vadd.s32 s18, v25;
	_ =	sdelay $0x2  }
0x337: {  	v3 =	vsub.f32 v45, v46;
	_ =	sdelay $0x1  }
0x338: {  	[tilespmem:v0+s5+$0x0] =	vst.idx.add.f32.msk $0xffff, v3  }
0x339: {  	v0 =	vld [tilespmem:s16+$0x41D0]  }
0x33a: {  	v4 =	vld [tilespmem:s16+$0xC1D0];
	_ =	sdelay $0x1  }
0x33b: {  	v5 =	vadd.s32 s18, v26;
	_ =	sdelay $0x2  }
0x33c: {  	v6 =	vld [tilespmem:s16+$0xC070];
	v0 =	vsub.f32 v0, v4  }
0x33d: {  	v19 =	vld [tilespmem:s16+$0x4070]  }
0x33e: {  	[tilespmem:v5+s5+$0x0] =	vst.idx.add.f32.msk $0xffff, v0  }
0x33f: {  	v5 =	vld [tilespmem:s16+$0x41E0]  }
0x340: {  	v23 =	vld [tilespmem:s16+$0xC1E0];
	_ =	sdelay $0x1  }
0x341: {  	v24 =	vadd.s32 s18, v27;
	v4 =	vsub.f32 v19, v6  }
0x342: {  	v34 =	vmul.f32 v34, v34;
	v29 =	vmul.f32 v29, v29  }
0x343: {  	v35 =	vadd.f32 v39, v35;
	v32 =	vmul.f32 v32, v32;
	v49 =	vmul.f32 v4, v4  }
0x344: {  	v33 =	vmul.f32 v33, v33;
	v41 =	vadd.f32 v47, v41;
	v5 =	vsub.f32 v5, v23  }
0x345: {  	v51 =	vmul.f32 v48, v48;
	v53 =	vmul.f32 v30, v30;
	v23 =	vadd.f32 v49, v35  }
0x346: {  	v47 =	vmul.f32 v43, v43;
	v46 =	vadd.f32 v34, v41;
	[tilespmem:v24+s5+$0x0] =	vst.idx.add.f32.msk $0xffff, v5  }
0x347: {  	v54 =	vmul.f32 v31, v31;
	v55 =	vadd.s32 s18, v28;
	v23 =	vadd.f32 v32, v23;
	v50 =	vld [tilespmem:s16+$0x41F0]  }
0x348: {  	v56 =	vmul.f32 v36, v36;
	v57 =	vadd.s32 s17, v28;
	v6 =	vadd.f32 v47, v46;
	v52 =	vld [tilespmem:s16+$0xC1F0]  }
0x349: {  	v29 =	vadd.f32 v29, v42;
	v3 =	vmul.f32 v3, v3;
	v23 =	vadd.f32 v51, v23  }
0x34a: {  	v58 =	vmul.f32 v40, v40;
	v59 =	vmul.f32 v37, v37;
	v6 =	vadd.f32 v33, v6  }
0x34b: {  	v61 =	vmul.f32 v38, v38;
	v3 =	vadd.f32 v3, v29;
	v23 =	vadd.f32 v54, v23  }
0x34c: {  	v29 =	vadd.f32 v53, v44;
	v0 =	vmul.f32 v0, v0;
	v6 =	vadd.f32 v56, v6  }
0x34d: {  	[tilespmem:v57+s5+$0x0] =	vst.idx.add.f32.msk $0xffff, v4;
	v60 =	vsub.f32 v50, v52;
	v23 =	vadd.f32 v58, v23  }
0x34e: {  	v0 =	vadd.f32 v0, v29;
	v6 =	vadd.f32 v59, v6;
	v5 =	vmul.f32 v5, v5  }
.Ltmp4:
0x34f: {  	[tilespmem:v55+s5+$0x0] =	vst.idx.add.f32.msk $0xffff, v60;
	v23 =	vadd.f32 v61, v23;
	v62 =	vmul.f32 v60, v60;
	(pc) =	sbr.rel @p0 .LBB2_11-.Ltmp4, $4  }
0x350: {  	v63 =	vadd.f32 v5, v6;
	[tilespmem:v25+s10+$0x0] =	vst.idx.add.f32.msk $0xffff, v3  }
0x351: {  	v3 =	vadd.f32 v62, v23;
	[tilespmem:v26+s10+$0x0] =	vst.idx.add.f32.msk $0xffff, v0  }
0x352: {  	[tilespmem:v27+s10+$0x0] =	vst.idx.add.f32.msk $0xffff, v63  }
0x353: {  	[tilespmem:v28+s10+$0x0] =	vst.idx.add.f32.msk $0xffff, v3  }
0x354: {  	s1 =	sadd.s32 s15, s20  }
0x355: {  	s6 =	sor.u32 s8, s1  }
0x356: {  	s6 =	sshrl.u32 s6, $0x3  }
0x357: {  	s13 =	sadd.s32 s0, s6  }
0x358: {  	[tilespmem:s29], [sflag:$0x2] =	stream.strided.gather [hbm4b:s13+s28], $0x4000, s29, s28, $0x38;
	[tilespmem:$0x1CA50] =	vst v63  }
0x359: {  	s23 =	simm.s32 $0xC000;
	s24 =	sadd.s32 s9, s1;
	s6 =	sadd.s32 s2, s6  }
0x35a: {  	[tilespmem:s23], [sflag:$0x2] =	stream.strided.gather [hbm4b:s6+s28], $0x4000, s29, s28, $0x38;
	[tilespmem:$0x1CA50] =	vst v63  }
.Ltmp5:
0x35b: {  	s1 =	sadd.s32 s12, s1;
	s6 =	sshrl.u32 s24, $0x3;
	(pc) =	sbr.rel .LBB2_6-.Ltmp5, $4  }
0x35c: {  	s26 =	simm.s32 $0x10540;
	s1 =	sshrl.u32 s1, $0x3;
	s6 =	sadd.s32 s3, s6  }
0x35d: {  	[tilespmem:s26], [sflag:$0x2] =	stream.strided.gather [hbm4b:s6+s28], $0x540, s29, s28, $0x38;
	[tilespmem:$0x1CA50] =	vst v63  }
0x35e: {  	s14 =	sadd.s32 $0x1, s14;
	s1 =	sadd.s32 s4, s1  }
0x35f: {  	[tilespmem:s25], [sflag:$0x2] =	stream.linear.gather [hbm4b:s1+s7], $0x40, $0x38;
	[tilespmem:$0x1CA50] =	vst v63  }
.LBB2_11:
0x360: {  	v0 =	vlaneseq.u32  }
0x361: {  	v24 =	vmul.u32 $0x8, v0  }
0x362: {  	s1 =	simm.s32 $0x80  }
0x363: {  	s6 =	simm.s32 $0x0;
	v0 =	vor.u32 s1, v24  }
0x364: {  	v25 =	vor.u32 $0x1, v24;
	v6 =	vor.u32 s6, v24  }
0x365: {  	v3 =	vor.u32 s1, v25  }
0x366: {  	v26 =	vor.u32 $0x2, v24;
	v4 =	vor.u32 s6, v25  }
0x367: {  	v27 =	vor.u32 $0x3, v24;
	v5 =	vor.u32 s1, v26  }
0x368: {  	v23 =	vor.u32 s1, v27;
	v0 =	vld.idx.msk [tilespmem:v0+s5+$0x0], $0xffff  }
0x369: {  	v28 =	vor.u32 $0x4, v24;
	v31 =	vor.u32 s6, v26;
	v6 =	vld.idx.msk [tilespmem:v6+s5+$0x0], $0xffff  }
0x36a: {  	v32 =	vor.u32 s1, v28;
	v3 =	vld.idx.msk [tilespmem:v3+s5+$0x0], $0xffff  }
0x36b: {  	v33 =	vor.u32 s6, v27;
	v4 =	vld.idx.msk [tilespmem:v4+s5+$0x0], $0xffff  }
0x36c: {  	v30 =	vor.u32 $0x6, v24;
	v35 =	vor.u32 s6, v28;
	v5 =	vld.idx.msk [tilespmem:v5+s5+$0x0], $0xffff  }
0x36d: {  	v29 =	vor.u32 $0x5, v24;
	v37 =	vor.u32 s1, v30;
	v23 =	vld.idx.msk [tilespmem:v23+s5+$0x0], $0xffff  }
0x36e: {  	v38 =	vor.u32 s6, v29;
	v36 =	vld.idx.msk [tilespmem:v31+s5+$0x0], $0xffff  }
0x36f: {  	v40 =	vor.u32 s6, v30;
	v32 =	vld.idx.msk [tilespmem:v32+s5+$0x0], $0xffff  }
0x370: {  	s13 =	simm.s32 $0x100;
	v34 =	vor.u32 s1, v29;
	v33 =	vld.idx.msk [tilespmem:v33+s5+$0x0], $0xffff  }
0x371: {  	v59 =	vor.u32 s13, v24;
	v31 =	vor.u32 $0x7, v24;
	v35 =	vld.idx.msk [tilespmem:v35+s5+$0x0], $0xffff  }
0x372: {  	v37 =	vld.idx.msk [tilespmem:v37+s5+$0x0], $0xffff;
	v39 =	vor.u32 s1, v31;
	v0 =	vadd.f32 v3, v0  }
0x373: {  	v38 =	vld.idx.msk [tilespmem:v38+s5+$0x0], $0xffff;
	v54 =	vor.u32 s6, v31;
	s1 =	simm.s32 $0x180;
	v4 =	vadd.f32 v4, v6  }
0x374: {  	v41 =	vld.idx.msk [tilespmem:v40+s5+$0x0], $0xffff;
	v55 =	vor.u32 s1, v24;
	v0 =	vadd.f32 v5, v0  }
0x375: {  	v56 =	vor.u32 s1, v25;
	v3 =	vld.idx.msk [tilespmem:v34+s5+$0x0], $0xffff;
	v4 =	vadd.f32 v36, v4  }
0x376: {  	v40 =	vld.idx.msk [tilespmem:v59+s5+$0x0], $0xffff;
	v60 =	vor.u32 s1, v27;
	v0 =	vadd.f32 v23, v0  }
0x377: {  	v58 =	vor.u32 s1, v26;
	v39 =	vld.idx.msk [tilespmem:v39+s5+$0x0], $0xffff;
	v4 =	vadd.f32 v33, v4  }
0x378: {  	v57 =	vor.u32 s13, v25;
	v42 =	vld.idx.msk [tilespmem:v54+s5+$0x0], $0xffff;
	v0 =	vadd.f32 v32, v0  }
0x379: {  	v61 =	vor.u32 s13, v26;
	v5 =	vld.idx.msk [tilespmem:v55+s5+$0x0], $0xffff;
	v4 =	vadd.f32 v35, v4  }
0x37a: {  	v62 =	vor.u32 s1, v28;
	v0 =	vadd.f32 v3, v0;
	v3 =	vld.idx.msk [tilespmem:v56+s5+$0x0], $0xffff  }
0x37b: {  	v63 =	vor.u32 s13, v27;
	v36 =	vld.idx.msk [tilespmem:v60+s5+$0x0], $0xffff;
	v4 =	vadd.f32 v38, v4  }
0x37c: {  	v44 =	vor.u32 s1, v29;
	v0 =	vadd.f32 v37, v0;
	v37 =	vld.idx.msk [tilespmem:v58+s5+$0x0], $0xffff  }
0x37d: {  	v32 =	vld.idx.msk [tilespmem:v57+s5+$0x0], $0xffff;
	v35 =	vor.u32 s13, v28;
	v4 =	vadd.f32 v41, v4  }
0x37e: {  	v43 =	vor.u32 s1, v30;
	v38 =	vld.idx.msk [tilespmem:v61+s5+$0x0], $0xffff;
	v0 =	vadd.f32 v39, v0  }
0x37f: {  	s14 =	simm.s32 $0x1B520;
	v33 =	vor.u32 s13, v29;
	v41 =	vld.idx.msk [tilespmem:v62+s5+$0x0], $0xffff;
	v46 =	vadd.f32 v42, v4;
	v47 =	vadd.f32 v3, v5  }
0x380: {  	s15 =	simm.s32 $0x3;
	s6 =	simm.s32 $0x2;
	v45 =	vor.u32 s1, v31;
	v34 =	vor.u32 s13, v30;
	v42 =	vld.idx.msk [tilespmem:v63+s5+$0x0], $0xffff;
	v39 =	vor.u32 s13, v31;
	[tilespmem:s14+$0x0] =	vst v0  }
.LBB2_12:
0x381: {  	s6 =	sadd.s32 $0x2, s6;
	v0 =	vadd.f32 v37, v47;
	v3 =	vld.idx.msk [tilespmem:v44+s5+$0x0], $0xffff;
	[tilespmem:s14+$0xFFFFFFF0] =	vst v46  }
0x382: {  	v4 =	vadd.f32 v32, v40;
	s1 =	sadd.s32 $0x100, s1;
	p0 =	slt.u32 s6, $0x14E;
	v5 =	vld.idx.msk [tilespmem:v35+s5+$0x0], $0xffff  }
0x383: {  	s13 =	sadd.s32 $0xFFFFFF80, s1;
	v6 =	vor.u32 s1, v24;
	v0 =	vadd.f32 v36, v0;
	v23 =	vld.idx.msk [tilespmem:v43+s5+$0x0], $0xffff  }
0x384: {  	v35 =	vor.u32 s1, v25;
	v36 =	vor.u32 s13, v24;
	v32 =	vor.u32 s13, v25;
	v33 =	vld.idx.msk [tilespmem:v33+s5+$0x0], $0xffff  }
0x385: {  	v4 =	vadd.f32 v38, v4;
	v0 =	vadd.f32 v41, v0;
	v38 =	vld.idx.msk [tilespmem:v45+s5+$0x0], $0xffff  }
0x386: {  	v37 =	vor.u32 s1, v26;
	v41 =	vor.u32 s13, v26;
	v34 =	vld.idx.msk [tilespmem:v34+s5+$0x0], $0xffff  }
0x387: {  	v4 =	vadd.f32 v42, v4;
	v39 =	vld.idx.msk [tilespmem:v39+s5+$0x0], $0xffff;
	v0 =	vadd.f32 v3, v0  }
0x388: {  	v42 =	vor.u32 s1, v27;
	v3 =	vor.u32 s13, v27;
	v6 =	vld.idx.msk [tilespmem:v6+s5+$0x0], $0xffff  }
0x389: {  	v4 =	vadd.f32 v5, v4;
	v45 =	vld.idx.msk [tilespmem:v35+s5+$0x0], $0xffff;
	v0 =	vadd.f32 v23, v0  }
0x38a: {  	v5 =	vor.u32 s1, v28;
	v35 =	vor.u32 s13, v28;
	v32 =	vld.idx.msk [tilespmem:v32+s5+$0x0], $0xffff  }
0x38b: {  	v4 =	vadd.f32 v33, v4;
	v37 =	vld.idx.msk [tilespmem:v37+s5+$0x0], $0xffff;
	v0 =	vadd.f32 v38, v0  }
.Ltmp6:
0x38c: {  	s14 =	sadd.s32 $0x20, s14;
	v44 =	vor.u32 s1, v29;
	v33 =	vor.u32 s13, v29;
	v40 =	vld.idx.msk [tilespmem:v36+s5+$0x0], $0xffff;
	(pc) =	sbr.rel @p0 .LBB2_12-.Ltmp6, $4  }
0x38d: {  	v4 =	vadd.f32 v34, v4;
	v36 =	vld.idx.msk [tilespmem:v42+s5+$0x0], $0xffff;
	[tilespmem:s14+$0x0] =	vst v0  }
0x38e: {  	v43 =	vor.u32 s1, v30;
	v34 =	vor.u32 s13, v30;
	v38 =	vld.idx.msk [tilespmem:v41+s5+$0x0], $0xffff  }
0x38f: {  	v46 =	vadd.f32 v39, v4;
	v47 =	vadd.f32 v45, v6;
	v41 =	vld.idx.msk [tilespmem:v5+s5+$0x0], $0xffff  }
0x390: {  	v39 =	vor.u32 s13, v31;
	v45 =	vor.u32 s1, v31;
	v42 =	vld.idx.msk [tilespmem:v3+s5+$0x0], $0xffff  }
0x391: {  	_ =	sdelay $0x2  }
0x392: {  	v0 =	vadd.f32 v32, v40  }
0x393: {  	v3 =	vadd.f32 v37, v47;
	v4 =	vld.idx.msk [tilespmem:v35+s5+$0x0], $0xffff  }
0x394: {  	v5 =	vld.idx.msk [tilespmem:v44+s5+$0x0], $0xffff;
	v0 =	vadd.f32 v38, v0  }
0x395: {  	v6 =	vld.idx.msk [tilespmem:v33+s5+$0x0], $0xffff;
	v3 =	vadd.f32 v36, v3  }
0x396: {  	v23 =	vld.idx.msk [tilespmem:v43+s5+$0x0], $0xffff;
	v0 =	vadd.f32 v42, v0  }
0x397: {  	v20 =	vld.idx.msk [tilespmem:v34+s5+$0x0], $0xffff;
	v3 =	vadd.f32 v41, v3  }
0x398: {  	v21 =	vld.idx.msk [tilespmem:v45+s5+$0x0], $0xffff;
	v0 =	vadd.f32 v4, v0  }
0x399: {  	v22 =	vld.idx.msk [tilespmem:v39+s5+$0x0], $0xffff;
	v3 =	vadd.f32 v5, v3  }
0x39a: {  	v0 =	vadd.f32 v6, v0  }
0x39b: {  	v3 =	vadd.f32 v23, v3  }
0x39c: {  	v0 =	vadd.f32 v20, v0  }
0x39d: {  	v3 =	vadd.f32 v21, v3  }
0x39e: {  	[tilespmem:s14+$0xFFFFFFF0] =	vst v46;
	s1 =	sadd.s32 $0x20, s14;
	v0 =	vadd.f32 v22, v0  }
0x39f: {  	[tilespmem:s1+$0x0] =	vst v3  }
0x3a0: {  	[tilespmem:s1+$0xFFFFFFF0] =	vst v0  }
0x3a1: {  	v0 =	vld.idx.msk [tilespmem:v24+s10+$0x0], $0xffff  }
0x3a2: {  	v3 =	vld.idx.msk [tilespmem:v24+s31+$0x0], $0xffff  }
0x3a3: {  	v33 =	vld.idx.msk [tilespmem:v25+s10+$0x0], $0xffff  }
0x3a4: {  	v34 =	vld.idx.msk [tilespmem:v25+s31+$0x0], $0xffff  }
0x3a5: {  	v35 =	vld.idx.msk [tilespmem:v26+s10+$0x0], $0xffff  }
0x3a6: {  	v36 =	vld.idx.msk [tilespmem:v26+s31+$0x0], $0xffff  }
0x3a7: {  	v37 =	vld.idx.msk [tilespmem:v27+s10+$0x0], $0xffff  }
0x3a8: {  	v38 =	vld.idx.msk [tilespmem:v27+s31+$0x0], $0xffff;
	v0 =	vadd.f32 v33, v0  }
0x3a9: {  	v39 =	vld.idx.msk [tilespmem:v28+s10+$0x0], $0xffff;
	v3 =	vadd.f32 v34, v3  }
0x3aa: {  	v40 =	vld.idx.msk [tilespmem:v28+s31+$0x0], $0xffff;
	v0 =	vadd.f32 v35, v0  }
0x3ab: {  	v41 =	vld.idx.msk [tilespmem:v29+s10+$0x0], $0xffff;
	v3 =	vadd.f32 v36, v3  }
0x3ac: {  	v42 =	vld.idx.msk [tilespmem:v29+s31+$0x0], $0xffff;
	v0 =	vadd.f32 v37, v0  }
0x3ad: {  	v43 =	vld.idx.msk [tilespmem:v30+s10+$0x0], $0xffff;
	v3 =	vadd.f32 v38, v3  }
0x3ae: {  	v44 =	vld.idx.msk [tilespmem:v30+s31+$0x0], $0xffff;
	v0 =	vadd.f32 v39, v0  }
0x3af: {  	v45 =	vld.idx.msk [tilespmem:v31+s10+$0x0], $0xffff;
	v3 =	vadd.f32 v40, v3  }
0x3b0: {  	v46 =	vld.idx.msk [tilespmem:v31+s31+$0x0], $0xffff;
	v0 =	vadd.f32 v41, v0  }
0x3b1: {  	v3 =	vadd.f32 v42, v3  }
0x3b2: {  	v0 =	vadd.f32 v43, v0  }
0x3b3: {  	v47 =	vor.u32 $0x80, v24;
	v3 =	vadd.f32 v44, v3  }
0x3b4: {  	v0 =	vadd.f32 v45, v0  }
0x3b5: {  	v48 =	vor.u32 $0x81, v24;
	v3 =	vadd.f32 v46, v3  }
0x3b6: {  	[tilespmem:$0x1CA10] =	vst v0  }
0x3b7: {  	[tilespmem:$0x1CA30] =	vst v3;
	v0 =	vor.u32 $0x82, v24  }
0x3b8: {  	v3 =	vld.idx.msk [tilespmem:v47+s10+$0x0], $0xffff  }
0x3b9: {  	v49 =	vor.u32 $0x83, v24;
	v4 =	vld.idx.msk [tilespmem:v47+s31+$0x0], $0xffff  }
0x3ba: {  	v50 =	vld.idx.msk [tilespmem:v48+s10+$0x0], $0xffff  }
0x3bb: {  	v51 =	vor.u32 $0x84, v24;
	v5 =	vld.idx.msk [tilespmem:v48+s31+$0x0], $0xffff  }
0x3bc: {  	v52 =	vld.idx.msk [tilespmem:v0+s10+$0x0], $0xffff  }
0x3bd: {  	v53 =	vor.u32 $0x85, v24;
	v0 =	vld.idx.msk [tilespmem:v0+s31+$0x0], $0xffff  }
0x3be: {  	v54 =	vld.idx.msk [tilespmem:v49+s10+$0x0], $0xffff  }
0x3bf: {  	v55 =	vor.u32 $0x86, v24;
	v6 =	vld.idx.msk [tilespmem:v49+s31+$0x0], $0xffff;
	v3 =	vadd.f32 v50, v3  }
0x3c0: {  	v56 =	vld.idx.msk [tilespmem:v51+s10+$0x0], $0xffff;
	v4 =	vadd.f32 v5, v4  }
0x3c1: {  	v57 =	vor.u32 $0x87, v24;
	v25 =	vld.idx.msk [tilespmem:v51+s31+$0x0], $0xffff;
	v3 =	vadd.f32 v52, v3  }
0x3c2: {  	v58 =	vld.idx.msk [tilespmem:v53+s10+$0x0], $0xffff;
	v0 =	vadd.f32 v0, v4  }
0x3c3: {  	v59 =	vld.idx.msk [tilespmem:v53+s31+$0x0], $0xffff;
	v3 =	vadd.f32 v54, v3  }
0x3c4: {  	v60 =	vld.idx.msk [tilespmem:v55+s10+$0x0], $0xffff;
	v0 =	vadd.f32 v6, v0  }
0x3c5: {  	v61 =	vld.idx.msk [tilespmem:v55+s31+$0x0], $0xffff;
	v3 =	vadd.f32 v56, v3  }
0x3c6: {  	v62 =	vld.idx.msk [tilespmem:v57+s10+$0x0], $0xffff;
	v0 =	vadd.f32 v25, v0  }
0x3c7: {  	v63 =	vld.idx.msk [tilespmem:v57+s31+$0x0], $0xffff;
	v3 =	vadd.f32 v58, v3  }
0x3c8: {  	v0 =	vadd.f32 v59, v0  }
0x3c9: {  	v3 =	vadd.f32 v60, v3  }
0x3ca: {  	v0 =	vadd.f32 v61, v0  }
0x3cb: {  	v3 =	vadd.f32 v62, v3  }
0x3cc: {  	v0 =	vadd.f32 v63, v0  }
0x3cd: {  	[tilespmem:$0x1CA20] =	vst v3  }
0x3ce: {  	s6 =	simm.s32 $0x1B510;
	s1 =	rddreg [dreg:$0xf];
	[tilespmem:$0x1CA40] =	vst v0  }
0x3cf: {  	[hbm4b:s1+s7] =	stream.linear.scatter [tilespmem:s6], [sflag:$0x3], $0x1500, $0x38;
	[tilespmem:$0x1CA50] =	vst v63  }
0x3d0: {  	_ =	swait.ge [sflag:s15], $0x1500  }
0x3d1: {  	[sflag:s15] =	ssyncset.done $0x0  }
0x3d2: {  	s21 =	simm.s32 $0x1CA10;
	s18 =	rddreg [dreg:$0x10];
	[sflag:s15] =	ssyncadd.s32 $0xFFFFEB00  }
0x3d3: {  	[hbm4b:s18+s7] =	stream.linear.scatter [tilespmem:s21], [sflag:$0x3], $0x20, $0x38;
	[tilespmem:$0x1CA50] =	vst v63  }
0x3d4: {  	_ =	swait.ge [sflag:s15], $0x20  }
0x3d5: {  	[sflag:s15] =	ssyncset.done $0x0  }
0x3d6: {  	s23 =	simm.s32 $0x1CA30;
	s22 =	rddreg [dreg:$0x11];
	[sflag:s15] =	ssyncadd.s32 $0xFFFFFFE0  }
0x3d7: {  	[hbm4b:s22+s7] =	stream.linear.scatter [tilespmem:s23], [sflag:$0x3], $0x20, $0x38;
	[tilespmem:$0x1CA50] =	vst v63  }
0x3d8: {  	_ =	swait.ge [sflag:s15], $0x20  }
0x3d9: {  	s24 =	rddreg [dreg:$0x13]  }
0x3da: {  	s26 =	rddreg [dreg:$0x12];
	s6 =	sadd.s32 $0x1, s24  }
0x3db: {  	p0 =	sne.s32 s6, s26  }
.Ltmp7:
0x3dc: {  	_ = 	snop;
	(pc) =	sbr.rel @p0 .LBB2_1-.Ltmp7, $3  }
0x3dd: {  	_ =	sdelay $0x1  }
0x3de: {  	[sflag:s15] =	ssyncset.done $0x0  }
0x3df: {  	[sflag:s15] =	ssyncadd.s32 $0xFFFFFFE0  }
0x3e0: {  	_ =	sfence.sel $0x180000  }
0x3e1: {  	[bflag:$0x0] =	sbarrier.arrive $0xFFFF  }
0x3e2: {  	_ =	strace $0x90000047  }
0x3e3: {  	s0 =	stileid.u32;
	[bflag:$0x2] =	sbarrier.arrive $0xFFFF  }
0x3e4: {  	p0 =	sne.s32 s0, $0x0;
	s0 =	rddreg [dreg:$0x6]  }
0x3e5: {  	s0 =	sadd.s32 @!p0 $0x100000, s0  }
0x3e6: {  	[sflag:s0] =	ssyncadd.tile.s32 @!p0 $0x1;
	_ =	shalt  }
.Lfunc_end2:
_tile_overlayer_lowered:
.L_overlay_start_2:
0x3e7: {  	(tag) =	ssettag $0x2  }
0x3e8: {  	s0 =	rddreg [dreg:$0x0];
	s2 =	stileid.u32  }
0x3e9: {  	s1 =	rddreg [dreg:$0x1];
	p0 =	sne.s32 s2, $0x0  }
0x3ea: {  	s3 =	rddreg [dreg:$0x2];
	[bflag:$0x3] =	sbarrier.arrive $0xFFFF;
	s2 =	simm.s32 @!p0 $0x1C03  }
0x3eb: {  	[timem:s3], [sflag:s2] =	dma.local @!p0 [hbm:s0], s1  }
0x3ec: {  	s0 =	simm.s32 @!p0 $0x3  }
0x3ed: {  	_ =	swait.ge @!p0 [sflag:s0], s1  }
0x3ee: {  	s1 =	ssub.s32 @!p0 $0x0, s1;
	[sflag:s0] =	ssyncset.done @!p0 $0x0  }
0x3ef: {  	[sflag:s0] =	ssyncadd.s32 @!p0 s1  }
0x3f0: {  	[bflag:$0x3] =	sbarrier.arrive $0xFFFF  }
0x3f1: {  	_ =	shalt  }

</sc_bundles>
